<compile_context>
chip_gen: v7x
topology: tpu7x:2x2x1
jax: 0.10.2.dev20260603
libtpu: 0.0.44.dev20260713+nightly
codegen_flags: <defaults>
</compile_context>

<pallas_src>
import functools
import jax
import jax.numpy as jnp
from jax import lax
from jax.experimental import pallas as pl
from jax.experimental.pallas import tpu as pltpu
from jax.experimental.pallas import tpu_sc as plsc

N_NODES = 10000
N_PAD = 10240
IN_DIM = 128
E_RAW = 320000
E_TOT = E_RAW + N_NODES
EB = 128
NT = 16
E_PAD = ((E_TOT + NT * EB - 1) // (NT * EB)) * (NT * EB)
PER_T = E_PAD // NT
NBLK = PER_T // EB
ROWS_PER_TILE = N_PAD // 16

HALF = 64
SDIM = 80
ADIM = 16
HB = 96
WCAT = 2 * HB + 2 * ADIM


def _mm_kernel(x_ref, w_ref, hs_ref, ad_ref):
    h = jnp.dot(x_ref[...], w_ref[...], preferred_element_type=jnp.float32)
    hs_ref[0] = h[:, :HB].astype(jnp.bfloat16)
    hs_ref[1] = h[:, HB:2 * HB].astype(jnp.bfloat16)
    ad_ref[0] = h[:, 2 * HB:2 * HB + ADIM]
    ad_ref[1] = h[:, 2 * HB + ADIM:]


def _table_specs():
    return (
        [
            pl.BlockSpec((2, 512, HB), lambda i: (0, i, 0)),
            pl.BlockSpec((2, 512, ADIM), lambda i: (0, i, 0)),
        ],
        [
            jax.ShapeDtypeStruct((2, N_PAD, HB), jnp.bfloat16),
            jax.ShapeDtypeStruct((2, N_PAD, ADIM), jnp.float32),
        ],
    )


def _matmul_tables(x, wcat):
    specs, shapes = _table_specs()
    return pl.pallas_call(
        _mm_kernel,
        grid=(N_PAD // 512,),
        in_specs=[
            pl.BlockSpec((512, IN_DIM), lambda i: (i, 0)),
            pl.BlockSpec((IN_DIM, WCAT), lambda i: (0, 0)),
        ],
        out_specs=specs,
        out_shape=shapes,
    )(x, wcat)


def _combine_kernel(p0_ref, p1_ref, r0_ref, r1_ref, b_ref, w_ref,
                    out_ref, *table_refs, relu, matmul):
    p0 = p0_ref[...]
    p1 = p1_ref[...]
    num = jnp.concatenate([p0[:, :HALF], p1[:, :HALF]], axis=1)
    den = (jnp.dot(p0[:, HALF:], r0_ref[...],
                   preferred_element_type=jnp.float32)
           + jnp.dot(p1[:, HALF:], r1_ref[...],
                     preferred_element_type=jnp.float32))
    o = num / (den + 1e-16) + b_ref[0][None, :]
    if relu:
        o = jnp.maximum(o, 0.0)
    out_ref[...] = o
    if matmul:
        h = jnp.dot(o, w_ref[...], preferred_element_type=jnp.float32)
        table_refs[0][0] = h[:, :HB].astype(jnp.bfloat16)
        table_refs[0][1] = h[:, HB:2 * HB].astype(jnp.bfloat16)
        table_refs[1][0] = h[:, 2 * HB:2 * HB + ADIM]
        table_refs[1][1] = h[:, 2 * HB + ADIM:]


def _combine(acc, r0, r1, bias, wcat, relu, matmul):
    bias = bias.reshape(1, 128)
    kern = functools.partial(_combine_kernel, relu=relu, matmul=matmul)
    out_specs = [pl.BlockSpec((512, 128), lambda i: (i, 0))]
    out_shape = [jax.ShapeDtypeStruct((N_PAD, 128), jnp.float32)]
    if matmul:
        specs, shapes = _table_specs()
        out_specs += specs
        out_shape += shapes
    return pl.pallas_call(
        kern,
        grid=(N_PAD // 512,),
        in_specs=[
            pl.BlockSpec((512, SDIM), lambda i: (i, 0)),
            pl.BlockSpec((512, SDIM), lambda i: (i, 0)),
            pl.BlockSpec((16, 128), lambda i: (0, 0)),
            pl.BlockSpec((16, 128), lambda i: (0, 0)),
            pl.BlockSpec((1, 128), lambda i: (0, 0)),
            pl.BlockSpec((IN_DIM, WCAT), lambda i: (0, 0)),
        ],
        out_specs=out_specs,
        out_shape=out_shape,
    )(acc[0], acc[1], r0, r1, bias, wcat)


def _edge_kernel(hs2_hbm, ad2_hbm, src_hbm, dst_hbm,
                 out_hbm, srcv, dstv, dstv_s,
                 hsv0, hsv1, hsv2, hsv3, hsv4, hsv5,
                 adv0, adv1, adv2, adv3, adv4, adv5,
                 sv0, sv1,
                 sg0, sg1, sg2, sg3, sg4, sg5,
                 ss0, ss1,
                 si0, si1, si2, si3, si4, si5, acc):
    c = lax.axis_index("c")
    s = lax.axis_index("s")
    hsvs = (hsv0, hsv1, hsv2, hsv3, hsv4, hsv5)
    advs = (adv0, adv1, adv2, adv3, adv4, adv5)
    svs = (sv0, sv1)
    sgs = (sg0, sg1, sg2, sg3, sg4, sg5)
    sss = (ss0, ss1)
    sis = (si0, si1, si2, si3, si4, si5)

    @pl.loop(0, SDIM // 16)
    def _(k):
        z = jnp.zeros((16,), jnp.float32)

        @pl.loop(0, EB)
        def _(r):
            sv0[r, pl.ds(k * 16, 16)] = z

    @pl.loop(0, ROWS_PER_TILE // EB)
    def _(j):
        pltpu.sync_copy(sv0, acc.at[pl.ds(s * ROWS_PER_TILE + j * EB, EB)])

    plsc.subcore_barrier()

    hs_hbm = hs2_hbm.at[c]
    ad_hbm = ad2_hbm.at[c]
    src_row = src_hbm.at[s]
    dst_row = dst_hbm.at[s]

    def start_idx(i, b):
        pltpu.async_copy(src_row.at[pl.ds(i * EB, EB)], srcv.at[b], sis[b])
        pltpu.async_copy(dst_row.at[pl.ds(i * EB, EB)], dstv.at[b], sis[b])

    def wait_idx(b):
        pltpu.make_async_copy(src_row.at[pl.ds(0, EB)], srcv.at[b],
                              sis[b]).wait()
        pltpu.make_async_copy(dst_row.at[pl.ds(0, EB)], dstv.at[b],
                              sis[b]).wait()

    def start_gather(b):
        pltpu.async_copy(hs_hbm.at[srcv.at[b]], hsvs[b], sgs[b])
        pltpu.async_copy(ad_hbm.at[dstv.at[b]], advs[b], sgs[b])

    def wait_gather(b):
        pltpu.make_async_copy(hs_hbm.at[srcv.at[0]], hsvs[b], sgs[b]).wait()
        pltpu.make_async_copy(ad_hbm.at[dstv.at[0]], advs[b], sgs[b]).wait()

    for k in range(6):
        start_idx(k, k)
    for k in range(4):
        wait_idx(k)
        start_gather(k)

    @pl.loop(0, NBLK // 6)
    def _(j):
        for b in range(6):
            i = j * 6 + b
            b4 = (b + 4) % 6
            sb = b % 2
            wait_gather(b)
            hsv, adv, sv = hsvs[b], advs[b], svs[sb]

            @pl.when(i >= 2)
            def _():
                pltpu.make_async_copy(
                    svs[sb], acc.at[dstv_s.at[0]], sss[sb]).wait()

            @plsc.parallel_loop(0, EB, 1, unroll=8)
            def _(e):
                ab = hsv[e, pl.ds(HALF, 32)]
                a, _ = plsc.unpack(ab, format=plsc.PackFormat.INTERLEAVED)
                av = a + adv[e, :]
                av = jnp.where(av > 0.0, av, av * jnp.float32(0.2))
                w = jnp.exp(av)
                sv[e, pl.ds(HALF, 16)] = w
                for k in range(2):
                    hbf = hsv[e, pl.ds(32 * k, 32)]
                    c0, c1 = plsc.unpack(
                        hbf, format=plsc.PackFormat.INTERLEAVED)
                    sv[e, pl.ds(32 * k, 16)] = c0 * w[2 * k]
                    sv[e, pl.ds(32 * k + 16, 16)] = c1 * w[2 * k + 1]

            for k in range(EB // 16):
                dstv_s[b % 3, pl.ds(k * 16, 16)] = dstv[b, pl.ds(k * 16, 16)]

            pltpu.async_copy(sv, acc.at[dstv_s.at[b % 3]], sss[sb], add=True)

            @pl.when(i + 4 < NBLK)
            def _():
                wait_idx(b4)
                start_gather(b4)

            @pl.when(i + 6 < NBLK)
            def _():
                start_idx(i + 6, b)

    for k in range(2):
        pltpu.make_async_copy(svs[k], acc.at[dstv_s.at[0]], sss[k]).wait()
    plsc.subcore_barrier()

    @pl.loop(0, ROWS_PER_TILE // EB)
    def _(j):
        r0 = s * ROWS_PER_TILE + j * EB
        pltpu.sync_copy(acc.at[pl.ds(r0, EB)], sv0)
        pltpu.sync_copy(sv0, out_hbm.at[c].at[pl.ds(r0, EB)])


@jax.jit
def _edge_pass(hs2, ad2, src, dst):
    mesh = plsc.VectorSubcoreMesh(core_axis_name="c", subcore_axis_name="s")
    kern = pl.kernel(
        _edge_kernel,
        out_type=jax.ShapeDtypeStruct((2, N_PAD, SDIM), jnp.float32),
        mesh=mesh,
        compiler_params=pltpu.CompilerParams(
            use_tc_tiling_on_sc=False, needs_layout_passes=False),
        scratch_types=(
            [
                pltpu.VMEM((6, EB), jnp.int32),
                pltpu.VMEM((6, EB), jnp.int32),
                pltpu.VMEM((3, EB), jnp.int32),
            ]
            + [pltpu.VMEM((EB, HB), jnp.bfloat16)] * 6
            + [pltpu.VMEM((EB, ADIM), jnp.float32)] * 6
            + [pltpu.VMEM((EB, SDIM), jnp.float32)] * 2
            + [pltpu.SemaphoreType.DMA] * 14
            + [pltpu.VMEM_SHARED((N_PAD, SDIM), jnp.float32)]
        ),
    )
    return kern(hs2, ad2,
                src.reshape(NT, PER_T), dst.reshape(NT, PER_T))


def _hs_perm():
    perm = [68] * HB
    for k in range(2):
        for t in range(16):
            perm[32 * k + 2 * t] = 32 * k + t
            perm[32 * k + 2 * t + 1] = 32 * k + 16 + t
    for m in range(4):
        perm[64 + 2 * m] = 64 + m
    return jnp.array(perm, jnp.int32)


def _expand_weights(W, a_src, a_dst, heads):
    if heads == 8:
        rows = jnp.arange(128)
        As = jnp.zeros((128, 8), jnp.float32).at[
            rows, rows // 16].set(a_src.reshape(-1))
        Ad = jnp.zeros((128, 8), jnp.float32).at[
            rows, rows // 16].set(a_dst.reshape(-1))
        ws = W @ As
        wd = W @ Ad
    else:
        ws = jnp.tile(W @ a_src.reshape(128, 1), (1, 8))
        wd = jnp.tile(W @ a_dst.reshape(128, 1), (1, 8))
    perm = _hs_perm()
    z1 = jnp.zeros((128, 1), jnp.float32)
    z12 = jnp.zeros((128, 12), jnp.float32)
    blocks = []
    for c in range(2):
        srcmat = jnp.concatenate(
            [W[:, c * HALF:(c + 1) * HALF], ws[:, 4 * c:4 * c + 4], z1],
            axis=1)
        blocks.append(srcmat[:, perm])
    return jnp.concatenate(
        blocks + [wd[:, :4], z12, wd[:, 4:], z12], axis=1)


def _rmats(heads):
    cols = jnp.arange(128)
    j = jnp.arange(16)[:, None]
    if heads == 8:
        r0 = ((j == cols[None, :] // 16) & (j < 4)).astype(jnp.float32)
        r1 = ((j + 4 == cols[None, :] // 16) & (j < 4)).astype(jnp.float32)
    else:
        r0 = (j == 0).astype(jnp.float32) * jnp.ones((1, 128), jnp.float32)
        r1 = jnp.zeros((16, 128), jnp.float32)
    return r0, r1


def kernel(x, edge_index, W1, a_src1, a_dst1, b1, W2, a_src2, a_dst2, b2):
    loop = jnp.arange(N_NODES, dtype=edge_index.dtype)
    src = jnp.concatenate([
        edge_index[0], loop,
        jnp.zeros((E_PAD - E_TOT,), edge_index.dtype)])
    dst = jnp.concatenate([
        edge_index[1], loop,
        jnp.full((E_PAD - E_TOT,), N_NODES, edge_index.dtype)])

    x_pad = jnp.zeros((N_PAD, IN_DIM), jnp.float32).at[:N_NODES].set(x)

    wcat1 = _expand_weights(W1, a_src1, a_dst1, 8)
    wcat2 = _expand_weights(W2, a_src2, a_dst2, 1)
    r01, r11 = _rmats(8)
    r02, r12 = _rmats(1)

    hs1, ad1 = _matmul_tables(x_pad, wcat1)
    acc1 = _edge_pass(hs1, ad1, src, dst)
    _, hs2, ad2 = _combine(
        acc1, r01, r11, b1, wcat2, relu=True, matmul=True)
    acc2 = _edge_pass(hs2, ad2, src, dst)
    out = _combine(acc2, r02, r12, b2, wcat2, relu=False, matmul=False)[0]
    return out[:N_NODES]

# --- scband reference (transcript-rebuilt; emitter-appended) ---
"""Pipeline reference for scband-gat-68118181315267 (READ-ONLY COPY).

The authoritative reference and input builder live on the scoring server;
editing this copy changes nothing except your own understanding.
"""

import jax, jax.numpy as jnp
import numpy as np

N = 10000
E = 320000
IN_DIM = 128
HID = 16
HEADS = 8
OUT_DIM = 128


def gat_conv(x, edge_index, W, a_src, a_dst, bias, heads, out_ch):
    n = x.shape[0]
    loop = jnp.arange(n, dtype=edge_index.dtype)
    src = jnp.concatenate([edge_index[0], loop])
    dst = jnp.concatenate([edge_index[1], loop])
    h = (x @ W).reshape(n, heads, out_ch)
    alpha_src = (h * a_src[None, :, :]).sum(-1)
    alpha_dst = (h * a_dst[None, :, :]).sum(-1)
    e = alpha_src[src] + alpha_dst[dst]
    e = jax.nn.leaky_relu(e, negative_slope=0.2)
    e_max = jax.ops.segment_max(e, dst, num_segments=n)
    e_max = jnp.where(jnp.isfinite(e_max), e_max, 0.0)
    e_exp = jnp.exp(e - e_max[dst])
    denom = jax.ops.segment_sum(e_exp, dst, num_segments=n)
    alpha = e_exp / (denom[dst] + 1e-16)
    msg = h[src] * alpha[:, :, None]
    out = jax.ops.segment_sum(msg, dst, num_segments=n)
    return out.reshape(n, heads * out_ch) + bias


def setup_inputs(seed: int = 0) -> dict:
    key = jax.random.key(seed)
    ks = jax.random.split(key, 10)
    x = jax.random.normal(ks[0], (N, IN_DIM), dtype=jnp.float32)
    edge_index = jax.random.randint(ks[1], (2, E), 0, N, dtype=jnp.int32)
    W1 = jax.random.normal(ks[2], (IN_DIM, HEADS * HID), dtype=jnp.float32) * (1.0 / np.sqrt(IN_DIM))
    a_src1 = jax.random.normal(ks[3], (HEADS, HID), dtype=jnp.float32) * 0.1
    a_dst1 = jax.random.normal(ks[4], (HEADS, HID), dtype=jnp.float32) * 0.1
    b1 = jnp.zeros((HEADS * HID,), dtype=jnp.float32)
    W2 = jax.random.normal(ks[5], (HEADS * HID, OUT_DIM), dtype=jnp.float32) * (1.0 / np.sqrt(HEADS * HID))
    a_src2 = jax.random.normal(ks[6], (1, OUT_DIM), dtype=jnp.float32) * 0.1
    a_dst2 = jax.random.normal(ks[7], (1, OUT_DIM), dtype=jnp.float32) * 0.1
    b2 = jnp.zeros((OUT_DIM,), dtype=jnp.float32)
    return {"x": x, "edge_index": edge_index, "W1": W1, "a_src1": a_src1, "a_dst1": a_dst1, "b1": b1, "W2": W2, "a_src2": a_src2, "a_dst2": a_dst2, "b2": b2}


def reference(x, edge_index, W1, a_src1, a_dst1, b1, W2, a_src2, a_dst2, b2):
    # dropout p is applied only in training; module is evaluated in eval mode -> identity
    h = gat_conv(x, edge_index, W1, a_src1, a_dst1, b1, HEADS, HID)
    h = jax.nn.relu(h)
    out = gat_conv(h, edge_index, W2, a_src2, a_dst2, b2, 1, OUT_DIM)
    return out

if __name__ == "__main__":
    import jax
    _d = setup_inputs()
    print(jax.jit(kernel)(*tuple(_d.values())))

</pallas_src>

<mosaic_0001>
#map = affine_map<(d0, d1) -> (0, 0, 0)>
#map1 = affine_map<(d0, d1) -> (0, 0)>
module attributes {stable_mosaic.version = 14 : i64} {
  func.func @_edge_kernel(%arg0: i32, %arg1: i32, %arg2: memref<2x10240x96xbf16, #tpu.memory_space<hbm>>, %arg3: memref<2x10240x16xf32, #tpu.memory_space<hbm>>, %arg4: memref<16x20736xi32, #tpu.memory_space<hbm>>, %arg5: memref<16x20736xi32, #tpu.memory_space<hbm>>, %arg6: memref<2x10240x80xf32, #tpu.memory_space<hbm>>, %arg7: memref<6x128xi32, #tpu.memory_space<vmem>>, %arg8: memref<6x128xi32, #tpu.memory_space<vmem>>, %arg9: memref<3x128xi32, #tpu.memory_space<vmem>>, %arg10: memref<128x96xbf16, #tpu.memory_space<vmem>>, %arg11: memref<128x96xbf16, #tpu.memory_space<vmem>>, %arg12: memref<128x96xbf16, #tpu.memory_space<vmem>>, %arg13: memref<128x96xbf16, #tpu.memory_space<vmem>>, %arg14: memref<128x96xbf16, #tpu.memory_space<vmem>>, %arg15: memref<128x96xbf16, #tpu.memory_space<vmem>>, %arg16: memref<128x16xf32, #tpu.memory_space<vmem>>, %arg17: memref<128x16xf32, #tpu.memory_space<vmem>>, %arg18: memref<128x16xf32, #tpu.memory_space<vmem>>, %arg19: memref<128x16xf32, #tpu.memory_space<vmem>>, %arg20: memref<128x16xf32, #tpu.memory_space<vmem>>, %arg21: memref<128x16xf32, #tpu.memory_space<vmem>>, %arg22: memref<128x80xf32, #tpu.memory_space<vmem>>, %arg23: memref<128x80xf32, #tpu.memory_space<vmem>>, %arg24: memref<!tpu.dma_semaphore, #tpu.memory_space<semaphore_mem>>, %arg25: memref<!tpu.dma_semaphore, #tpu.memory_space<semaphore_mem>>, %arg26: memref<!tpu.dma_semaphore, #tpu.memory_space<semaphore_mem>>, %arg27: memref<!tpu.dma_semaphore, #tpu.memory_space<semaphore_mem>>, %arg28: memref<!tpu.dma_semaphore, #tpu.memory_space<semaphore_mem>>, %arg29: memref<!tpu.dma_semaphore, #tpu.memory_space<semaphore_mem>>, %arg30: memref<!tpu.dma_semaphore, #tpu.memory_space<semaphore_mem>>, %arg31: memref<!tpu.dma_semaphore, #tpu.memory_space<semaphore_mem>>, %arg32: memref<!tpu.dma_semaphore, #tpu.memory_space<semaphore_mem>>, %arg33: memref<!tpu.dma_semaphore, #tpu.memory_space<semaphore_mem>>, %arg34: memref<!tpu.dma_semaphore, #tpu.memory_space<semaphore_mem>>, %arg35: memref<!tpu.dma_semaphore, #tpu.memory_space<semaphore_mem>>, %arg36: memref<!tpu.dma_semaphore, #tpu.memory_space<semaphore_mem>>, %arg37: memref<!tpu.dma_semaphore, #tpu.memory_space<semaphore_mem>>, %arg38: memref<10240x80xf32, #tpu.memory_space<vmem_shared>>) attributes {dimension_semantics = [#tpu.dimension_semantics<core_parallel>, #tpu.dimension_semantics<subcore_parallel>], iteration_bounds = array<i64: 2, 16>, scalar_prefetch = 0 : i64, scratch_operands = 32 : i64, tpu.core_type = #tpu.core_type<sc_vector_subcore>, window_params = [{transform_indices = #map}, {transform_indices = #map}, {transform_indices = #map1}, {transform_indices = #map1}, {transform_indices = #map}]} {
    %scan3A = arith.constant 0 : i32
    %scan3A_0 = arith.constant 5 : i32
    %scan3A_1 = arith.addi %scan3A, %scan3A_0 : i32
    %scan3A_2 = arith.constant 1 : i32
    scf.for %scan3A_460 = %scan3A to %scan3A_1 step %scan3A_2  : i32 {
      %mul3A = arith.constant 1 : i32
      %mul3A_461 = arith.muli %scan3A_460, %mul3A : i32
      %add3A = arith.constant 0 : i32
      %add3A_462 = arith.addi %add3A, %mul3A_461 : i32
      %broadcast_in_dim3A = arith.constant 0.000000e+00 : f32
      %broadcast_in_dim3A_463 = vector.broadcast %broadcast_in_dim3A : f32 to vector<16xf32>
      %scan3A_464 = arith.constant 0 : i32
      %scan3A_465 = arith.constant 128 : i32
      %scan3A_466 = arith.addi %scan3A_464, %scan3A_465 : i32
      %scan3A_467 = arith.constant 1 : i32
      scf.for %scan3A_469 = %scan3A_464 to %scan3A_466 step %scan3A_467  : i32 {
        %mul3A_470 = arith.constant 1 : i32
        %mul3A_471 = arith.muli %scan3A_469, %mul3A_470 : i32
        %add3A_472 = arith.constant 0 : i32
        %add3A_473 = arith.addi %add3A_472, %mul3A_471 : i32
        %mul3A_474 = arith.constant 16 : i32
        %mul3A_475 = arith.muli %add3A_462, %mul3A_474 : i32
        %swap3A = arith.index_cast %add3A_473 : i32 to index
        %swap3A_476 = arith.index_cast %mul3A_475 : i32 to index
        %swap3A_477 = tpu.vector_load %arg22[%swap3A, %swap3A_476] {strides = array<i32>} : memref<128x80xf32, #tpu.memory_space<vmem>>, vector<16xf32>,
        tpu.vector_store %arg22[%swap3A, %swap3A_476], %broadcast_in_dim3A_463 {strides = array<i32>} : memref<128x80xf32, #tpu.memory_space<vmem>>, vector<16xf32>,
      }
      %scan3A_468 = arith.constant 128 : i32
    }
    %scan3A_3 = arith.constant 5 : i32
    %scan3A_4 = arith.constant 0 : i32
    %scan3A_5 = arith.constant 5 : i32
    %scan3A_6 = arith.addi %scan3A_4, %scan3A_5 : i32
    %scan3A_7 = arith.constant 1 : i32
    scf.for %scan3A_460 = %scan3A_4 to %scan3A_6 step %scan3A_7  : i32 {
      %mul3A = arith.constant 1 : i32
      %mul3A_461 = arith.muli %scan3A_460, %mul3A : i32
      %add3A = arith.constant 0 : i32
      %add3A_462 = arith.addi %add3A, %mul3A_461 : i32
      %mul3A_463 = arith.constant 640 : i32
      %mul3A_464 = arith.muli %arg1, %mul3A_463 : i32
      %mul3A_465 = arith.constant 128 : i32
      %mul3A_466 = arith.muli %add3A_462, %mul3A_465 : i32
      %add3A_467 = arith.addi %mul3A_464, %mul3A_466 : i32
      "tpu.region"() ({
        %run_scoped3A = tpu.sem_alloc : memref<!tpu.dma_semaphore, #tpu.memory_space<semaphore_mem>>
        %dma_start3A_468 = arith.constant 0 : i32
        %dma_start3A_469 = tpu.memref_slice %arg38[%add3A_467, %dma_start3A_468] : memref<10240x80xf32, #tpu.memory_space<vmem_shared>> -> memref<128x80xf32, #tpu.memory_space<vmem_shared>>
        %dma_start3A_470 = arith.constant 0 : i32
        %dma_start3A_471 = tpu.memref_slice %arg38[%add3A_467, %dma_start3A_470] : memref<10240x80xf32, #tpu.memory_space<vmem_shared>> -> memref<128x80xf32, #tpu.memory_space<vmem_shared>>
        tpu.enqueue_dma source(%arg22 : memref<128x80xf32, #tpu.memory_space<vmem>>) target(%dma_start3A_471 : memref<128x80xf32, #tpu.memory_space<vmem_shared>>) target_semaphore(%run_scoped3A : memref<!tpu.dma_semaphore, #tpu.memory_space<semaphore_mem>>)
        %dma_wait3A_472 = arith.constant 0 : i32
        %dma_wait3A_473 = tpu.memref_slice %arg38[%add3A_467, %dma_wait3A_472] : memref<10240x80xf32, #tpu.memory_space<vmem_shared>> -> memref<128x80xf32, #tpu.memory_space<vmem_shared>>
        %dma_wait3A_474 = arith.constant 0 : i32
        %dma_wait3A_475 = tpu.memref_slice %arg38[%add3A_467, %dma_wait3A_474] : memref<10240x80xf32, #tpu.memory_space<vmem_shared>> -> memref<128x80xf32, #tpu.memory_space<vmem_shared>>
        tpu.wait_dma2 semaphore(%run_scoped3A : memref<!tpu.dma_semaphore, #tpu.memory_space<semaphore_mem>>) src(%arg22 : memref<128x80xf32, #tpu.memory_space<vmem>>) dst(%dma_wait3A_475 : memref<128x80xf32, #tpu.memory_space<vmem_shared>>)
        tpu.yield
      }) : () -> ()
    }
    %scan3A_8 = arith.constant 5 : i32
    %barrier3A = arith.constant 0 : index
    tpu.barrier barrier_id(%barrier3A)
    %dma_start3A = arith.constant 0 : i32
    %dma_start3A_9 = arith.constant 0 : i32
    %dma_start3A_10 = tpu.memref_slice %arg7[%dma_start3A, %dma_start3A_9] : memref<6x128xi32, #tpu.memory_space<vmem>> -> memref<1x128xi32, #tpu.memory_space<vmem>>
    %dma_start3A_11 = tpu.memref_squeeze %dma_start3A_10 : memref<1x128xi32, #tpu.memory_space<vmem>> -> memref<128xi32, #tpu.memory_space<vmem>>
    %dma_start3A_12 = arith.constant 0 : i32
    %dma_start3A_13 = tpu.memref_slice %arg4[%arg1, %dma_start3A_12] : memref<16x20736xi32, #tpu.memory_space<hbm>> -> memref<1x20736xi32, #tpu.memory_space<hbm>>
    %dma_start3A_14 = tpu.memref_squeeze %dma_start3A_13 : memref<1x20736xi32, #tpu.memory_space<hbm>> -> memref<20736xi32, #tpu.memory_space<hbm>>
    %dma_start3A_15 = arith.constant 0 : i32
    %dma_start3A_16 = tpu.memref_slice %dma_start3A_14[%dma_start3A_15] : memref<20736xi32, #tpu.memory_space<hbm>> -> memref<128xi32, #tpu.memory_space<hbm>>
    %dma_start3A_17 = arith.constant 0 : i32
    %dma_start3A_18 = tpu.memref_slice %arg7[%dma_start3A, %dma_start3A_17] : memref<6x128xi32, #tpu.memory_space<vmem>> -> memref<1x128xi32, #tpu.memory_space<vmem>>
    %dma_start3A_19 = tpu.memref_squeeze %dma_start3A_18 : memref<1x128xi32, #tpu.memory_space<vmem>> -> memref<128xi32, #tpu.memory_space<vmem>>
    %dma_start3A_20 = arith.constant 0 : i32
    %dma_start3A_21 = tpu.memref_slice %arg4[%arg1, %dma_start3A_20] : memref<16x20736xi32, #tpu.memory_space<hbm>> -> memref<1x20736xi32, #tpu.memory_space<hbm>>
    %dma_start3A_22 = tpu.memref_squeeze %dma_start3A_21 : memref<1x20736xi32, #tpu.memory_space<hbm>> -> memref<20736xi32, #tpu.memory_space<hbm>>
    %dma_start3A_23 = arith.constant 0 : i32
    %dma_start3A_24 = tpu.memref_slice %dma_start3A_22[%dma_start3A_23] : memref<20736xi32, #tpu.memory_space<hbm>> -> memref<128xi32, #tpu.memory_space<hbm>>
    tpu.enqueue_dma source(%dma_start3A_24 : memref<128xi32, #tpu.memory_space<hbm>>) target(%dma_start3A_19 : memref<128xi32, #tpu.memory_space<vmem>>) target_semaphore(%arg32 : memref<!tpu.dma_semaphore, #tpu.memory_space<semaphore_mem>>)
    %dma_start3A_25 = arith.constant 0 : i32
    %dma_start3A_26 = arith.constant 0 : i32
    %dma_start3A_27 = tpu.memref_slice %arg8[%dma_start3A_25, %dma_start3A_26] : memref<6x128xi32, #tpu.memory_space<vmem>> -> memref<1x128xi32, #tpu.memory_space<vmem>>
    %dma_start3A_28 = tpu.memref_squeeze %dma_start3A_27 : memref<1x128xi32, #tpu.memory_space<vmem>> -> memref<128xi32, #tpu.memory_space<vmem>>
    %dma_start3A_29 = arith.constant 0 : i32
    %dma_start3A_30 = tpu.memref_slice %arg5[%arg1, %dma_start3A_29] : memref<16x20736xi32, #tpu.memory_space<hbm>> -> memref<1x20736xi32, #tpu.memory_space<hbm>>
    %dma_start3A_31 = tpu.memref_squeeze %dma_start3A_30 : memref<1x20736xi32, #tpu.memory_space<hbm>> -> memref<20736xi32, #tpu.memory_space<hbm>>
    %dma_start3A_32 = arith.constant 0 : i32
    %dma_start3A_33 = tpu.memref_slice %dma_start3A_31[%dma_start3A_32] : memref<20736xi32, #tpu.memory_space<hbm>> -> memref<128xi32, #tpu.memory_space<hbm>>
    %dma_start3A_34 = arith.constant 0 : i32
    %dma_start3A_35 = tpu.memref_slice %arg8[%dma_start3A_25, %dma_start3A_34] : memref<6x128xi32, #tpu.memory_space<vmem>> -> memref<1x128xi32, #tpu.memory_space<vmem>>
    %dma_start3A_36 = tpu.memref_squeeze %dma_start3A_35 : memref<1x128xi32, #tpu.memory_space<vmem>> -> memref<128xi32, #tpu.memory_space<vmem>>
    %dma_start3A_37 = arith.constant 0 : i32
    %dma_start3A_38 = tpu.memref_slice %arg5[%arg1, %dma_start3A_37] : memref<16x20736xi32, #tpu.memory_space<hbm>> -> memref<1x20736xi32, #tpu.memory_space<hbm>>
    %dma_start3A_39 = tpu.memref_squeeze %dma_start3A_38 : memref<1x20736xi32, #tpu.memory_space<hbm>> -> memref<20736xi32, #tpu.memory_space<hbm>>
    %dma_start3A_40 = arith.constant 0 : i32
    %dma_start3A_41 = tpu.memref_slice %dma_start3A_39[%dma_start3A_40] : memref<20736xi32, #tpu.memory_space<hbm>> -> memref<128xi32, #tpu.memory_space<hbm>>
    tpu.enqueue_dma source(%dma_start3A_41 : memref<128xi32, #tpu.memory_space<hbm>>) target(%dma_start3A_36 : memref<128xi32, #tpu.memory_space<vmem>>) target_semaphore(%arg32 : memref<!tpu.dma_semaphore, #tpu.memory_space<semaphore_mem>>)
    %dma_start3A_42 = arith.constant 1 : i32
    %dma_start3A_43 = arith.constant 0 : i32
    %dma_start3A_44 = tpu.memref_slice %arg7[%dma_start3A_42, %dma_start3A_43] : memref<6x128xi32, #tpu.memory_space<vmem>> -> memref<1x128xi32, #tpu.memory_space<vmem>>
    %dma_start3A_45 = tpu.memref_squeeze %dma_start3A_44 : memref<1x128xi32, #tpu.memory_space<vmem>> -> memref<128xi32, #tpu.memory_space<vmem>>
    %dma_start3A_46 = arith.constant 0 : i32
    %dma_start3A_47 = tpu.memref_slice %arg4[%arg1, %dma_start3A_46] : memref<16x20736xi32, #tpu.memory_space<hbm>> -> memref<1x20736xi32, #tpu.memory_space<hbm>>
    %dma_start3A_48 = tpu.memref_squeeze %dma_start3A_47 : memref<1x20736xi32, #tpu.memory_space<hbm>> -> memref<20736xi32, #tpu.memory_space<hbm>>
    %dma_start3A_49 = arith.constant 128 : i32
    %dma_start3A_50 = tpu.memref_slice %dma_start3A_48[%dma_start3A_49] : memref<20736xi32, #tpu.memory_space<hbm>> -> memref<128xi32, #tpu.memory_space<hbm>>
    %dma_start3A_51 = arith.constant 0 : i32
    %dma_start3A_52 = tpu.memref_slice %arg7[%dma_start3A_42, %dma_start3A_51] : memref<6x128xi32, #tpu.memory_space<vmem>> -> memref<1x128xi32, #tpu.memory_space<vmem>>
    %dma_start3A_53 = tpu.memref_squeeze %dma_start3A_52 : memref<1x128xi32, #tpu.memory_space<vmem>> -> memref<128xi32, #tpu.memory_space<vmem>>
    %dma_start3A_54 = arith.constant 0 : i32
    %dma_start3A_55 = tpu.memref_slice %arg4[%arg1, %dma_start3A_54] : memref<16x20736xi32, #tpu.memory_space<hbm>> -> memref<1x20736xi32, #tpu.memory_space<hbm>>
    %dma_start3A_56 = tpu.memref_squeeze %dma_start3A_55 : memref<1x20736xi32, #tpu.memory_space<hbm>> -> memref<20736xi32, #tpu.memory_space<hbm>>
    %dma_start3A_57 = arith.constant 128 : i32
    %dma_start3A_58 = tpu.memref_slice %dma_start3A_56[%dma_start3A_57] : memref<20736xi32, #tpu.memory_space<hbm>> -> memref<128xi32, #tpu.memory_space<hbm>>
    tpu.enqueue_dma source(%dma_start3A_58 : memref<128xi32, #tpu.memory_space<hbm>>) target(%dma_start3A_53 : memref<128xi32, #tpu.memory_space<vmem>>) target_semaphore(%arg33 : memref<!tpu.dma_semaphore, #tpu.memory_space<semaphore_mem>>)
    %dma_start3A_59 = arith.constant 1 : i32
    %dma_start3A_60 = arith.constant 0 : i32
    %dma_start3A_61 = tpu.memref_slice %arg8[%dma_start3A_59, %dma_start3A_60] : memref<6x128xi32, #tpu.memory_space<vmem>> -> memref<1x128xi32, #tpu.memory_space<vmem>>
    %dma_start3A_62 = tpu.memref_squeeze %dma_start3A_61 : memref<1x128xi32, #tpu.memory_space<vmem>> -> memref<128xi32, #tpu.memory_space<vmem>>
    %dma_start3A_63 = arith.constant 0 : i32
    %dma_start3A_64 = tpu.memref_slice %arg5[%arg1, %dma_start3A_63] : memref<16x20736xi32, #tpu.memory_space<hbm>> -> memref<1x20736xi32, #tpu.memory_space<hbm>>
    %dma_start3A_65 = tpu.memref_squeeze %dma_start3A_64 : memref<1x20736xi32, #tpu.memory_space<hbm>> -> memref<20736xi32, #tpu.memory_space<hbm>>
    %dma_start3A_66 = arith.constant 128 : i32
    %dma_start3A_67 = tpu.memref_slice %dma_start3A_65[%dma_start3A_66] : memref<20736xi32, #tpu.memory_space<hbm>> -> memref<128xi32, #tpu.memory_space<hbm>>
    %dma_start3A_68 = arith.constant 0 : i32
    %dma_start3A_69 = tpu.memref_slice %arg8[%dma_start3A_59, %dma_start3A_68] : memref<6x128xi32, #tpu.memory_space<vmem>> -> memref<1x128xi32, #tpu.memory_space<vmem>>
    %dma_start3A_70 = tpu.memref_squeeze %dma_start3A_69 : memref<1x128xi32, #tpu.memory_space<vmem>> -> memref<128xi32, #tpu.memory_space<vmem>>
    %dma_start3A_71 = arith.constant 0 : i32
    %dma_start3A_72 = tpu.memref_slice %arg5[%arg1, %dma_start3A_71] : memref<16x20736xi32, #tpu.memory_space<hbm>> -> memref<1x20736xi32, #tpu.memory_space<hbm>>
    %dma_start3A_73 = tpu.memref_squeeze %dma_start3A_72 : memref<1x20736xi32, #tpu.memory_space<hbm>> -> memref<20736xi32, #tpu.memory_space<hbm>>
    %dma_start3A_74 = arith.constant 128 : i32
    %dma_start3A_75 = tpu.memref_slice %dma_start3A_73[%dma_start3A_74] : memref<20736xi32, #tpu.memory_space<hbm>> -> memref<128xi32, #tpu.memory_space<hbm>>
    tpu.enqueue_dma source(%dma_start3A_75 : memref<128xi32, #tpu.memory_space<hbm>>) target(%dma_start3A_70 : memref<128xi32, #tpu.memory_space<vmem>>) target_semaphore(%arg33 : memref<!tpu.dma_semaphore, #tpu.memory_space<semaphore_mem>>)
    %dma_start3A_76 = arith.constant 2 : i32
    %dma_start3A_77 = arith.constant 0 : i32
    %dma_start3A_78 = tpu.memref_slice %arg7[%dma_start3A_76, %dma_start3A_77] : memref<6x128xi32, #tpu.memory_space<vmem>> -> memref<1x128xi32, #tpu.memory_space<vmem>>
    %dma_start3A_79 = tpu.memref_squeeze %dma_start3A_78 : memref<1x128xi32, #tpu.memory_space<vmem>> -> memref<128xi32, #tpu.memory_space<vmem>>
    %dma_start3A_80 = arith.constant 0 : i32
    %dma_start3A_81 = tpu.memref_slice %arg4[%arg1, %dma_start3A_80] : memref<16x20736xi32, #tpu.memory_space<hbm>> -> memref<1x20736xi32, #tpu.memory_space<hbm>>
    %dma_start3A_82 = tpu.memref_squeeze %dma_start3A_81 : memref<1x20736xi32, #tpu.memory_space<hbm>> -> memref<20736xi32, #tpu.memory_space<hbm>>
    %dma_start3A_83 = arith.constant 256 : i32
    %dma_start3A_84 = tpu.memref_slice %dma_start3A_82[%dma_start3A_83] : memref<20736xi32, #tpu.memory_space<hbm>> -> memref<128xi32, #tpu.memory_space<hbm>>
    %dma_start3A_85 = arith.constant 0 : i32
    %dma_start3A_86 = tpu.memref_slice %arg7[%dma_start3A_76, %dma_start3A_85] : memref<6x128xi32, #tpu.memory_space<vmem>> -> memref<1x128xi32, #tpu.memory_space<vmem>>
    %dma_start3A_87 = tpu.memref_squeeze %dma_start3A_86 : memref<1x128xi32, #tpu.memory_space<vmem>> -> memref<128xi32, #tpu.memory_space<vmem>>
    %dma_start3A_88 = arith.constant 0 : i32
    %dma_start3A_89 = tpu.memref_slice %arg4[%arg1, %dma_start3A_88] : memref<16x20736xi32, #tpu.memory_space<hbm>> -> memref<1x20736xi32, #tpu.memory_space<hbm>>
    %dma_start3A_90 = tpu.memref_squeeze %dma_start3A_89 : memref<1x20736xi32, #tpu.memory_space<hbm>> -> memref<20736xi32, #tpu.memory_space<hbm>>
    %dma_start3A_91 = arith.constant 256 : i32
    %dma_start3A_92 = tpu.memref_slice %dma_start3A_90[%dma_start3A_91] : memref<20736xi32, #tpu.memory_space<hbm>> -> memref<128xi32, #tpu.memory_space<hbm>>
    tpu.enqueue_dma source(%dma_start3A_92 : memref<128xi32, #tpu.memory_space<hbm>>) target(%dma_start3A_87 : memref<128xi32, #tpu.memory_space<vmem>>) target_semaphore(%arg34 : memref<!tpu.dma_semaphore, #tpu.memory_space<semaphore_mem>>)
    %dma_start3A_93 = arith.constant 2 : i32
    %dma_start3A_94 = arith.constant 0 : i32
    %dma_start3A_95 = tpu.memref_slice %arg8[%dma_start3A_93, %dma_start3A_94] : memref<6x128xi32, #tpu.memory_space<vmem>> -> memref<1x128xi32, #tpu.memory_space<vmem>>
    %dma_start3A_96 = tpu.memref_squeeze %dma_start3A_95 : memref<1x128xi32, #tpu.memory_space<vmem>> -> memref<128xi32, #tpu.memory_space<vmem>>
    %dma_start3A_97 = arith.constant 0 : i32
    %dma_start3A_98 = tpu.memref_slice %arg5[%arg1, %dma_start3A_97] : memref<16x20736xi32, #tpu.memory_space<hbm>> -> memref<1x20736xi32, #tpu.memory_space<hbm>>
    %dma_start3A_99 = tpu.memref_squeeze %dma_start3A_98 : memref<1x20736xi32, #tpu.memory_space<hbm>> -> memref<20736xi32, #tpu.memory_space<hbm>>
    %dma_start3A_100 = arith.constant 256 : i32
    %dma_start3A_101 = tpu.memref_slice %dma_start3A_99[%dma_start3A_100] : memref<20736xi32, #tpu.memory_space<hbm>> -> memref<128xi32, #tpu.memory_space<hbm>>
    %dma_start3A_102 = arith.constant 0 : i32
    %dma_start3A_103 = tpu.memref_slice %arg8[%dma_start3A_93, %dma_start3A_102] : memref<6x128xi32, #tpu.memory_space<vmem>> -> memref<1x128xi32, #tpu.memory_space<vmem>>
    %dma_start3A_104 = tpu.memref_squeeze %dma_start3A_103 : memref<1x128xi32, #tpu.memory_space<vmem>> -> memref<128xi32, #tpu.memory_space<vmem>>
    %dma_start3A_105 = arith.constant 0 : i32
    %dma_start3A_106 = tpu.memref_slice %arg5[%arg1, %dma_start3A_105] : memref<16x20736xi32, #tpu.memory_space<hbm>> -> memref<1x20736xi32, #tpu.memory_space<hbm>>
    %dma_start3A_107 = tpu.memref_squeeze %dma_start3A_106 : memref<1x20736xi32, #tpu.memory_space<hbm>> -> memref<20736xi32, #tpu.memory_space<hbm>>
    %dma_start3A_108 = arith.constant 256 : i32
    %dma_start3A_109 = tpu.memref_slice %dma_start3A_107[%dma_start3A_108] : memref<20736xi32, #tpu.memory_space<hbm>> -> memref<128xi32, #tpu.memory_space<hbm>>
    tpu.enqueue_dma source(%dma_start3A_109 : memref<128xi32, #tpu.memory_space<hbm>>) target(%dma_start3A_104 : memref<128xi32, #tpu.memory_space<vmem>>) target_semaphore(%arg34 : memref<!tpu.dma_semaphore, #tpu.memory_space<semaphore_mem>>)
    %dma_start3A_110 = arith.constant 3 : i32
    %dma_start3A_111 = arith.constant 0 : i32
    %dma_start3A_112 = tpu.memref_slice %arg7[%dma_start3A_110, %dma_start3A_111] : memref<6x128xi32, #tpu.memory_space<vmem>> -> memref<1x128xi32, #tpu.memory_space<vmem>>
    %dma_start3A_113 = tpu.memref_squeeze %dma_start3A_112 : memref<1x128xi32, #tpu.memory_space<vmem>> -> memref<128xi32, #tpu.memory_space<vmem>>
    %dma_start3A_114 = arith.constant 0 : i32
    %dma_start3A_115 = tpu.memref_slice %arg4[%arg1, %dma_start3A_114] : memref<16x20736xi32, #tpu.memory_space<hbm>> -> memref<1x20736xi32, #tpu.memory_space<hbm>>
    %dma_start3A_116 = tpu.memref_squeeze %dma_start3A_115 : memref<1x20736xi32, #tpu.memory_space<hbm>> -> memref<20736xi32, #tpu.memory_space<hbm>>
    %dma_start3A_117 = arith.constant 384 : i32
    %dma_start3A_118 = tpu.memref_slice %dma_start3A_116[%dma_start3A_117] : memref<20736xi32, #tpu.memory_space<hbm>> -> memref<128xi32, #tpu.memory_space<hbm>>
    %dma_start3A_119 = arith.constant 0 : i32
    %dma_start3A_120 = tpu.memref_slice %arg7[%dma_start3A_110, %dma_start3A_119] : memref<6x128xi32, #tpu.memory_space<vmem>> -> memref<1x128xi32, #tpu.memory_space<vmem>>
    %dma_start3A_121 = tpu.memref_squeeze %dma_start3A_120 : memref<1x128xi32, #tpu.memory_space<vmem>> -> memref<128xi32, #tpu.memory_space<vmem>>
    %dma_start3A_122 = arith.constant 0 : i32
    %dma_start3A_123 = tpu.memref_slice %arg4[%arg1, %dma_start3A_122] : memref<16x20736xi32, #tpu.memory_space<hbm>> -> memref<1x20736xi32, #tpu.memory_space<hbm>>
    %dma_start3A_124 = tpu.memref_squeeze %dma_start3A_123 : memref<1x20736xi32, #tpu.memory_space<hbm>> -> memref<20736xi32, #tpu.memory_space<hbm>>
    %dma_start3A_125 = arith.constant 384 : i32
    %dma_start3A_126 = tpu.memref_slice %dma_start3A_124[%dma_start3A_125] : memref<20736xi32, #tpu.memory_space<hbm>> -> memref<128xi32, #tpu.memory_space<hbm>>
    tpu.enqueue_dma source(%dma_start3A_126 : memref<128xi32, #tpu.memory_space<hbm>>) target(%dma_start3A_121 : memref<128xi32, #tpu.memory_space<vmem>>) target_semaphore(%arg35 : memref<!tpu.dma_semaphore, #tpu.memory_space<semaphore_mem>>)
    %dma_start3A_127 = arith.constant 3 : i32
    %dma_start3A_128 = arith.constant 0 : i32
    %dma_start3A_129 = tpu.memref_slice %arg8[%dma_start3A_127, %dma_start3A_128] : memref<6x128xi32, #tpu.memory_space<vmem>> -> memref<1x128xi32, #tpu.memory_space<vmem>>
    %dma_start3A_130 = tpu.memref_squeeze %dma_start3A_129 : memref<1x128xi32, #tpu.memory_space<vmem>> -> memref<128xi32, #tpu.memory_space<vmem>>
    %dma_start3A_131 = arith.constant 0 : i32
    %dma_start3A_132 = tpu.memref_slice %arg5[%arg1, %dma_start3A_131] : memref<16x20736xi32, #tpu.memory_space<hbm>> -> memref<1x20736xi32, #tpu.memory_space<hbm>>
    %dma_start3A_133 = tpu.memref_squeeze %dma_start3A_132 : memref<1x20736xi32, #tpu.memory_space<hbm>> -> memref<20736xi32, #tpu.memory_space<hbm>>
    %dma_start3A_134 = arith.constant 384 : i32
    %dma_start3A_135 = tpu.memref_slice %dma_start3A_133[%dma_start3A_134] : memref<20736xi32, #tpu.memory_space<hbm>> -> memref<128xi32, #tpu.memory_space<hbm>>
    %dma_start3A_136 = arith.constant 0 : i32
    %dma_start3A_137 = tpu.memref_slice %arg8[%dma_start3A_127, %dma_start3A_136] : memref<6x128xi32, #tpu.memory_space<vmem>> -> memref<1x128xi32, #tpu.memory_space<vmem>>
    %dma_start3A_138 = tpu.memref_squeeze %dma_start3A_137 : memref<1x128xi32, #tpu.memory_space<vmem>> -> memref<128xi32, #tpu.memory_space<vmem>>
    %dma_start3A_139 = arith.constant 0 : i32
    %dma_start3A_140 = tpu.memref_slice %arg5[%arg1, %dma_start3A_139] : memref<16x20736xi32, #tpu.memory_space<hbm>> -> memref<1x20736xi32, #tpu.memory_space<hbm>>
    %dma_start3A_141 = tpu.memref_squeeze %dma_start3A_140 : memref<1x20736xi32, #tpu.memory_space<hbm>> -> memref<20736xi32, #tpu.memory_space<hbm>>
    %dma_start3A_142 = arith.constant 384 : i32
    %dma_start3A_143 = tpu.memref_slice %dma_start3A_141[%dma_start3A_142] : memref<20736xi32, #tpu.memory_space<hbm>> -> memref<128xi32, #tpu.memory_space<hbm>>
    tpu.enqueue_dma source(%dma_start3A_143 : memref<128xi32, #tpu.memory_space<hbm>>) target(%dma_start3A_138 : memref<128xi32, #tpu.memory_space<vmem>>) target_semaphore(%arg35 : memref<!tpu.dma_semaphore, #tpu.memory_space<semaphore_mem>>)
    %dma_start3A_144 = arith.constant 4 : i32
    %dma_start3A_145 = arith.constant 0 : i32
    %dma_start3A_146 = tpu.memref_slice %arg7[%dma_start3A_144, %dma_start3A_145] : memref<6x128xi32, #tpu.memory_space<vmem>> -> memref<1x128xi32, #tpu.memory_space<vmem>>
    %dma_start3A_147 = tpu.memref_squeeze %dma_start3A_146 : memref<1x128xi32, #tpu.memory_space<vmem>> -> memref<128xi32, #tpu.memory_space<vmem>>
    %dma_start3A_148 = arith.constant 0 : i32
    %dma_start3A_149 = tpu.memref_slice %arg4[%arg1, %dma_start3A_148] : memref<16x20736xi32, #tpu.memory_space<hbm>> -> memref<1x20736xi32, #tpu.memory_space<hbm>>
    %dma_start3A_150 = tpu.memref_squeeze %dma_start3A_149 : memref<1x20736xi32, #tpu.memory_space<hbm>> -> memref<20736xi32, #tpu.memory_space<hbm>>
    %dma_start3A_151 = arith.constant 512 : i32
    %dma_start3A_152 = tpu.memref_slice %dma_start3A_150[%dma_start3A_151] : memref<20736xi32, #tpu.memory_space<hbm>> -> memref<128xi32, #tpu.memory_space<hbm>>
    %dma_start3A_153 = arith.constant 0 : i32
    %dma_start3A_154 = tpu.memref_slice %arg7[%dma_start3A_144, %dma_start3A_153] : memref<6x128xi32, #tpu.memory_space<vmem>> -> memref<1x128xi32, #tpu.memory_space<vmem>>
    %dma_start3A_155 = tpu.memref_squeeze %dma_start3A_154 : memref<1x128xi32, #tpu.memory_space<vmem>> -> memref<128xi32, #tpu.memory_space<vmem>>
    %dma_start3A_156 = arith.constant 0 : i32
    %dma_start3A_157 = tpu.memref_slice %arg4[%arg1, %dma_start3A_156] : memref<16x20736xi32, #tpu.memory_space<hbm>> -> memref<1x20736xi32, #tpu.memory_space<hbm>>
    %dma_start3A_158 = tpu.memref_squeeze %dma_start3A_157 : memref<1x20736xi32, #tpu.memory_space<hbm>> -> memref<20736xi32, #tpu.memory_space<hbm>>
    %dma_start3A_159 = arith.constant 512 : i32
    %dma_start3A_160 = tpu.memref_slice %dma_start3A_158[%dma_start3A_159] : memref<20736xi32, #tpu.memory_space<hbm>> -> memref<128xi32, #tpu.memory_space<hbm>>
    tpu.enqueue_dma source(%dma_start3A_160 : memref<128xi32, #tpu.memory_space<hbm>>) target(%dma_start3A_155 : memref<128xi32, #tpu.memory_space<vmem>>) target_semaphore(%arg36 : memref<!tpu.dma_semaphore, #tpu.memory_space<semaphore_mem>>)
    %dma_start3A_161 = arith.constant 4 : i32
    %dma_start3A_162 = arith.constant 0 : i32
    %dma_start3A_163 = tpu.memref_slice %arg8[%dma_start3A_161, %dma_start3A_162] : memref<6x128xi32, #tpu.memory_space<vmem>> -> memref<1x128xi32, #tpu.memory_space<vmem>>
    %dma_start3A_164 = tpu.memref_squeeze %dma_start3A_163 : memref<1x128xi32, #tpu.memory_space<vmem>> -> memref<128xi32, #tpu.memory_space<vmem>>
    %dma_start3A_165 = arith.constant 0 : i32
    %dma_start3A_166 = tpu.memref_slice %arg5[%arg1, %dma_start3A_165] : memref<16x20736xi32, #tpu.memory_space<hbm>> -> memref<1x20736xi32, #tpu.memory_space<hbm>>
    %dma_start3A_167 = tpu.memref_squeeze %dma_start3A_166 : memref<1x20736xi32, #tpu.memory_space<hbm>> -> memref<20736xi32, #tpu.memory_space<hbm>>
    %dma_start3A_168 = arith.constant 512 : i32
    %dma_start3A_169 = tpu.memref_slice %dma_start3A_167[%dma_start3A_168] : memref<20736xi32, #tpu.memory_space<hbm>> -> memref<128xi32, #tpu.memory_space<hbm>>
    %dma_start3A_170 = arith.constant 0 : i32
    %dma_start3A_171 = tpu.memref_slice %arg8[%dma_start3A_161, %dma_start3A_170] : memref<6x128xi32, #tpu.memory_space<vmem>> -> memref<1x128xi32, #tpu.memory_space<vmem>>
    %dma_start3A_172 = tpu.memref_squeeze %dma_start3A_171 : memref<1x128xi32, #tpu.memory_space<vmem>> -> memref<128xi32, #tpu.memory_space<vmem>>
    %dma_start3A_173 = arith.constant 0 : i32
    %dma_start3A_174 = tpu.memref_slice %arg5[%arg1, %dma_start3A_173] : memref<16x20736xi32, #tpu.memory_space<hbm>> -> memref<1x20736xi32, #tpu.memory_space<hbm>>
    %dma_start3A_175 = tpu.memref_squeeze %dma_start3A_174 : memref<1x20736xi32, #tpu.memory_space<hbm>> -> memref<20736xi32, #tpu.memory_space<hbm>>
    %dma_start3A_176 = arith.constant 512 : i32
    %dma_start3A_177 = tpu.memref_slice %dma_start3A_175[%dma_start3A_176] : memref<20736xi32, #tpu.memory_space<hbm>> -> memref<128xi32, #tpu.memory_space<hbm>>
    tpu.enqueue_dma source(%dma_start3A_177 : memref<128xi32, #tpu.memory_space<hbm>>) target(%dma_start3A_172 : memref<128xi32, #tpu.memory_space<vmem>>) target_semaphore(%arg36 : memref<!tpu.dma_semaphore, #tpu.memory_space<semaphore_mem>>)
    %dma_start3A_178 = arith.constant 5 : i32
    %dma_start3A_179 = arith.constant 0 : i32
    %dma_start3A_180 = tpu.memref_slice %arg7[%dma_start3A_178, %dma_start3A_179] : memref<6x128xi32, #tpu.memory_space<vmem>> -> memref<1x128xi32, #tpu.memory_space<vmem>>
    %dma_start3A_181 = tpu.memref_squeeze %dma_start3A_180 : memref<1x128xi32, #tpu.memory_space<vmem>> -> memref<128xi32, #tpu.memory_space<vmem>>
    %dma_start3A_182 = arith.constant 0 : i32
    %dma_start3A_183 = tpu.memref_slice %arg4[%arg1, %dma_start3A_182] : memref<16x20736xi32, #tpu.memory_space<hbm>> -> memref<1x20736xi32, #tpu.memory_space<hbm>>
    %dma_start3A_184 = tpu.memref_squeeze %dma_start3A_183 : memref<1x20736xi32, #tpu.memory_space<hbm>> -> memref<20736xi32, #tpu.memory_space<hbm>>
    %dma_start3A_185 = arith.constant 640 : i32
    %dma_start3A_186 = tpu.memref_slice %dma_start3A_184[%dma_start3A_185] : memref<20736xi32, #tpu.memory_space<hbm>> -> memref<128xi32, #tpu.memory_space<hbm>>
    %dma_start3A_187 = arith.constant 0 : i32
    %dma_start3A_188 = tpu.memref_slice %arg7[%dma_start3A_178, %dma_start3A_187] : memref<6x128xi32, #tpu.memory_space<vmem>> -> memref<1x128xi32, #tpu.memory_space<vmem>>
    %dma_start3A_189 = tpu.memref_squeeze %dma_start3A_188 : memref<1x128xi32, #tpu.memory_space<vmem>> -> memref<128xi32, #tpu.memory_space<vmem>>
    %dma_start3A_190 = arith.constant 0 : i32
    %dma_start3A_191 = tpu.memref_slice %arg4[%arg1, %dma_start3A_190] : memref<16x20736xi32, #tpu.memory_space<hbm>> -> memref<1x20736xi32, #tpu.memory_space<hbm>>
    %dma_start3A_192 = tpu.memref_squeeze %dma_start3A_191 : memref<1x20736xi32, #tpu.memory_space<hbm>> -> memref<20736xi32, #tpu.memory_space<hbm>>
    %dma_start3A_193 = arith.constant 640 : i32
    %dma_start3A_194 = tpu.memref_slice %dma_start3A_192[%dma_start3A_193] : memref<20736xi32, #tpu.memory_space<hbm>> -> memref<128xi32, #tpu.memory_space<hbm>>
    tpu.enqueue_dma source(%dma_start3A_194 : memref<128xi32, #tpu.memory_space<hbm>>) target(%dma_start3A_189 : memref<128xi32, #tpu.memory_space<vmem>>) target_semaphore(%arg37 : memref<!tpu.dma_semaphore, #tpu.memory_space<semaphore_mem>>)
    %dma_start3A_195 = arith.constant 5 : i32
    %dma_start3A_196 = arith.constant 0 : i32
    %dma_start3A_197 = tpu.memref_slice %arg8[%dma_start3A_195, %dma_start3A_196] : memref<6x128xi32, #tpu.memory_space<vmem>> -> memref<1x128xi32, #tpu.memory_space<vmem>>
    %dma_start3A_198 = tpu.memref_squeeze %dma_start3A_197 : memref<1x128xi32, #tpu.memory_space<vmem>> -> memref<128xi32, #tpu.memory_space<vmem>>
    %dma_start3A_199 = arith.constant 0 : i32
    %dma_start3A_200 = tpu.memref_slice %arg5[%arg1, %dma_start3A_199] : memref<16x20736xi32, #tpu.memory_space<hbm>> -> memref<1x20736xi32, #tpu.memory_space<hbm>>
    %dma_start3A_201 = tpu.memref_squeeze %dma_start3A_200 : memref<1x20736xi32, #tpu.memory_space<hbm>> -> memref<20736xi32, #tpu.memory_space<hbm>>
    %dma_start3A_202 = arith.constant 640 : i32
    %dma_start3A_203 = tpu.memref_slice %dma_start3A_201[%dma_start3A_202] : memref<20736xi32, #tpu.memory_space<hbm>> -> memref<128xi32, #tpu.memory_space<hbm>>
    %dma_start3A_204 = arith.constant 0 : i32
    %dma_start3A_205 = tpu.memref_slice %arg8[%dma_start3A_195, %dma_start3A_204] : memref<6x128xi32, #tpu.memory_space<vmem>> -> memref<1x128xi32, #tpu.memory_space<vmem>>
    %dma_start3A_206 = tpu.memref_squeeze %dma_start3A_205 : memref<1x128xi32, #tpu.memory_space<vmem>> -> memref<128xi32, #tpu.memory_space<vmem>>
    %dma_start3A_207 = arith.constant 0 : i32
    %dma_start3A_208 = tpu.memref_slice %arg5[%arg1, %dma_start3A_207] : memref<16x20736xi32, #tpu.memory_space<hbm>> -> memref<1x20736xi32, #tpu.memory_space<hbm>>
    %dma_start3A_209 = tpu.memref_squeeze %dma_start3A_208 : memref<1x20736xi32, #tpu.memory_space<hbm>> -> memref<20736xi32, #tpu.memory_space<hbm>>
    %dma_start3A_210 = arith.constant 640 : i32
    %dma_start3A_211 = tpu.memref_slice %dma_start3A_209[%dma_start3A_210] : memref<20736xi32, #tpu.memory_space<hbm>> -> memref<128xi32, #tpu.memory_space<hbm>>
    tpu.enqueue_dma source(%dma_start3A_211 : memref<128xi32, #tpu.memory_space<hbm>>) target(%dma_start3A_206 : memref<128xi32, #tpu.memory_space<vmem>>) target_semaphore(%arg37 : memref<!tpu.dma_semaphore, #tpu.memory_space<semaphore_mem>>)
    %dma_wait3A = arith.constant 0 : i32
    %dma_wait3A_212 = arith.constant 0 : i32
    %dma_wait3A_213 = tpu.memref_slice %arg7[%dma_wait3A, %dma_wait3A_212] : memref<6x128xi32, #tpu.memory_space<vmem>> -> memref<1x128xi32, #tpu.memory_space<vmem>>
    %dma_wait3A_214 = tpu.memref_squeeze %dma_wait3A_213 : memref<1x128xi32, #tpu.memory_space<vmem>> -> memref<128xi32, #tpu.memory_space<vmem>>
    %dma_wait3A_215 = arith.constant 0 : i32
    %dma_wait3A_216 = tpu.memref_slice %arg4[%arg1, %dma_wait3A_215] : memref<16x20736xi32, #tpu.memory_space<hbm>> -> memref<1x20736xi32, #tpu.memory_space<hbm>>
    %dma_wait3A_217 = tpu.memref_squeeze %dma_wait3A_216 : memref<1x20736xi32, #tpu.memory_space<hbm>> -> memref<20736xi32, #tpu.memory_space<hbm>>
    %dma_wait3A_218 = arith.constant 0 : i32
    %dma_wait3A_219 = tpu.memref_slice %dma_wait3A_217[%dma_wait3A_218] : memref<20736xi32, #tpu.memory_space<hbm>> -> memref<128xi32, #tpu.memory_space<hbm>>
    %dma_wait3A_220 = arith.constant 0 : i32
    %dma_wait3A_221 = tpu.memref_slice %arg7[%dma_wait3A, %dma_wait3A_220] : memref<6x128xi32, #tpu.memory_space<vmem>> -> memref<1x128xi32, #tpu.memory_space<vmem>>
    %dma_wait3A_222 = tpu.memref_squeeze %dma_wait3A_221 : memref<1x128xi32, #tpu.memory_space<vmem>> -> memref<128xi32, #tpu.memory_space<vmem>>
    %dma_wait3A_223 = arith.constant 0 : i32
    %dma_wait3A_224 = tpu.memref_slice %arg4[%arg1, %dma_wait3A_223] : memref<16x20736xi32, #tpu.memory_space<hbm>> -> memref<1x20736xi32, #tpu.memory_space<hbm>>
    %dma_wait3A_225 = tpu.memref_squeeze %dma_wait3A_224 : memref<1x20736xi32, #tpu.memory_space<hbm>> -> memref<20736xi32, #tpu.memory_space<hbm>>
    %dma_wait3A_226 = arith.constant 0 : i32
    %dma_wait3A_227 = tpu.memref_slice %dma_wait3A_225[%dma_wait3A_226] : memref<20736xi32, #tpu.memory_space<hbm>> -> memref<128xi32, #tpu.memory_space<hbm>>
    tpu.wait_dma2 semaphore(%arg32 : memref<!tpu.dma_semaphore, #tpu.memory_space<semaphore_mem>>) src(%dma_wait3A_227 : memref<128xi32, #tpu.memory_space<hbm>>) dst(%dma_wait3A_222 : memref<128xi32, #tpu.memory_space<vmem>>)
    %dma_wait3A_228 = arith.constant 0 : i32
    %dma_wait3A_229 = arith.constant 0 : i32
    %dma_wait3A_230 = tpu.memref_slice %arg8[%dma_wait3A_228, %dma_wait3A_229] : memref<6x128xi32, #tpu.memory_space<vmem>> -> memref<1x128xi32, #tpu.memory_space<vmem>>
    %dma_wait3A_231 = tpu.memref_squeeze %dma_wait3A_230 : memref<1x128xi32, #tpu.memory_space<vmem>> -> memref<128xi32, #tpu.memory_space<vmem>>
    %dma_wait3A_232 = arith.constant 0 : i32
    %dma_wait3A_233 = tpu.memref_slice %arg5[%arg1, %dma_wait3A_232] : memref<16x20736xi32, #tpu.memory_space<hbm>> -> memref<1x20736xi32, #tpu.memory_space<hbm>>
    %dma_wait3A_234 = tpu.memref_squeeze %dma_wait3A_233 : memref<1x20736xi32, #tpu.memory_space<hbm>> -> memref<20736xi32, #tpu.memory_space<hbm>>
    %dma_wait3A_235 = arith.constant 0 : i32
    %dma_wait3A_236 = tpu.memref_slice %dma_wait3A_234[%dma_wait3A_235] : memref<20736xi32, #tpu.memory_space<hbm>> -> memref<128xi32, #tpu.memory_space<hbm>>
    %dma_wait3A_237 = arith.constant 0 : i32
    %dma_wait3A_238 = tpu.memref_slice %arg8[%dma_wait3A_228, %dma_wait3A_237] : memref<6x128xi32, #tpu.memory_space<vmem>> -> memref<1x128xi32, #tpu.memory_space<vmem>>
    %dma_wait3A_239 = tpu.memref_squeeze %dma_wait3A_238 : memref<1x128xi32, #tpu.memory_space<vmem>> -> memref<128xi32, #tpu.memory_space<vmem>>
    %dma_wait3A_240 = arith.constant 0 : i32
    %dma_wait3A_241 = tpu.memref_slice %arg5[%arg1, %dma_wait3A_240] : memref<16x20736xi32, #tpu.memory_space<hbm>> -> memref<1x20736xi32, #tpu.memory_space<hbm>>
    %dma_wait3A_242 = tpu.memref_squeeze %dma_wait3A_241 : memref<1x20736xi32, #tpu.memory_space<hbm>> -> memref<20736xi32, #tpu.memory_space<hbm>>
    %dma_wait3A_243 = arith.constant 0 : i32
    %dma_wait3A_244 = tpu.memref_slice %dma_wait3A_242[%dma_wait3A_243] : memref<20736xi32, #tpu.memory_space<hbm>> -> memref<128xi32, #tpu.memory_space<hbm>>
    tpu.wait_dma2 semaphore(%arg32 : memref<!tpu.dma_semaphore, #tpu.memory_space<semaphore_mem>>) src(%dma_wait3A_244 : memref<128xi32, #tpu.memory_space<hbm>>) dst(%dma_wait3A_239 : memref<128xi32, #tpu.memory_space<vmem>>)
    %dma_start3A_245 = arith.constant 0 : i32
    %dma_start3A_246 = arith.constant 0 : i32
    %dma_start3A_247 = tpu.memref_slice %arg7[%dma_start3A_245, %dma_start3A_246] : memref<6x128xi32, #tpu.memory_space<vmem>> -> memref<1x128xi32, #tpu.memory_space<vmem>>
    %dma_start3A_248 = tpu.memref_squeeze %dma_start3A_247 : memref<1x128xi32, #tpu.memory_space<vmem>> -> memref<128xi32, #tpu.memory_space<vmem>>
    %dma_start3A_249 = arith.constant 0 : i32
    %dma_start3A_250 = arith.constant 0 : i32
    %dma_start3A_251 = tpu.memref_slice %arg2[%arg0, %dma_start3A_249, %dma_start3A_250] : memref<2x10240x96xbf16, #tpu.memory_space<hbm>> -> memref<1x10240x96xbf16, #tpu.memory_space<hbm>>
    %dma_start3A_252 = tpu.memref_squeeze %dma_start3A_251 : memref<1x10240x96xbf16, #tpu.memory_space<hbm>> -> memref<10240x96xbf16, #tpu.memory_space<hbm>>
    %dma_start3A_253 = arith.constant 0 : i32
    %dma_start3A_254 = arith.constant 0 : i32
    %dma_start3A_255 = tpu.memref_slice %dma_start3A_252[%dma_start3A_253, %dma_start3A_254] : memref<10240x96xbf16, #tpu.memory_space<hbm>> -> memref<10240x96xbf16, #tpu.memory_space<hbm>>
    tpu.enqueue_indirect_dma source(%dma_start3A_255 : memref<10240x96xbf16, #tpu.memory_space<hbm>>) target(%arg10 : memref<128x96xbf16, #tpu.memory_space<vmem>>) offsets(%dma_start3A_248 : memref<128xi32, #tpu.memory_space<vmem>>) semaphore(%arg24 : memref<!tpu.dma_semaphore, #tpu.memory_space<semaphore_mem>>)
    %dma_start3A_256 = arith.constant 0 : i32
    %dma_start3A_257 = arith.constant 0 : i32
    %dma_start3A_258 = tpu.memref_slice %arg8[%dma_start3A_256, %dma_start3A_257] : memref<6x128xi32, #tpu.memory_space<vmem>> -> memref<1x128xi32, #tpu.memory_space<vmem>>
    %dma_start3A_259 = tpu.memref_squeeze %dma_start3A_258 : memref<1x128xi32, #tpu.memory_space<vmem>> -> memref<128xi32, #tpu.memory_space<vmem>>
    %dma_start3A_260 = arith.constant 0 : i32
    %dma_start3A_261 = arith.constant 0 : i32
    %dma_start3A_262 = tpu.memref_slice %arg3[%arg0, %dma_start3A_260, %dma_start3A_261] : memref<2x10240x16xf32, #tpu.memory_space<hbm>> -> memref<1x10240x16xf32, #tpu.memory_space<hbm>>
    %dma_start3A_263 = tpu.memref_squeeze %dma_start3A_262 : memref<1x10240x16xf32, #tpu.memory_space<hbm>> -> memref<10240x16xf32, #tpu.memory_space<hbm>>
    %dma_start3A_264 = arith.constant 0 : i32
    %dma_start3A_265 = arith.constant 0 : i32
    %dma_start3A_266 = tpu.memref_slice %dma_start3A_263[%dma_start3A_264, %dma_start3A_265] : memref<10240x16xf32, #tpu.memory_space<hbm>> -> memref<10240x16xf32, #tpu.memory_space<hbm>>
    tpu.enqueue_indirect_dma source(%dma_start3A_266 : memref<10240x16xf32, #tpu.memory_space<hbm>>) target(%arg16 : memref<128x16xf32, #tpu.memory_space<vmem>>) offsets(%dma_start3A_259 : memref<128xi32, #tpu.memory_space<vmem>>) semaphore(%arg24 : memref<!tpu.dma_semaphore, #tpu.memory_space<semaphore_mem>>)
    %dma_wait3A_267 = arith.constant 1 : i32
    %dma_wait3A_268 = arith.constant 0 : i32
    %dma_wait3A_269 = tpu.memref_slice %arg7[%dma_wait3A_267, %dma_wait3A_268] : memref<6x128xi32, #tpu.memory_space<vmem>> -> memref<1x128xi32, #tpu.memory_space<vmem>>
    %dma_wait3A_270 = tpu.memref_squeeze %dma_wait3A_269 : memref<1x128xi32, #tpu.memory_space<vmem>> -> memref<128xi32, #tpu.memory_space<vmem>>
    %dma_wait3A_271 = arith.constant 0 : i32
    %dma_wait3A_272 = tpu.memref_slice %arg4[%arg1, %dma_wait3A_271] : memref<16x20736xi32, #tpu.memory_space<hbm>> -> memref<1x20736xi32, #tpu.memory_space<hbm>>
    %dma_wait3A_273 = tpu.memref_squeeze %dma_wait3A_272 : memref<1x20736xi32, #tpu.memory_space<hbm>> -> memref<20736xi32, #tpu.memory_space<hbm>>
    %dma_wait3A_274 = arith.constant 0 : i32
    %dma_wait3A_275 = tpu.memref_slice %dma_wait3A_273[%dma_wait3A_274] : memref<20736xi32, #tpu.memory_space<hbm>> -> memref<128xi32, #tpu.memory_space<hbm>>
    %dma_wait3A_276 = arith.constant 0 : i32
    %dma_wait3A_277 = tpu.memref_slice %arg7[%dma_wait3A_267, %dma_wait3A_276] : memref<6x128xi32, #tpu.memory_space<vmem>> -> memref<1x128xi32, #tpu.memory_space<vmem>>
    %dma_wait3A_278 = tpu.memref_squeeze %dma_wait3A_277 : memref<1x128xi32, #tpu.memory_space<vmem>> -> memref<128xi32, #tpu.memory_space<vmem>>
    %dma_wait3A_279 = arith.constant 0 : i32
    %dma_wait3A_280 = tpu.memref_slice %arg4[%arg1, %dma_wait3A_279] : memref<16x20736xi32, #tpu.memory_space<hbm>> -> memref<1x20736xi32, #tpu.memory_space<hbm>>
    %dma_wait3A_281 = tpu.memref_squeeze %dma_wait3A_280 : memref<1x20736xi32, #tpu.memory_space<hbm>> -> memref<20736xi32, #tpu.memory_space<hbm>>
    %dma_wait3A_282 = arith.constant 0 : i32
    %dma_wait3A_283 = tpu.memref_slice %dma_wait3A_281[%dma_wait3A_282] : memref<20736xi32, #tpu.memory_space<hbm>> -> memref<128xi32, #tpu.memory_space<hbm>>
    tpu.wait_dma2 semaphore(%arg33 : memref<!tpu.dma_semaphore, #tpu.memory_space<semaphore_mem>>) src(%dma_wait3A_283 : memref<128xi32, #tpu.memory_space<hbm>>) dst(%dma_wait3A_278 : memref<128xi32, #tpu.memory_space<vmem>>)
    %dma_wait3A_284 = arith.constant 1 : i32
    %dma_wait3A_285 = arith.constant 0 : i32
    %dma_wait3A_286 = tpu.memref_slice %arg8[%dma_wait3A_284, %dma_wait3A_285] : memref<6x128xi32, #tpu.memory_space<vmem>> -> memref<1x128xi32, #tpu.memory_space<vmem>>
    %dma_wait3A_287 = tpu.memref_squeeze %dma_wait3A_286 : memref<1x128xi32, #tpu.memory_space<vmem>> -> memref<128xi32, #tpu.memory_space<vmem>>
    %dma_wait3A_288 = arith.constant 0 : i32
    %dma_wait3A_289 = tpu.memref_slice %arg5[%arg1, %dma_wait3A_288] : memref<16x20736xi32, #tpu.memory_space<hbm>> -> memref<1x20736xi32, #tpu.memory_space<hbm>>
    %dma_wait3A_290 = tpu.memref_squeeze %dma_wait3A_289 : memref<1x20736xi32, #tpu.memory_space<hbm>> -> memref<20736xi32, #tpu.memory_space<hbm>>
    %dma_wait3A_291 = arith.constant 0 : i32
    %dma_wait3A_292 = tpu.memref_slice %dma_wait3A_290[%dma_wait3A_291] : memref<20736xi32, #tpu.memory_space<hbm>> -> memref<128xi32, #tpu.memory_space<hbm>>
    %dma_wait3A_293 = arith.constant 0 : i32
    %dma_wait3A_294 = tpu.memref_slice %arg8[%dma_wait3A_284, %dma_wait3A_293] : memref<6x128xi32, #tpu.memory_space<vmem>> -> memref<1x128xi32, #tpu.memory_space<vmem>>
    %dma_wait3A_295 = tpu.memref_squeeze %dma_wait3A_294 : memref<1x128xi32, #tpu.memory_space<vmem>> -> memref<128xi32, #tpu.memory_space<vmem>>
    %dma_wait3A_296 = arith.constant 0 : i32
    %dma_wait3A_297 = tpu.memref_slice %arg5[%arg1, %dma_wait3A_296] : memref<16x20736xi32, #tpu.memory_space<hbm>> -> memref<1x20736xi32, #tpu.memory_space<hbm>>
    %dma_wait3A_298 = tpu.memref_squeeze %dma_wait3A_297 : memref<1x20736xi32, #tpu.memory_space<hbm>> -> memref<20736xi32, #tpu.memory_space<hbm>>
    %dma_wait3A_299 = arith.constant 0 : i32
    %dma_wait3A_300 = tpu.memref_slice %dma_wait3A_298[%dma_wait3A_299] : memref<20736xi32, #tpu.memory_space<hbm>> -> memref<128xi32, #tpu.memory_space<hbm>>
    tpu.wait_dma2 semaphore(%arg33 : memref<!tpu.dma_semaphore, #tpu.memory_space<semaphore_mem>>) src(%dma_wait3A_300 : memref<128xi32, #tpu.memory_space<hbm>>) dst(%dma_wait3A_295 : memref<128xi32, #tpu.memory_space<vmem>>)
    %dma_start3A_301 = arith.constant 1 : i32
    %dma_start3A_302 = arith.constant 0 : i32
    %dma_start3A_303 = tpu.memref_slice %arg7[%dma_start3A_301, %dma_start3A_302] : memref<6x128xi32, #tpu.memory_space<vmem>> -> memref<1x128xi32, #tpu.memory_space<vmem>>
    %dma_start3A_304 = tpu.memref_squeeze %dma_start3A_303 : memref<1x128xi32, #tpu.memory_space<vmem>> -> memref<128xi32, #tpu.memory_space<vmem>>
    %dma_start3A_305 = arith.constant 0 : i32
    %dma_start3A_306 = arith.constant 0 : i32
    %dma_start3A_307 = tpu.memref_slice %arg2[%arg0, %dma_start3A_305, %dma_start3A_306] : memref<2x10240x96xbf16, #tpu.memory_space<hbm>> -> memref<1x10240x96xbf16, #tpu.memory_space<hbm>>
    %dma_start3A_308 = tpu.memref_squeeze %dma_start3A_307 : memref<1x10240x96xbf16, #tpu.memory_space<hbm>> -> memref<10240x96xbf16, #tpu.memory_space<hbm>>
    %dma_start3A_309 = arith.constant 0 : i32
    %dma_start3A_310 = arith.constant 0 : i32
    %dma_start3A_311 = tpu.memref_slice %dma_start3A_308[%dma_start3A_309, %dma_start3A_310] : memref<10240x96xbf16, #tpu.memory_space<hbm>> -> memref<10240x96xbf16, #tpu.memory_space<hbm>>
    tpu.enqueue_indirect_dma source(%dma_start3A_311 : memref<10240x96xbf16, #tpu.memory_space<hbm>>) target(%arg11 : memref<128x96xbf16, #tpu.memory_space<vmem>>) offsets(%dma_start3A_304 : memref<128xi32, #tpu.memory_space<vmem>>) semaphore(%arg25 : memref<!tpu.dma_semaphore, #tpu.memory_space<semaphore_mem>>)
    %dma_start3A_312 = arith.constant 1 : i32
    %dma_start3A_313 = arith.constant 0 : i32
    %dma_start3A_314 = tpu.memref_slice %arg8[%dma_start3A_312, %dma_start3A_313] : memref<6x128xi32, #tpu.memory_space<vmem>> -> memref<1x128xi32, #tpu.memory_space<vmem>>
    %dma_start3A_315 = tpu.memref_squeeze %dma_start3A_314 : memref<1x128xi32, #tpu.memory_space<vmem>> -> memref<128xi32, #tpu.memory_space<vmem>>
    %dma_start3A_316 = arith.constant 0 : i32
    %dma_start3A_317 = arith.constant 0 : i32
    %dma_start3A_318 = tpu.memref_slice %arg3[%arg0, %dma_start3A_316, %dma_start3A_317] : memref<2x10240x16xf32, #tpu.memory_space<hbm>> -> memref<1x10240x16xf32, #tpu.memory_space<hbm>>
    %dma_start3A_319 = tpu.memref_squeeze %dma_start3A_318 : memref<1x10240x16xf32, #tpu.memory_space<hbm>> -> memref<10240x16xf32, #tpu.memory_space<hbm>>
    %dma_start3A_320 = arith.constant 0 : i32
    %dma_start3A_321 = arith.constant 0 : i32
    %dma_start3A_322 = tpu.memref_slice %dma_start3A_319[%dma_start3A_320, %dma_start3A_321] : memref<10240x16xf32, #tpu.memory_space<hbm>> -> memref<10240x16xf32, #tpu.memory_space<hbm>>
    tpu.enqueue_indirect_dma source(%dma_start3A_322 : memref<10240x16xf32, #tpu.memory_space<hbm>>) target(%arg17 : memref<128x16xf32, #tpu.memory_space<vmem>>) offsets(%dma_start3A_315 : memref<128xi32, #tpu.memory_space<vmem>>) semaphore(%arg25 : memref<!tpu.dma_semaphore, #tpu.memory_space<semaphore_mem>>)
    %dma_wait3A_323 = arith.constant 2 : i32
    %dma_wait3A_324 = arith.constant 0 : i32
    %dma_wait3A_325 = tpu.memref_slice %arg7[%dma_wait3A_323, %dma_wait3A_324] : memref<6x128xi32, #tpu.memory_space<vmem>> -> memref<1x128xi32, #tpu.memory_space<vmem>>
    %dma_wait3A_326 = tpu.memref_squeeze %dma_wait3A_325 : memref<1x128xi32, #tpu.memory_space<vmem>> -> memref<128xi32, #tpu.memory_space<vmem>>
    %dma_wait3A_327 = arith.constant 0 : i32
    %dma_wait3A_328 = tpu.memref_slice %arg4[%arg1, %dma_wait3A_327] : memref<16x20736xi32, #tpu.memory_space<hbm>> -> memref<1x20736xi32, #tpu.memory_space<hbm>>
    %dma_wait3A_329 = tpu.memref_squeeze %dma_wait3A_328 : memref<1x20736xi32, #tpu.memory_space<hbm>> -> memref<20736xi32, #tpu.memory_space<hbm>>
    %dma_wait3A_330 = arith.constant 0 : i32
    %dma_wait3A_331 = tpu.memref_slice %dma_wait3A_329[%dma_wait3A_330] : memref<20736xi32, #tpu.memory_space<hbm>> -> memref<128xi32, #tpu.memory_space<hbm>>
    %dma_wait3A_332 = arith.constant 0 : i32
    %dma_wait3A_333 = tpu.memref_slice %arg7[%dma_wait3A_323, %dma_wait3A_332] : memref<6x128xi32, #tpu.memory_space<vmem>> -> memref<1x128xi32, #tpu.memory_space<vmem>>
    %dma_wait3A_334 = tpu.memref_squeeze %dma_wait3A_333 : memref<1x128xi32, #tpu.memory_space<vmem>> -> memref<128xi32, #tpu.memory_space<vmem>>
    %dma_wait3A_335 = arith.constant 0 : i32
    %dma_wait3A_336 = tpu.memref_slice %arg4[%arg1, %dma_wait3A_335] : memref<16x20736xi32, #tpu.memory_space<hbm>> -> memref<1x20736xi32, #tpu.memory_space<hbm>>
    %dma_wait3A_337 = tpu.memref_squeeze %dma_wait3A_336 : memref<1x20736xi32, #tpu.memory_space<hbm>> -> memref<20736xi32, #tpu.memory_space<hbm>>
    %dma_wait3A_338 = arith.constant 0 : i32
    %dma_wait3A_339 = tpu.memref_slice %dma_wait3A_337[%dma_wait3A_338] : memref<20736xi32, #tpu.memory_space<hbm>> -> memref<128xi32, #tpu.memory_space<hbm>>
    tpu.wait_dma2 semaphore(%arg34 : memref<!tpu.dma_semaphore, #tpu.memory_space<semaphore_mem>>) src(%dma_wait3A_339 : memref<128xi32, #tpu.memory_space<hbm>>) dst(%dma_wait3A_334 : memref<128xi32, #tpu.memory_space<vmem>>)
    %dma_wait3A_340 = arith.constant 2 : i32
    %dma_wait3A_341 = arith.constant 0 : i32
    %dma_wait3A_342 = tpu.memref_slice %arg8[%dma_wait3A_340, %dma_wait3A_341] : memref<6x128xi32, #tpu.memory_space<vmem>> -> memref<1x128xi32, #tpu.memory_space<vmem>>
    %dma_wait3A_343 = tpu.memref_squeeze %dma_wait3A_342 : memref<1x128xi32, #tpu.memory_space<vmem>> -> memref<128xi32, #tpu.memory_space<vmem>>
    %dma_wait3A_344 = arith.constant 0 : i32
    %dma_wait3A_345 = tpu.memref_slice %arg5[%arg1, %dma_wait3A_344] : memref<16x20736xi32, #tpu.memory_space<hbm>> -> memref<1x20736xi32, #tpu.memory_space<hbm>>
    %dma_wait3A_346 = tpu.memref_squeeze %dma_wait3A_345 : memref<1x20736xi32, #tpu.memory_space<hbm>> -> memref<20736xi32, #tpu.memory_space<hbm>>
    %dma_wait3A_347 = arith.constant 0 : i32
    %dma_wait3A_348 = tpu.memref_slice %dma_wait3A_346[%dma_wait3A_347] : memref<20736xi32, #tpu.memory_space<hbm>> -> memref<128xi32, #tpu.memory_space<hbm>>
    %dma_wait3A_349 = arith.constant 0 : i32
    %dma_wait3A_350 = tpu.memref_slice %arg8[%dma_wait3A_340, %dma_wait3A_349] : memref<6x128xi32, #tpu.memory_space<vmem>> -> memref<1x128xi32, #tpu.memory_space<vmem>>
    %dma_wait3A_351 = tpu.memref_squeeze %dma_wait3A_350 : memref<1x128xi32, #tpu.memory_space<vmem>> -> memref<128xi32, #tpu.memory_space<vmem>>
    %dma_wait3A_352 = arith.constant 0 : i32
    %dma_wait3A_353 = tpu.memref_slice %arg5[%arg1, %dma_wait3A_352] : memref<16x20736xi32, #tpu.memory_space<hbm>> -> memref<1x20736xi32, #tpu.memory_space<hbm>>
    %dma_wait3A_354 = tpu.memref_squeeze %dma_wait3A_353 : memref<1x20736xi32, #tpu.memory_space<hbm>> -> memref<20736xi32, #tpu.memory_space<hbm>>
    %dma_wait3A_355 = arith.constant 0 : i32
    %dma_wait3A_356 = tpu.memref_slice %dma_wait3A_354[%dma_wait3A_355] : memref<20736xi32, #tpu.memory_space<hbm>> -> memref<128xi32, #tpu.memory_space<hbm>>
    tpu.wait_dma2 semaphore(%arg34 : memref<!tpu.dma_semaphore, #tpu.memory_space<semaphore_mem>>) src(%dma_wait3A_356 : memref<128xi32, #tpu.memory_space<hbm>>) dst(%dma_wait3A_351 : memref<128xi32, #tpu.memory_space<vmem>>)
    %dma_start3A_357 = arith.constant 2 : i32
    %dma_start3A_358 = arith.constant 0 : i32
    %dma_start3A_359 = tpu.memref_slice %arg7[%dma_start3A_357, %dma_start3A_358] : memref<6x128xi32, #tpu.memory_space<vmem>> -> memref<1x128xi32, #tpu.memory_space<vmem>>
    %dma_start3A_360 = tpu.memref_squeeze %dma_start3A_359 : memref<1x128xi32, #tpu.memory_space<vmem>> -> memref<128xi32, #tpu.memory_space<vmem>>
    %dma_start3A_361 = arith.constant 0 : i32
    %dma_start3A_362 = arith.constant 0 : i32
    %dma_start3A_363 = tpu.memref_slice %arg2[%arg0, %dma_start3A_361, %dma_start3A_362] : memref<2x10240x96xbf16, #tpu.memory_space<hbm>> -> memref<1x10240x96xbf16, #tpu.memory_space<hbm>>
    %dma_start3A_364 = tpu.memref_squeeze %dma_start3A_363 : memref<1x10240x96xbf16, #tpu.memory_space<hbm>> -> memref<10240x96xbf16, #tpu.memory_space<hbm>>
    %dma_start3A_365 = arith.constant 0 : i32
    %dma_start3A_366 = arith.constant 0 : i32
    %dma_start3A_367 = tpu.memref_slice %dma_start3A_364[%dma_start3A_365, %dma_start3A_366] : memref<10240x96xbf16, #tpu.memory_space<hbm>> -> memref<10240x96xbf16, #tpu.memory_space<hbm>>
    tpu.enqueue_indirect_dma source(%dma_start3A_367 : memref<10240x96xbf16, #tpu.memory_space<hbm>>) target(%arg12 : memref<128x96xbf16, #tpu.memory_space<vmem>>) offsets(%dma_start3A_360 : memref<128xi32, #tpu.memory_space<vmem>>) semaphore(%arg26 : memref<!tpu.dma_semaphore, #tpu.memory_space<semaphore_mem>>)
    %dma_start3A_368 = arith.constant 2 : i32
    %dma_start3A_369 = arith.constant 0 : i32
    %dma_start3A_370 = tpu.memref_slice %arg8[%dma_start3A_368, %dma_start3A_369] : memref<6x128xi32, #tpu.memory_space<vmem>> -> memref<1x128xi32, #tpu.memory_space<vmem>>
    %dma_start3A_371 = tpu.memref_squeeze %dma_start3A_370 : memref<1x128xi32, #tpu.memory_space<vmem>> -> memref<128xi32, #tpu.memory_space<vmem>>
    %dma_start3A_372 = arith.constant 0 : i32
    %dma_start3A_373 = arith.constant 0 : i32
    %dma_start3A_374 = tpu.memref_slice %arg3[%arg0, %dma_start3A_372, %dma_start3A_373] : memref<2x10240x16xf32, #tpu.memory_space<hbm>> -> memref<1x10240x16xf32, #tpu.memory_space<hbm>>
    %dma_start3A_375 = tpu.memref_squeeze %dma_start3A_374 : memref<1x10240x16xf32, #tpu.memory_space<hbm>> -> memref<10240x16xf32, #tpu.memory_space<hbm>>
    %dma_start3A_376 = arith.constant 0 : i32
    %dma_start3A_377 = arith.constant 0 : i32
    %dma_start3A_378 = tpu.memref_slice %dma_start3A_375[%dma_start3A_376, %dma_start3A_377] : memref<10240x16xf32, #tpu.memory_space<hbm>> -> memref<10240x16xf32, #tpu.memory_space<hbm>>
    tpu.enqueue_indirect_dma source(%dma_start3A_378 : memref<10240x16xf32, #tpu.memory_space<hbm>>) target(%arg18 : memref<128x16xf32, #tpu.memory_space<vmem>>) offsets(%dma_start3A_371 : memref<128xi32, #tpu.memory_space<vmem>>) semaphore(%arg26 : memref<!tpu.dma_semaphore, #tpu.memory_space<semaphore_mem>>)
    %dma_wait3A_379 = arith.constant 3 : i32
    %dma_wait3A_380 = arith.constant 0 : i32
    %dma_wait3A_381 = tpu.memref_slice %arg7[%dma_wait3A_379, %dma_wait3A_380] : memref<6x128xi32, #tpu.memory_space<vmem>> -> memref<1x128xi32, #tpu.memory_space<vmem>>
    %dma_wait3A_382 = tpu.memref_squeeze %dma_wait3A_381 : memref<1x128xi32, #tpu.memory_space<vmem>> -> memref<128xi32, #tpu.memory_space<vmem>>
    %dma_wait3A_383 = arith.constant 0 : i32
    %dma_wait3A_384 = tpu.memref_slice %arg4[%arg1, %dma_wait3A_383] : memref<16x20736xi32, #tpu.memory_space<hbm>> -> memref<1x20736xi32, #tpu.memory_space<hbm>>
    %dma_wait3A_385 = tpu.memref_squeeze %dma_wait3A_384 : memref<1x20736xi32, #tpu.memory_space<hbm>> -> memref<20736xi32, #tpu.memory_space<hbm>>
    %dma_wait3A_386 = arith.constant 0 : i32
    %dma_wait3A_387 = tpu.memref_slice %dma_wait3A_385[%dma_wait3A_386] : memref<20736xi32, #tpu.memory_space<hbm>> -> memref<128xi32, #tpu.memory_space<hbm>>
    %dma_wait3A_388 = arith.constant 0 : i32
    %dma_wait3A_389 = tpu.memref_slice %arg7[%dma_wait3A_379, %dma_wait3A_388] : memref<6x128xi32, #tpu.memory_space<vmem>> -> memref<1x128xi32, #tpu.memory_space<vmem>>
    %dma_wait3A_390 = tpu.memref_squeeze %dma_wait3A_389 : memref<1x128xi32, #tpu.memory_space<vmem>> -> memref<128xi32, #tpu.memory_space<vmem>>
    %dma_wait3A_391 = arith.constant 0 : i32
    %dma_wait3A_392 = tpu.memref_slice %arg4[%arg1, %dma_wait3A_391] : memref<16x20736xi32, #tpu.memory_space<hbm>> -> memref<1x20736xi32, #tpu.memory_space<hbm>>
    %dma_wait3A_393 = tpu.memref_squeeze %dma_wait3A_392 : memref<1x20736xi32, #tpu.memory_space<hbm>> -> memref<20736xi32, #tpu.memory_space<hbm>>
    %dma_wait3A_394 = arith.constant 0 : i32
    %dma_wait3A_395 = tpu.memref_slice %dma_wait3A_393[%dma_wait3A_394] : memref<20736xi32, #tpu.memory_space<hbm>> -> memref<128xi32, #tpu.memory_space<hbm>>
    tpu.wait_dma2 semaphore(%arg35 : memref<!tpu.dma_semaphore, #tpu.memory_space<semaphore_mem>>) src(%dma_wait3A_395 : memref<128xi32, #tpu.memory_space<hbm>>) dst(%dma_wait3A_390 : memref<128xi32, #tpu.memory_space<vmem>>)
    %dma_wait3A_396 = arith.constant 3 : i32
    %dma_wait3A_397 = arith.constant 0 : i32
    %dma_wait3A_398 = tpu.memref_slice %arg8[%dma_wait3A_396, %dma_wait3A_397] : memref<6x128xi32, #tpu.memory_space<vmem>> -> memref<1x128xi32, #tpu.memory_space<vmem>>
    %dma_wait3A_399 = tpu.memref_squeeze %dma_wait3A_398 : memref<1x128xi32, #tpu.memory_space<vmem>> -> memref<128xi32, #tpu.memory_space<vmem>>
    %dma_wait3A_400 = arith.constant 0 : i32
    %dma_wait3A_401 = tpu.memref_slice %arg5[%arg1, %dma_wait3A_400] : memref<16x20736xi32, #tpu.memory_space<hbm>> -> memref<1x20736xi32, #tpu.memory_space<hbm>>
    %dma_wait3A_402 = tpu.memref_squeeze %dma_wait3A_401 : memref<1x20736xi32, #tpu.memory_space<hbm>> -> memref<20736xi32, #tpu.memory_space<hbm>>
    %dma_wait3A_403 = arith.constant 0 : i32
    %dma_wait3A_404 = tpu.memref_slice %dma_wait3A_402[%dma_wait3A_403] : memref<20736xi32, #tpu.memory_space<hbm>> -> memref<128xi32, #tpu.memory_space<hbm>>
    %dma_wait3A_405 = arith.constant 0 : i32
    %dma_wait3A_406 = tpu.memref_slice %arg8[%dma_wait3A_396, %dma_wait3A_405] : memref<6x128xi32, #tpu.memory_space<vmem>> -> memref<1x128xi32, #tpu.memory_space<vmem>>
    %dma_wait3A_407 = tpu.memref_squeeze %dma_wait3A_406 : memref<1x128xi32, #tpu.memory_space<vmem>> -> memref<128xi32, #tpu.memory_space<vmem>>
    %dma_wait3A_408 = arith.constant 0 : i32
    %dma_wait3A_409 = tpu.memref_slice %arg5[%arg1, %dma_wait3A_408] : memref<16x20736xi32, #tpu.memory_space<hbm>> -> memref<1x20736xi32, #tpu.memory_space<hbm>>
    %dma_wait3A_410 = tpu.memref_squeeze %dma_wait3A_409 : memref<1x20736xi32, #tpu.memory_space<hbm>> -> memref<20736xi32, #tpu.memory_space<hbm>>
    %dma_wait3A_411 = arith.constant 0 : i32
    %dma_wait3A_412 = tpu.memref_slice %dma_wait3A_410[%dma_wait3A_411] : memref<20736xi32, #tpu.memory_space<hbm>> -> memref<128xi32, #tpu.memory_space<hbm>>
    tpu.wait_dma2 semaphore(%arg35 : memref<!tpu.dma_semaphore, #tpu.memory_space<semaphore_mem>>) src(%dma_wait3A_412 : memref<128xi32, #tpu.memory_space<hbm>>) dst(%dma_wait3A_407 : memref<128xi32, #tpu.memory_space<vmem>>)
    %dma_start3A_413 = arith.constant 3 : i32
    %dma_start3A_414 = arith.constant 0 : i32
    %dma_start3A_415 = tpu.memref_slice %arg7[%dma_start3A_413, %dma_start3A_414] : memref<6x128xi32, #tpu.memory_space<vmem>> -> memref<1x128xi32, #tpu.memory_space<vmem>>
    %dma_start3A_416 = tpu.memref_squeeze %dma_start3A_415 : memref<1x128xi32, #tpu.memory_space<vmem>> -> memref<128xi32, #tpu.memory_space<vmem>>
    %dma_start3A_417 = arith.constant 0 : i32
    %dma_start3A_418 = arith.constant 0 : i32
    %dma_start3A_419 = tpu.memref_slice %arg2[%arg0, %dma_start3A_417, %dma_start3A_418] : memref<2x10240x96xbf16, #tpu.memory_space<hbm>> -> memref<1x10240x96xbf16, #tpu.memory_space<hbm>>
    %dma_start3A_420 = tpu.memref_squeeze %dma_start3A_419 : memref<1x10240x96xbf16, #tpu.memory_space<hbm>> -> memref<10240x96xbf16, #tpu.memory_space<hbm>>
    %dma_start3A_421 = arith.constant 0 : i32
    %dma_start3A_422 = arith.constant 0 : i32
    %dma_start3A_423 = tpu.memref_slice %dma_start3A_420[%dma_start3A_421, %dma_start3A_422] : memref<10240x96xbf16, #tpu.memory_space<hbm>> -> memref<10240x96xbf16, #tpu.memory_space<hbm>>
    tpu.enqueue_indirect_dma source(%dma_start3A_423 : memref<10240x96xbf16, #tpu.memory_space<hbm>>) target(%arg13 : memref<128x96xbf16, #tpu.memory_space<vmem>>) offsets(%dma_start3A_416 : memref<128xi32, #tpu.memory_space<vmem>>) semaphore(%arg27 : memref<!tpu.dma_semaphore, #tpu.memory_space<semaphore_mem>>)
    %dma_start3A_424 = arith.constant 3 : i32
    %dma_start3A_425 = arith.constant 0 : i32
    %dma_start3A_426 = tpu.memref_slice %arg8[%dma_start3A_424, %dma_start3A_425] : memref<6x128xi32, #tpu.memory_space<vmem>> -> memref<1x128xi32, #tpu.memory_space<vmem>>
    %dma_start3A_427 = tpu.memref_squeeze %dma_start3A_426 : memref<1x128xi32, #tpu.memory_space<vmem>> -> memref<128xi32, #tpu.memory_space<vmem>>
    %dma_start3A_428 = arith.constant 0 : i32
    %dma_start3A_429 = arith.constant 0 : i32
    %dma_start3A_430 = tpu.memref_slice %arg3[%arg0, %dma_start3A_428, %dma_start3A_429] : memref<2x10240x16xf32, #tpu.memory_space<hbm>> -> memref<1x10240x16xf32, #tpu.memory_space<hbm>>
    %dma_start3A_431 = tpu.memref_squeeze %dma_start3A_430 : memref<1x10240x16xf32, #tpu.memory_space<hbm>> -> memref<10240x16xf32, #tpu.memory_space<hbm>>
    %dma_start3A_432 = arith.constant 0 : i32
    %dma_start3A_433 = arith.constant 0 : i32
    %dma_start3A_434 = tpu.memref_slice %dma_start3A_431[%dma_start3A_432, %dma_start3A_433] : memref<10240x16xf32, #tpu.memory_space<hbm>> -> memref<10240x16xf32, #tpu.memory_space<hbm>>
    tpu.enqueue_indirect_dma source(%dma_start3A_434 : memref<10240x16xf32, #tpu.memory_space<hbm>>) target(%arg19 : memref<128x16xf32, #tpu.memory_space<vmem>>) offsets(%dma_start3A_427 : memref<128xi32, #tpu.memory_space<vmem>>) semaphore(%arg27 : memref<!tpu.dma_semaphore, #tpu.memory_space<semaphore_mem>>)
    %scan3A_435 = arith.constant 0 : i32
    %scan3A_436 = arith.constant 27 : i32
    %scan3A_437 = arith.addi %scan3A_435, %scan3A_436 : i32
    %scan3A_438 = arith.constant 1 : i32
    scf.for %scan3A_460 = %scan3A_435 to %scan3A_437 step %scan3A_438  : i32 {
      %mul3A = arith.constant 1 : i32
      %mul3A_461 = arith.muli %scan3A_460, %mul3A : i32
      %add3A = arith.constant 0 : i32
      %add3A_462 = arith.addi %add3A, %mul3A_461 : i32
      %mul3A_463 = arith.constant 6 : i32
      %mul3A_464 = arith.muli %add3A_462, %mul3A_463 : i32
      %add3A_465 = arith.constant 0 : i32
      %add3A_466 = arith.addi %mul3A_464, %add3A_465 : i32
      %dma_wait3A_467 = arith.constant 0 : i32
      %dma_wait3A_468 = arith.constant 0 : i32
      %dma_wait3A_469 = tpu.memref_slice %arg7[%dma_wait3A_467, %dma_wait3A_468] : memref<6x128xi32, #tpu.memory_space<vmem>> -> memref<1x128xi32, #tpu.memory_space<vmem>>
      %dma_wait3A_470 = tpu.memref_squeeze %dma_wait3A_469 : memref<1x128xi32, #tpu.memory_space<vmem>> -> memref<128xi32, #tpu.memory_space<vmem>>
      %dma_wait3A_471 = arith.constant 0 : i32
      %dma_wait3A_472 = arith.constant 0 : i32
      %dma_wait3A_473 = tpu.memref_slice %arg2[%arg0, %dma_wait3A_471, %dma_wait3A_472] : memref<2x10240x96xbf16, #tpu.memory_space<hbm>> -> memref<1x10240x96xbf16, #tpu.memory_space<hbm>>
      %dma_wait3A_474 = tpu.memref_squeeze %dma_wait3A_473 : memref<1x10240x96xbf16, #tpu.memory_space<hbm>> -> memref<10240x96xbf16, #tpu.memory_space<hbm>>
      %dma_wait3A_475 = arith.constant 0 : i32
      %dma_wait3A_476 = arith.constant 0 : i32
      %dma_wait3A_477 = tpu.memref_slice %dma_wait3A_474[%dma_wait3A_475, %dma_wait3A_476] : memref<10240x96xbf16, #tpu.memory_space<hbm>> -> memref<10240x96xbf16, #tpu.memory_space<hbm>>
      tpu.wait_indirect_dma semaphore(%arg24 : memref<!tpu.dma_semaphore, #tpu.memory_space<semaphore_mem>>) src(%dma_wait3A_477 : memref<10240x96xbf16, #tpu.memory_space<hbm>>) dst(%arg10 : memref<128x96xbf16, #tpu.memory_space<vmem>>)
      %dma_wait3A_478 = arith.constant 0 : i32
      %dma_wait3A_479 = arith.constant 0 : i32
      %dma_wait3A_480 = tpu.memref_slice %arg8[%dma_wait3A_478, %dma_wait3A_479] : memref<6x128xi32, #tpu.memory_space<vmem>> -> memref<1x128xi32, #tpu.memory_space<vmem>>
      %dma_wait3A_481 = tpu.memref_squeeze %dma_wait3A_480 : memref<1x128xi32, #tpu.memory_space<vmem>> -> memref<128xi32, #tpu.memory_space<vmem>>
      %dma_wait3A_482 = arith.constant 0 : i32
      %dma_wait3A_483 = arith.constant 0 : i32
      %dma_wait3A_484 = tpu.memref_slice %arg3[%arg0, %dma_wait3A_482, %dma_wait3A_483] : memref<2x10240x16xf32, #tpu.memory_space<hbm>> -> memref<1x10240x16xf32, #tpu.memory_space<hbm>>
      %dma_wait3A_485 = tpu.memref_squeeze %dma_wait3A_484 : memref<1x10240x16xf32, #tpu.memory_space<hbm>> -> memref<10240x16xf32, #tpu.memory_space<hbm>>
      %dma_wait3A_486 = arith.constant 0 : i32
      %dma_wait3A_487 = arith.constant 0 : i32
      %dma_wait3A_488 = tpu.memref_slice %dma_wait3A_485[%dma_wait3A_486, %dma_wait3A_487] : memref<10240x16xf32, #tpu.memory_space<hbm>> -> memref<10240x16xf32, #tpu.memory_space<hbm>>
      tpu.wait_indirect_dma semaphore(%arg24 : memref<!tpu.dma_semaphore, #tpu.memory_space<semaphore_mem>>) src(%dma_wait3A_488 : memref<10240x16xf32, #tpu.memory_space<hbm>>) dst(%arg16 : memref<128x16xf32, #tpu.memory_space<vmem>>)
      %ge3A = arith.constant 2 : i32
      %ge3A_489 = arith.cmpi sge, %add3A_466, %ge3A : i32
      %convert_element_type3A = arith.extui %ge3A_489 : i1 to i32
      %cond3A = arith.constant 0 : i32
      %cond3A_490 = arith.cmpi ne, %convert_element_type3A, %cond3A : i32
      scf.if %cond3A_490 {
        %dma_wait3A_1170 = arith.constant 0 : i32
        %dma_wait3A_1171 = arith.constant 0 : i32
        %dma_wait3A_1172 = tpu.memref_slice %arg9[%dma_wait3A_1170, %dma_wait3A_1171] : memref<3x128xi32, #tpu.memory_space<vmem>> -> memref<1x128xi32, #tpu.memory_space<vmem>>
        %dma_wait3A_1173 = tpu.memref_squeeze %dma_wait3A_1172 : memref<1x128xi32, #tpu.memory_space<vmem>> -> memref<128xi32, #tpu.memory_space<vmem>>
        %dma_wait3A_1174 = arith.constant 0 : i32
        %dma_wait3A_1175 = arith.constant 0 : i32
        %dma_wait3A_1176 = tpu.memref_slice %arg38[%dma_wait3A_1174, %dma_wait3A_1175] : memref<10240x80xf32, #tpu.memory_space<vmem_shared>> -> memref<10240x80xf32, #tpu.memory_space<vmem_shared>>
        tpu.wait_indirect_dma semaphore(%arg30 : memref<!tpu.dma_semaphore, #tpu.memory_space<semaphore_mem>>) src(%arg22 : memref<128x80xf32, #tpu.memory_space<vmem>>) dst(%dma_wait3A_1176 : memref<10240x80xf32, #tpu.memory_space<vmem_shared>>)
      } else {
      }
      %parallel_loop3A = arith.constant 0 : i32
      %parallel_loop3A_491 = arith.constant 128 : i32
      %parallel_loop3A_492 = arith.constant 1 : i32
      scf.for %parallel_loop3A_1170 = %parallel_loop3A to %parallel_loop3A_491 step %parallel_loop3A_492  : i32 {
        %parallel_loop3A_1171 = arith.index_cast %parallel_loop3A_1170 : i32 to index
        %parallel_loop3A_1172 = arith.constant 64 : index
        %parallel_loop3A_1173 = tpu.vector_load %arg10[%parallel_loop3A_1171, %parallel_loop3A_1172] {strides = array<i32>} : memref<128x96xbf16, #tpu.memory_space<vmem>>, vector<32xbf16>,
        %parallel_loop3A_1174 = tpu.unpack_subelements %parallel_loop3A_1173, 0 {pack_format = #tpu.pack_format<interleaved>} : vector<32xbf16> -> vector<16xf32>
        %parallel_loop3A_1175 = tpu.unpack_subelements %parallel_loop3A_1173, 1 {pack_format = #tpu.pack_format<interleaved>} : vector<32xbf16> -> vector<16xf32>
        %parallel_loop3A_1176 = arith.index_cast %parallel_loop3A_1170 : i32 to index
        %parallel_loop3A_1177 = arith.constant 0 : index
        %parallel_loop3A_1178 = tpu.vector_load %arg16[%parallel_loop3A_1176, %parallel_loop3A_1177] {strides = array<i32>} : memref<128x16xf32, #tpu.memory_space<vmem>>, vector<16xf32>,
        %parallel_loop3A_1179 = arith.addf %parallel_loop3A_1174, %parallel_loop3A_1178 : vector<16xf32>
        %parallel_loop3A_1180 = arith.constant 0.000000e+00 : f32
        %parallel_loop3A_1181 = vector.broadcast %parallel_loop3A_1180 : f32 to vector<16xf32>
        %parallel_loop3A_1182 = arith.cmpf ogt, %parallel_loop3A_1179, %parallel_loop3A_1181 : vector<16xf32>
        %parallel_loop3A_1183 = arith.constant 2.000000e-01 : f32
        %parallel_loop3A_1184 = vector.broadcast %parallel_loop3A_1183 : f32 to vector<16xf32>
        %parallel_loop3A_1185 = arith.mulf %parallel_loop3A_1179, %parallel_loop3A_1184 : vector<16xf32>
        %parallel_loop3A_1186 = arith.select %parallel_loop3A_1182, %parallel_loop3A_1179, %parallel_loop3A_1185 : vector<16xi1>, vector<16xf32>
        %parallel_loop3A_1187 = math.exp %parallel_loop3A_1186 : vector<16xf32>
        %parallel_loop3A_1188 = arith.index_cast %parallel_loop3A_1170 : i32 to index
        %parallel_loop3A_1189 = arith.constant 64 : index
        %parallel_loop3A_1190 = tpu.vector_load %arg22[%parallel_loop3A_1188, %parallel_loop3A_1189] {strides = array<i32>} : memref<128x80xf32, #tpu.memory_space<vmem>>, vector<16xf32>,
        tpu.vector_store %arg22[%parallel_loop3A_1188, %parallel_loop3A_1189], %parallel_loop3A_1187 {strides = array<i32>} : memref<128x80xf32, #tpu.memory_space<vmem>>, vector<16xf32>,
        %parallel_loop3A_1191 = arith.index_cast %parallel_loop3A_1170 : i32 to index
        %parallel_loop3A_1192 = arith.constant 0 : index
        %parallel_loop3A_1193 = tpu.vector_load %arg10[%parallel_loop3A_1191, %parallel_loop3A_1192] {strides = array<i32>} : memref<128x96xbf16, #tpu.memory_space<vmem>>, vector<32xbf16>,
        %parallel_loop3A_1194 = tpu.unpack_subelements %parallel_loop3A_1193, 0 {pack_format = #tpu.pack_format<interleaved>} : vector<32xbf16> -> vector<16xf32>
        %parallel_loop3A_1195 = tpu.unpack_subelements %parallel_loop3A_1193, 1 {pack_format = #tpu.pack_format<interleaved>} : vector<32xbf16> -> vector<16xf32>
        %parallel_loop3A_1196 = vector.extract_strided_slice %parallel_loop3A_1187 {offsets = [0], sizes = [1], strides = [1]} : vector<16xf32> to vector<1xf32>
        %parallel_loop3A_1197 = vector.extract %parallel_loop3A_1196[0] : f32 from vector<1xf32>
        %parallel_loop3A_1198 = vector.broadcast %parallel_loop3A_1197 : f32 to vector<16xf32>
        %parallel_loop3A_1199 = arith.mulf %parallel_loop3A_1194, %parallel_loop3A_1198 : vector<16xf32>
        %parallel_loop3A_1200 = arith.index_cast %parallel_loop3A_1170 : i32 to index
        %parallel_loop3A_1201 = arith.constant 0 : index
        %parallel_loop3A_1202 = tpu.vector_load %arg22[%parallel_loop3A_1200, %parallel_loop3A_1201] {strides = array<i32>} : memref<128x80xf32, #tpu.memory_space<vmem>>, vector<16xf32>,
        tpu.vector_store %arg22[%parallel_loop3A_1200, %parallel_loop3A_1201], %parallel_loop3A_1199 {strides = array<i32>} : memref<128x80xf32, #tpu.memory_space<vmem>>, vector<16xf32>,
        %parallel_loop3A_1203 = vector.extract_strided_slice %parallel_loop3A_1187 {offsets = [1], sizes = [1], strides = [1]} : vector<16xf32> to vector<1xf32>
        %parallel_loop3A_1204 = vector.extract %parallel_loop3A_1203[0] : f32 from vector<1xf32>
        %parallel_loop3A_1205 = vector.broadcast %parallel_loop3A_1204 : f32 to vector<16xf32>
        %parallel_loop3A_1206 = arith.mulf %parallel_loop3A_1195, %parallel_loop3A_1205 : vector<16xf32>
        %parallel_loop3A_1207 = arith.index_cast %parallel_loop3A_1170 : i32 to index
        %parallel_loop3A_1208 = arith.constant 16 : index
        %parallel_loop3A_1209 = tpu.vector_load %arg22[%parallel_loop3A_1207, %parallel_loop3A_1208] {strides = array<i32>} : memref<128x80xf32, #tpu.memory_space<vmem>>, vector<16xf32>,
        tpu.vector_store %arg22[%parallel_loop3A_1207, %parallel_loop3A_1208], %parallel_loop3A_1206 {strides = array<i32>} : memref<128x80xf32, #tpu.memory_space<vmem>>, vector<16xf32>,
        %parallel_loop3A_1210 = arith.index_cast %parallel_loop3A_1170 : i32 to index
        %parallel_loop3A_1211 = arith.constant 32 : index
        %parallel_loop3A_1212 = tpu.vector_load %arg10[%parallel_loop3A_1210, %parallel_loop3A_1211] {strides = array<i32>} : memref<128x96xbf16, #tpu.memory_space<vmem>>, vector<32xbf16>,
        %parallel_loop3A_1213 = tpu.unpack_subelements %parallel_loop3A_1212, 0 {pack_format = #tpu.pack_format<interleaved>} : vector<32xbf16> -> vector<16xf32>
        %parallel_loop3A_1214 = tpu.unpack_subelements %parallel_loop3A_1212, 1 {pack_format = #tpu.pack_format<interleaved>} : vector<32xbf16> -> vector<16xf32>
        %parallel_loop3A_1215 = vector.extract_strided_slice %parallel_loop3A_1187 {offsets = [2], sizes = [1], strides = [1]} : vector<16xf32> to vector<1xf32>
        %parallel_loop3A_1216 = vector.extract %parallel_loop3A_1215[0] : f32 from vector<1xf32>
        %parallel_loop3A_1217 = vector.broadcast %parallel_loop3A_1216 : f32 to vector<16xf32>
        %parallel_loop3A_1218 = arith.mulf %parallel_loop3A_1213, %parallel_loop3A_1217 : vector<16xf32>
        %parallel_loop3A_1219 = arith.index_cast %parallel_loop3A_1170 : i32 to index
        %parallel_loop3A_1220 = arith.constant 32 : index
        %parallel_loop3A_1221 = tpu.vector_load %arg22[%parallel_loop3A_1219, %parallel_loop3A_1220] {strides = array<i32>} : memref<128x80xf32, #tpu.memory_space<vmem>>, vector<16xf32>,
        tpu.vector_store %arg22[%parallel_loop3A_1219, %parallel_loop3A_1220], %parallel_loop3A_1218 {strides = array<i32>} : memref<128x80xf32, #tpu.memory_space<vmem>>, vector<16xf32>,
        %parallel_loop3A_1222 = vector.extract_strided_slice %parallel_loop3A_1187 {offsets = [3], sizes = [1], strides = [1]} : vector<16xf32> to vector<1xf32>
        %parallel_loop3A_1223 = vector.extract %parallel_loop3A_1222[0] : f32 from vector<1xf32>
        %parallel_loop3A_1224 = vector.broadcast %parallel_loop3A_1223 : f32 to vector<16xf32>
        %parallel_loop3A_1225 = arith.mulf %parallel_loop3A_1214, %parallel_loop3A_1224 : vector<16xf32>
        %parallel_loop3A_1226 = arith.index_cast %parallel_loop3A_1170 : i32 to index
        %parallel_loop3A_1227 = arith.constant 48 : index
        %parallel_loop3A_1228 = tpu.vector_load %arg22[%parallel_loop3A_1226, %parallel_loop3A_1227] {strides = array<i32>} : memref<128x80xf32, #tpu.memory_space<vmem>>, vector<16xf32>,
        tpu.vector_store %arg22[%parallel_loop3A_1226, %parallel_loop3A_1227], %parallel_loop3A_1225 {strides = array<i32>} : memref<128x80xf32, #tpu.memory_space<vmem>>, vector<16xf32>,
      } {sc.loop_unroll_factor = 8 : i64, sc.parallel_access}
      %get3A = arith.constant 0 : i32
      %get3A_493 = arith.index_cast %get3A : i32 to index
      %get3A_494 = arith.constant 0 : index
      %get3A_495 = tpu.vector_load %arg8[%get3A_493, %get3A_494] {strides = array<i32>} : memref<6x128xi32, #tpu.memory_space<vmem>>, vector<16xi32>,
      %swap3A = arith.constant 0 : i32
      %swap3A_496 = arith.index_cast %swap3A : i32 to index
      %swap3A_497 = arith.constant 0 : index
      %swap3A_498 = tpu.vector_load %arg9[%swap3A_496, %swap3A_497] {strides = array<i32>} : memref<3x128xi32, #tpu.memory_space<vmem>>, vector<16xi32>,
      tpu.vector_store %arg9[%swap3A_496, %swap3A_497], %get3A_495 {strides = array<i32>} : memref<3x128xi32, #tpu.memory_space<vmem>>, vector<16xi32>,
      %get3A_499 = arith.constant 0 : i32
      %get3A_500 = arith.index_cast %get3A_499 : i32 to index
      %get3A_501 = arith.constant 16 : index
      %get3A_502 = tpu.vector_load %arg8[%get3A_500, %get3A_501] {strides = array<i32>} : memref<6x128xi32, #tpu.memory_space<vmem>>, vector<16xi32>,
      %swap3A_503 = arith.constant 0 : i32
      %swap3A_504 = arith.index_cast %swap3A_503 : i32 to index
      %swap3A_505 = arith.constant 16 : index
      %swap3A_506 = tpu.vector_load %arg9[%swap3A_504, %swap3A_505] {strides = array<i32>} : memref<3x128xi32, #tpu.memory_space<vmem>>, vector<16xi32>,
      tpu.vector_store %arg9[%swap3A_504, %swap3A_505], %get3A_502 {strides = array<i32>} : memref<3x128xi32, #tpu.memory_space<vmem>>, vector<16xi32>,
      %get3A_507 = arith.constant 0 : i32
      %get3A_508 = arith.index_cast %get3A_507 : i32 to index
      %get3A_509 = arith.constant 32 : index
      %get3A_510 = tpu.vector_load %arg8[%get3A_508, %get3A_509] {strides = array<i32>} : memref<6x128xi32, #tpu.memory_space<vmem>>, vector<16xi32>,
      %swap3A_511 = arith.constant 0 : i32
      %swap3A_512 = arith.index_cast %swap3A_511 : i32 to index
      %swap3A_513 = arith.constant 32 : index
      %swap3A_514 = tpu.vector_load %arg9[%swap3A_512, %swap3A_513] {strides = array<i32>} : memref<3x128xi32, #tpu.memory_space<vmem>>, vector<16xi32>,
      tpu.vector_store %arg9[%swap3A_512, %swap3A_513], %get3A_510 {strides = array<i32>} : memref<3x128xi32, #tpu.memory_space<vmem>>, vector<16xi32>,
      %get3A_515 = arith.constant 0 : i32
      %get3A_516 = arith.index_cast %get3A_515 : i32 to index
      %get3A_517 = arith.constant 48 : index
      %get3A_518 = tpu.vector_load %arg8[%get3A_516, %get3A_517] {strides = array<i32>} : memref<6x128xi32, #tpu.memory_space<vmem>>, vector<16xi32>,
      %swap3A_519 = arith.constant 0 : i32
      %swap3A_520 = arith.index_cast %swap3A_519 : i32 to index
      %swap3A_521 = arith.constant 48 : index
      %swap3A_522 = tpu.vector_load %arg9[%swap3A_520, %swap3A_521] {strides = array<i32>} : memref<3x128xi32, #tpu.memory_space<vmem>>, vector<16xi32>,
      tpu.vector_store %arg9[%swap3A_520, %swap3A_521], %get3A_518 {strides = array<i32>} : memref<3x128xi32, #tpu.memory_space<vmem>>, vector<16xi32>,
      %get3A_523 = arith.constant 0 : i32
      %get3A_524 = arith.index_cast %get3A_523 : i32 to index
      %get3A_525 = arith.constant 64 : index
      %get3A_526 = tpu.vector_load %arg8[%get3A_524, %get3A_525] {strides = array<i32>} : memref<6x128xi32, #tpu.memory_space<vmem>>, vector<16xi32>,
      %swap3A_527 = arith.constant 0 : i32
      %swap3A_528 = arith.index_cast %swap3A_527 : i32 to index
      %swap3A_529 = arith.constant 64 : index
      %swap3A_530 = tpu.vector_load %arg9[%swap3A_528, %swap3A_529] {strides = array<i32>} : memref<3x128xi32, #tpu.memory_space<vmem>>, vector<16xi32>,
      tpu.vector_store %arg9[%swap3A_528, %swap3A_529], %get3A_526 {strides = array<i32>} : memref<3x128xi32, #tpu.memory_space<vmem>>, vector<16xi32>,
      %get3A_531 = arith.constant 0 : i32
      %get3A_532 = arith.index_cast %get3A_531 : i32 to index
      %get3A_533 = arith.constant 80 : index
      %get3A_534 = tpu.vector_load %arg8[%get3A_532, %get3A_533] {strides = array<i32>} : memref<6x128xi32, #tpu.memory_space<vmem>>, vector<16xi32>,
      %swap3A_535 = arith.constant 0 : i32
      %swap3A_536 = arith.index_cast %swap3A_535 : i32 to index
      %swap3A_537 = arith.constant 80 : index
      %swap3A_538 = tpu.vector_load %arg9[%swap3A_536, %swap3A_537] {strides = array<i32>} : memref<3x128xi32, #tpu.memory_space<vmem>>, vector<16xi32>,
      tpu.vector_store %arg9[%swap3A_536, %swap3A_537], %get3A_534 {strides = array<i32>} : memref<3x128xi32, #tpu.memory_space<vmem>>, vector<16xi32>,
      %get3A_539 = arith.constant 0 : i32
      %get3A_540 = arith.index_cast %get3A_539 : i32 to index
      %get3A_541 = arith.constant 96 : index
      %get3A_542 = tpu.vector_load %arg8[%get3A_540, %get3A_541] {strides = array<i32>} : memref<6x128xi32, #tpu.memory_space<vmem>>, vector<16xi32>,
      %swap3A_543 = arith.constant 0 : i32
      %swap3A_544 = arith.index_cast %swap3A_543 : i32 to index
      %swap3A_545 = arith.constant 96 : index
      %swap3A_546 = tpu.vector_load %arg9[%swap3A_544, %swap3A_545] {strides = array<i32>} : memref<3x128xi32, #tpu.memory_space<vmem>>, vector<16xi32>,
      tpu.vector_store %arg9[%swap3A_544, %swap3A_545], %get3A_542 {strides = array<i32>} : memref<3x128xi32, #tpu.memory_space<vmem>>, vector<16xi32>,
      %get3A_547 = arith.constant 0 : i32
      %get3A_548 = arith.index_cast %get3A_547 : i32 to index
      %get3A_549 = arith.constant 112 : index
      %get3A_550 = tpu.vector_load %arg8[%get3A_548, %get3A_549] {strides = array<i32>} : memref<6x128xi32, #tpu.memory_space<vmem>>, vector<16xi32>,
      %swap3A_551 = arith.constant 0 : i32
      %swap3A_552 = arith.index_cast %swap3A_551 : i32 to index
      %swap3A_553 = arith.constant 112 : index
      %swap3A_554 = tpu.vector_load %arg9[%swap3A_552, %swap3A_553] {strides = array<i32>} : memref<3x128xi32, #tpu.memory_space<vmem>>, vector<16xi32>,
      tpu.vector_store %arg9[%swap3A_552, %swap3A_553], %get3A_550 {strides = array<i32>} : memref<3x128xi32, #tpu.memory_space<vmem>>, vector<16xi32>,
      %dma_start3A_555 = arith.constant 0 : i32
      %dma_start3A_556 = arith.constant 0 : i32
      %dma_start3A_557 = tpu.memref_slice %arg9[%dma_start3A_555, %dma_start3A_556] : memref<3x128xi32, #tpu.memory_space<vmem>> -> memref<1x128xi32, #tpu.memory_space<vmem>>
      %dma_start3A_558 = tpu.memref_squeeze %dma_start3A_557 : memref<1x128xi32, #tpu.memory_space<vmem>> -> memref<128xi32, #tpu.memory_space<vmem>>
      %dma_start3A_559 = arith.constant 0 : i32
      %dma_start3A_560 = arith.constant 0 : i32
      %dma_start3A_561 = tpu.memref_slice %arg38[%dma_start3A_559, %dma_start3A_560] : memref<10240x80xf32, #tpu.memory_space<vmem_shared>> -> memref<10240x80xf32, #tpu.memory_space<vmem_shared>>
      tpu.enqueue_indirect_dma source(%arg22 : memref<128x80xf32, #tpu.memory_space<vmem>>) target(%dma_start3A_561 : memref<10240x80xf32, #tpu.memory_space<vmem_shared>>) offsets(%dma_start3A_558 : memref<128xi32, #tpu.memory_space<vmem>>) semaphore(%arg30 : memref<!tpu.dma_semaphore, #tpu.memory_space<semaphore_mem>>) {add = true}
      %add3A_562 = arith.constant 4 : i32
      %add3A_563 = arith.addi %add3A_466, %add3A_562 : i32
      %lt3A = arith.constant 162 : i32
      %lt3A_564 = arith.cmpi slt, %add3A_563, %lt3A : i32
      %convert_element_type3A_565 = arith.extui %lt3A_564 : i1 to i32
      %cond3A_566 = arith.constant 0 : i32
      %cond3A_567 = arith.cmpi ne, %convert_element_type3A_565, %cond3A_566 : i32
      scf.if %cond3A_567 {
        %dma_wait3A_1170 = arith.constant 4 : i32
        %dma_wait3A_1171 = arith.constant 0 : i32
        %dma_wait3A_1172 = tpu.memref_slice %arg7[%dma_wait3A_1170, %dma_wait3A_1171] : memref<6x128xi32, #tpu.memory_space<vmem>> -> memref<1x128xi32, #tpu.memory_space<vmem>>
        %dma_wait3A_1173 = tpu.memref_squeeze %dma_wait3A_1172 : memref<1x128xi32, #tpu.memory_space<vmem>> -> memref<128xi32, #tpu.memory_space<vmem>>
        %dma_wait3A_1174 = arith.constant 0 : i32
        %dma_wait3A_1175 = tpu.memref_slice %arg4[%arg1, %dma_wait3A_1174] : memref<16x20736xi32, #tpu.memory_space<hbm>> -> memref<1x20736xi32, #tpu.memory_space<hbm>>
        %dma_wait3A_1176 = tpu.memref_squeeze %dma_wait3A_1175 : memref<1x20736xi32, #tpu.memory_space<hbm>> -> memref<20736xi32, #tpu.memory_space<hbm>>
        %dma_wait3A_1177 = arith.constant 0 : i32
        %dma_wait3A_1178 = tpu.memref_slice %dma_wait3A_1176[%dma_wait3A_1177] : memref<20736xi32, #tpu.memory_space<hbm>> -> memref<128xi32, #tpu.memory_space<hbm>>
        %dma_wait3A_1179 = arith.constant 0 : i32
        %dma_wait3A_1180 = tpu.memref_slice %arg7[%dma_wait3A_1170, %dma_wait3A_1179] : memref<6x128xi32, #tpu.memory_space<vmem>> -> memref<1x128xi32, #tpu.memory_space<vmem>>
        %dma_wait3A_1181 = tpu.memref_squeeze %dma_wait3A_1180 : memref<1x128xi32, #tpu.memory_space<vmem>> -> memref<128xi32, #tpu.memory_space<vmem>>
        %dma_wait3A_1182 = arith.constant 0 : i32
        %dma_wait3A_1183 = tpu.memref_slice %arg4[%arg1, %dma_wait3A_1182] : memref<16x20736xi32, #tpu.memory_space<hbm>> -> memref<1x20736xi32, #tpu.memory_space<hbm>>
        %dma_wait3A_1184 = tpu.memref_squeeze %dma_wait3A_1183 : memref<1x20736xi32, #tpu.memory_space<hbm>> -> memref<20736xi32, #tpu.memory_space<hbm>>
        %dma_wait3A_1185 = arith.constant 0 : i32
        %dma_wait3A_1186 = tpu.memref_slice %dma_wait3A_1184[%dma_wait3A_1185] : memref<20736xi32, #tpu.memory_space<hbm>> -> memref<128xi32, #tpu.memory_space<hbm>>
        tpu.wait_dma2 semaphore(%arg36 : memref<!tpu.dma_semaphore, #tpu.memory_space<semaphore_mem>>) src(%dma_wait3A_1186 : memref<128xi32, #tpu.memory_space<hbm>>) dst(%dma_wait3A_1181 : memref<128xi32, #tpu.memory_space<vmem>>)
        %dma_wait3A_1187 = arith.constant 4 : i32
        %dma_wait3A_1188 = arith.constant 0 : i32
        %dma_wait3A_1189 = tpu.memref_slice %arg8[%dma_wait3A_1187, %dma_wait3A_1188] : memref<6x128xi32, #tpu.memory_space<vmem>> -> memref<1x128xi32, #tpu.memory_space<vmem>>
        %dma_wait3A_1190 = tpu.memref_squeeze %dma_wait3A_1189 : memref<1x128xi32, #tpu.memory_space<vmem>> -> memref<128xi32, #tpu.memory_space<vmem>>
        %dma_wait3A_1191 = arith.constant 0 : i32
        %dma_wait3A_1192 = tpu.memref_slice %arg5[%arg1, %dma_wait3A_1191] : memref<16x20736xi32, #tpu.memory_space<hbm>> -> memref<1x20736xi32, #tpu.memory_space<hbm>>
        %dma_wait3A_1193 = tpu.memref_squeeze %dma_wait3A_1192 : memref<1x20736xi32, #tpu.memory_space<hbm>> -> memref<20736xi32, #tpu.memory_space<hbm>>
        %dma_wait3A_1194 = arith.constant 0 : i32
        %dma_wait3A_1195 = tpu.memref_slice %dma_wait3A_1193[%dma_wait3A_1194] : memref<20736xi32, #tpu.memory_space<hbm>> -> memref<128xi32, #tpu.memory_space<hbm>>
        %dma_wait3A_1196 = arith.constant 0 : i32
        %dma_wait3A_1197 = tpu.memref_slice %arg8[%dma_wait3A_1187, %dma_wait3A_1196] : memref<6x128xi32, #tpu.memory_space<vmem>> -> memref<1x128xi32, #tpu.memory_space<vmem>>
        %dma_wait3A_1198 = tpu.memref_squeeze %dma_wait3A_1197 : memref<1x128xi32, #tpu.memory_space<vmem>> -> memref<128xi32, #tpu.memory_space<vmem>>
        %dma_wait3A_1199 = arith.constant 0 : i32
        %dma_wait3A_1200 = tpu.memref_slice %arg5[%arg1, %dma_wait3A_1199] : memref<16x20736xi32, #tpu.memory_space<hbm>> -> memref<1x20736xi32, #tpu.memory_space<hbm>>
        %dma_wait3A_1201 = tpu.memref_squeeze %dma_wait3A_1200 : memref<1x20736xi32, #tpu.memory_space<hbm>> -> memref<20736xi32, #tpu.memory_space<hbm>>
        %dma_wait3A_1202 = arith.constant 0 : i32
        %dma_wait3A_1203 = tpu.memref_slice %dma_wait3A_1201[%dma_wait3A_1202] : memref<20736xi32, #tpu.memory_space<hbm>> -> memref<128xi32, #tpu.memory_space<hbm>>
        tpu.wait_dma2 semaphore(%arg36 : memref<!tpu.dma_semaphore, #tpu.memory_space<semaphore_mem>>) src(%dma_wait3A_1203 : memref<128xi32, #tpu.memory_space<hbm>>) dst(%dma_wait3A_1198 : memref<128xi32, #tpu.memory_space<vmem>>)
        %dma_start3A_1204 = arith.constant 4 : i32
        %dma_start3A_1205 = arith.constant 0 : i32
        %dma_start3A_1206 = tpu.memref_slice %arg7[%dma_start3A_1204, %dma_start3A_1205] : memref<6x128xi32, #tpu.memory_space<vmem>> -> memref<1x128xi32, #tpu.memory_space<vmem>>
        %dma_start3A_1207 = tpu.memref_squeeze %dma_start3A_1206 : memref<1x128xi32, #tpu.memory_space<vmem>> -> memref<128xi32, #tpu.memory_space<vmem>>
        %dma_start3A_1208 = arith.constant 0 : i32
        %dma_start3A_1209 = arith.constant 0 : i32
        %dma_start3A_1210 = tpu.memref_slice %arg2[%arg0, %dma_start3A_1208, %dma_start3A_1209] : memref<2x10240x96xbf16, #tpu.memory_space<hbm>> -> memref<1x10240x96xbf16, #tpu.memory_space<hbm>>
        %dma_start3A_1211 = tpu.memref_squeeze %dma_start3A_1210 : memref<1x10240x96xbf16, #tpu.memory_space<hbm>> -> memref<10240x96xbf16, #tpu.memory_space<hbm>>
        %dma_start3A_1212 = arith.constant 0 : i32
        %dma_start3A_1213 = arith.constant 0 : i32
        %dma_start3A_1214 = tpu.memref_slice %dma_start3A_1211[%dma_start3A_1212, %dma_start3A_1213] : memref<10240x96xbf16, #tpu.memory_space<hbm>> -> memref<10240x96xbf16, #tpu.memory_space<hbm>>
        tpu.enqueue_indirect_dma source(%dma_start3A_1214 : memref<10240x96xbf16, #tpu.memory_space<hbm>>) target(%arg14 : memref<128x96xbf16, #tpu.memory_space<vmem>>) offsets(%dma_start3A_1207 : memref<128xi32, #tpu.memory_space<vmem>>) semaphore(%arg28 : memref<!tpu.dma_semaphore, #tpu.memory_space<semaphore_mem>>)
        %dma_start3A_1215 = arith.constant 4 : i32
        %dma_start3A_1216 = arith.constant 0 : i32
        %dma_start3A_1217 = tpu.memref_slice %arg8[%dma_start3A_1215, %dma_start3A_1216] : memref<6x128xi32, #tpu.memory_space<vmem>> -> memref<1x128xi32, #tpu.memory_space<vmem>>
        %dma_start3A_1218 = tpu.memref_squeeze %dma_start3A_1217 : memref<1x128xi32, #tpu.memory_space<vmem>> -> memref<128xi32, #tpu.memory_space<vmem>>
        %dma_start3A_1219 = arith.constant 0 : i32
        %dma_start3A_1220 = arith.constant 0 : i32
        %dma_start3A_1221 = tpu.memref_slice %arg3[%arg0, %dma_start3A_1219, %dma_start3A_1220] : memref<2x10240x16xf32, #tpu.memory_space<hbm>> -> memref<1x10240x16xf32, #tpu.memory_space<hbm>>
        %dma_start3A_1222 = tpu.memref_squeeze %dma_start3A_1221 : memref<1x10240x16xf32, #tpu.memory_space<hbm>> -> memref<10240x16xf32, #tpu.memory_space<hbm>>
        %dma_start3A_1223 = arith.constant 0 : i32
        %dma_start3A_1224 = arith.constant 0 : i32
        %dma_start3A_1225 = tpu.memref_slice %dma_start3A_1222[%dma_start3A_1223, %dma_start3A_1224] : memref<10240x16xf32, #tpu.memory_space<hbm>> -> memref<10240x16xf32, #tpu.memory_space<hbm>>
        tpu.enqueue_indirect_dma source(%dma_start3A_1225 : memref<10240x16xf32, #tpu.memory_space<hbm>>) target(%arg20 : memref<128x16xf32, #tpu.memory_space<vmem>>) offsets(%dma_start3A_1218 : memref<128xi32, #tpu.memory_space<vmem>>) semaphore(%arg28 : memref<!tpu.dma_semaphore, #tpu.memory_space<semaphore_mem>>)
      } else {
      }
      %add3A_568 = arith.constant 6 : i32
      %add3A_569 = arith.addi %add3A_466, %add3A_568 : i32
      %lt3A_570 = arith.constant 162 : i32
      %lt3A_571 = arith.cmpi slt, %add3A_569, %lt3A_570 : i32
      %convert_element_type3A_572 = arith.extui %lt3A_571 : i1 to i32
      %cond3A_573 = arith.constant 0 : i32
      %cond3A_574 = arith.cmpi ne, %convert_element_type3A_572, %cond3A_573 : i32
      scf.if %cond3A_574 {
        %add3A_1170 = arith.constant 6 : i32
        %add3A_1171 = arith.addi %add3A_466, %add3A_1170 : i32
        %mul3A_1172 = arith.constant 128 : i32
        %mul3A_1173 = arith.muli %add3A_1171, %mul3A_1172 : i32
        %dma_start3A_1174 = arith.constant 0 : i32
        %dma_start3A_1175 = arith.constant 0 : i32
        %dma_start3A_1176 = tpu.memref_slice %arg7[%dma_start3A_1174, %dma_start3A_1175] : memref<6x128xi32, #tpu.memory_space<vmem>> -> memref<1x128xi32, #tpu.memory_space<vmem>>
        %dma_start3A_1177 = tpu.memref_squeeze %dma_start3A_1176 : memref<1x128xi32, #tpu.memory_space<vmem>> -> memref<128xi32, #tpu.memory_space<vmem>>
        %dma_start3A_1178 = arith.constant 0 : i32
        %dma_start3A_1179 = tpu.memref_slice %arg4[%arg1, %dma_start3A_1178] : memref<16x20736xi32, #tpu.memory_space<hbm>> -> memref<1x20736xi32, #tpu.memory_space<hbm>>
        %dma_start3A_1180 = tpu.memref_squeeze %dma_start3A_1179 : memref<1x20736xi32, #tpu.memory_space<hbm>> -> memref<20736xi32, #tpu.memory_space<hbm>>
        %dma_start3A_1181 = tpu.memref_slice %dma_start3A_1180[%mul3A_1173] : memref<20736xi32, #tpu.memory_space<hbm>> -> memref<128xi32, #tpu.memory_space<hbm>>
        %dma_start3A_1182 = arith.constant 0 : i32
        %dma_start3A_1183 = tpu.memref_slice %arg7[%dma_start3A_1174, %dma_start3A_1182] : memref<6x128xi32, #tpu.memory_space<vmem>> -> memref<1x128xi32, #tpu.memory_space<vmem>>
        %dma_start3A_1184 = tpu.memref_squeeze %dma_start3A_1183 : memref<1x128xi32, #tpu.memory_space<vmem>> -> memref<128xi32, #tpu.memory_space<vmem>>
        %dma_start3A_1185 = arith.constant 0 : i32
        %dma_start3A_1186 = tpu.memref_slice %arg4[%arg1, %dma_start3A_1185] : memref<16x20736xi32, #tpu.memory_space<hbm>> -> memref<1x20736xi32, #tpu.memory_space<hbm>>
        %dma_start3A_1187 = tpu.memref_squeeze %dma_start3A_1186 : memref<1x20736xi32, #tpu.memory_space<hbm>> -> memref<20736xi32, #tpu.memory_space<hbm>>
        %dma_start3A_1188 = tpu.memref_slice %dma_start3A_1187[%mul3A_1173] : memref<20736xi32, #tpu.memory_space<hbm>> -> memref<128xi32, #tpu.memory_space<hbm>>
        tpu.enqueue_dma source(%dma_start3A_1188 : memref<128xi32, #tpu.memory_space<hbm>>) target(%dma_start3A_1184 : memref<128xi32, #tpu.memory_space<vmem>>) target_semaphore(%arg32 : memref<!tpu.dma_semaphore, #tpu.memory_space<semaphore_mem>>)
        %mul3A_1189 = arith.constant 128 : i32
        %mul3A_1190 = arith.muli %add3A_1171, %mul3A_1189 : i32
        %dma_start3A_1191 = arith.constant 0 : i32
        %dma_start3A_1192 = arith.constant 0 : i32
        %dma_start3A_1193 = tpu.memref_slice %arg8[%dma_start3A_1191, %dma_start3A_1192] : memref<6x128xi32, #tpu.memory_space<vmem>> -> memref<1x128xi32, #tpu.memory_space<vmem>>
        %dma_start3A_1194 = tpu.memref_squeeze %dma_start3A_1193 : memref<1x128xi32, #tpu.memory_space<vmem>> -> memref<128xi32, #tpu.memory_space<vmem>>
        %dma_start3A_1195 = arith.constant 0 : i32
        %dma_start3A_1196 = tpu.memref_slice %arg5[%arg1, %dma_start3A_1195] : memref<16x20736xi32, #tpu.memory_space<hbm>> -> memref<1x20736xi32, #tpu.memory_space<hbm>>
        %dma_start3A_1197 = tpu.memref_squeeze %dma_start3A_1196 : memref<1x20736xi32, #tpu.memory_space<hbm>> -> memref<20736xi32, #tpu.memory_space<hbm>>
        %dma_start3A_1198 = tpu.memref_slice %dma_start3A_1197[%mul3A_1190] : memref<20736xi32, #tpu.memory_space<hbm>> -> memref<128xi32, #tpu.memory_space<hbm>>
        %dma_start3A_1199 = arith.constant 0 : i32
        %dma_start3A_1200 = tpu.memref_slice %arg8[%dma_start3A_1191, %dma_start3A_1199] : memref<6x128xi32, #tpu.memory_space<vmem>> -> memref<1x128xi32, #tpu.memory_space<vmem>>
        %dma_start3A_1201 = tpu.memref_squeeze %dma_start3A_1200 : memref<1x128xi32, #tpu.memory_space<vmem>> -> memref<128xi32, #tpu.memory_space<vmem>>
        %dma_start3A_1202 = arith.constant 0 : i32
        %dma_start3A_1203 = tpu.memref_slice %arg5[%arg1, %dma_start3A_1202] : memref<16x20736xi32, #tpu.memory_space<hbm>> -> memref<1x20736xi32, #tpu.memory_space<hbm>>
        %dma_start3A_1204 = tpu.memref_squeeze %dma_start3A_1203 : memref<1x20736xi32, #tpu.memory_space<hbm>> -> memref<20736xi32, #tpu.memory_space<hbm>>
        %dma_start3A_1205 = tpu.memref_slice %dma_start3A_1204[%mul3A_1190] : memref<20736xi32, #tpu.memory_space<hbm>> -> memref<128xi32, #tpu.memory_space<hbm>>
        tpu.enqueue_dma source(%dma_start3A_1205 : memref<128xi32, #tpu.memory_space<hbm>>) target(%dma_start3A_1201 : memref<128xi32, #tpu.memory_space<vmem>>) target_semaphore(%arg32 : memref<!tpu.dma_semaphore, #tpu.memory_space<semaphore_mem>>)
      } else {
      }
      %mul3A_575 = arith.constant 6 : i32
      %mul3A_576 = arith.muli %add3A_462, %mul3A_575 : i32
      %add3A_577 = arith.constant 1 : i32
      %add3A_578 = arith.addi %mul3A_576, %add3A_577 : i32
      %dma_wait3A_579 = arith.constant 0 : i32
      %dma_wait3A_580 = arith.constant 0 : i32
      %dma_wait3A_581 = tpu.memref_slice %arg7[%dma_wait3A_579, %dma_wait3A_580] : memref<6x128xi32, #tpu.memory_space<vmem>> -> memref<1x128xi32, #tpu.memory_space<vmem>>
      %dma_wait3A_582 = tpu.memref_squeeze %dma_wait3A_581 : memref<1x128xi32, #tpu.memory_space<vmem>> -> memref<128xi32, #tpu.memory_space<vmem>>
      %dma_wait3A_583 = arith.constant 0 : i32
      %dma_wait3A_584 = arith.constant 0 : i32
      %dma_wait3A_585 = tpu.memref_slice %arg2[%arg0, %dma_wait3A_583, %dma_wait3A_584] : memref<2x10240x96xbf16, #tpu.memory_space<hbm>> -> memref<1x10240x96xbf16, #tpu.memory_space<hbm>>
      %dma_wait3A_586 = tpu.memref_squeeze %dma_wait3A_585 : memref<1x10240x96xbf16, #tpu.memory_space<hbm>> -> memref<10240x96xbf16, #tpu.memory_space<hbm>>
      %dma_wait3A_587 = arith.constant 0 : i32
      %dma_wait3A_588 = arith.constant 0 : i32
      %dma_wait3A_589 = tpu.memref_slice %dma_wait3A_586[%dma_wait3A_587, %dma_wait3A_588] : memref<10240x96xbf16, #tpu.memory_space<hbm>> -> memref<10240x96xbf16, #tpu.memory_space<hbm>>
      tpu.wait_indirect_dma semaphore(%arg25 : memref<!tpu.dma_semaphore, #tpu.memory_space<semaphore_mem>>) src(%dma_wait3A_589 : memref<10240x96xbf16, #tpu.memory_space<hbm>>) dst(%arg11 : memref<128x96xbf16, #tpu.memory_space<vmem>>)
      %dma_wait3A_590 = arith.constant 0 : i32
      %dma_wait3A_591 = arith.constant 0 : i32
      %dma_wait3A_592 = tpu.memref_slice %arg8[%dma_wait3A_590, %dma_wait3A_591] : memref<6x128xi32, #tpu.memory_space<vmem>> -> memref<1x128xi32, #tpu.memory_space<vmem>>
      %dma_wait3A_593 = tpu.memref_squeeze %dma_wait3A_592 : memref<1x128xi32, #tpu.memory_space<vmem>> -> memref<128xi32, #tpu.memory_space<vmem>>
      %dma_wait3A_594 = arith.constant 0 : i32
      %dma_wait3A_595 = arith.constant 0 : i32
      %dma_wait3A_596 = tpu.memref_slice %arg3[%arg0, %dma_wait3A_594, %dma_wait3A_595] : memref<2x10240x16xf32, #tpu.memory_space<hbm>> -> memref<1x10240x16xf32, #tpu.memory_space<hbm>>
      %dma_wait3A_597 = tpu.memref_squeeze %dma_wait3A_596 : memref<1x10240x16xf32, #tpu.memory_space<hbm>> -> memref<10240x16xf32, #tpu.memory_space<hbm>>
      %dma_wait3A_598 = arith.constant 0 : i32
      %dma_wait3A_599 = arith.constant 0 : i32
      %dma_wait3A_600 = tpu.memref_slice %dma_wait3A_597[%dma_wait3A_598, %dma_wait3A_599] : memref<10240x16xf32, #tpu.memory_space<hbm>> -> memref<10240x16xf32, #tpu.memory_space<hbm>>
      tpu.wait_indirect_dma semaphore(%arg25 : memref<!tpu.dma_semaphore, #tpu.memory_space<semaphore_mem>>) src(%dma_wait3A_600 : memref<10240x16xf32, #tpu.memory_space<hbm>>) dst(%arg17 : memref<128x16xf32, #tpu.memory_space<vmem>>)
      %ge3A_601 = arith.constant 2 : i32
      %ge3A_602 = arith.cmpi sge, %add3A_578, %ge3A_601 : i32
      %convert_element_type3A_603 = arith.extui %ge3A_602 : i1 to i32
      %cond3A_604 = arith.constant 0 : i32
      %cond3A_605 = arith.cmpi ne, %convert_element_type3A_603, %cond3A_604 : i32
      scf.if %cond3A_605 {
        %dma_wait3A_1170 = arith.constant 0 : i32
        %dma_wait3A_1171 = arith.constant 0 : i32
        %dma_wait3A_1172 = tpu.memref_slice %arg9[%dma_wait3A_1170, %dma_wait3A_1171] : memref<3x128xi32, #tpu.memory_space<vmem>> -> memref<1x128xi32, #tpu.memory_space<vmem>>
        %dma_wait3A_1173 = tpu.memref_squeeze %dma_wait3A_1172 : memref<1x128xi32, #tpu.memory_space<vmem>> -> memref<128xi32, #tpu.memory_space<vmem>>
        %dma_wait3A_1174 = arith.constant 0 : i32
        %dma_wait3A_1175 = arith.constant 0 : i32
        %dma_wait3A_1176 = tpu.memref_slice %arg38[%dma_wait3A_1174, %dma_wait3A_1175] : memref<10240x80xf32, #tpu.memory_space<vmem_shared>> -> memref<10240x80xf32, #tpu.memory_space<vmem_shared>>
        tpu.wait_indirect_dma semaphore(%arg31 : memref<!tpu.dma_semaphore, #tpu.memory_space<semaphore_mem>>) src(%arg23 : memref<128x80xf32, #tpu.memory_space<vmem>>) dst(%dma_wait3A_1176 : memref<10240x80xf32, #tpu.memory_space<vmem_shared>>)
      } else {
      }
      %parallel_loop3A_606 = arith.constant 0 : i32
      %parallel_loop3A_607 = arith.constant 128 : i32
      %parallel_loop3A_608 = arith.constant 1 : i32
      scf.for %parallel_loop3A_1170 = %parallel_loop3A_606 to %parallel_loop3A_607 step %parallel_loop3A_608  : i32 {
        %parallel_loop3A_1171 = arith.index_cast %parallel_loop3A_1170 : i32 to index
        %parallel_loop3A_1172 = arith.constant 64 : index
        %parallel_loop3A_1173 = tpu.vector_load %arg11[%parallel_loop3A_1171, %parallel_loop3A_1172] {strides = array<i32>} : memref<128x96xbf16, #tpu.memory_space<vmem>>, vector<32xbf16>,
        %parallel_loop3A_1174 = tpu.unpack_subelements %parallel_loop3A_1173, 0 {pack_format = #tpu.pack_format<interleaved>} : vector<32xbf16> -> vector<16xf32>
        %parallel_loop3A_1175 = tpu.unpack_subelements %parallel_loop3A_1173, 1 {pack_format = #tpu.pack_format<interleaved>} : vector<32xbf16> -> vector<16xf32>
        %parallel_loop3A_1176 = arith.index_cast %parallel_loop3A_1170 : i32 to index
        %parallel_loop3A_1177 = arith.constant 0 : index
        %parallel_loop3A_1178 = tpu.vector_load %arg17[%parallel_loop3A_1176, %parallel_loop3A_1177] {strides = array<i32>} : memref<128x16xf32, #tpu.memory_space<vmem>>, vector<16xf32>,
        %parallel_loop3A_1179 = arith.addf %parallel_loop3A_1174, %parallel_loop3A_1178 : vector<16xf32>
        %parallel_loop3A_1180 = arith.constant 0.000000e+00 : f32
        %parallel_loop3A_1181 = vector.broadcast %parallel_loop3A_1180 : f32 to vector<16xf32>
        %parallel_loop3A_1182 = arith.cmpf ogt, %parallel_loop3A_1179, %parallel_loop3A_1181 : vector<16xf32>
        %parallel_loop3A_1183 = arith.constant 2.000000e-01 : f32
        %parallel_loop3A_1184 = vector.broadcast %parallel_loop3A_1183 : f32 to vector<16xf32>
        %parallel_loop3A_1185 = arith.mulf %parallel_loop3A_1179, %parallel_loop3A_1184 : vector<16xf32>
        %parallel_loop3A_1186 = arith.select %parallel_loop3A_1182, %parallel_loop3A_1179, %parallel_loop3A_1185 : vector<16xi1>, vector<16xf32>
        %parallel_loop3A_1187 = math.exp %parallel_loop3A_1186 : vector<16xf32>
        %parallel_loop3A_1188 = arith.index_cast %parallel_loop3A_1170 : i32 to index
        %parallel_loop3A_1189 = arith.constant 64 : index
        %parallel_loop3A_1190 = tpu.vector_load %arg23[%parallel_loop3A_1188, %parallel_loop3A_1189] {strides = array<i32>} : memref<128x80xf32, #tpu.memory_space<vmem>>, vector<16xf32>,
        tpu.vector_store %arg23[%parallel_loop3A_1188, %parallel_loop3A_1189], %parallel_loop3A_1187 {strides = array<i32>} : memref<128x80xf32, #tpu.memory_space<vmem>>, vector<16xf32>,
        %parallel_loop3A_1191 = arith.index_cast %parallel_loop3A_1170 : i32 to index
        %parallel_loop3A_1192 = arith.constant 0 : index
        %parallel_loop3A_1193 = tpu.vector_load %arg11[%parallel_loop3A_1191, %parallel_loop3A_1192] {strides = array<i32>} : memref<128x96xbf16, #tpu.memory_space<vmem>>, vector<32xbf16>,
        %parallel_loop3A_1194 = tpu.unpack_subelements %parallel_loop3A_1193, 0 {pack_format = #tpu.pack_format<interleaved>} : vector<32xbf16> -> vector<16xf32>
        %parallel_loop3A_1195 = tpu.unpack_subelements %parallel_loop3A_1193, 1 {pack_format = #tpu.pack_format<interleaved>} : vector<32xbf16> -> vector<16xf32>
        %parallel_loop3A_1196 = vector.extract_strided_slice %parallel_loop3A_1187 {offsets = [0], sizes = [1], strides = [1]} : vector<16xf32> to vector<1xf32>
        %parallel_loop3A_1197 = vector.extract %parallel_loop3A_1196[0] : f32 from vector<1xf32>
        %parallel_loop3A_1198 = vector.broadcast %parallel_loop3A_1197 : f32 to vector<16xf32>
        %parallel_loop3A_1199 = arith.mulf %parallel_loop3A_1194, %parallel_loop3A_1198 : vector<16xf32>
        %parallel_loop3A_1200 = arith.index_cast %parallel_loop3A_1170 : i32 to index
        %parallel_loop3A_1201 = arith.constant 0 : index
        %parallel_loop3A_1202 = tpu.vector_load %arg23[%parallel_loop3A_1200, %parallel_loop3A_1201] {strides = array<i32>} : memref<128x80xf32, #tpu.memory_space<vmem>>, vector<16xf32>,
        tpu.vector_store %arg23[%parallel_loop3A_1200, %parallel_loop3A_1201], %parallel_loop3A_1199 {strides = array<i32>} : memref<128x80xf32, #tpu.memory_space<vmem>>, vector<16xf32>,
        %parallel_loop3A_1203 = vector.extract_strided_slice %parallel_loop3A_1187 {offsets = [1], sizes = [1], strides = [1]} : vector<16xf32> to vector<1xf32>
        %parallel_loop3A_1204 = vector.extract %parallel_loop3A_1203[0] : f32 from vector<1xf32>
        %parallel_loop3A_1205 = vector.broadcast %parallel_loop3A_1204 : f32 to vector<16xf32>
        %parallel_loop3A_1206 = arith.mulf %parallel_loop3A_1195, %parallel_loop3A_1205 : vector<16xf32>
        %parallel_loop3A_1207 = arith.index_cast %parallel_loop3A_1170 : i32 to index
        %parallel_loop3A_1208 = arith.constant 16 : index
        %parallel_loop3A_1209 = tpu.vector_load %arg23[%parallel_loop3A_1207, %parallel_loop3A_1208] {strides = array<i32>} : memref<128x80xf32, #tpu.memory_space<vmem>>, vector<16xf32>,
        tpu.vector_store %arg23[%parallel_loop3A_1207, %parallel_loop3A_1208], %parallel_loop3A_1206 {strides = array<i32>} : memref<128x80xf32, #tpu.memory_space<vmem>>, vector<16xf32>,
        %parallel_loop3A_1210 = arith.index_cast %parallel_loop3A_1170 : i32 to index
        %parallel_loop3A_1211 = arith.constant 32 : index
        %parallel_loop3A_1212 = tpu.vector_load %arg11[%parallel_loop3A_1210, %parallel_loop3A_1211] {strides = array<i32>} : memref<128x96xbf16, #tpu.memory_space<vmem>>, vector<32xbf16>,
        %parallel_loop3A_1213 = tpu.unpack_subelements %parallel_loop3A_1212, 0 {pack_format = #tpu.pack_format<interleaved>} : vector<32xbf16> -> vector<16xf32>
        %parallel_loop3A_1214 = tpu.unpack_subelements %parallel_loop3A_1212, 1 {pack_format = #tpu.pack_format<interleaved>} : vector<32xbf16> -> vector<16xf32>
        %parallel_loop3A_1215 = vector.extract_strided_slice %parallel_loop3A_1187 {offsets = [2], sizes = [1], strides = [1]} : vector<16xf32> to vector<1xf32>
        %parallel_loop3A_1216 = vector.extract %parallel_loop3A_1215[0] : f32 from vector<1xf32>
        %parallel_loop3A_1217 = vector.broadcast %parallel_loop3A_1216 : f32 to vector<16xf32>
        %parallel_loop3A_1218 = arith.mulf %parallel_loop3A_1213, %parallel_loop3A_1217 : vector<16xf32>
        %parallel_loop3A_1219 = arith.index_cast %parallel_loop3A_1170 : i32 to index
        %parallel_loop3A_1220 = arith.constant 32 : index
        %parallel_loop3A_1221 = tpu.vector_load %arg23[%parallel_loop3A_1219, %parallel_loop3A_1220] {strides = array<i32>} : memref<128x80xf32, #tpu.memory_space<vmem>>, vector<16xf32>,
        tpu.vector_store %arg23[%parallel_loop3A_1219, %parallel_loop3A_1220], %parallel_loop3A_1218 {strides = array<i32>} : memref<128x80xf32, #tpu.memory_space<vmem>>, vector<16xf32>,
        %parallel_loop3A_1222 = vector.extract_strided_slice %parallel_loop3A_1187 {offsets = [3], sizes = [1], strides = [1]} : vector<16xf32> to vector<1xf32>
        %parallel_loop3A_1223 = vector.extract %parallel_loop3A_1222[0] : f32 from vector<1xf32>
        %parallel_loop3A_1224 = vector.broadcast %parallel_loop3A_1223 : f32 to vector<16xf32>
        %parallel_loop3A_1225 = arith.mulf %parallel_loop3A_1214, %parallel_loop3A_1224 : vector<16xf32>
        %parallel_loop3A_1226 = arith.index_cast %parallel_loop3A_1170 : i32 to index
        %parallel_loop3A_1227 = arith.constant 48 : index
        %parallel_loop3A_1228 = tpu.vector_load %arg23[%parallel_loop3A_1226, %parallel_loop3A_1227] {strides = array<i32>} : memref<128x80xf32, #tpu.memory_space<vmem>>, vector<16xf32>,
        tpu.vector_store %arg23[%parallel_loop3A_1226, %parallel_loop3A_1227], %parallel_loop3A_1225 {strides = array<i32>} : memref<128x80xf32, #tpu.memory_space<vmem>>, vector<16xf32>,
      } {sc.loop_unroll_factor = 8 : i64, sc.parallel_access}
      %get3A_609 = arith.constant 1 : i32
      %get3A_610 = arith.index_cast %get3A_609 : i32 to index
      %get3A_611 = arith.constant 0 : index
      %get3A_612 = tpu.vector_load %arg8[%get3A_610, %get3A_611] {strides = array<i32>} : memref<6x128xi32, #tpu.memory_space<vmem>>, vector<16xi32>,
      %swap3A_613 = arith.constant 1 : i32
      %swap3A_614 = arith.index_cast %swap3A_613 : i32 to index
      %swap3A_615 = arith.constant 0 : index
      %swap3A_616 = tpu.vector_load %arg9[%swap3A_614, %swap3A_615] {strides = array<i32>} : memref<3x128xi32, #tpu.memory_space<vmem>>, vector<16xi32>,
      tpu.vector_store %arg9[%swap3A_614, %swap3A_615], %get3A_612 {strides = array<i32>} : memref<3x128xi32, #tpu.memory_space<vmem>>, vector<16xi32>,
      %get3A_617 = arith.constant 1 : i32
      %get3A_618 = arith.index_cast %get3A_617 : i32 to index
      %get3A_619 = arith.constant 16 : index
      %get3A_620 = tpu.vector_load %arg8[%get3A_618, %get3A_619] {strides = array<i32>} : memref<6x128xi32, #tpu.memory_space<vmem>>, vector<16xi32>,
      %swap3A_621 = arith.constant 1 : i32
      %swap3A_622 = arith.index_cast %swap3A_621 : i32 to index
      %swap3A_623 = arith.constant 16 : index
      %swap3A_624 = tpu.vector_load %arg9[%swap3A_622, %swap3A_623] {strides = array<i32>} : memref<3x128xi32, #tpu.memory_space<vmem>>, vector<16xi32>,
      tpu.vector_store %arg9[%swap3A_622, %swap3A_623], %get3A_620 {strides = array<i32>} : memref<3x128xi32, #tpu.memory_space<vmem>>, vector<16xi32>,
      %get3A_625 = arith.constant 1 : i32
      %get3A_626 = arith.index_cast %get3A_625 : i32 to index
      %get3A_627 = arith.constant 32 : index
      %get3A_628 = tpu.vector_load %arg8[%get3A_626, %get3A_627] {strides = array<i32>} : memref<6x128xi32, #tpu.memory_space<vmem>>, vector<16xi32>,
      %swap3A_629 = arith.constant 1 : i32
      %swap3A_630 = arith.index_cast %swap3A_629 : i32 to index
      %swap3A_631 = arith.constant 32 : index
      %swap3A_632 = tpu.vector_load %arg9[%swap3A_630, %swap3A_631] {strides = array<i32>} : memref<3x128xi32, #tpu.memory_space<vmem>>, vector<16xi32>,
      tpu.vector_store %arg9[%swap3A_630, %swap3A_631], %get3A_628 {strides = array<i32>} : memref<3x128xi32, #tpu.memory_space<vmem>>, vector<16xi32>,
      %get3A_633 = arith.constant 1 : i32
      %get3A_634 = arith.index_cast %get3A_633 : i32 to index
      %get3A_635 = arith.constant 48 : index
      %get3A_636 = tpu.vector_load %arg8[%get3A_634, %get3A_635] {strides = array<i32>} : memref<6x128xi32, #tpu.memory_space<vmem>>, vector<16xi32>,
      %swap3A_637 = arith.constant 1 : i32
      %swap3A_638 = arith.index_cast %swap3A_637 : i32 to index
      %swap3A_639 = arith.constant 48 : index
      %swap3A_640 = tpu.vector_load %arg9[%swap3A_638, %swap3A_639] {strides = array<i32>} : memref<3x128xi32, #tpu.memory_space<vmem>>, vector<16xi32>,
      tpu.vector_store %arg9[%swap3A_638, %swap3A_639], %get3A_636 {strides = array<i32>} : memref<3x128xi32, #tpu.memory_space<vmem>>, vector<16xi32>,
      %get3A_641 = arith.constant 1 : i32
      %get3A_642 = arith.index_cast %get3A_641 : i32 to index
      %get3A_643 = arith.constant 64 : index
      %get3A_644 = tpu.vector_load %arg8[%get3A_642, %get3A_643] {strides = array<i32>} : memref<6x128xi32, #tpu.memory_space<vmem>>, vector<16xi32>,
      %swap3A_645 = arith.constant 1 : i32
      %swap3A_646 = arith.index_cast %swap3A_645 : i32 to index
      %swap3A_647 = arith.constant 64 : index
      %swap3A_648 = tpu.vector_load %arg9[%swap3A_646, %swap3A_647] {strides = array<i32>} : memref<3x128xi32, #tpu.memory_space<vmem>>, vector<16xi32>,
      tpu.vector_store %arg9[%swap3A_646, %swap3A_647], %get3A_644 {strides = array<i32>} : memref<3x128xi32, #tpu.memory_space<vmem>>, vector<16xi32>,
      %get3A_649 = arith.constant 1 : i32
      %get3A_650 = arith.index_cast %get3A_649 : i32 to index
      %get3A_651 = arith.constant 80 : index
      %get3A_652 = tpu.vector_load %arg8[%get3A_650, %get3A_651] {strides = array<i32>} : memref<6x128xi32, #tpu.memory_space<vmem>>, vector<16xi32>,
      %swap3A_653 = arith.constant 1 : i32
      %swap3A_654 = arith.index_cast %swap3A_653 : i32 to index
      %swap3A_655 = arith.constant 80 : index
      %swap3A_656 = tpu.vector_load %arg9[%swap3A_654, %swap3A_655] {strides = array<i32>} : memref<3x128xi32, #tpu.memory_space<vmem>>, vector<16xi32>,
      tpu.vector_store %arg9[%swap3A_654, %swap3A_655], %get3A_652 {strides = array<i32>} : memref<3x128xi32, #tpu.memory_space<vmem>>, vector<16xi32>,
      %get3A_657 = arith.constant 1 : i32
      %get3A_658 = arith.index_cast %get3A_657 : i32 to index
      %get3A_659 = arith.constant 96 : index
      %get3A_660 = tpu.vector_load %arg8[%get3A_658, %get3A_659] {strides = array<i32>} : memref<6x128xi32, #tpu.memory_space<vmem>>, vector<16xi32>,
      %swap3A_661 = arith.constant 1 : i32
      %swap3A_662 = arith.index_cast %swap3A_661 : i32 to index
      %swap3A_663 = arith.constant 96 : index
      %swap3A_664 = tpu.vector_load %arg9[%swap3A_662, %swap3A_663] {strides = array<i32>} : memref<3x128xi32, #tpu.memory_space<vmem>>, vector<16xi32>,
      tpu.vector_store %arg9[%swap3A_662, %swap3A_663], %get3A_660 {strides = array<i32>} : memref<3x128xi32, #tpu.memory_space<vmem>>, vector<16xi32>,
      %get3A_665 = arith.constant 1 : i32
      %get3A_666 = arith.index_cast %get3A_665 : i32 to index
      %get3A_667 = arith.constant 112 : index
      %get3A_668 = tpu.vector_load %arg8[%get3A_666, %get3A_667] {strides = array<i32>} : memref<6x128xi32, #tpu.memory_space<vmem>>, vector<16xi32>,
      %swap3A_669 = arith.constant 1 : i32
      %swap3A_670 = arith.index_cast %swap3A_669 : i32 to index
      %swap3A_671 = arith.constant 112 : index
      %swap3A_672 = tpu.vector_load %arg9[%swap3A_670, %swap3A_671] {strides = array<i32>} : memref<3x128xi32, #tpu.memory_space<vmem>>, vector<16xi32>,
      tpu.vector_store %arg9[%swap3A_670, %swap3A_671], %get3A_668 {strides = array<i32>} : memref<3x128xi32, #tpu.memory_space<vmem>>, vector<16xi32>,
      %dma_start3A_673 = arith.constant 1 : i32
      %dma_start3A_674 = arith.constant 0 : i32
      %dma_start3A_675 = tpu.memref_slice %arg9[%dma_start3A_673, %dma_start3A_674] : memref<3x128xi32, #tpu.memory_space<vmem>> -> memref<1x128xi32, #tpu.memory_space<vmem>>
      %dma_start3A_676 = tpu.memref_squeeze %dma_start3A_675 : memref<1x128xi32, #tpu.memory_space<vmem>> -> memref<128xi32, #tpu.memory_space<vmem>>
      %dma_start3A_677 = arith.constant 0 : i32
      %dma_start3A_678 = arith.constant 0 : i32
      %dma_start3A_679 = tpu.memref_slice %arg38[%dma_start3A_677, %dma_start3A_678] : memref<10240x80xf32, #tpu.memory_space<vmem_shared>> -> memref<10240x80xf32, #tpu.memory_space<vmem_shared>>
      tpu.enqueue_indirect_dma source(%arg23 : memref<128x80xf32, #tpu.memory_space<vmem>>) target(%dma_start3A_679 : memref<10240x80xf32, #tpu.memory_space<vmem_shared>>) offsets(%dma_start3A_676 : memref<128xi32, #tpu.memory_space<vmem>>) semaphore(%arg31 : memref<!tpu.dma_semaphore, #tpu.memory_space<semaphore_mem>>) {add = true}
      %add3A_680 = arith.constant 4 : i32
      %add3A_681 = arith.addi %add3A_578, %add3A_680 : i32
      %lt3A_682 = arith.constant 162 : i32
      %lt3A_683 = arith.cmpi slt, %add3A_681, %lt3A_682 : i32
      %convert_element_type3A_684 = arith.extui %lt3A_683 : i1 to i32
      %cond3A_685 = arith.constant 0 : i32
      %cond3A_686 = arith.cmpi ne, %convert_element_type3A_684, %cond3A_685 : i32
      scf.if %cond3A_686 {
        %dma_wait3A_1170 = arith.constant 5 : i32
        %dma_wait3A_1171 = arith.constant 0 : i32
        %dma_wait3A_1172 = tpu.memref_slice %arg7[%dma_wait3A_1170, %dma_wait3A_1171] : memref<6x128xi32, #tpu.memory_space<vmem>> -> memref<1x128xi32, #tpu.memory_space<vmem>>
        %dma_wait3A_1173 = tpu.memref_squeeze %dma_wait3A_1172 : memref<1x128xi32, #tpu.memory_space<vmem>> -> memref<128xi32, #tpu.memory_space<vmem>>
        %dma_wait3A_1174 = arith.constant 0 : i32
        %dma_wait3A_1175 = tpu.memref_slice %arg4[%arg1, %dma_wait3A_1174] : memref<16x20736xi32, #tpu.memory_space<hbm>> -> memref<1x20736xi32, #tpu.memory_space<hbm>>
        %dma_wait3A_1176 = tpu.memref_squeeze %dma_wait3A_1175 : memref<1x20736xi32, #tpu.memory_space<hbm>> -> memref<20736xi32, #tpu.memory_space<hbm>>
        %dma_wait3A_1177 = arith.constant 0 : i32
        %dma_wait3A_1178 = tpu.memref_slice %dma_wait3A_1176[%dma_wait3A_1177] : memref<20736xi32, #tpu.memory_space<hbm>> -> memref<128xi32, #tpu.memory_space<hbm>>
        %dma_wait3A_1179 = arith.constant 0 : i32
        %dma_wait3A_1180 = tpu.memref_slice %arg7[%dma_wait3A_1170, %dma_wait3A_1179] : memref<6x128xi32, #tpu.memory_space<vmem>> -> memref<1x128xi32, #tpu.memory_space<vmem>>
        %dma_wait3A_1181 = tpu.memref_squeeze %dma_wait3A_1180 : memref<1x128xi32, #tpu.memory_space<vmem>> -> memref<128xi32, #tpu.memory_space<vmem>>
        %dma_wait3A_1182 = arith.constant 0 : i32
        %dma_wait3A_1183 = tpu.memref_slice %arg4[%arg1, %dma_wait3A_1182] : memref<16x20736xi32, #tpu.memory_space<hbm>> -> memref<1x20736xi32, #tpu.memory_space<hbm>>
        %dma_wait3A_1184 = tpu.memref_squeeze %dma_wait3A_1183 : memref<1x20736xi32, #tpu.memory_space<hbm>> -> memref<20736xi32, #tpu.memory_space<hbm>>
        %dma_wait3A_1185 = arith.constant 0 : i32
        %dma_wait3A_1186 = tpu.memref_slice %dma_wait3A_1184[%dma_wait3A_1185] : memref<20736xi32, #tpu.memory_space<hbm>> -> memref<128xi32, #tpu.memory_space<hbm>>
        tpu.wait_dma2 semaphore(%arg37 : memref<!tpu.dma_semaphore, #tpu.memory_space<semaphore_mem>>) src(%dma_wait3A_1186 : memref<128xi32, #tpu.memory_space<hbm>>) dst(%dma_wait3A_1181 : memref<128xi32, #tpu.memory_space<vmem>>)
        %dma_wait3A_1187 = arith.constant 5 : i32
        %dma_wait3A_1188 = arith.constant 0 : i32
        %dma_wait3A_1189 = tpu.memref_slice %arg8[%dma_wait3A_1187, %dma_wait3A_1188] : memref<6x128xi32, #tpu.memory_space<vmem>> -> memref<1x128xi32, #tpu.memory_space<vmem>>
        %dma_wait3A_1190 = tpu.memref_squeeze %dma_wait3A_1189 : memref<1x128xi32, #tpu.memory_space<vmem>> -> memref<128xi32, #tpu.memory_space<vmem>>
        %dma_wait3A_1191 = arith.constant 0 : i32
        %dma_wait3A_1192 = tpu.memref_slice %arg5[%arg1, %dma_wait3A_1191] : memref<16x20736xi32, #tpu.memory_space<hbm>> -> memref<1x20736xi32, #tpu.memory_space<hbm>>
        %dma_wait3A_1193 = tpu.memref_squeeze %dma_wait3A_1192 : memref<1x20736xi32, #tpu.memory_space<hbm>> -> memref<20736xi32, #tpu.memory_space<hbm>>
        %dma_wait3A_1194 = arith.constant 0 : i32
        %dma_wait3A_1195 = tpu.memref_slice %dma_wait3A_1193[%dma_wait3A_1194] : memref<20736xi32, #tpu.memory_space<hbm>> -> memref<128xi32, #tpu.memory_space<hbm>>
        %dma_wait3A_1196 = arith.constant 0 : i32
        %dma_wait3A_1197 = tpu.memref_slice %arg8[%dma_wait3A_1187, %dma_wait3A_1196] : memref<6x128xi32, #tpu.memory_space<vmem>> -> memref<1x128xi32, #tpu.memory_space<vmem>>
        %dma_wait3A_1198 = tpu.memref_squeeze %dma_wait3A_1197 : memref<1x128xi32, #tpu.memory_space<vmem>> -> memref<128xi32, #tpu.memory_space<vmem>>
        %dma_wait3A_1199 = arith.constant 0 : i32
        %dma_wait3A_1200 = tpu.memref_slice %arg5[%arg1, %dma_wait3A_1199] : memref<16x20736xi32, #tpu.memory_space<hbm>> -> memref<1x20736xi32, #tpu.memory_space<hbm>>
        %dma_wait3A_1201 = tpu.memref_squeeze %dma_wait3A_1200 : memref<1x20736xi32, #tpu.memory_space<hbm>> -> memref<20736xi32, #tpu.memory_space<hbm>>
        %dma_wait3A_1202 = arith.constant 0 : i32
        %dma_wait3A_1203 = tpu.memref_slice %dma_wait3A_1201[%dma_wait3A_1202] : memref<20736xi32, #tpu.memory_space<hbm>> -> memref<128xi32, #tpu.memory_space<hbm>>
        tpu.wait_dma2 semaphore(%arg37 : memref<!tpu.dma_semaphore, #tpu.memory_space<semaphore_mem>>) src(%dma_wait3A_1203 : memref<128xi32, #tpu.memory_space<hbm>>) dst(%dma_wait3A_1198 : memref<128xi32, #tpu.memory_space<vmem>>)
        %dma_start3A_1204 = arith.constant 5 : i32
        %dma_start3A_1205 = arith.constant 0 : i32
        %dma_start3A_1206 = tpu.memref_slice %arg7[%dma_start3A_1204, %dma_start3A_1205] : memref<6x128xi32, #tpu.memory_space<vmem>> -> memref<1x128xi32, #tpu.memory_space<vmem>>
        %dma_start3A_1207 = tpu.memref_squeeze %dma_start3A_1206 : memref<1x128xi32, #tpu.memory_space<vmem>> -> memref<128xi32, #tpu.memory_space<vmem>>
        %dma_start3A_1208 = arith.constant 0 : i32
        %dma_start3A_1209 = arith.constant 0 : i32
        %dma_start3A_1210 = tpu.memref_slice %arg2[%arg0, %dma_start3A_1208, %dma_start3A_1209] : memref<2x10240x96xbf16, #tpu.memory_space<hbm>> -> memref<1x10240x96xbf16, #tpu.memory_space<hbm>>
        %dma_start3A_1211 = tpu.memref_squeeze %dma_start3A_1210 : memref<1x10240x96xbf16, #tpu.memory_space<hbm>> -> memref<10240x96xbf16, #tpu.memory_space<hbm>>
        %dma_start3A_1212 = arith.constant 0 : i32
        %dma_start3A_1213 = arith.constant 0 : i32
        %dma_start3A_1214 = tpu.memref_slice %dma_start3A_1211[%dma_start3A_1212, %dma_start3A_1213] : memref<10240x96xbf16, #tpu.memory_space<hbm>> -> memref<10240x96xbf16, #tpu.memory_space<hbm>>
        tpu.enqueue_indirect_dma source(%dma_start3A_1214 : memref<10240x96xbf16, #tpu.memory_space<hbm>>) target(%arg15 : memref<128x96xbf16, #tpu.memory_space<vmem>>) offsets(%dma_start3A_1207 : memref<128xi32, #tpu.memory_space<vmem>>) semaphore(%arg29 : memref<!tpu.dma_semaphore, #tpu.memory_space<semaphore_mem>>)
        %dma_start3A_1215 = arith.constant 5 : i32
        %dma_start3A_1216 = arith.constant 0 : i32
        %dma_start3A_1217 = tpu.memref_slice %arg8[%dma_start3A_1215, %dma_start3A_1216] : memref<6x128xi32, #tpu.memory_space<vmem>> -> memref<1x128xi32, #tpu.memory_space<vmem>>
        %dma_start3A_1218 = tpu.memref_squeeze %dma_start3A_1217 : memref<1x128xi32, #tpu.memory_space<vmem>> -> memref<128xi32, #tpu.memory_space<vmem>>
        %dma_start3A_1219 = arith.constant 0 : i32
        %dma_start3A_1220 = arith.constant 0 : i32
        %dma_start3A_1221 = tpu.memref_slice %arg3[%arg0, %dma_start3A_1219, %dma_start3A_1220] : memref<2x10240x16xf32, #tpu.memory_space<hbm>> -> memref<1x10240x16xf32, #tpu.memory_space<hbm>>
        %dma_start3A_1222 = tpu.memref_squeeze %dma_start3A_1221 : memref<1x10240x16xf32, #tpu.memory_space<hbm>> -> memref<10240x16xf32, #tpu.memory_space<hbm>>
        %dma_start3A_1223 = arith.constant 0 : i32
        %dma_start3A_1224 = arith.constant 0 : i32
        %dma_start3A_1225 = tpu.memref_slice %dma_start3A_1222[%dma_start3A_1223, %dma_start3A_1224] : memref<10240x16xf32, #tpu.memory_space<hbm>> -> memref<10240x16xf32, #tpu.memory_space<hbm>>
        tpu.enqueue_indirect_dma source(%dma_start3A_1225 : memref<10240x16xf32, #tpu.memory_space<hbm>>) target(%arg21 : memref<128x16xf32, #tpu.memory_space<vmem>>) offsets(%dma_start3A_1218 : memref<128xi32, #tpu.memory_space<vmem>>) semaphore(%arg29 : memref<!tpu.dma_semaphore, #tpu.memory_space<semaphore_mem>>)
      } else {
      }
      %add3A_687 = arith.constant 6 : i32
      %add3A_688 = arith.addi %add3A_578, %add3A_687 : i32
      %lt3A_689 = arith.constant 162 : i32
      %lt3A_690 = arith.cmpi slt, %add3A_688, %lt3A_689 : i32
      %convert_element_type3A_691 = arith.extui %lt3A_690 : i1 to i32
      %cond3A_692 = arith.constant 0 : i32
      %cond3A_693 = arith.cmpi ne, %convert_element_type3A_691, %cond3A_692 : i32
      scf.if %cond3A_693 {
        %add3A_1170 = arith.constant 6 : i32
        %add3A_1171 = arith.addi %add3A_578, %add3A_1170 : i32
        %mul3A_1172 = arith.constant 128 : i32
        %mul3A_1173 = arith.muli %add3A_1171, %mul3A_1172 : i32
        %dma_start3A_1174 = arith.constant 1 : i32
        %dma_start3A_1175 = arith.constant 0 : i32
        %dma_start3A_1176 = tpu.memref_slice %arg7[%dma_start3A_1174, %dma_start3A_1175] : memref<6x128xi32, #tpu.memory_space<vmem>> -> memref<1x128xi32, #tpu.memory_space<vmem>>
        %dma_start3A_1177 = tpu.memref_squeeze %dma_start3A_1176 : memref<1x128xi32, #tpu.memory_space<vmem>> -> memref<128xi32, #tpu.memory_space<vmem>>
        %dma_start3A_1178 = arith.constant 0 : i32
        %dma_start3A_1179 = tpu.memref_slice %arg4[%arg1, %dma_start3A_1178] : memref<16x20736xi32, #tpu.memory_space<hbm>> -> memref<1x20736xi32, #tpu.memory_space<hbm>>
        %dma_start3A_1180 = tpu.memref_squeeze %dma_start3A_1179 : memref<1x20736xi32, #tpu.memory_space<hbm>> -> memref<20736xi32, #tpu.memory_space<hbm>>
        %dma_start3A_1181 = tpu.memref_slice %dma_start3A_1180[%mul3A_1173] : memref<20736xi32, #tpu.memory_space<hbm>> -> memref<128xi32, #tpu.memory_space<hbm>>
        %dma_start3A_1182 = arith.constant 0 : i32
        %dma_start3A_1183 = tpu.memref_slice %arg7[%dma_start3A_1174, %dma_start3A_1182] : memref<6x128xi32, #tpu.memory_space<vmem>> -> memref<1x128xi32, #tpu.memory_space<vmem>>
        %dma_start3A_1184 = tpu.memref_squeeze %dma_start3A_1183 : memref<1x128xi32, #tpu.memory_space<vmem>> -> memref<128xi32, #tpu.memory_space<vmem>>
        %dma_start3A_1185 = arith.constant 0 : i32
        %dma_start3A_1186 = tpu.memref_slice %arg4[%arg1, %dma_start3A_1185] : memref<16x20736xi32, #tpu.memory_space<hbm>> -> memref<1x20736xi32, #tpu.memory_space<hbm>>
        %dma_start3A_1187 = tpu.memref_squeeze %dma_start3A_1186 : memref<1x20736xi32, #tpu.memory_space<hbm>> -> memref<20736xi32, #tpu.memory_space<hbm>>
        %dma_start3A_1188 = tpu.memref_slice %dma_start3A_1187[%mul3A_1173] : memref<20736xi32, #tpu.memory_space<hbm>> -> memref<128xi32, #tpu.memory_space<hbm>>
        tpu.enqueue_dma source(%dma_start3A_1188 : memref<128xi32, #tpu.memory_space<hbm>>) target(%dma_start3A_1184 : memref<128xi32, #tpu.memory_space<vmem>>) target_semaphore(%arg33 : memref<!tpu.dma_semaphore, #tpu.memory_space<semaphore_mem>>)
        %mul3A_1189 = arith.constant 128 : i32
        %mul3A_1190 = arith.muli %add3A_1171, %mul3A_1189 : i32
        %dma_start3A_1191 = arith.constant 1 : i32
        %dma_start3A_1192 = arith.constant 0 : i32
        %dma_start3A_1193 = tpu.memref_slice %arg8[%dma_start3A_1191, %dma_start3A_1192] : memref<6x128xi32, #tpu.memory_space<vmem>> -> memref<1x128xi32, #tpu.memory_space<vmem>>
        %dma_start3A_1194 = tpu.memref_squeeze %dma_start3A_1193 : memref<1x128xi32, #tpu.memory_space<vmem>> -> memref<128xi32, #tpu.memory_space<vmem>>
        %dma_start3A_1195 = arith.constant 0 : i32
        %dma_start3A_1196 = tpu.memref_slice %arg5[%arg1, %dma_start3A_1195] : memref<16x20736xi32, #tpu.memory_space<hbm>> -> memref<1x20736xi32, #tpu.memory_space<hbm>>
        %dma_start3A_1197 = tpu.memref_squeeze %dma_start3A_1196 : memref<1x20736xi32, #tpu.memory_space<hbm>> -> memref<20736xi32, #tpu.memory_space<hbm>>
        %dma_start3A_1198 = tpu.memref_slice %dma_start3A_1197[%mul3A_1190] : memref<20736xi32, #tpu.memory_space<hbm>> -> memref<128xi32, #tpu.memory_space<hbm>>
        %dma_start3A_1199 = arith.constant 0 : i32
        %dma_start3A_1200 = tpu.memref_slice %arg8[%dma_start3A_1191, %dma_start3A_1199] : memref<6x128xi32, #tpu.memory_space<vmem>> -> memref<1x128xi32, #tpu.memory_space<vmem>>
        %dma_start3A_1201 = tpu.memref_squeeze %dma_start3A_1200 : memref<1x128xi32, #tpu.memory_space<vmem>> -> memref<128xi32, #tpu.memory_space<vmem>>
        %dma_start3A_1202 = arith.constant 0 : i32
        %dma_start3A_1203 = tpu.memref_slice %arg5[%arg1, %dma_start3A_1202] : memref<16x20736xi32, #tpu.memory_space<hbm>> -> memref<1x20736xi32, #tpu.memory_space<hbm>>
        %dma_start3A_1204 = tpu.memref_squeeze %dma_start3A_1203 : memref<1x20736xi32, #tpu.memory_space<hbm>> -> memref<20736xi32, #tpu.memory_space<hbm>>
        %dma_start3A_1205 = tpu.memref_slice %dma_start3A_1204[%mul3A_1190] : memref<20736xi32, #tpu.memory_space<hbm>> -> memref<128xi32, #tpu.memory_space<hbm>>
        tpu.enqueue_dma source(%dma_start3A_1205 : memref<128xi32, #tpu.memory_space<hbm>>) target(%dma_start3A_1201 : memref<128xi32, #tpu.memory_space<vmem>>) target_semaphore(%arg33 : memref<!tpu.dma_semaphore, #tpu.memory_space<semaphore_mem>>)
      } else {
      }
      %mul3A_694 = arith.constant 6 : i32
      %mul3A_695 = arith.muli %add3A_462, %mul3A_694 : i32
      %add3A_696 = arith.constant 2 : i32
      %add3A_697 = arith.addi %mul3A_695, %add3A_696 : i32
      %dma_wait3A_698 = arith.constant 0 : i32
      %dma_wait3A_699 = arith.constant 0 : i32
      %dma_wait3A_700 = tpu.memref_slice %arg7[%dma_wait3A_698, %dma_wait3A_699] : memref<6x128xi32, #tpu.memory_space<vmem>> -> memref<1x128xi32, #tpu.memory_space<vmem>>
      %dma_wait3A_701 = tpu.memref_squeeze %dma_wait3A_700 : memref<1x128xi32, #tpu.memory_space<vmem>> -> memref<128xi32, #tpu.memory_space<vmem>>
      %dma_wait3A_702 = arith.constant 0 : i32
      %dma_wait3A_703 = arith.constant 0 : i32
      %dma_wait3A_704 = tpu.memref_slice %arg2[%arg0, %dma_wait3A_702, %dma_wait3A_703] : memref<2x10240x96xbf16, #tpu.memory_space<hbm>> -> memref<1x10240x96xbf16, #tpu.memory_space<hbm>>
      %dma_wait3A_705 = tpu.memref_squeeze %dma_wait3A_704 : memref<1x10240x96xbf16, #tpu.memory_space<hbm>> -> memref<10240x96xbf16, #tpu.memory_space<hbm>>
      %dma_wait3A_706 = arith.constant 0 : i32
      %dma_wait3A_707 = arith.constant 0 : i32
      %dma_wait3A_708 = tpu.memref_slice %dma_wait3A_705[%dma_wait3A_706, %dma_wait3A_707] : memref<10240x96xbf16, #tpu.memory_space<hbm>> -> memref<10240x96xbf16, #tpu.memory_space<hbm>>
      tpu.wait_indirect_dma semaphore(%arg26 : memref<!tpu.dma_semaphore, #tpu.memory_space<semaphore_mem>>) src(%dma_wait3A_708 : memref<10240x96xbf16, #tpu.memory_space<hbm>>) dst(%arg12 : memref<128x96xbf16, #tpu.memory_space<vmem>>)
      %dma_wait3A_709 = arith.constant 0 : i32
      %dma_wait3A_710 = arith.constant 0 : i32
      %dma_wait3A_711 = tpu.memref_slice %arg8[%dma_wait3A_709, %dma_wait3A_710] : memref<6x128xi32, #tpu.memory_space<vmem>> -> memref<1x128xi32, #tpu.memory_space<vmem>>
      %dma_wait3A_712 = tpu.memref_squeeze %dma_wait3A_711 : memref<1x128xi32, #tpu.memory_space<vmem>> -> memref<128xi32, #tpu.memory_space<vmem>>
      %dma_wait3A_713 = arith.constant 0 : i32
      %dma_wait3A_714 = arith.constant 0 : i32
      %dma_wait3A_715 = tpu.memref_slice %arg3[%arg0, %dma_wait3A_713, %dma_wait3A_714] : memref<2x10240x16xf32, #tpu.memory_space<hbm>> -> memref<1x10240x16xf32, #tpu.memory_space<hbm>>
      %dma_wait3A_716 = tpu.memref_squeeze %dma_wait3A_715 : memref<1x10240x16xf32, #tpu.memory_space<hbm>> -> memref<10240x16xf32, #tpu.memory_space<hbm>>
      %dma_wait3A_717 = arith.constant 0 : i32
      %dma_wait3A_718 = arith.constant 0 : i32
      %dma_wait3A_719 = tpu.memref_slice %dma_wait3A_716[%dma_wait3A_717, %dma_wait3A_718] : memref<10240x16xf32, #tpu.memory_space<hbm>> -> memref<10240x16xf32, #tpu.memory_space<hbm>>
      tpu.wait_indirect_dma semaphore(%arg26 : memref<!tpu.dma_semaphore, #tpu.memory_space<semaphore_mem>>) src(%dma_wait3A_719 : memref<10240x16xf32, #tpu.memory_space<hbm>>) dst(%arg18 : memref<128x16xf32, #tpu.memory_space<vmem>>)
      %ge3A_720 = arith.constant 2 : i32
      %ge3A_721 = arith.cmpi sge, %add3A_697, %ge3A_720 : i32
      %convert_element_type3A_722 = arith.extui %ge3A_721 : i1 to i32
      %cond3A_723 = arith.constant 0 : i32
      %cond3A_724 = arith.cmpi ne, %convert_element_type3A_722, %cond3A_723 : i32
      scf.if %cond3A_724 {
        %dma_wait3A_1170 = arith.constant 0 : i32
        %dma_wait3A_1171 = arith.constant 0 : i32
        %dma_wait3A_1172 = tpu.memref_slice %arg9[%dma_wait3A_1170, %dma_wait3A_1171] : memref<3x128xi32, #tpu.memory_space<vmem>> -> memref<1x128xi32, #tpu.memory_space<vmem>>
        %dma_wait3A_1173 = tpu.memref_squeeze %dma_wait3A_1172 : memref<1x128xi32, #tpu.memory_space<vmem>> -> memref<128xi32, #tpu.memory_space<vmem>>
        %dma_wait3A_1174 = arith.constant 0 : i32
        %dma_wait3A_1175 = arith.constant 0 : i32
        %dma_wait3A_1176 = tpu.memref_slice %arg38[%dma_wait3A_1174, %dma_wait3A_1175] : memref<10240x80xf32, #tpu.memory_space<vmem_shared>> -> memref<10240x80xf32, #tpu.memory_space<vmem_shared>>
        tpu.wait_indirect_dma semaphore(%arg30 : memref<!tpu.dma_semaphore, #tpu.memory_space<semaphore_mem>>) src(%arg22 : memref<128x80xf32, #tpu.memory_space<vmem>>) dst(%dma_wait3A_1176 : memref<10240x80xf32, #tpu.memory_space<vmem_shared>>)
      } else {
      }
      %parallel_loop3A_725 = arith.constant 0 : i32
      %parallel_loop3A_726 = arith.constant 128 : i32
      %parallel_loop3A_727 = arith.constant 1 : i32
      scf.for %parallel_loop3A_1170 = %parallel_loop3A_725 to %parallel_loop3A_726 step %parallel_loop3A_727  : i32 {
        %parallel_loop3A_1171 = arith.index_cast %parallel_loop3A_1170 : i32 to index
        %parallel_loop3A_1172 = arith.constant 64 : index
        %parallel_loop3A_1173 = tpu.vector_load %arg12[%parallel_loop3A_1171, %parallel_loop3A_1172] {strides = array<i32>} : memref<128x96xbf16, #tpu.memory_space<vmem>>, vector<32xbf16>,
        %parallel_loop3A_1174 = tpu.unpack_subelements %parallel_loop3A_1173, 0 {pack_format = #tpu.pack_format<interleaved>} : vector<32xbf16> -> vector<16xf32>
        %parallel_loop3A_1175 = tpu.unpack_subelements %parallel_loop3A_1173, 1 {pack_format = #tpu.pack_format<interleaved>} : vector<32xbf16> -> vector<16xf32>
        %parallel_loop3A_1176 = arith.index_cast %parallel_loop3A_1170 : i32 to index
        %parallel_loop3A_1177 = arith.constant 0 : index
        %parallel_loop3A_1178 = tpu.vector_load %arg18[%parallel_loop3A_1176, %parallel_loop3A_1177] {strides = array<i32>} : memref<128x16xf32, #tpu.memory_space<vmem>>, vector<16xf32>,
        %parallel_loop3A_1179 = arith.addf %parallel_loop3A_1174, %parallel_loop3A_1178 : vector<16xf32>
        %parallel_loop3A_1180 = arith.constant 0.000000e+00 : f32
        %parallel_loop3A_1181 = vector.broadcast %parallel_loop3A_1180 : f32 to vector<16xf32>
        %parallel_loop3A_1182 = arith.cmpf ogt, %parallel_loop3A_1179, %parallel_loop3A_1181 : vector<16xf32>
        %parallel_loop3A_1183 = arith.constant 2.000000e-01 : f32
        %parallel_loop3A_1184 = vector.broadcast %parallel_loop3A_1183 : f32 to vector<16xf32>
        %parallel_loop3A_1185 = arith.mulf %parallel_loop3A_1179, %parallel_loop3A_1184 : vector<16xf32>
        %parallel_loop3A_1186 = arith.select %parallel_loop3A_1182, %parallel_loop3A_1179, %parallel_loop3A_1185 : vector<16xi1>, vector<16xf32>
        %parallel_loop3A_1187 = math.exp %parallel_loop3A_1186 : vector<16xf32>
        %parallel_loop3A_1188 = arith.index_cast %parallel_loop3A_1170 : i32 to index
        %parallel_loop3A_1189 = arith.constant 64 : index
        %parallel_loop3A_1190 = tpu.vector_load %arg22[%parallel_loop3A_1188, %parallel_loop3A_1189] {strides = array<i32>} : memref<128x80xf32, #tpu.memory_space<vmem>>, vector<16xf32>,
        tpu.vector_store %arg22[%parallel_loop3A_1188, %parallel_loop3A_1189], %parallel_loop3A_1187 {strides = array<i32>} : memref<128x80xf32, #tpu.memory_space<vmem>>, vector<16xf32>,
        %parallel_loop3A_1191 = arith.index_cast %parallel_loop3A_1170 : i32 to index
        %parallel_loop3A_1192 = arith.constant 0 : index
        %parallel_loop3A_1193 = tpu.vector_load %arg12[%parallel_loop3A_1191, %parallel_loop3A_1192] {strides = array<i32>} : memref<128x96xbf16, #tpu.memory_space<vmem>>, vector<32xbf16>,
        %parallel_loop3A_1194 = tpu.unpack_subelements %parallel_loop3A_1193, 0 {pack_format = #tpu.pack_format<interleaved>} : vector<32xbf16> -> vector<16xf32>
        %parallel_loop3A_1195 = tpu.unpack_subelements %parallel_loop3A_1193, 1 {pack_format = #tpu.pack_format<interleaved>} : vector<32xbf16> -> vector<16xf32>
        %parallel_loop3A_1196 = vector.extract_strided_slice %parallel_loop3A_1187 {offsets = [0], sizes = [1], strides = [1]} : vector<16xf32> to vector<1xf32>
        %parallel_loop3A_1197 = vector.extract %parallel_loop3A_1196[0] : f32 from vector<1xf32>
        %parallel_loop3A_1198 = vector.broadcast %parallel_loop3A_1197 : f32 to vector<16xf32>
        %parallel_loop3A_1199 = arith.mulf %parallel_loop3A_1194, %parallel_loop3A_1198 : vector<16xf32>
        %parallel_loop3A_1200 = arith.index_cast %parallel_loop3A_1170 : i32 to index
        %parallel_loop3A_1201 = arith.constant 0 : index
        %parallel_loop3A_1202 = tpu.vector_load %arg22[%parallel_loop3A_1200, %parallel_loop3A_1201] {strides = array<i32>} : memref<128x80xf32, #tpu.memory_space<vmem>>, vector<16xf32>,
        tpu.vector_store %arg22[%parallel_loop3A_1200, %parallel_loop3A_1201], %parallel_loop3A_1199 {strides = array<i32>} : memref<128x80xf32, #tpu.memory_space<vmem>>, vector<16xf32>,
        %parallel_loop3A_1203 = vector.extract_strided_slice %parallel_loop3A_1187 {offsets = [1], sizes = [1], strides = [1]} : vector<16xf32> to vector<1xf32>
        %parallel_loop3A_1204 = vector.extract %parallel_loop3A_1203[0] : f32 from vector<1xf32>
        %parallel_loop3A_1205 = vector.broadcast %parallel_loop3A_1204 : f32 to vector<16xf32>
        %parallel_loop3A_1206 = arith.mulf %parallel_loop3A_1195, %parallel_loop3A_1205 : vector<16xf32>
        %parallel_loop3A_1207 = arith.index_cast %parallel_loop3A_1170 : i32 to index
        %parallel_loop3A_1208 = arith.constant 16 : index
        %parallel_loop3A_1209 = tpu.vector_load %arg22[%parallel_loop3A_1207, %parallel_loop3A_1208] {strides = array<i32>} : memref<128x80xf32, #tpu.memory_space<vmem>>, vector<16xf32>,
        tpu.vector_store %arg22[%parallel_loop3A_1207, %parallel_loop3A_1208], %parallel_loop3A_1206 {strides = array<i32>} : memref<128x80xf32, #tpu.memory_space<vmem>>, vector<16xf32>,
        %parallel_loop3A_1210 = arith.index_cast %parallel_loop3A_1170 : i32 to index
        %parallel_loop3A_1211 = arith.constant 32 : index
        %parallel_loop3A_1212 = tpu.vector_load %arg12[%parallel_loop3A_1210, %parallel_loop3A_1211] {strides = array<i32>} : memref<128x96xbf16, #tpu.memory_space<vmem>>, vector<32xbf16>,
        %parallel_loop3A_1213 = tpu.unpack_subelements %parallel_loop3A_1212, 0 {pack_format = #tpu.pack_format<interleaved>} : vector<32xbf16> -> vector<16xf32>
        %parallel_loop3A_1214 = tpu.unpack_subelements %parallel_loop3A_1212, 1 {pack_format = #tpu.pack_format<interleaved>} : vector<32xbf16> -> vector<16xf32>
        %parallel_loop3A_1215 = vector.extract_strided_slice %parallel_loop3A_1187 {offsets = [2], sizes = [1], strides = [1]} : vector<16xf32> to vector<1xf32>
        %parallel_loop3A_1216 = vector.extract %parallel_loop3A_1215[0] : f32 from vector<1xf32>
        %parallel_loop3A_1217 = vector.broadcast %parallel_loop3A_1216 : f32 to vector<16xf32>
        %parallel_loop3A_1218 = arith.mulf %parallel_loop3A_1213, %parallel_loop3A_1217 : vector<16xf32>
        %parallel_loop3A_1219 = arith.index_cast %parallel_loop3A_1170 : i32 to index
        %parallel_loop3A_1220 = arith.constant 32 : index
        %parallel_loop3A_1221 = tpu.vector_load %arg22[%parallel_loop3A_1219, %parallel_loop3A_1220] {strides = array<i32>} : memref<128x80xf32, #tpu.memory_space<vmem>>, vector<16xf32>,
        tpu.vector_store %arg22[%parallel_loop3A_1219, %parallel_loop3A_1220], %parallel_loop3A_1218 {strides = array<i32>} : memref<128x80xf32, #tpu.memory_space<vmem>>, vector<16xf32>,
        %parallel_loop3A_1222 = vector.extract_strided_slice %parallel_loop3A_1187 {offsets = [3], sizes = [1], strides = [1]} : vector<16xf32> to vector<1xf32>
        %parallel_loop3A_1223 = vector.extract %parallel_loop3A_1222[0] : f32 from vector<1xf32>
        %parallel_loop3A_1224 = vector.broadcast %parallel_loop3A_1223 : f32 to vector<16xf32>
        %parallel_loop3A_1225 = arith.mulf %parallel_loop3A_1214, %parallel_loop3A_1224 : vector<16xf32>
        %parallel_loop3A_1226 = arith.index_cast %parallel_loop3A_1170 : i32 to index
        %parallel_loop3A_1227 = arith.constant 48 : index
        %parallel_loop3A_1228 = tpu.vector_load %arg22[%parallel_loop3A_1226, %parallel_loop3A_1227] {strides = array<i32>} : memref<128x80xf32, #tpu.memory_space<vmem>>, vector<16xf32>,
        tpu.vector_store %arg22[%parallel_loop3A_1226, %parallel_loop3A_1227], %parallel_loop3A_1225 {strides = array<i32>} : memref<128x80xf32, #tpu.memory_space<vmem>>, vector<16xf32>,
      } {sc.loop_unroll_factor = 8 : i64, sc.parallel_access}
      %get3A_728 = arith.constant 2 : i32
      %get3A_729 = arith.index_cast %get3A_728 : i32 to index
      %get3A_730 = arith.constant 0 : index
      %get3A_731 = tpu.vector_load %arg8[%get3A_729, %get3A_730] {strides = array<i32>} : memref<6x128xi32, #tpu.memory_space<vmem>>, vector<16xi32>,
      %swap3A_732 = arith.constant 2 : i32
      %swap3A_733 = arith.index_cast %swap3A_732 : i32 to index
      %swap3A_734 = arith.constant 0 : index
      %swap3A_735 = tpu.vector_load %arg9[%swap3A_733, %swap3A_734] {strides = array<i32>} : memref<3x128xi32, #tpu.memory_space<vmem>>, vector<16xi32>,
      tpu.vector_store %arg9[%swap3A_733, %swap3A_734], %get3A_731 {strides = array<i32>} : memref<3x128xi32, #tpu.memory_space<vmem>>, vector<16xi32>,
      %get3A_736 = arith.constant 2 : i32
      %get3A_737 = arith.index_cast %get3A_736 : i32 to index
      %get3A_738 = arith.constant 16 : index
      %get3A_739 = tpu.vector_load %arg8[%get3A_737, %get3A_738] {strides = array<i32>} : memref<6x128xi32, #tpu.memory_space<vmem>>, vector<16xi32>,
      %swap3A_740 = arith.constant 2 : i32
      %swap3A_741 = arith.index_cast %swap3A_740 : i32 to index
      %swap3A_742 = arith.constant 16 : index
      %swap3A_743 = tpu.vector_load %arg9[%swap3A_741, %swap3A_742] {strides = array<i32>} : memref<3x128xi32, #tpu.memory_space<vmem>>, vector<16xi32>,
      tpu.vector_store %arg9[%swap3A_741, %swap3A_742], %get3A_739 {strides = array<i32>} : memref<3x128xi32, #tpu.memory_space<vmem>>, vector<16xi32>,
      %get3A_744 = arith.constant 2 : i32
      %get3A_745 = arith.index_cast %get3A_744 : i32 to index
      %get3A_746 = arith.constant 32 : index
      %get3A_747 = tpu.vector_load %arg8[%get3A_745, %get3A_746] {strides = array<i32>} : memref<6x128xi32, #tpu.memory_space<vmem>>, vector<16xi32>,
      %swap3A_748 = arith.constant 2 : i32
      %swap3A_749 = arith.index_cast %swap3A_748 : i32 to index
      %swap3A_750 = arith.constant 32 : index
      %swap3A_751 = tpu.vector_load %arg9[%swap3A_749, %swap3A_750] {strides = array<i32>} : memref<3x128xi32, #tpu.memory_space<vmem>>, vector<16xi32>,
      tpu.vector_store %arg9[%swap3A_749, %swap3A_750], %get3A_747 {strides = array<i32>} : memref<3x128xi32, #tpu.memory_space<vmem>>, vector<16xi32>,
      %get3A_752 = arith.constant 2 : i32
      %get3A_753 = arith.index_cast %get3A_752 : i32 to index
      %get3A_754 = arith.constant 48 : index
      %get3A_755 = tpu.vector_load %arg8[%get3A_753, %get3A_754] {strides = array<i32>} : memref<6x128xi32, #tpu.memory_space<vmem>>, vector<16xi32>,
      %swap3A_756 = arith.constant 2 : i32
      %swap3A_757 = arith.index_cast %swap3A_756 : i32 to index
      %swap3A_758 = arith.constant 48 : index
      %swap3A_759 = tpu.vector_load %arg9[%swap3A_757, %swap3A_758] {strides = array<i32>} : memref<3x128xi32, #tpu.memory_space<vmem>>, vector<16xi32>,
      tpu.vector_store %arg9[%swap3A_757, %swap3A_758], %get3A_755 {strides = array<i32>} : memref<3x128xi32, #tpu.memory_space<vmem>>, vector<16xi32>,
      %get3A_760 = arith.constant 2 : i32
      %get3A_761 = arith.index_cast %get3A_760 : i32 to index
      %get3A_762 = arith.constant 64 : index
      %get3A_763 = tpu.vector_load %arg8[%get3A_761, %get3A_762] {strides = array<i32>} : memref<6x128xi32, #tpu.memory_space<vmem>>, vector<16xi32>,
      %swap3A_764 = arith.constant 2 : i32
      %swap3A_765 = arith.index_cast %swap3A_764 : i32 to index
      %swap3A_766 = arith.constant 64 : index
      %swap3A_767 = tpu.vector_load %arg9[%swap3A_765, %swap3A_766] {strides = array<i32>} : memref<3x128xi32, #tpu.memory_space<vmem>>, vector<16xi32>,
      tpu.vector_store %arg9[%swap3A_765, %swap3A_766], %get3A_763 {strides = array<i32>} : memref<3x128xi32, #tpu.memory_space<vmem>>, vector<16xi32>,
      %get3A_768 = arith.constant 2 : i32
      %get3A_769 = arith.index_cast %get3A_768 : i32 to index
      %get3A_770 = arith.constant 80 : index
      %get3A_771 = tpu.vector_load %arg8[%get3A_769, %get3A_770] {strides = array<i32>} : memref<6x128xi32, #tpu.memory_space<vmem>>, vector<16xi32>,
      %swap3A_772 = arith.constant 2 : i32
      %swap3A_773 = arith.index_cast %swap3A_772 : i32 to index
      %swap3A_774 = arith.constant 80 : index
      %swap3A_775 = tpu.vector_load %arg9[%swap3A_773, %swap3A_774] {strides = array<i32>} : memref<3x128xi32, #tpu.memory_space<vmem>>, vector<16xi32>,
      tpu.vector_store %arg9[%swap3A_773, %swap3A_774], %get3A_771 {strides = array<i32>} : memref<3x128xi32, #tpu.memory_space<vmem>>, vector<16xi32>,
      %get3A_776 = arith.constant 2 : i32
      %get3A_777 = arith.index_cast %get3A_776 : i32 to index
      %get3A_778 = arith.constant 96 : index
      %get3A_779 = tpu.vector_load %arg8[%get3A_777, %get3A_778] {strides = array<i32>} : memref<6x128xi32, #tpu.memory_space<vmem>>, vector<16xi32>,
      %swap3A_780 = arith.constant 2 : i32
      %swap3A_781 = arith.index_cast %swap3A_780 : i32 to index
      %swap3A_782 = arith.constant 96 : index
      %swap3A_783 = tpu.vector_load %arg9[%swap3A_781, %swap3A_782] {strides = array<i32>} : memref<3x128xi32, #tpu.memory_space<vmem>>, vector<16xi32>,
      tpu.vector_store %arg9[%swap3A_781, %swap3A_782], %get3A_779 {strides = array<i32>} : memref<3x128xi32, #tpu.memory_space<vmem>>, vector<16xi32>,
      %get3A_784 = arith.constant 2 : i32
      %get3A_785 = arith.index_cast %get3A_784 : i32 to index
      %get3A_786 = arith.constant 112 : index
      %get3A_787 = tpu.vector_load %arg8[%get3A_785, %get3A_786] {strides = array<i32>} : memref<6x128xi32, #tpu.memory_space<vmem>>, vector<16xi32>,
      %swap3A_788 = arith.constant 2 : i32
      %swap3A_789 = arith.index_cast %swap3A_788 : i32 to index
      %swap3A_790 = arith.constant 112 : index
      %swap3A_791 = tpu.vector_load %arg9[%swap3A_789, %swap3A_790] {strides = array<i32>} : memref<3x128xi32, #tpu.memory_space<vmem>>, vector<16xi32>,
      tpu.vector_store %arg9[%swap3A_789, %swap3A_790], %get3A_787 {strides = array<i32>} : memref<3x128xi32, #tpu.memory_space<vmem>>, vector<16xi32>,
      %dma_start3A_792 = arith.constant 2 : i32
      %dma_start3A_793 = arith.constant 0 : i32
      %dma_start3A_794 = tpu.memref_slice %arg9[%dma_start3A_792, %dma_start3A_793] : memref<3x128xi32, #tpu.memory_space<vmem>> -> memref<1x128xi32, #tpu.memory_space<vmem>>
      %dma_start3A_795 = tpu.memref_squeeze %dma_start3A_794 : memref<1x128xi32, #tpu.memory_space<vmem>> -> memref<128xi32, #tpu.memory_space<vmem>>
      %dma_start3A_796 = arith.constant 0 : i32
      %dma_start3A_797 = arith.constant 0 : i32
      %dma_start3A_798 = tpu.memref_slice %arg38[%dma_start3A_796, %dma_start3A_797] : memref<10240x80xf32, #tpu.memory_space<vmem_shared>> -> memref<10240x80xf32, #tpu.memory_space<vmem_shared>>
      tpu.enqueue_indirect_dma source(%arg22 : memref<128x80xf32, #tpu.memory_space<vmem>>) target(%dma_start3A_798 : memref<10240x80xf32, #tpu.memory_space<vmem_shared>>) offsets(%dma_start3A_795 : memref<128xi32, #tpu.memory_space<vmem>>) semaphore(%arg30 : memref<!tpu.dma_semaphore, #tpu.memory_space<semaphore_mem>>) {add = true}
      %add3A_799 = arith.constant 4 : i32
      %add3A_800 = arith.addi %add3A_697, %add3A_799 : i32
      %lt3A_801 = arith.constant 162 : i32
      %lt3A_802 = arith.cmpi slt, %add3A_800, %lt3A_801 : i32
      %convert_element_type3A_803 = arith.extui %lt3A_802 : i1 to i32
      %cond3A_804 = arith.constant 0 : i32
      %cond3A_805 = arith.cmpi ne, %convert_element_type3A_803, %cond3A_804 : i32
      scf.if %cond3A_805 {
        %dma_wait3A_1170 = arith.constant 0 : i32
        %dma_wait3A_1171 = arith.constant 0 : i32
        %dma_wait3A_1172 = tpu.memref_slice %arg7[%dma_wait3A_1170, %dma_wait3A_1171] : memref<6x128xi32, #tpu.memory_space<vmem>> -> memref<1x128xi32, #tpu.memory_space<vmem>>
        %dma_wait3A_1173 = tpu.memref_squeeze %dma_wait3A_1172 : memref<1x128xi32, #tpu.memory_space<vmem>> -> memref<128xi32, #tpu.memory_space<vmem>>
        %dma_wait3A_1174 = arith.constant 0 : i32
        %dma_wait3A_1175 = tpu.memref_slice %arg4[%arg1, %dma_wait3A_1174] : memref<16x20736xi32, #tpu.memory_space<hbm>> -> memref<1x20736xi32, #tpu.memory_space<hbm>>
        %dma_wait3A_1176 = tpu.memref_squeeze %dma_wait3A_1175 : memref<1x20736xi32, #tpu.memory_space<hbm>> -> memref<20736xi32, #tpu.memory_space<hbm>>
        %dma_wait3A_1177 = arith.constant 0 : i32
        %dma_wait3A_1178 = tpu.memref_slice %dma_wait3A_1176[%dma_wait3A_1177] : memref<20736xi32, #tpu.memory_space<hbm>> -> memref<128xi32, #tpu.memory_space<hbm>>
        %dma_wait3A_1179 = arith.constant 0 : i32
        %dma_wait3A_1180 = tpu.memref_slice %arg7[%dma_wait3A_1170, %dma_wait3A_1179] : memref<6x128xi32, #tpu.memory_space<vmem>> -> memref<1x128xi32, #tpu.memory_space<vmem>>
        %dma_wait3A_1181 = tpu.memref_squeeze %dma_wait3A_1180 : memref<1x128xi32, #tpu.memory_space<vmem>> -> memref<128xi32, #tpu.memory_space<vmem>>
        %dma_wait3A_1182 = arith.constant 0 : i32
        %dma_wait3A_1183 = tpu.memref_slice %arg4[%arg1, %dma_wait3A_1182] : memref<16x20736xi32, #tpu.memory_space<hbm>> -> memref<1x20736xi32, #tpu.memory_space<hbm>>
        %dma_wait3A_1184 = tpu.memref_squeeze %dma_wait3A_1183 : memref<1x20736xi32, #tpu.memory_space<hbm>> -> memref<20736xi32, #tpu.memory_space<hbm>>
        %dma_wait3A_1185 = arith.constant 0 : i32
        %dma_wait3A_1186 = tpu.memref_slice %dma_wait3A_1184[%dma_wait3A_1185] : memref<20736xi32, #tpu.memory_space<hbm>> -> memref<128xi32, #tpu.memory_space<hbm>>
        tpu.wait_dma2 semaphore(%arg32 : memref<!tpu.dma_semaphore, #tpu.memory_space<semaphore_mem>>) src(%dma_wait3A_1186 : memref<128xi32, #tpu.memory_space<hbm>>) dst(%dma_wait3A_1181 : memref<128xi32, #tpu.memory_space<vmem>>)
        %dma_wait3A_1187 = arith.constant 0 : i32
        %dma_wait3A_1188 = arith.constant 0 : i32
        %dma_wait3A_1189 = tpu.memref_slice %arg8[%dma_wait3A_1187, %dma_wait3A_1188] : memref<6x128xi32, #tpu.memory_space<vmem>> -> memref<1x128xi32, #tpu.memory_space<vmem>>
        %dma_wait3A_1190 = tpu.memref_squeeze %dma_wait3A_1189 : memref<1x128xi32, #tpu.memory_space<vmem>> -> memref<128xi32, #tpu.memory_space<vmem>>
        %dma_wait3A_1191 = arith.constant 0 : i32
        %dma_wait3A_1192 = tpu.memref_slice %arg5[%arg1, %dma_wait3A_1191] : memref<16x20736xi32, #tpu.memory_space<hbm>> -> memref<1x20736xi32, #tpu.memory_space<hbm>>
        %dma_wait3A_1193 = tpu.memref_squeeze %dma_wait3A_1192 : memref<1x20736xi32, #tpu.memory_space<hbm>> -> memref<20736xi32, #tpu.memory_space<hbm>>
        %dma_wait3A_1194 = arith.constant 0 : i32
        %dma_wait3A_1195 = tpu.memref_slice %dma_wait3A_1193[%dma_wait3A_1194] : memref<20736xi32, #tpu.memory_space<hbm>> -> memref<128xi32, #tpu.memory_space<hbm>>
        %dma_wait3A_1196 = arith.constant 0 : i32
        %dma_wait3A_1197 = tpu.memref_slice %arg8[%dma_wait3A_1187, %dma_wait3A_1196] : memref<6x128xi32, #tpu.memory_space<vmem>> -> memref<1x128xi32, #tpu.memory_space<vmem>>
        %dma_wait3A_1198 = tpu.memref_squeeze %dma_wait3A_1197 : memref<1x128xi32, #tpu.memory_space<vmem>> -> memref<128xi32, #tpu.memory_space<vmem>>
        %dma_wait3A_1199 = arith.constant 0 : i32
        %dma_wait3A_1200 = tpu.memref_slice %arg5[%arg1, %dma_wait3A_1199] : memref<16x20736xi32, #tpu.memory_space<hbm>> -> memref<1x20736xi32, #tpu.memory_space<hbm>>
        %dma_wait3A_1201 = tpu.memref_squeeze %dma_wait3A_1200 : memref<1x20736xi32, #tpu.memory_space<hbm>> -> memref<20736xi32, #tpu.memory_space<hbm>>
        %dma_wait3A_1202 = arith.constant 0 : i32
        %dma_wait3A_1203 = tpu.memref_slice %dma_wait3A_1201[%dma_wait3A_1202] : memref<20736xi32, #tpu.memory_space<hbm>> -> memref<128xi32, #tpu.memory_space<hbm>>
        tpu.wait_dma2 semaphore(%arg32 : memref<!tpu.dma_semaphore, #tpu.memory_space<semaphore_mem>>) src(%dma_wait3A_1203 : memref<128xi32, #tpu.memory_space<hbm>>) dst(%dma_wait3A_1198 : memref<128xi32, #tpu.memory_space<vmem>>)
        %dma_start3A_1204 = arith.constant 0 : i32
        %dma_start3A_1205 = arith.constant 0 : i32
        %dma_start3A_1206 = tpu.memref_slice %arg7[%dma_start3A_1204, %dma_start3A_1205] : memref<6x128xi32, #tpu.memory_space<vmem>> -> memref<1x128xi32, #tpu.memory_space<vmem>>
        %dma_start3A_1207 = tpu.memref_squeeze %dma_start3A_1206 : memref<1x128xi32, #tpu.memory_space<vmem>> -> memref<128xi32, #tpu.memory_space<vmem>>
        %dma_start3A_1208 = arith.constant 0 : i32
        %dma_start3A_1209 = arith.constant 0 : i32
        %dma_start3A_1210 = tpu.memref_slice %arg2[%arg0, %dma_start3A_1208, %dma_start3A_1209] : memref<2x10240x96xbf16, #tpu.memory_space<hbm>> -> memref<1x10240x96xbf16, #tpu.memory_space<hbm>>
        %dma_start3A_1211 = tpu.memref_squeeze %dma_start3A_1210 : memref<1x10240x96xbf16, #tpu.memory_space<hbm>> -> memref<10240x96xbf16, #tpu.memory_space<hbm>>
        %dma_start3A_1212 = arith.constant 0 : i32
        %dma_start3A_1213 = arith.constant 0 : i32
        %dma_start3A_1214 = tpu.memref_slice %dma_start3A_1211[%dma_start3A_1212, %dma_start3A_1213] : memref<10240x96xbf16, #tpu.memory_space<hbm>> -> memref<10240x96xbf16, #tpu.memory_space<hbm>>
        tpu.enqueue_indirect_dma source(%dma_start3A_1214 : memref<10240x96xbf16, #tpu.memory_space<hbm>>) target(%arg10 : memref<128x96xbf16, #tpu.memory_space<vmem>>) offsets(%dma_start3A_1207 : memref<128xi32, #tpu.memory_space<vmem>>) semaphore(%arg24 : memref<!tpu.dma_semaphore, #tpu.memory_space<semaphore_mem>>)
        %dma_start3A_1215 = arith.constant 0 : i32
        %dma_start3A_1216 = arith.constant 0 : i32
        %dma_start3A_1217 = tpu.memref_slice %arg8[%dma_start3A_1215, %dma_start3A_1216] : memref<6x128xi32, #tpu.memory_space<vmem>> -> memref<1x128xi32, #tpu.memory_space<vmem>>
        %dma_start3A_1218 = tpu.memref_squeeze %dma_start3A_1217 : memref<1x128xi32, #tpu.memory_space<vmem>> -> memref<128xi32, #tpu.memory_space<vmem>>
        %dma_start3A_1219 = arith.constant 0 : i32
        %dma_start3A_1220 = arith.constant 0 : i32
        %dma_start3A_1221 = tpu.memref_slice %arg3[%arg0, %dma_start3A_1219, %dma_start3A_1220] : memref<2x10240x16xf32, #tpu.memory_space<hbm>> -> memref<1x10240x16xf32, #tpu.memory_space<hbm>>
        %dma_start3A_1222 = tpu.memref_squeeze %dma_start3A_1221 : memref<1x10240x16xf32, #tpu.memory_space<hbm>> -> memref<10240x16xf32, #tpu.memory_space<hbm>>
        %dma_start3A_1223 = arith.constant 0 : i32
        %dma_start3A_1224 = arith.constant 0 : i32
        %dma_start3A_1225 = tpu.memref_slice %dma_start3A_1222[%dma_start3A_1223, %dma_start3A_1224] : memref<10240x16xf32, #tpu.memory_space<hbm>> -> memref<10240x16xf32, #tpu.memory_space<hbm>>
        tpu.enqueue_indirect_dma source(%dma_start3A_1225 : memref<10240x16xf32, #tpu.memory_space<hbm>>) target(%arg16 : memref<128x16xf32, #tpu.memory_space<vmem>>) offsets(%dma_start3A_1218 : memref<128xi32, #tpu.memory_space<vmem>>) semaphore(%arg24 : memref<!tpu.dma_semaphore, #tpu.memory_space<semaphore_mem>>)
      } else {
      }
      %add3A_806 = arith.constant 6 : i32
      %add3A_807 = arith.addi %add3A_697, %add3A_806 : i32
      %lt3A_808 = arith.constant 162 : i32
      %lt3A_809 = arith.cmpi slt, %add3A_807, %lt3A_808 : i32
      %convert_element_type3A_810 = arith.extui %lt3A_809 : i1 to i32
      %cond3A_811 = arith.constant 0 : i32
      %cond3A_812 = arith.cmpi ne, %convert_element_type3A_810, %cond3A_811 : i32
      scf.if %cond3A_812 {
        %add3A_1170 = arith.constant 6 : i32
        %add3A_1171 = arith.addi %add3A_697, %add3A_1170 : i32
        %mul3A_1172 = arith.constant 128 : i32
        %mul3A_1173 = arith.muli %add3A_1171, %mul3A_1172 : i32
        %dma_start3A_1174 = arith.constant 2 : i32
        %dma_start3A_1175 = arith.constant 0 : i32
        %dma_start3A_1176 = tpu.memref_slice %arg7[%dma_start3A_1174, %dma_start3A_1175] : memref<6x128xi32, #tpu.memory_space<vmem>> -> memref<1x128xi32, #tpu.memory_space<vmem>>
        %dma_start3A_1177 = tpu.memref_squeeze %dma_start3A_1176 : memref<1x128xi32, #tpu.memory_space<vmem>> -> memref<128xi32, #tpu.memory_space<vmem>>
        %dma_start3A_1178 = arith.constant 0 : i32
        %dma_start3A_1179 = tpu.memref_slice %arg4[%arg1, %dma_start3A_1178] : memref<16x20736xi32, #tpu.memory_space<hbm>> -> memref<1x20736xi32, #tpu.memory_space<hbm>>
        %dma_start3A_1180 = tpu.memref_squeeze %dma_start3A_1179 : memref<1x20736xi32, #tpu.memory_space<hbm>> -> memref<20736xi32, #tpu.memory_space<hbm>>
        %dma_start3A_1181 = tpu.memref_slice %dma_start3A_1180[%mul3A_1173] : memref<20736xi32, #tpu.memory_space<hbm>> -> memref<128xi32, #tpu.memory_space<hbm>>
        %dma_start3A_1182 = arith.constant 0 : i32
        %dma_start3A_1183 = tpu.memref_slice %arg7[%dma_start3A_1174, %dma_start3A_1182] : memref<6x128xi32, #tpu.memory_space<vmem>> -> memref<1x128xi32, #tpu.memory_space<vmem>>
        %dma_start3A_1184 = tpu.memref_squeeze %dma_start3A_1183 : memref<1x128xi32, #tpu.memory_space<vmem>> -> memref<128xi32, #tpu.memory_space<vmem>>
        %dma_start3A_1185 = arith.constant 0 : i32
        %dma_start3A_1186 = tpu.memref_slice %arg4[%arg1, %dma_start3A_1185] : memref<16x20736xi32, #tpu.memory_space<hbm>> -> memref<1x20736xi32, #tpu.memory_space<hbm>>
        %dma_start3A_1187 = tpu.memref_squeeze %dma_start3A_1186 : memref<1x20736xi32, #tpu.memory_space<hbm>> -> memref<20736xi32, #tpu.memory_space<hbm>>
        %dma_start3A_1188 = tpu.memref_slice %dma_start3A_1187[%mul3A_1173] : memref<20736xi32, #tpu.memory_space<hbm>> -> memref<128xi32, #tpu.memory_space<hbm>>
        tpu.enqueue_dma source(%dma_start3A_1188 : memref<128xi32, #tpu.memory_space<hbm>>) target(%dma_start3A_1184 : memref<128xi32, #tpu.memory_space<vmem>>) target_semaphore(%arg34 : memref<!tpu.dma_semaphore, #tpu.memory_space<semaphore_mem>>)
        %mul3A_1189 = arith.constant 128 : i32
        %mul3A_1190 = arith.muli %add3A_1171, %mul3A_1189 : i32
        %dma_start3A_1191 = arith.constant 2 : i32
        %dma_start3A_1192 = arith.constant 0 : i32
        %dma_start3A_1193 = tpu.memref_slice %arg8[%dma_start3A_1191, %dma_start3A_1192] : memref<6x128xi32, #tpu.memory_space<vmem>> -> memref<1x128xi32, #tpu.memory_space<vmem>>
        %dma_start3A_1194 = tpu.memref_squeeze %dma_start3A_1193 : memref<1x128xi32, #tpu.memory_space<vmem>> -> memref<128xi32, #tpu.memory_space<vmem>>
        %dma_start3A_1195 = arith.constant 0 : i32
        %dma_start3A_1196 = tpu.memref_slice %arg5[%arg1, %dma_start3A_1195] : memref<16x20736xi32, #tpu.memory_space<hbm>> -> memref<1x20736xi32, #tpu.memory_space<hbm>>
        %dma_start3A_1197 = tpu.memref_squeeze %dma_start3A_1196 : memref<1x20736xi32, #tpu.memory_space<hbm>> -> memref<20736xi32, #tpu.memory_space<hbm>>
        %dma_start3A_1198 = tpu.memref_slice %dma_start3A_1197[%mul3A_1190] : memref<20736xi32, #tpu.memory_space<hbm>> -> memref<128xi32, #tpu.memory_space<hbm>>
        %dma_start3A_1199 = arith.constant 0 : i32
        %dma_start3A_1200 = tpu.memref_slice %arg8[%dma_start3A_1191, %dma_start3A_1199] : memref<6x128xi32, #tpu.memory_space<vmem>> -> memref<1x128xi32, #tpu.memory_space<vmem>>
        %dma_start3A_1201 = tpu.memref_squeeze %dma_start3A_1200 : memref<1x128xi32, #tpu.memory_space<vmem>> -> memref<128xi32, #tpu.memory_space<vmem>>
        %dma_start3A_1202 = arith.constant 0 : i32
        %dma_start3A_1203 = tpu.memref_slice %arg5[%arg1, %dma_start3A_1202] : memref<16x20736xi32, #tpu.memory_space<hbm>> -> memref<1x20736xi32, #tpu.memory_space<hbm>>
        %dma_start3A_1204 = tpu.memref_squeeze %dma_start3A_1203 : memref<1x20736xi32, #tpu.memory_space<hbm>> -> memref<20736xi32, #tpu.memory_space<hbm>>
        %dma_start3A_1205 = tpu.memref_slice %dma_start3A_1204[%mul3A_1190] : memref<20736xi32, #tpu.memory_space<hbm>> -> memref<128xi32, #tpu.memory_space<hbm>>
        tpu.enqueue_dma source(%dma_start3A_1205 : memref<128xi32, #tpu.memory_space<hbm>>) target(%dma_start3A_1201 : memref<128xi32, #tpu.memory_space<vmem>>) target_semaphore(%arg34 : memref<!tpu.dma_semaphore, #tpu.memory_space<semaphore_mem>>)
      } else {
      }
      %mul3A_813 = arith.constant 6 : i32
      %mul3A_814 = arith.muli %add3A_462, %mul3A_813 : i32
      %add3A_815 = arith.constant 3 : i32
      %add3A_816 = arith.addi %mul3A_814, %add3A_815 : i32
      %dma_wait3A_817 = arith.constant 0 : i32
      %dma_wait3A_818 = arith.constant 0 : i32
      %dma_wait3A_819 = tpu.memref_slice %arg7[%dma_wait3A_817, %dma_wait3A_818] : memref<6x128xi32, #tpu.memory_space<vmem>> -> memref<1x128xi32, #tpu.memory_space<vmem>>
      %dma_wait3A_820 = tpu.memref_squeeze %dma_wait3A_819 : memref<1x128xi32, #tpu.memory_space<vmem>> -> memref<128xi32, #tpu.memory_space<vmem>>
      %dma_wait3A_821 = arith.constant 0 : i32
      %dma_wait3A_822 = arith.constant 0 : i32
      %dma_wait3A_823 = tpu.memref_slice %arg2[%arg0, %dma_wait3A_821, %dma_wait3A_822] : memref<2x10240x96xbf16, #tpu.memory_space<hbm>> -> memref<1x10240x96xbf16, #tpu.memory_space<hbm>>
      %dma_wait3A_824 = tpu.memref_squeeze %dma_wait3A_823 : memref<1x10240x96xbf16, #tpu.memory_space<hbm>> -> memref<10240x96xbf16, #tpu.memory_space<hbm>>
      %dma_wait3A_825 = arith.constant 0 : i32
      %dma_wait3A_826 = arith.constant 0 : i32
      %dma_wait3A_827 = tpu.memref_slice %dma_wait3A_824[%dma_wait3A_825, %dma_wait3A_826] : memref<10240x96xbf16, #tpu.memory_space<hbm>> -> memref<10240x96xbf16, #tpu.memory_space<hbm>>
      tpu.wait_indirect_dma semaphore(%arg27 : memref<!tpu.dma_semaphore, #tpu.memory_space<semaphore_mem>>) src(%dma_wait3A_827 : memref<10240x96xbf16, #tpu.memory_space<hbm>>) dst(%arg13 : memref<128x96xbf16, #tpu.memory_space<vmem>>)
      %dma_wait3A_828 = arith.constant 0 : i32
      %dma_wait3A_829 = arith.constant 0 : i32
      %dma_wait3A_830 = tpu.memref_slice %arg8[%dma_wait3A_828, %dma_wait3A_829] : memref<6x128xi32, #tpu.memory_space<vmem>> -> memref<1x128xi32, #tpu.memory_space<vmem>>
      %dma_wait3A_831 = tpu.memref_squeeze %dma_wait3A_830 : memref<1x128xi32, #tpu.memory_space<vmem>> -> memref<128xi32, #tpu.memory_space<vmem>>
      %dma_wait3A_832 = arith.constant 0 : i32
      %dma_wait3A_833 = arith.constant 0 : i32
      %dma_wait3A_834 = tpu.memref_slice %arg3[%arg0, %dma_wait3A_832, %dma_wait3A_833] : memref<2x10240x16xf32, #tpu.memory_space<hbm>> -> memref<1x10240x16xf32, #tpu.memory_space<hbm>>
      %dma_wait3A_835 = tpu.memref_squeeze %dma_wait3A_834 : memref<1x10240x16xf32, #tpu.memory_space<hbm>> -> memref<10240x16xf32, #tpu.memory_space<hbm>>
      %dma_wait3A_836 = arith.constant 0 : i32
      %dma_wait3A_837 = arith.constant 0 : i32
      %dma_wait3A_838 = tpu.memref_slice %dma_wait3A_835[%dma_wait3A_836, %dma_wait3A_837] : memref<10240x16xf32, #tpu.memory_space<hbm>> -> memref<10240x16xf32, #tpu.memory_space<hbm>>
      tpu.wait_indirect_dma semaphore(%arg27 : memref<!tpu.dma_semaphore, #tpu.memory_space<semaphore_mem>>) src(%dma_wait3A_838 : memref<10240x16xf32, #tpu.memory_space<hbm>>) dst(%arg19 : memref<128x16xf32, #tpu.memory_space<vmem>>)
      %ge3A_839 = arith.constant 2 : i32
      %ge3A_840 = arith.cmpi sge, %add3A_816, %ge3A_839 : i32
      %convert_element_type3A_841 = arith.extui %ge3A_840 : i1 to i32
      %cond3A_842 = arith.constant 0 : i32
      %cond3A_843 = arith.cmpi ne, %convert_element_type3A_841, %cond3A_842 : i32
      scf.if %cond3A_843 {
        %dma_wait3A_1170 = arith.constant 0 : i32
        %dma_wait3A_1171 = arith.constant 0 : i32
        %dma_wait3A_1172 = tpu.memref_slice %arg9[%dma_wait3A_1170, %dma_wait3A_1171] : memref<3x128xi32, #tpu.memory_space<vmem>> -> memref<1x128xi32, #tpu.memory_space<vmem>>
        %dma_wait3A_1173 = tpu.memref_squeeze %dma_wait3A_1172 : memref<1x128xi32, #tpu.memory_space<vmem>> -> memref<128xi32, #tpu.memory_space<vmem>>
        %dma_wait3A_1174 = arith.constant 0 : i32
        %dma_wait3A_1175 = arith.constant 0 : i32
        %dma_wait3A_1176 = tpu.memref_slice %arg38[%dma_wait3A_1174, %dma_wait3A_1175] : memref<10240x80xf32, #tpu.memory_space<vmem_shared>> -> memref<10240x80xf32, #tpu.memory_space<vmem_shared>>
        tpu.wait_indirect_dma semaphore(%arg31 : memref<!tpu.dma_semaphore, #tpu.memory_space<semaphore_mem>>) src(%arg23 : memref<128x80xf32, #tpu.memory_space<vmem>>) dst(%dma_wait3A_1176 : memref<10240x80xf32, #tpu.memory_space<vmem_shared>>)
      } else {
      }
      %parallel_loop3A_844 = arith.constant 0 : i32
      %parallel_loop3A_845 = arith.constant 128 : i32
      %parallel_loop3A_846 = arith.constant 1 : i32
      scf.for %parallel_loop3A_1170 = %parallel_loop3A_844 to %parallel_loop3A_845 step %parallel_loop3A_846  : i32 {
        %parallel_loop3A_1171 = arith.index_cast %parallel_loop3A_1170 : i32 to index
        %parallel_loop3A_1172 = arith.constant 64 : index
        %parallel_loop3A_1173 = tpu.vector_load %arg13[%parallel_loop3A_1171, %parallel_loop3A_1172] {strides = array<i32>} : memref<128x96xbf16, #tpu.memory_space<vmem>>, vector<32xbf16>,
        %parallel_loop3A_1174 = tpu.unpack_subelements %parallel_loop3A_1173, 0 {pack_format = #tpu.pack_format<interleaved>} : vector<32xbf16> -> vector<16xf32>
        %parallel_loop3A_1175 = tpu.unpack_subelements %parallel_loop3A_1173, 1 {pack_format = #tpu.pack_format<interleaved>} : vector<32xbf16> -> vector<16xf32>
        %parallel_loop3A_1176 = arith.index_cast %parallel_loop3A_1170 : i32 to index
        %parallel_loop3A_1177 = arith.constant 0 : index
        %parallel_loop3A_1178 = tpu.vector_load %arg19[%parallel_loop3A_1176, %parallel_loop3A_1177] {strides = array<i32>} : memref<128x16xf32, #tpu.memory_space<vmem>>, vector<16xf32>,
        %parallel_loop3A_1179 = arith.addf %parallel_loop3A_1174, %parallel_loop3A_1178 : vector<16xf32>
        %parallel_loop3A_1180 = arith.constant 0.000000e+00 : f32
        %parallel_loop3A_1181 = vector.broadcast %parallel_loop3A_1180 : f32 to vector<16xf32>
        %parallel_loop3A_1182 = arith.cmpf ogt, %parallel_loop3A_1179, %parallel_loop3A_1181 : vector<16xf32>
        %parallel_loop3A_1183 = arith.constant 2.000000e-01 : f32
        %parallel_loop3A_1184 = vector.broadcast %parallel_loop3A_1183 : f32 to vector<16xf32>
        %parallel_loop3A_1185 = arith.mulf %parallel_loop3A_1179, %parallel_loop3A_1184 : vector<16xf32>
        %parallel_loop3A_1186 = arith.select %parallel_loop3A_1182, %parallel_loop3A_1179, %parallel_loop3A_1185 : vector<16xi1>, vector<16xf32>
        %parallel_loop3A_1187 = math.exp %parallel_loop3A_1186 : vector<16xf32>
        %parallel_loop3A_1188 = arith.index_cast %parallel_loop3A_1170 : i32 to index
        %parallel_loop3A_1189 = arith.constant 64 : index
        %parallel_loop3A_1190 = tpu.vector_load %arg23[%parallel_loop3A_1188, %parallel_loop3A_1189] {strides = array<i32>} : memref<128x80xf32, #tpu.memory_space<vmem>>, vector<16xf32>,
        tpu.vector_store %arg23[%parallel_loop3A_1188, %parallel_loop3A_1189], %parallel_loop3A_1187 {strides = array<i32>} : memref<128x80xf32, #tpu.memory_space<vmem>>, vector<16xf32>,
        %parallel_loop3A_1191 = arith.index_cast %parallel_loop3A_1170 : i32 to index
        %parallel_loop3A_1192 = arith.constant 0 : index
        %parallel_loop3A_1193 = tpu.vector_load %arg13[%parallel_loop3A_1191, %parallel_loop3A_1192] {strides = array<i32>} : memref<128x96xbf16, #tpu.memory_space<vmem>>, vector<32xbf16>,
        %parallel_loop3A_1194 = tpu.unpack_subelements %parallel_loop3A_1193, 0 {pack_format = #tpu.pack_format<interleaved>} : vector<32xbf16> -> vector<16xf32>
        %parallel_loop3A_1195 = tpu.unpack_subelements %parallel_loop3A_1193, 1 {pack_format = #tpu.pack_format<interleaved>} : vector<32xbf16> -> vector<16xf32>
        %parallel_loop3A_1196 = vector.extract_strided_slice %parallel_loop3A_1187 {offsets = [0], sizes = [1], strides = [1]} : vector<16xf32> to vector<1xf32>
        %parallel_loop3A_1197 = vector.extract %parallel_loop3A_1196[0] : f32 from vector<1xf32>
        %parallel_loop3A_1198 = vector.broadcast %parallel_loop3A_1197 : f32 to vector<16xf32>
        %parallel_loop3A_1199 = arith.mulf %parallel_loop3A_1194, %parallel_loop3A_1198 : vector<16xf32>
        %parallel_loop3A_1200 = arith.index_cast %parallel_loop3A_1170 : i32 to index
        %parallel_loop3A_1201 = arith.constant 0 : index
        %parallel_loop3A_1202 = tpu.vector_load %arg23[%parallel_loop3A_1200, %parallel_loop3A_1201] {strides = array<i32>} : memref<128x80xf32, #tpu.memory_space<vmem>>, vector<16xf32>,
        tpu.vector_store %arg23[%parallel_loop3A_1200, %parallel_loop3A_1201], %parallel_loop3A_1199 {strides = array<i32>} : memref<128x80xf32, #tpu.memory_space<vmem>>, vector<16xf32>,
        %parallel_loop3A_1203 = vector.extract_strided_slice %parallel_loop3A_1187 {offsets = [1], sizes = [1], strides = [1]} : vector<16xf32> to vector<1xf32>
        %parallel_loop3A_1204 = vector.extract %parallel_loop3A_1203[0] : f32 from vector<1xf32>
        %parallel_loop3A_1205 = vector.broadcast %parallel_loop3A_1204 : f32 to vector<16xf32>
        %parallel_loop3A_1206 = arith.mulf %parallel_loop3A_1195, %parallel_loop3A_1205 : vector<16xf32>
        %parallel_loop3A_1207 = arith.index_cast %parallel_loop3A_1170 : i32 to index
        %parallel_loop3A_1208 = arith.constant 16 : index
        %parallel_loop3A_1209 = tpu.vector_load %arg23[%parallel_loop3A_1207, %parallel_loop3A_1208] {strides = array<i32>} : memref<128x80xf32, #tpu.memory_space<vmem>>, vector<16xf32>,
        tpu.vector_store %arg23[%parallel_loop3A_1207, %parallel_loop3A_1208], %parallel_loop3A_1206 {strides = array<i32>} : memref<128x80xf32, #tpu.memory_space<vmem>>, vector<16xf32>,
        %parallel_loop3A_1210 = arith.index_cast %parallel_loop3A_1170 : i32 to index
        %parallel_loop3A_1211 = arith.constant 32 : index
        %parallel_loop3A_1212 = tpu.vector_load %arg13[%parallel_loop3A_1210, %parallel_loop3A_1211] {strides = array<i32>} : memref<128x96xbf16, #tpu.memory_space<vmem>>, vector<32xbf16>,
        %parallel_loop3A_1213 = tpu.unpack_subelements %parallel_loop3A_1212, 0 {pack_format = #tpu.pack_format<interleaved>} : vector<32xbf16> -> vector<16xf32>
        %parallel_loop3A_1214 = tpu.unpack_subelements %parallel_loop3A_1212, 1 {pack_format = #tpu.pack_format<interleaved>} : vector<32xbf16> -> vector<16xf32>
        %parallel_loop3A_1215 = vector.extract_strided_slice %parallel_loop3A_1187 {offsets = [2], sizes = [1], strides = [1]} : vector<16xf32> to vector<1xf32>
        %parallel_loop3A_1216 = vector.extract %parallel_loop3A_1215[0] : f32 from vector<1xf32>
        %parallel_loop3A_1217 = vector.broadcast %parallel_loop3A_1216 : f32 to vector<16xf32>
        %parallel_loop3A_1218 = arith.mulf %parallel_loop3A_1213, %parallel_loop3A_1217 : vector<16xf32>
        %parallel_loop3A_1219 = arith.index_cast %parallel_loop3A_1170 : i32 to index
        %parallel_loop3A_1220 = arith.constant 32 : index
        %parallel_loop3A_1221 = tpu.vector_load %arg23[%parallel_loop3A_1219, %parallel_loop3A_1220] {strides = array<i32>} : memref<128x80xf32, #tpu.memory_space<vmem>>, vector<16xf32>,
        tpu.vector_store %arg23[%parallel_loop3A_1219, %parallel_loop3A_1220], %parallel_loop3A_1218 {strides = array<i32>} : memref<128x80xf32, #tpu.memory_space<vmem>>, vector<16xf32>,
        %parallel_loop3A_1222 = vector.extract_strided_slice %parallel_loop3A_1187 {offsets = [3], sizes = [1], strides = [1]} : vector<16xf32> to vector<1xf32>
        %parallel_loop3A_1223 = vector.extract %parallel_loop3A_1222[0] : f32 from vector<1xf32>
        %parallel_loop3A_1224 = vector.broadcast %parallel_loop3A_1223 : f32 to vector<16xf32>
        %parallel_loop3A_1225 = arith.mulf %parallel_loop3A_1214, %parallel_loop3A_1224 : vector<16xf32>
        %parallel_loop3A_1226 = arith.index_cast %parallel_loop3A_1170 : i32 to index
        %parallel_loop3A_1227 = arith.constant 48 : index
        %parallel_loop3A_1228 = tpu.vector_load %arg23[%parallel_loop3A_1226, %parallel_loop3A_1227] {strides = array<i32>} : memref<128x80xf32, #tpu.memory_space<vmem>>, vector<16xf32>,
        tpu.vector_store %arg23[%parallel_loop3A_1226, %parallel_loop3A_1227], %parallel_loop3A_1225 {strides = array<i32>} : memref<128x80xf32, #tpu.memory_space<vmem>>, vector<16xf32>,
      } {sc.loop_unroll_factor = 8 : i64, sc.parallel_access}
      %get3A_847 = arith.constant 3 : i32
      %get3A_848 = arith.index_cast %get3A_847 : i32 to index
      %get3A_849 = arith.constant 0 : index
      %get3A_850 = tpu.vector_load %arg8[%get3A_848, %get3A_849] {strides = array<i32>} : memref<6x128xi32, #tpu.memory_space<vmem>>, vector<16xi32>,
      %swap3A_851 = arith.constant 0 : i32
      %swap3A_852 = arith.index_cast %swap3A_851 : i32 to index
      %swap3A_853 = arith.constant 0 : index
      %swap3A_854 = tpu.vector_load %arg9[%swap3A_852, %swap3A_853] {strides = array<i32>} : memref<3x128xi32, #tpu.memory_space<vmem>>, vector<16xi32>,
      tpu.vector_store %arg9[%swap3A_852, %swap3A_853], %get3A_850 {strides = array<i32>} : memref<3x128xi32, #tpu.memory_space<vmem>>, vector<16xi32>,
      %get3A_855 = arith.constant 3 : i32
      %get3A_856 = arith.index_cast %get3A_855 : i32 to index
      %get3A_857 = arith.constant 16 : index
      %get3A_858 = tpu.vector_load %arg8[%get3A_856, %get3A_857] {strides = array<i32>} : memref<6x128xi32, #tpu.memory_space<vmem>>, vector<16xi32>,
      %swap3A_859 = arith.constant 0 : i32
      %swap3A_860 = arith.index_cast %swap3A_859 : i32 to index
      %swap3A_861 = arith.constant 16 : index
      %swap3A_862 = tpu.vector_load %arg9[%swap3A_860, %swap3A_861] {strides = array<i32>} : memref<3x128xi32, #tpu.memory_space<vmem>>, vector<16xi32>,
      tpu.vector_store %arg9[%swap3A_860, %swap3A_861], %get3A_858 {strides = array<i32>} : memref<3x128xi32, #tpu.memory_space<vmem>>, vector<16xi32>,
      %get3A_863 = arith.constant 3 : i32
      %get3A_864 = arith.index_cast %get3A_863 : i32 to index
      %get3A_865 = arith.constant 32 : index
      %get3A_866 = tpu.vector_load %arg8[%get3A_864, %get3A_865] {strides = array<i32>} : memref<6x128xi32, #tpu.memory_space<vmem>>, vector<16xi32>,
      %swap3A_867 = arith.constant 0 : i32
      %swap3A_868 = arith.index_cast %swap3A_867 : i32 to index
      %swap3A_869 = arith.constant 32 : index
      %swap3A_870 = tpu.vector_load %arg9[%swap3A_868, %swap3A_869] {strides = array<i32>} : memref<3x128xi32, #tpu.memory_space<vmem>>, vector<16xi32>,
      tpu.vector_store %arg9[%swap3A_868, %swap3A_869], %get3A_866 {strides = array<i32>} : memref<3x128xi32, #tpu.memory_space<vmem>>, vector<16xi32>,
      %get3A_871 = arith.constant 3 : i32
      %get3A_872 = arith.index_cast %get3A_871 : i32 to index
      %get3A_873 = arith.constant 48 : index
      %get3A_874 = tpu.vector_load %arg8[%get3A_872, %get3A_873] {strides = array<i32>} : memref<6x128xi32, #tpu.memory_space<vmem>>, vector<16xi32>,
      %swap3A_875 = arith.constant 0 : i32
      %swap3A_876 = arith.index_cast %swap3A_875 : i32 to index
      %swap3A_877 = arith.constant 48 : index
      %swap3A_878 = tpu.vector_load %arg9[%swap3A_876, %swap3A_877] {strides = array<i32>} : memref<3x128xi32, #tpu.memory_space<vmem>>, vector<16xi32>,
      tpu.vector_store %arg9[%swap3A_876, %swap3A_877], %get3A_874 {strides = array<i32>} : memref<3x128xi32, #tpu.memory_space<vmem>>, vector<16xi32>,
      %get3A_879 = arith.constant 3 : i32
      %get3A_880 = arith.index_cast %get3A_879 : i32 to index
      %get3A_881 = arith.constant 64 : index
      %get3A_882 = tpu.vector_load %arg8[%get3A_880, %get3A_881] {strides = array<i32>} : memref<6x128xi32, #tpu.memory_space<vmem>>, vector<16xi32>,
      %swap3A_883 = arith.constant 0 : i32
      %swap3A_884 = arith.index_cast %swap3A_883 : i32 to index
      %swap3A_885 = arith.constant 64 : index
      %swap3A_886 = tpu.vector_load %arg9[%swap3A_884, %swap3A_885] {strides = array<i32>} : memref<3x128xi32, #tpu.memory_space<vmem>>, vector<16xi32>,
      tpu.vector_store %arg9[%swap3A_884, %swap3A_885], %get3A_882 {strides = array<i32>} : memref<3x128xi32, #tpu.memory_space<vmem>>, vector<16xi32>,
      %get3A_887 = arith.constant 3 : i32
      %get3A_888 = arith.index_cast %get3A_887 : i32 to index
      %get3A_889 = arith.constant 80 : index
      %get3A_890 = tpu.vector_load %arg8[%get3A_888, %get3A_889] {strides = array<i32>} : memref<6x128xi32, #tpu.memory_space<vmem>>, vector<16xi32>,
      %swap3A_891 = arith.constant 0 : i32
      %swap3A_892 = arith.index_cast %swap3A_891 : i32 to index
      %swap3A_893 = arith.constant 80 : index
      %swap3A_894 = tpu.vector_load %arg9[%swap3A_892, %swap3A_893] {strides = array<i32>} : memref<3x128xi32, #tpu.memory_space<vmem>>, vector<16xi32>,
      tpu.vector_store %arg9[%swap3A_892, %swap3A_893], %get3A_890 {strides = array<i32>} : memref<3x128xi32, #tpu.memory_space<vmem>>, vector<16xi32>,
      %get3A_895 = arith.constant 3 : i32
      %get3A_896 = arith.index_cast %get3A_895 : i32 to index
      %get3A_897 = arith.constant 96 : index
      %get3A_898 = tpu.vector_load %arg8[%get3A_896, %get3A_897] {strides = array<i32>} : memref<6x128xi32, #tpu.memory_space<vmem>>, vector<16xi32>,
      %swap3A_899 = arith.constant 0 : i32
      %swap3A_900 = arith.index_cast %swap3A_899 : i32 to index
      %swap3A_901 = arith.constant 96 : index
      %swap3A_902 = tpu.vector_load %arg9[%swap3A_900, %swap3A_901] {strides = array<i32>} : memref<3x128xi32, #tpu.memory_space<vmem>>, vector<16xi32>,
      tpu.vector_store %arg9[%swap3A_900, %swap3A_901], %get3A_898 {strides = array<i32>} : memref<3x128xi32, #tpu.memory_space<vmem>>, vector<16xi32>,
      %get3A_903 = arith.constant 3 : i32
      %get3A_904 = arith.index_cast %get3A_903 : i32 to index
      %get3A_905 = arith.constant 112 : index
      %get3A_906 = tpu.vector_load %arg8[%get3A_904, %get3A_905] {strides = array<i32>} : memref<6x128xi32, #tpu.memory_space<vmem>>, vector<16xi32>,
      %swap3A_907 = arith.constant 0 : i32
      %swap3A_908 = arith.index_cast %swap3A_907 : i32 to index
      %swap3A_909 = arith.constant 112 : index
      %swap3A_910 = tpu.vector_load %arg9[%swap3A_908, %swap3A_909] {strides = array<i32>} : memref<3x128xi32, #tpu.memory_space<vmem>>, vector<16xi32>,
      tpu.vector_store %arg9[%swap3A_908, %swap3A_909], %get3A_906 {strides = array<i32>} : memref<3x128xi32, #tpu.memory_space<vmem>>, vector<16xi32>,
      %dma_start3A_911 = arith.constant 0 : i32
      %dma_start3A_912 = arith.constant 0 : i32
      %dma_start3A_913 = tpu.memref_slice %arg9[%dma_start3A_911, %dma_start3A_912] : memref<3x128xi32, #tpu.memory_space<vmem>> -> memref<1x128xi32, #tpu.memory_space<vmem>>
      %dma_start3A_914 = tpu.memref_squeeze %dma_start3A_913 : memref<1x128xi32, #tpu.memory_space<vmem>> -> memref<128xi32, #tpu.memory_space<vmem>>
      %dma_start3A_915 = arith.constant 0 : i32
      %dma_start3A_916 = arith.constant 0 : i32
      %dma_start3A_917 = tpu.memref_slice %arg38[%dma_start3A_915, %dma_start3A_916] : memref<10240x80xf32, #tpu.memory_space<vmem_shared>> -> memref<10240x80xf32, #tpu.memory_space<vmem_shared>>
      tpu.enqueue_indirect_dma source(%arg23 : memref<128x80xf32, #tpu.memory_space<vmem>>) target(%dma_start3A_917 : memref<10240x80xf32, #tpu.memory_space<vmem_shared>>) offsets(%dma_start3A_914 : memref<128xi32, #tpu.memory_space<vmem>>) semaphore(%arg31 : memref<!tpu.dma_semaphore, #tpu.memory_space<semaphore_mem>>) {add = true}
      %add3A_918 = arith.constant 4 : i32
      %add3A_919 = arith.addi %add3A_816, %add3A_918 : i32
      %lt3A_920 = arith.constant 162 : i32
      %lt3A_921 = arith.cmpi slt, %add3A_919, %lt3A_920 : i32
      %convert_element_type3A_922 = arith.extui %lt3A_921 : i1 to i32
      %cond3A_923 = arith.constant 0 : i32
      %cond3A_924 = arith.cmpi ne, %convert_element_type3A_922, %cond3A_923 : i32
      scf.if %cond3A_924 {
        %dma_wait3A_1170 = arith.constant 1 : i32
        %dma_wait3A_1171 = arith.constant 0 : i32
        %dma_wait3A_1172 = tpu.memref_slice %arg7[%dma_wait3A_1170, %dma_wait3A_1171] : memref<6x128xi32, #tpu.memory_space<vmem>> -> memref<1x128xi32, #tpu.memory_space<vmem>>
        %dma_wait3A_1173 = tpu.memref_squeeze %dma_wait3A_1172 : memref<1x128xi32, #tpu.memory_space<vmem>> -> memref<128xi32, #tpu.memory_space<vmem>>
        %dma_wait3A_1174 = arith.constant 0 : i32
        %dma_wait3A_1175 = tpu.memref_slice %arg4[%arg1, %dma_wait3A_1174] : memref<16x20736xi32, #tpu.memory_space<hbm>> -> memref<1x20736xi32, #tpu.memory_space<hbm>>
        %dma_wait3A_1176 = tpu.memref_squeeze %dma_wait3A_1175 : memref<1x20736xi32, #tpu.memory_space<hbm>> -> memref<20736xi32, #tpu.memory_space<hbm>>
        %dma_wait3A_1177 = arith.constant 0 : i32
        %dma_wait3A_1178 = tpu.memref_slice %dma_wait3A_1176[%dma_wait3A_1177] : memref<20736xi32, #tpu.memory_space<hbm>> -> memref<128xi32, #tpu.memory_space<hbm>>
        %dma_wait3A_1179 = arith.constant 0 : i32
        %dma_wait3A_1180 = tpu.memref_slice %arg7[%dma_wait3A_1170, %dma_wait3A_1179] : memref<6x128xi32, #tpu.memory_space<vmem>> -> memref<1x128xi32, #tpu.memory_space<vmem>>
        %dma_wait3A_1181 = tpu.memref_squeeze %dma_wait3A_1180 : memref<1x128xi32, #tpu.memory_space<vmem>> -> memref<128xi32, #tpu.memory_space<vmem>>
        %dma_wait3A_1182 = arith.constant 0 : i32
        %dma_wait3A_1183 = tpu.memref_slice %arg4[%arg1, %dma_wait3A_1182] : memref<16x20736xi32, #tpu.memory_space<hbm>> -> memref<1x20736xi32, #tpu.memory_space<hbm>>
        %dma_wait3A_1184 = tpu.memref_squeeze %dma_wait3A_1183 : memref<1x20736xi32, #tpu.memory_space<hbm>> -> memref<20736xi32, #tpu.memory_space<hbm>>
        %dma_wait3A_1185 = arith.constant 0 : i32
        %dma_wait3A_1186 = tpu.memref_slice %dma_wait3A_1184[%dma_wait3A_1185] : memref<20736xi32, #tpu.memory_space<hbm>> -> memref<128xi32, #tpu.memory_space<hbm>>
        tpu.wait_dma2 semaphore(%arg33 : memref<!tpu.dma_semaphore, #tpu.memory_space<semaphore_mem>>) src(%dma_wait3A_1186 : memref<128xi32, #tpu.memory_space<hbm>>) dst(%dma_wait3A_1181 : memref<128xi32, #tpu.memory_space<vmem>>)
        %dma_wait3A_1187 = arith.constant 1 : i32
        %dma_wait3A_1188 = arith.constant 0 : i32
        %dma_wait3A_1189 = tpu.memref_slice %arg8[%dma_wait3A_1187, %dma_wait3A_1188] : memref<6x128xi32, #tpu.memory_space<vmem>> -> memref<1x128xi32, #tpu.memory_space<vmem>>
        %dma_wait3A_1190 = tpu.memref_squeeze %dma_wait3A_1189 : memref<1x128xi32, #tpu.memory_space<vmem>> -> memref<128xi32, #tpu.memory_space<vmem>>
        %dma_wait3A_1191 = arith.constant 0 : i32
        %dma_wait3A_1192 = tpu.memref_slice %arg5[%arg1, %dma_wait3A_1191] : memref<16x20736xi32, #tpu.memory_space<hbm>> -> memref<1x20736xi32, #tpu.memory_space<hbm>>
        %dma_wait3A_1193 = tpu.memref_squeeze %dma_wait3A_1192 : memref<1x20736xi32, #tpu.memory_space<hbm>> -> memref<20736xi32, #tpu.memory_space<hbm>>
        %dma_wait3A_1194 = arith.constant 0 : i32
        %dma_wait3A_1195 = tpu.memref_slice %dma_wait3A_1193[%dma_wait3A_1194] : memref<20736xi32, #tpu.memory_space<hbm>> -> memref<128xi32, #tpu.memory_space<hbm>>
        %dma_wait3A_1196 = arith.constant 0 : i32
        %dma_wait3A_1197 = tpu.memref_slice %arg8[%dma_wait3A_1187, %dma_wait3A_1196] : memref<6x128xi32, #tpu.memory_space<vmem>> -> memref<1x128xi32, #tpu.memory_space<vmem>>
        %dma_wait3A_1198 = tpu.memref_squeeze %dma_wait3A_1197 : memref<1x128xi32, #tpu.memory_space<vmem>> -> memref<128xi32, #tpu.memory_space<vmem>>
        %dma_wait3A_1199 = arith.constant 0 : i32
        %dma_wait3A_1200 = tpu.memref_slice %arg5[%arg1, %dma_wait3A_1199] : memref<16x20736xi32, #tpu.memory_space<hbm>> -> memref<1x20736xi32, #tpu.memory_space<hbm>>
        %dma_wait3A_1201 = tpu.memref_squeeze %dma_wait3A_1200 : memref<1x20736xi32, #tpu.memory_space<hbm>> -> memref<20736xi32, #tpu.memory_space<hbm>>
        %dma_wait3A_1202 = arith.constant 0 : i32
        %dma_wait3A_1203 = tpu.memref_slice %dma_wait3A_1201[%dma_wait3A_1202] : memref<20736xi32, #tpu.memory_space<hbm>> -> memref<128xi32, #tpu.memory_space<hbm>>
        tpu.wait_dma2 semaphore(%arg33 : memref<!tpu.dma_semaphore, #tpu.memory_space<semaphore_mem>>) src(%dma_wait3A_1203 : memref<128xi32, #tpu.memory_space<hbm>>) dst(%dma_wait3A_1198 : memref<128xi32, #tpu.memory_space<vmem>>)
        %dma_start3A_1204 = arith.constant 1 : i32
        %dma_start3A_1205 = arith.constant 0 : i32
        %dma_start3A_1206 = tpu.memref_slice %arg7[%dma_start3A_1204, %dma_start3A_1205] : memref<6x128xi32, #tpu.memory_space<vmem>> -> memref<1x128xi32, #tpu.memory_space<vmem>>
        %dma_start3A_1207 = tpu.memref_squeeze %dma_start3A_1206 : memref<1x128xi32, #tpu.memory_space<vmem>> -> memref<128xi32, #tpu.memory_space<vmem>>
        %dma_start3A_1208 = arith.constant 0 : i32
        %dma_start3A_1209 = arith.constant 0 : i32
        %dma_start3A_1210 = tpu.memref_slice %arg2[%arg0, %dma_start3A_1208, %dma_start3A_1209] : memref<2x10240x96xbf16, #tpu.memory_space<hbm>> -> memref<1x10240x96xbf16, #tpu.memory_space<hbm>>
        %dma_start3A_1211 = tpu.memref_squeeze %dma_start3A_1210 : memref<1x10240x96xbf16, #tpu.memory_space<hbm>> -> memref<10240x96xbf16, #tpu.memory_space<hbm>>
        %dma_start3A_1212 = arith.constant 0 : i32
        %dma_start3A_1213 = arith.constant 0 : i32
        %dma_start3A_1214 = tpu.memref_slice %dma_start3A_1211[%dma_start3A_1212, %dma_start3A_1213] : memref<10240x96xbf16, #tpu.memory_space<hbm>> -> memref<10240x96xbf16, #tpu.memory_space<hbm>>
        tpu.enqueue_indirect_dma source(%dma_start3A_1214 : memref<10240x96xbf16, #tpu.memory_space<hbm>>) target(%arg11 : memref<128x96xbf16, #tpu.memory_space<vmem>>) offsets(%dma_start3A_1207 : memref<128xi32, #tpu.memory_space<vmem>>) semaphore(%arg25 : memref<!tpu.dma_semaphore, #tpu.memory_space<semaphore_mem>>)
        %dma_start3A_1215 = arith.constant 1 : i32
        %dma_start3A_1216 = arith.constant 0 : i32
        %dma_start3A_1217 = tpu.memref_slice %arg8[%dma_start3A_1215, %dma_start3A_1216] : memref<6x128xi32, #tpu.memory_space<vmem>> -> memref<1x128xi32, #tpu.memory_space<vmem>>
        %dma_start3A_1218 = tpu.memref_squeeze %dma_start3A_1217 : memref<1x128xi32, #tpu.memory_space<vmem>> -> memref<128xi32, #tpu.memory_space<vmem>>
        %dma_start3A_1219 = arith.constant 0 : i32
        %dma_start3A_1220 = arith.constant 0 : i32
        %dma_start3A_1221 = tpu.memref_slice %arg3[%arg0, %dma_start3A_1219, %dma_start3A_1220] : memref<2x10240x16xf32, #tpu.memory_space<hbm>> -> memref<1x10240x16xf32, #tpu.memory_space<hbm>>
        %dma_start3A_1222 = tpu.memref_squeeze %dma_start3A_1221 : memref<1x10240x16xf32, #tpu.memory_space<hbm>> -> memref<10240x16xf32, #tpu.memory_space<hbm>>
        %dma_start3A_1223 = arith.constant 0 : i32
        %dma_start3A_1224 = arith.constant 0 : i32
        %dma_start3A_1225 = tpu.memref_slice %dma_start3A_1222[%dma_start3A_1223, %dma_start3A_1224] : memref<10240x16xf32, #tpu.memory_space<hbm>> -> memref<10240x16xf32, #tpu.memory_space<hbm>>
        tpu.enqueue_indirect_dma source(%dma_start3A_1225 : memref<10240x16xf32, #tpu.memory_space<hbm>>) target(%arg17 : memref<128x16xf32, #tpu.memory_space<vmem>>) offsets(%dma_start3A_1218 : memref<128xi32, #tpu.memory_space<vmem>>) semaphore(%arg25 : memref<!tpu.dma_semaphore, #tpu.memory_space<semaphore_mem>>)
      } else {
      }
      %add3A_925 = arith.constant 6 : i32
      %add3A_926 = arith.addi %add3A_816, %add3A_925 : i32
      %lt3A_927 = arith.constant 162 : i32
      %lt3A_928 = arith.cmpi slt, %add3A_926, %lt3A_927 : i32
      %convert_element_type3A_929 = arith.extui %lt3A_928 : i1 to i32
      %cond3A_930 = arith.constant 0 : i32
      %cond3A_931 = arith.cmpi ne, %convert_element_type3A_929, %cond3A_930 : i32
      scf.if %cond3A_931 {
        %add3A_1170 = arith.constant 6 : i32
        %add3A_1171 = arith.addi %add3A_816, %add3A_1170 : i32
        %mul3A_1172 = arith.constant 128 : i32
        %mul3A_1173 = arith.muli %add3A_1171, %mul3A_1172 : i32
        %dma_start3A_1174 = arith.constant 3 : i32
        %dma_start3A_1175 = arith.constant 0 : i32
        %dma_start3A_1176 = tpu.memref_slice %arg7[%dma_start3A_1174, %dma_start3A_1175] : memref<6x128xi32, #tpu.memory_space<vmem>> -> memref<1x128xi32, #tpu.memory_space<vmem>>
        %dma_start3A_1177 = tpu.memref_squeeze %dma_start3A_1176 : memref<1x128xi32, #tpu.memory_space<vmem>> -> memref<128xi32, #tpu.memory_space<vmem>>
        %dma_start3A_1178 = arith.constant 0 : i32
        %dma_start3A_1179 = tpu.memref_slice %arg4[%arg1, %dma_start3A_1178] : memref<16x20736xi32, #tpu.memory_space<hbm>> -> memref<1x20736xi32, #tpu.memory_space<hbm>>
        %dma_start3A_1180 = tpu.memref_squeeze %dma_start3A_1179 : memref<1x20736xi32, #tpu.memory_space<hbm>> -> memref<20736xi32, #tpu.memory_space<hbm>>
        %dma_start3A_1181 = tpu.memref_slice %dma_start3A_1180[%mul3A_1173] : memref<20736xi32, #tpu.memory_space<hbm>> -> memref<128xi32, #tpu.memory_space<hbm>>
        %dma_start3A_1182 = arith.constant 0 : i32
        %dma_start3A_1183 = tpu.memref_slice %arg7[%dma_start3A_1174, %dma_start3A_1182] : memref<6x128xi32, #tpu.memory_space<vmem>> -> memref<1x128xi32, #tpu.memory_space<vmem>>
        %dma_start3A_1184 = tpu.memref_squeeze %dma_start3A_1183 : memref<1x128xi32, #tpu.memory_space<vmem>> -> memref<128xi32, #tpu.memory_space<vmem>>
        %dma_start3A_1185 = arith.constant 0 : i32
        %dma_start3A_1186 = tpu.memref_slice %arg4[%arg1, %dma_start3A_1185] : memref<16x20736xi32, #tpu.memory_space<hbm>> -> memref<1x20736xi32, #tpu.memory_space<hbm>>
        %dma_start3A_1187 = tpu.memref_squeeze %dma_start3A_1186 : memref<1x20736xi32, #tpu.memory_space<hbm>> -> memref<20736xi32, #tpu.memory_space<hbm>>
        %dma_start3A_1188 = tpu.memref_slice %dma_start3A_1187[%mul3A_1173] : memref<20736xi32, #tpu.memory_space<hbm>> -> memref<128xi32, #tpu.memory_space<hbm>>
        tpu.enqueue_dma source(%dma_start3A_1188 : memref<128xi32, #tpu.memory_space<hbm>>) target(%dma_start3A_1184 : memref<128xi32, #tpu.memory_space<vmem>>) target_semaphore(%arg35 : memref<!tpu.dma_semaphore, #tpu.memory_space<semaphore_mem>>)
        %mul3A_1189 = arith.constant 128 : i32
        %mul3A_1190 = arith.muli %add3A_1171, %mul3A_1189 : i32
        %dma_start3A_1191 = arith.constant 3 : i32
        %dma_start3A_1192 = arith.constant 0 : i32
        %dma_start3A_1193 = tpu.memref_slice %arg8[%dma_start3A_1191, %dma_start3A_1192] : memref<6x128xi32, #tpu.memory_space<vmem>> -> memref<1x128xi32, #tpu.memory_space<vmem>>
        %dma_start3A_1194 = tpu.memref_squeeze %dma_start3A_1193 : memref<1x128xi32, #tpu.memory_space<vmem>> -> memref<128xi32, #tpu.memory_space<vmem>>
        %dma_start3A_1195 = arith.constant 0 : i32
        %dma_start3A_1196 = tpu.memref_slice %arg5[%arg1, %dma_start3A_1195] : memref<16x20736xi32, #tpu.memory_space<hbm>> -> memref<1x20736xi32, #tpu.memory_space<hbm>>
        %dma_start3A_1197 = tpu.memref_squeeze %dma_start3A_1196 : memref<1x20736xi32, #tpu.memory_space<hbm>> -> memref<20736xi32, #tpu.memory_space<hbm>>
        %dma_start3A_1198 = tpu.memref_slice %dma_start3A_1197[%mul3A_1190] : memref<20736xi32, #tpu.memory_space<hbm>> -> memref<128xi32, #tpu.memory_space<hbm>>
        %dma_start3A_1199 = arith.constant 0 : i32
        %dma_start3A_1200 = tpu.memref_slice %arg8[%dma_start3A_1191, %dma_start3A_1199] : memref<6x128xi32, #tpu.memory_space<vmem>> -> memref<1x128xi32, #tpu.memory_space<vmem>>
        %dma_start3A_1201 = tpu.memref_squeeze %dma_start3A_1200 : memref<1x128xi32, #tpu.memory_space<vmem>> -> memref<128xi32, #tpu.memory_space<vmem>>
        %dma_start3A_1202 = arith.constant 0 : i32
        %dma_start3A_1203 = tpu.memref_slice %arg5[%arg1, %dma_start3A_1202] : memref<16x20736xi32, #tpu.memory_space<hbm>> -> memref<1x20736xi32, #tpu.memory_space<hbm>>
        %dma_start3A_1204 = tpu.memref_squeeze %dma_start3A_1203 : memref<1x20736xi32, #tpu.memory_space<hbm>> -> memref<20736xi32, #tpu.memory_space<hbm>>
        %dma_start3A_1205 = tpu.memref_slice %dma_start3A_1204[%mul3A_1190] : memref<20736xi32, #tpu.memory_space<hbm>> -> memref<128xi32, #tpu.memory_space<hbm>>
        tpu.enqueue_dma source(%dma_start3A_1205 : memref<128xi32, #tpu.memory_space<hbm>>) target(%dma_start3A_1201 : memref<128xi32, #tpu.memory_space<vmem>>) target_semaphore(%arg35 : memref<!tpu.dma_semaphore, #tpu.memory_space<semaphore_mem>>)
      } else {
      }
      %mul3A_932 = arith.constant 6 : i32
      %mul3A_933 = arith.muli %add3A_462, %mul3A_932 : i32
      %add3A_934 = arith.constant 4 : i32
      %add3A_935 = arith.addi %mul3A_933, %add3A_934 : i32
      %dma_wait3A_936 = arith.constant 0 : i32
      %dma_wait3A_937 = arith.constant 0 : i32
      %dma_wait3A_938 = tpu.memref_slice %arg7[%dma_wait3A_936, %dma_wait3A_937] : memref<6x128xi32, #tpu.memory_space<vmem>> -> memref<1x128xi32, #tpu.memory_space<vmem>>
      %dma_wait3A_939 = tpu.memref_squeeze %dma_wait3A_938 : memref<1x128xi32, #tpu.memory_space<vmem>> -> memref<128xi32, #tpu.memory_space<vmem>>
      %dma_wait3A_940 = arith.constant 0 : i32
      %dma_wait3A_941 = arith.constant 0 : i32
      %dma_wait3A_942 = tpu.memref_slice %arg2[%arg0, %dma_wait3A_940, %dma_wait3A_941] : memref<2x10240x96xbf16, #tpu.memory_space<hbm>> -> memref<1x10240x96xbf16, #tpu.memory_space<hbm>>
      %dma_wait3A_943 = tpu.memref_squeeze %dma_wait3A_942 : memref<1x10240x96xbf16, #tpu.memory_space<hbm>> -> memref<10240x96xbf16, #tpu.memory_space<hbm>>
      %dma_wait3A_944 = arith.constant 0 : i32
      %dma_wait3A_945 = arith.constant 0 : i32
      %dma_wait3A_946 = tpu.memref_slice %dma_wait3A_943[%dma_wait3A_944, %dma_wait3A_945] : memref<10240x96xbf16, #tpu.memory_space<hbm>> -> memref<10240x96xbf16, #tpu.memory_space<hbm>>
      tpu.wait_indirect_dma semaphore(%arg28 : memref<!tpu.dma_semaphore, #tpu.memory_space<semaphore_mem>>) src(%dma_wait3A_946 : memref<10240x96xbf16, #tpu.memory_space<hbm>>) dst(%arg14 : memref<128x96xbf16, #tpu.memory_space<vmem>>)
      %dma_wait3A_947 = arith.constant 0 : i32
      %dma_wait3A_948 = arith.constant 0 : i32
      %dma_wait3A_949 = tpu.memref_slice %arg8[%dma_wait3A_947, %dma_wait3A_948] : memref<6x128xi32, #tpu.memory_space<vmem>> -> memref<1x128xi32, #tpu.memory_space<vmem>>
      %dma_wait3A_950 = tpu.memref_squeeze %dma_wait3A_949 : memref<1x128xi32, #tpu.memory_space<vmem>> -> memref<128xi32, #tpu.memory_space<vmem>>
      %dma_wait3A_951 = arith.constant 0 : i32
      %dma_wait3A_952 = arith.constant 0 : i32
      %dma_wait3A_953 = tpu.memref_slice %arg3[%arg0, %dma_wait3A_951, %dma_wait3A_952] : memref<2x10240x16xf32, #tpu.memory_space<hbm>> -> memref<1x10240x16xf32, #tpu.memory_space<hbm>>
      %dma_wait3A_954 = tpu.memref_squeeze %dma_wait3A_953 : memref<1x10240x16xf32, #tpu.memory_space<hbm>> -> memref<10240x16xf32, #tpu.memory_space<hbm>>
      %dma_wait3A_955 = arith.constant 0 : i32
      %dma_wait3A_956 = arith.constant 0 : i32
      %dma_wait3A_957 = tpu.memref_slice %dma_wait3A_954[%dma_wait3A_955, %dma_wait3A_956] : memref<10240x16xf32, #tpu.memory_space<hbm>> -> memref<10240x16xf32, #tpu.memory_space<hbm>>
      tpu.wait_indirect_dma semaphore(%arg28 : memref<!tpu.dma_semaphore, #tpu.memory_space<semaphore_mem>>) src(%dma_wait3A_957 : memref<10240x16xf32, #tpu.memory_space<hbm>>) dst(%arg20 : memref<128x16xf32, #tpu.memory_space<vmem>>)
      %ge3A_958 = arith.constant 2 : i32
      %ge3A_959 = arith.cmpi sge, %add3A_935, %ge3A_958 : i32
      %convert_element_type3A_960 = arith.extui %ge3A_959 : i1 to i32
      %cond3A_961 = arith.constant 0 : i32
      %cond3A_962 = arith.cmpi ne, %convert_element_type3A_960, %cond3A_961 : i32
      scf.if %cond3A_962 {
        %dma_wait3A_1170 = arith.constant 0 : i32
        %dma_wait3A_1171 = arith.constant 0 : i32
        %dma_wait3A_1172 = tpu.memref_slice %arg9[%dma_wait3A_1170, %dma_wait3A_1171] : memref<3x128xi32, #tpu.memory_space<vmem>> -> memref<1x128xi32, #tpu.memory_space<vmem>>
        %dma_wait3A_1173 = tpu.memref_squeeze %dma_wait3A_1172 : memref<1x128xi32, #tpu.memory_space<vmem>> -> memref<128xi32, #tpu.memory_space<vmem>>
        %dma_wait3A_1174 = arith.constant 0 : i32
        %dma_wait3A_1175 = arith.constant 0 : i32
        %dma_wait3A_1176 = tpu.memref_slice %arg38[%dma_wait3A_1174, %dma_wait3A_1175] : memref<10240x80xf32, #tpu.memory_space<vmem_shared>> -> memref<10240x80xf32, #tpu.memory_space<vmem_shared>>
        tpu.wait_indirect_dma semaphore(%arg30 : memref<!tpu.dma_semaphore, #tpu.memory_space<semaphore_mem>>) src(%arg22 : memref<128x80xf32, #tpu.memory_space<vmem>>) dst(%dma_wait3A_1176 : memref<10240x80xf32, #tpu.memory_space<vmem_shared>>)
      } else {
      }
      %parallel_loop3A_963 = arith.constant 0 : i32
      %parallel_loop3A_964 = arith.constant 128 : i32
      %parallel_loop3A_965 = arith.constant 1 : i32
      scf.for %parallel_loop3A_1170 = %parallel_loop3A_963 to %parallel_loop3A_964 step %parallel_loop3A_965  : i32 {
        %parallel_loop3A_1171 = arith.index_cast %parallel_loop3A_1170 : i32 to index
        %parallel_loop3A_1172 = arith.constant 64 : index
        %parallel_loop3A_1173 = tpu.vector_load %arg14[%parallel_loop3A_1171, %parallel_loop3A_1172] {strides = array<i32>} : memref<128x96xbf16, #tpu.memory_space<vmem>>, vector<32xbf16>,
        %parallel_loop3A_1174 = tpu.unpack_subelements %parallel_loop3A_1173, 0 {pack_format = #tpu.pack_format<interleaved>} : vector<32xbf16> -> vector<16xf32>
        %parallel_loop3A_1175 = tpu.unpack_subelements %parallel_loop3A_1173, 1 {pack_format = #tpu.pack_format<interleaved>} : vector<32xbf16> -> vector<16xf32>
        %parallel_loop3A_1176 = arith.index_cast %parallel_loop3A_1170 : i32 to index
        %parallel_loop3A_1177 = arith.constant 0 : index
        %parallel_loop3A_1178 = tpu.vector_load %arg20[%parallel_loop3A_1176, %parallel_loop3A_1177] {strides = array<i32>} : memref<128x16xf32, #tpu.memory_space<vmem>>, vector<16xf32>,
        %parallel_loop3A_1179 = arith.addf %parallel_loop3A_1174, %parallel_loop3A_1178 : vector<16xf32>
        %parallel_loop3A_1180 = arith.constant 0.000000e+00 : f32
        %parallel_loop3A_1181 = vector.broadcast %parallel_loop3A_1180 : f32 to vector<16xf32>
        %parallel_loop3A_1182 = arith.cmpf ogt, %parallel_loop3A_1179, %parallel_loop3A_1181 : vector<16xf32>
        %parallel_loop3A_1183 = arith.constant 2.000000e-01 : f32
        %parallel_loop3A_1184 = vector.broadcast %parallel_loop3A_1183 : f32 to vector<16xf32>
        %parallel_loop3A_1185 = arith.mulf %parallel_loop3A_1179, %parallel_loop3A_1184 : vector<16xf32>
        %parallel_loop3A_1186 = arith.select %parallel_loop3A_1182, %parallel_loop3A_1179, %parallel_loop3A_1185 : vector<16xi1>, vector<16xf32>
        %parallel_loop3A_1187 = math.exp %parallel_loop3A_1186 : vector<16xf32>
        %parallel_loop3A_1188 = arith.index_cast %parallel_loop3A_1170 : i32 to index
        %parallel_loop3A_1189 = arith.constant 64 : index
        %parallel_loop3A_1190 = tpu.vector_load %arg22[%parallel_loop3A_1188, %parallel_loop3A_1189] {strides = array<i32>} : memref<128x80xf32, #tpu.memory_space<vmem>>, vector<16xf32>,
        tpu.vector_store %arg22[%parallel_loop3A_1188, %parallel_loop3A_1189], %parallel_loop3A_1187 {strides = array<i32>} : memref<128x80xf32, #tpu.memory_space<vmem>>, vector<16xf32>,
        %parallel_loop3A_1191 = arith.index_cast %parallel_loop3A_1170 : i32 to index
        %parallel_loop3A_1192 = arith.constant 0 : index
        %parallel_loop3A_1193 = tpu.vector_load %arg14[%parallel_loop3A_1191, %parallel_loop3A_1192] {strides = array<i32>} : memref<128x96xbf16, #tpu.memory_space<vmem>>, vector<32xbf16>,
        %parallel_loop3A_1194 = tpu.unpack_subelements %parallel_loop3A_1193, 0 {pack_format = #tpu.pack_format<interleaved>} : vector<32xbf16> -> vector<16xf32>
        %parallel_loop3A_1195 = tpu.unpack_subelements %parallel_loop3A_1193, 1 {pack_format = #tpu.pack_format<interleaved>} : vector<32xbf16> -> vector<16xf32>
        %parallel_loop3A_1196 = vector.extract_strided_slice %parallel_loop3A_1187 {offsets = [0], sizes = [1], strides = [1]} : vector<16xf32> to vector<1xf32>
        %parallel_loop3A_1197 = vector.extract %parallel_loop3A_1196[0] : f32 from vector<1xf32>
        %parallel_loop3A_1198 = vector.broadcast %parallel_loop3A_1197 : f32 to vector<16xf32>
        %parallel_loop3A_1199 = arith.mulf %parallel_loop3A_1194, %parallel_loop3A_1198 : vector<16xf32>
        %parallel_loop3A_1200 = arith.index_cast %parallel_loop3A_1170 : i32 to index
        %parallel_loop3A_1201 = arith.constant 0 : index
        %parallel_loop3A_1202 = tpu.vector_load %arg22[%parallel_loop3A_1200, %parallel_loop3A_1201] {strides = array<i32>} : memref<128x80xf32, #tpu.memory_space<vmem>>, vector<16xf32>,
        tpu.vector_store %arg22[%parallel_loop3A_1200, %parallel_loop3A_1201], %parallel_loop3A_1199 {strides = array<i32>} : memref<128x80xf32, #tpu.memory_space<vmem>>, vector<16xf32>,
        %parallel_loop3A_1203 = vector.extract_strided_slice %parallel_loop3A_1187 {offsets = [1], sizes = [1], strides = [1]} : vector<16xf32> to vector<1xf32>
        %parallel_loop3A_1204 = vector.extract %parallel_loop3A_1203[0] : f32 from vector<1xf32>
        %parallel_loop3A_1205 = vector.broadcast %parallel_loop3A_1204 : f32 to vector<16xf32>
        %parallel_loop3A_1206 = arith.mulf %parallel_loop3A_1195, %parallel_loop3A_1205 : vector<16xf32>
        %parallel_loop3A_1207 = arith.index_cast %parallel_loop3A_1170 : i32 to index
        %parallel_loop3A_1208 = arith.constant 16 : index
        %parallel_loop3A_1209 = tpu.vector_load %arg22[%parallel_loop3A_1207, %parallel_loop3A_1208] {strides = array<i32>} : memref<128x80xf32, #tpu.memory_space<vmem>>, vector<16xf32>,
        tpu.vector_store %arg22[%parallel_loop3A_1207, %parallel_loop3A_1208], %parallel_loop3A_1206 {strides = array<i32>} : memref<128x80xf32, #tpu.memory_space<vmem>>, vector<16xf32>,
        %parallel_loop3A_1210 = arith.index_cast %parallel_loop3A_1170 : i32 to index
        %parallel_loop3A_1211 = arith.constant 32 : index
        %parallel_loop3A_1212 = tpu.vector_load %arg14[%parallel_loop3A_1210, %parallel_loop3A_1211] {strides = array<i32>} : memref<128x96xbf16, #tpu.memory_space<vmem>>, vector<32xbf16>,
        %parallel_loop3A_1213 = tpu.unpack_subelements %parallel_loop3A_1212, 0 {pack_format = #tpu.pack_format<interleaved>} : vector<32xbf16> -> vector<16xf32>
        %parallel_loop3A_1214 = tpu.unpack_subelements %parallel_loop3A_1212, 1 {pack_format = #tpu.pack_format<interleaved>} : vector<32xbf16> -> vector<16xf32>
        %parallel_loop3A_1215 = vector.extract_strided_slice %parallel_loop3A_1187 {offsets = [2], sizes = [1], strides = [1]} : vector<16xf32> to vector<1xf32>
        %parallel_loop3A_1216 = vector.extract %parallel_loop3A_1215[0] : f32 from vector<1xf32>
        %parallel_loop3A_1217 = vector.broadcast %parallel_loop3A_1216 : f32 to vector<16xf32>
        %parallel_loop3A_1218 = arith.mulf %parallel_loop3A_1213, %parallel_loop3A_1217 : vector<16xf32>
        %parallel_loop3A_1219 = arith.index_cast %parallel_loop3A_1170 : i32 to index
        %parallel_loop3A_1220 = arith.constant 32 : index
        %parallel_loop3A_1221 = tpu.vector_load %arg22[%parallel_loop3A_1219, %parallel_loop3A_1220] {strides = array<i32>} : memref<128x80xf32, #tpu.memory_space<vmem>>, vector<16xf32>,
        tpu.vector_store %arg22[%parallel_loop3A_1219, %parallel_loop3A_1220], %parallel_loop3A_1218 {strides = array<i32>} : memref<128x80xf32, #tpu.memory_space<vmem>>, vector<16xf32>,
        %parallel_loop3A_1222 = vector.extract_strided_slice %parallel_loop3A_1187 {offsets = [3], sizes = [1], strides = [1]} : vector<16xf32> to vector<1xf32>
        %parallel_loop3A_1223 = vector.extract %parallel_loop3A_1222[0] : f32 from vector<1xf32>
        %parallel_loop3A_1224 = vector.broadcast %parallel_loop3A_1223 : f32 to vector<16xf32>
        %parallel_loop3A_1225 = arith.mulf %parallel_loop3A_1214, %parallel_loop3A_1224 : vector<16xf32>
        %parallel_loop3A_1226 = arith.index_cast %parallel_loop3A_1170 : i32 to index
        %parallel_loop3A_1227 = arith.constant 48 : index
        %parallel_loop3A_1228 = tpu.vector_load %arg22[%parallel_loop3A_1226, %parallel_loop3A_1227] {strides = array<i32>} : memref<128x80xf32, #tpu.memory_space<vmem>>, vector<16xf32>,
        tpu.vector_store %arg22[%parallel_loop3A_1226, %parallel_loop3A_1227], %parallel_loop3A_1225 {strides = array<i32>} : memref<128x80xf32, #tpu.memory_space<vmem>>, vector<16xf32>,
      } {sc.loop_unroll_factor = 8 : i64, sc.parallel_access}
      %get3A_966 = arith.constant 4 : i32
      %get3A_967 = arith.index_cast %get3A_966 : i32 to index
      %get3A_968 = arith.constant 0 : index
      %get3A_969 = tpu.vector_load %arg8[%get3A_967, %get3A_968] {strides = array<i32>} : memref<6x128xi32, #tpu.memory_space<vmem>>, vector<16xi32>,
      %swap3A_970 = arith.constant 1 : i32
      %swap3A_971 = arith.index_cast %swap3A_970 : i32 to index
      %swap3A_972 = arith.constant 0 : index
      %swap3A_973 = tpu.vector_load %arg9[%swap3A_971, %swap3A_972] {strides = array<i32>} : memref<3x128xi32, #tpu.memory_space<vmem>>, vector<16xi32>,
      tpu.vector_store %arg9[%swap3A_971, %swap3A_972], %get3A_969 {strides = array<i32>} : memref<3x128xi32, #tpu.memory_space<vmem>>, vector<16xi32>,
      %get3A_974 = arith.constant 4 : i32
      %get3A_975 = arith.index_cast %get3A_974 : i32 to index
      %get3A_976 = arith.constant 16 : index
      %get3A_977 = tpu.vector_load %arg8[%get3A_975, %get3A_976] {strides = array<i32>} : memref<6x128xi32, #tpu.memory_space<vmem>>, vector<16xi32>,
      %swap3A_978 = arith.constant 1 : i32
      %swap3A_979 = arith.index_cast %swap3A_978 : i32 to index
      %swap3A_980 = arith.constant 16 : index
      %swap3A_981 = tpu.vector_load %arg9[%swap3A_979, %swap3A_980] {strides = array<i32>} : memref<3x128xi32, #tpu.memory_space<vmem>>, vector<16xi32>,
      tpu.vector_store %arg9[%swap3A_979, %swap3A_980], %get3A_977 {strides = array<i32>} : memref<3x128xi32, #tpu.memory_space<vmem>>, vector<16xi32>,
      %get3A_982 = arith.constant 4 : i32
      %get3A_983 = arith.index_cast %get3A_982 : i32 to index
      %get3A_984 = arith.constant 32 : index
      %get3A_985 = tpu.vector_load %arg8[%get3A_983, %get3A_984] {strides = array<i32>} : memref<6x128xi32, #tpu.memory_space<vmem>>, vector<16xi32>,
      %swap3A_986 = arith.constant 1 : i32
      %swap3A_987 = arith.index_cast %swap3A_986 : i32 to index
      %swap3A_988 = arith.constant 32 : index
      %swap3A_989 = tpu.vector_load %arg9[%swap3A_987, %swap3A_988] {strides = array<i32>} : memref<3x128xi32, #tpu.memory_space<vmem>>, vector<16xi32>,
      tpu.vector_store %arg9[%swap3A_987, %swap3A_988], %get3A_985 {strides = array<i32>} : memref<3x128xi32, #tpu.memory_space<vmem>>, vector<16xi32>,
      %get3A_990 = arith.constant 4 : i32
      %get3A_991 = arith.index_cast %get3A_990 : i32 to index
      %get3A_992 = arith.constant 48 : index
      %get3A_993 = tpu.vector_load %arg8[%get3A_991, %get3A_992] {strides = array<i32>} : memref<6x128xi32, #tpu.memory_space<vmem>>, vector<16xi32>,
      %swap3A_994 = arith.constant 1 : i32
      %swap3A_995 = arith.index_cast %swap3A_994 : i32 to index
      %swap3A_996 = arith.constant 48 : index
      %swap3A_997 = tpu.vector_load %arg9[%swap3A_995, %swap3A_996] {strides = array<i32>} : memref<3x128xi32, #tpu.memory_space<vmem>>, vector<16xi32>,
      tpu.vector_store %arg9[%swap3A_995, %swap3A_996], %get3A_993 {strides = array<i32>} : memref<3x128xi32, #tpu.memory_space<vmem>>, vector<16xi32>,
      %get3A_998 = arith.constant 4 : i32
      %get3A_999 = arith.index_cast %get3A_998 : i32 to index
      %get3A_1000 = arith.constant 64 : index
      %get3A_1001 = tpu.vector_load %arg8[%get3A_999, %get3A_1000] {strides = array<i32>} : memref<6x128xi32, #tpu.memory_space<vmem>>, vector<16xi32>,
      %swap3A_1002 = arith.constant 1 : i32
      %swap3A_1003 = arith.index_cast %swap3A_1002 : i32 to index
      %swap3A_1004 = arith.constant 64 : index
      %swap3A_1005 = tpu.vector_load %arg9[%swap3A_1003, %swap3A_1004] {strides = array<i32>} : memref<3x128xi32, #tpu.memory_space<vmem>>, vector<16xi32>,
      tpu.vector_store %arg9[%swap3A_1003, %swap3A_1004], %get3A_1001 {strides = array<i32>} : memref<3x128xi32, #tpu.memory_space<vmem>>, vector<16xi32>,
      %get3A_1006 = arith.constant 4 : i32
      %get3A_1007 = arith.index_cast %get3A_1006 : i32 to index
      %get3A_1008 = arith.constant 80 : index
      %get3A_1009 = tpu.vector_load %arg8[%get3A_1007, %get3A_1008] {strides = array<i32>} : memref<6x128xi32, #tpu.memory_space<vmem>>, vector<16xi32>,
      %swap3A_1010 = arith.constant 1 : i32
      %swap3A_1011 = arith.index_cast %swap3A_1010 : i32 to index
      %swap3A_1012 = arith.constant 80 : index
      %swap3A_1013 = tpu.vector_load %arg9[%swap3A_1011, %swap3A_1012] {strides = array<i32>} : memref<3x128xi32, #tpu.memory_space<vmem>>, vector<16xi32>,
      tpu.vector_store %arg9[%swap3A_1011, %swap3A_1012], %get3A_1009 {strides = array<i32>} : memref<3x128xi32, #tpu.memory_space<vmem>>, vector<16xi32>,
      %get3A_1014 = arith.constant 4 : i32
      %get3A_1015 = arith.index_cast %get3A_1014 : i32 to index
      %get3A_1016 = arith.constant 96 : index
      %get3A_1017 = tpu.vector_load %arg8[%get3A_1015, %get3A_1016] {strides = array<i32>} : memref<6x128xi32, #tpu.memory_space<vmem>>, vector<16xi32>,
      %swap3A_1018 = arith.constant 1 : i32
      %swap3A_1019 = arith.index_cast %swap3A_1018 : i32 to index
      %swap3A_1020 = arith.constant 96 : index
      %swap3A_1021 = tpu.vector_load %arg9[%swap3A_1019, %swap3A_1020] {strides = array<i32>} : memref<3x128xi32, #tpu.memory_space<vmem>>, vector<16xi32>,
      tpu.vector_store %arg9[%swap3A_1019, %swap3A_1020], %get3A_1017 {strides = array<i32>} : memref<3x128xi32, #tpu.memory_space<vmem>>, vector<16xi32>,
      %get3A_1022 = arith.constant 4 : i32
      %get3A_1023 = arith.index_cast %get3A_1022 : i32 to index
      %get3A_1024 = arith.constant 112 : index
      %get3A_1025 = tpu.vector_load %arg8[%get3A_1023, %get3A_1024] {strides = array<i32>} : memref<6x128xi32, #tpu.memory_space<vmem>>, vector<16xi32>,
      %swap3A_1026 = arith.constant 1 : i32
      %swap3A_1027 = arith.index_cast %swap3A_1026 : i32 to index
      %swap3A_1028 = arith.constant 112 : index
      %swap3A_1029 = tpu.vector_load %arg9[%swap3A_1027, %swap3A_1028] {strides = array<i32>} : memref<3x128xi32, #tpu.memory_space<vmem>>, vector<16xi32>,
      tpu.vector_store %arg9[%swap3A_1027, %swap3A_1028], %get3A_1025 {strides = array<i32>} : memref<3x128xi32, #tpu.memory_space<vmem>>, vector<16xi32>,
      %dma_start3A_1030 = arith.constant 1 : i32
      %dma_start3A_1031 = arith.constant 0 : i32
      %dma_start3A_1032 = tpu.memref_slice %arg9[%dma_start3A_1030, %dma_start3A_1031] : memref<3x128xi32, #tpu.memory_space<vmem>> -> memref<1x128xi32, #tpu.memory_space<vmem>>
      %dma_start3A_1033 = tpu.memref_squeeze %dma_start3A_1032 : memref<1x128xi32, #tpu.memory_space<vmem>> -> memref<128xi32, #tpu.memory_space<vmem>>
      %dma_start3A_1034 = arith.constant 0 : i32
      %dma_start3A_1035 = arith.constant 0 : i32
      %dma_start3A_1036 = tpu.memref_slice %arg38[%dma_start3A_1034, %dma_start3A_1035] : memref<10240x80xf32, #tpu.memory_space<vmem_shared>> -> memref<10240x80xf32, #tpu.memory_space<vmem_shared>>
      tpu.enqueue_indirect_dma source(%arg22 : memref<128x80xf32, #tpu.memory_space<vmem>>) target(%dma_start3A_1036 : memref<10240x80xf32, #tpu.memory_space<vmem_shared>>) offsets(%dma_start3A_1033 : memref<128xi32, #tpu.memory_space<vmem>>) semaphore(%arg30 : memref<!tpu.dma_semaphore, #tpu.memory_space<semaphore_mem>>) {add = true}
      %add3A_1037 = arith.constant 4 : i32
      %add3A_1038 = arith.addi %add3A_935, %add3A_1037 : i32
      %lt3A_1039 = arith.constant 162 : i32
      %lt3A_1040 = arith.cmpi slt, %add3A_1038, %lt3A_1039 : i32
      %convert_element_type3A_1041 = arith.extui %lt3A_1040 : i1 to i32
      %cond3A_1042 = arith.constant 0 : i32
      %cond3A_1043 = arith.cmpi ne, %convert_element_type3A_1041, %cond3A_1042 : i32
      scf.if %cond3A_1043 {
        %dma_wait3A_1170 = arith.constant 2 : i32
        %dma_wait3A_1171 = arith.constant 0 : i32
        %dma_wait3A_1172 = tpu.memref_slice %arg7[%dma_wait3A_1170, %dma_wait3A_1171] : memref<6x128xi32, #tpu.memory_space<vmem>> -> memref<1x128xi32, #tpu.memory_space<vmem>>
        %dma_wait3A_1173 = tpu.memref_squeeze %dma_wait3A_1172 : memref<1x128xi32, #tpu.memory_space<vmem>> -> memref<128xi32, #tpu.memory_space<vmem>>
        %dma_wait3A_1174 = arith.constant 0 : i32
        %dma_wait3A_1175 = tpu.memref_slice %arg4[%arg1, %dma_wait3A_1174] : memref<16x20736xi32, #tpu.memory_space<hbm>> -> memref<1x20736xi32, #tpu.memory_space<hbm>>
        %dma_wait3A_1176 = tpu.memref_squeeze %dma_wait3A_1175 : memref<1x20736xi32, #tpu.memory_space<hbm>> -> memref<20736xi32, #tpu.memory_space<hbm>>
        %dma_wait3A_1177 = arith.constant 0 : i32
        %dma_wait3A_1178 = tpu.memref_slice %dma_wait3A_1176[%dma_wait3A_1177] : memref<20736xi32, #tpu.memory_space<hbm>> -> memref<128xi32, #tpu.memory_space<hbm>>
        %dma_wait3A_1179 = arith.constant 0 : i32
        %dma_wait3A_1180 = tpu.memref_slice %arg7[%dma_wait3A_1170, %dma_wait3A_1179] : memref<6x128xi32, #tpu.memory_space<vmem>> -> memref<1x128xi32, #tpu.memory_space<vmem>>
        %dma_wait3A_1181 = tpu.memref_squeeze %dma_wait3A_1180 : memref<1x128xi32, #tpu.memory_space<vmem>> -> memref<128xi32, #tpu.memory_space<vmem>>
        %dma_wait3A_1182 = arith.constant 0 : i32
        %dma_wait3A_1183 = tpu.memref_slice %arg4[%arg1, %dma_wait3A_1182] : memref<16x20736xi32, #tpu.memory_space<hbm>> -> memref<1x20736xi32, #tpu.memory_space<hbm>>
        %dma_wait3A_1184 = tpu.memref_squeeze %dma_wait3A_1183 : memref<1x20736xi32, #tpu.memory_space<hbm>> -> memref<20736xi32, #tpu.memory_space<hbm>>
        %dma_wait3A_1185 = arith.constant 0 : i32
        %dma_wait3A_1186 = tpu.memref_slice %dma_wait3A_1184[%dma_wait3A_1185] : memref<20736xi32, #tpu.memory_space<hbm>> -> memref<128xi32, #tpu.memory_space<hbm>>
        tpu.wait_dma2 semaphore(%arg34 : memref<!tpu.dma_semaphore, #tpu.memory_space<semaphore_mem>>) src(%dma_wait3A_1186 : memref<128xi32, #tpu.memory_space<hbm>>) dst(%dma_wait3A_1181 : memref<128xi32, #tpu.memory_space<vmem>>)
        %dma_wait3A_1187 = arith.constant 2 : i32
        %dma_wait3A_1188 = arith.constant 0 : i32
        %dma_wait3A_1189 = tpu.memref_slice %arg8[%dma_wait3A_1187, %dma_wait3A_1188] : memref<6x128xi32, #tpu.memory_space<vmem>> -> memref<1x128xi32, #tpu.memory_space<vmem>>
        %dma_wait3A_1190 = tpu.memref_squeeze %dma_wait3A_1189 : memref<1x128xi32, #tpu.memory_space<vmem>> -> memref<128xi32, #tpu.memory_space<vmem>>
        %dma_wait3A_1191 = arith.constant 0 : i32
        %dma_wait3A_1192 = tpu.memref_slice %arg5[%arg1, %dma_wait3A_1191] : memref<16x20736xi32, #tpu.memory_space<hbm>> -> memref<1x20736xi32, #tpu.memory_space<hbm>>
        %dma_wait3A_1193 = tpu.memref_squeeze %dma_wait3A_1192 : memref<1x20736xi32, #tpu.memory_space<hbm>> -> memref<20736xi32, #tpu.memory_space<hbm>>
        %dma_wait3A_1194 = arith.constant 0 : i32
        %dma_wait3A_1195 = tpu.memref_slice %dma_wait3A_1193[%dma_wait3A_1194] : memref<20736xi32, #tpu.memory_space<hbm>> -> memref<128xi32, #tpu.memory_space<hbm>>
        %dma_wait3A_1196 = arith.constant 0 : i32
        %dma_wait3A_1197 = tpu.memref_slice %arg8[%dma_wait3A_1187, %dma_wait3A_1196] : memref<6x128xi32, #tpu.memory_space<vmem>> -> memref<1x128xi32, #tpu.memory_space<vmem>>
        %dma_wait3A_1198 = tpu.memref_squeeze %dma_wait3A_1197 : memref<1x128xi32, #tpu.memory_space<vmem>> -> memref<128xi32, #tpu.memory_space<vmem>>
        %dma_wait3A_1199 = arith.constant 0 : i32
        %dma_wait3A_1200 = tpu.memref_slice %arg5[%arg1, %dma_wait3A_1199] : memref<16x20736xi32, #tpu.memory_space<hbm>> -> memref<1x20736xi32, #tpu.memory_space<hbm>>
        %dma_wait3A_1201 = tpu.memref_squeeze %dma_wait3A_1200 : memref<1x20736xi32, #tpu.memory_space<hbm>> -> memref<20736xi32, #tpu.memory_space<hbm>>
        %dma_wait3A_1202 = arith.constant 0 : i32
        %dma_wait3A_1203 = tpu.memref_slice %dma_wait3A_1201[%dma_wait3A_1202] : memref<20736xi32, #tpu.memory_space<hbm>> -> memref<128xi32, #tpu.memory_space<hbm>>
        tpu.wait_dma2 semaphore(%arg34 : memref<!tpu.dma_semaphore, #tpu.memory_space<semaphore_mem>>) src(%dma_wait3A_1203 : memref<128xi32, #tpu.memory_space<hbm>>) dst(%dma_wait3A_1198 : memref<128xi32, #tpu.memory_space<vmem>>)
        %dma_start3A_1204 = arith.constant 2 : i32
        %dma_start3A_1205 = arith.constant 0 : i32
        %dma_start3A_1206 = tpu.memref_slice %arg7[%dma_start3A_1204, %dma_start3A_1205] : memref<6x128xi32, #tpu.memory_space<vmem>> -> memref<1x128xi32, #tpu.memory_space<vmem>>
        %dma_start3A_1207 = tpu.memref_squeeze %dma_start3A_1206 : memref<1x128xi32, #tpu.memory_space<vmem>> -> memref<128xi32, #tpu.memory_space<vmem>>
        %dma_start3A_1208 = arith.constant 0 : i32
        %dma_start3A_1209 = arith.constant 0 : i32
        %dma_start3A_1210 = tpu.memref_slice %arg2[%arg0, %dma_start3A_1208, %dma_start3A_1209] : memref<2x10240x96xbf16, #tpu.memory_space<hbm>> -> memref<1x10240x96xbf16, #tpu.memory_space<hbm>>
        %dma_start3A_1211 = tpu.memref_squeeze %dma_start3A_1210 : memref<1x10240x96xbf16, #tpu.memory_space<hbm>> -> memref<10240x96xbf16, #tpu.memory_space<hbm>>
        %dma_start3A_1212 = arith.constant 0 : i32
        %dma_start3A_1213 = arith.constant 0 : i32
        %dma_start3A_1214 = tpu.memref_slice %dma_start3A_1211[%dma_start3A_1212, %dma_start3A_1213] : memref<10240x96xbf16, #tpu.memory_space<hbm>> -> memref<10240x96xbf16, #tpu.memory_space<hbm>>
        tpu.enqueue_indirect_dma source(%dma_start3A_1214 : memref<10240x96xbf16, #tpu.memory_space<hbm>>) target(%arg12 : memref<128x96xbf16, #tpu.memory_space<vmem>>) offsets(%dma_start3A_1207 : memref<128xi32, #tpu.memory_space<vmem>>) semaphore(%arg26 : memref<!tpu.dma_semaphore, #tpu.memory_space<semaphore_mem>>)
        %dma_start3A_1215 = arith.constant 2 : i32
        %dma_start3A_1216 = arith.constant 0 : i32
        %dma_start3A_1217 = tpu.memref_slice %arg8[%dma_start3A_1215, %dma_start3A_1216] : memref<6x128xi32, #tpu.memory_space<vmem>> -> memref<1x128xi32, #tpu.memory_space<vmem>>
        %dma_start3A_1218 = tpu.memref_squeeze %dma_start3A_1217 : memref<1x128xi32, #tpu.memory_space<vmem>> -> memref<128xi32, #tpu.memory_space<vmem>>
        %dma_start3A_1219 = arith.constant 0 : i32
        %dma_start3A_1220 = arith.constant 0 : i32
        %dma_start3A_1221 = tpu.memref_slice %arg3[%arg0, %dma_start3A_1219, %dma_start3A_1220] : memref<2x10240x16xf32, #tpu.memory_space<hbm>> -> memref<1x10240x16xf32, #tpu.memory_space<hbm>>
        %dma_start3A_1222 = tpu.memref_squeeze %dma_start3A_1221 : memref<1x10240x16xf32, #tpu.memory_space<hbm>> -> memref<10240x16xf32, #tpu.memory_space<hbm>>
        %dma_start3A_1223 = arith.constant 0 : i32
        %dma_start3A_1224 = arith.constant 0 : i32
        %dma_start3A_1225 = tpu.memref_slice %dma_start3A_1222[%dma_start3A_1223, %dma_start3A_1224] : memref<10240x16xf32, #tpu.memory_space<hbm>> -> memref<10240x16xf32, #tpu.memory_space<hbm>>
        tpu.enqueue_indirect_dma source(%dma_start3A_1225 : memref<10240x16xf32, #tpu.memory_space<hbm>>) target(%arg18 : memref<128x16xf32, #tpu.memory_space<vmem>>) offsets(%dma_start3A_1218 : memref<128xi32, #tpu.memory_space<vmem>>) semaphore(%arg26 : memref<!tpu.dma_semaphore, #tpu.memory_space<semaphore_mem>>)
      } else {
      }
      %add3A_1044 = arith.constant 6 : i32
      %add3A_1045 = arith.addi %add3A_935, %add3A_1044 : i32
      %lt3A_1046 = arith.constant 162 : i32
      %lt3A_1047 = arith.cmpi slt, %add3A_1045, %lt3A_1046 : i32
      %convert_element_type3A_1048 = arith.extui %lt3A_1047 : i1 to i32
      %cond3A_1049 = arith.constant 0 : i32
      %cond3A_1050 = arith.cmpi ne, %convert_element_type3A_1048, %cond3A_1049 : i32
      scf.if %cond3A_1050 {
        %add3A_1170 = arith.constant 6 : i32
        %add3A_1171 = arith.addi %add3A_935, %add3A_1170 : i32
        %mul3A_1172 = arith.constant 128 : i32
        %mul3A_1173 = arith.muli %add3A_1171, %mul3A_1172 : i32
        %dma_start3A_1174 = arith.constant 4 : i32
        %dma_start3A_1175 = arith.constant 0 : i32
        %dma_start3A_1176 = tpu.memref_slice %arg7[%dma_start3A_1174, %dma_start3A_1175] : memref<6x128xi32, #tpu.memory_space<vmem>> -> memref<1x128xi32, #tpu.memory_space<vmem>>
        %dma_start3A_1177 = tpu.memref_squeeze %dma_start3A_1176 : memref<1x128xi32, #tpu.memory_space<vmem>> -> memref<128xi32, #tpu.memory_space<vmem>>
        %dma_start3A_1178 = arith.constant 0 : i32
        %dma_start3A_1179 = tpu.memref_slice %arg4[%arg1, %dma_start3A_1178] : memref<16x20736xi32, #tpu.memory_space<hbm>> -> memref<1x20736xi32, #tpu.memory_space<hbm>>
        %dma_start3A_1180 = tpu.memref_squeeze %dma_start3A_1179 : memref<1x20736xi32, #tpu.memory_space<hbm>> -> memref<20736xi32, #tpu.memory_space<hbm>>
        %dma_start3A_1181 = tpu.memref_slice %dma_start3A_1180[%mul3A_1173] : memref<20736xi32, #tpu.memory_space<hbm>> -> memref<128xi32, #tpu.memory_space<hbm>>
        %dma_start3A_1182 = arith.constant 0 : i32
        %dma_start3A_1183 = tpu.memref_slice %arg7[%dma_start3A_1174, %dma_start3A_1182] : memref<6x128xi32, #tpu.memory_space<vmem>> -> memref<1x128xi32, #tpu.memory_space<vmem>>
        %dma_start3A_1184 = tpu.memref_squeeze %dma_start3A_1183 : memref<1x128xi32, #tpu.memory_space<vmem>> -> memref<128xi32, #tpu.memory_space<vmem>>
        %dma_start3A_1185 = arith.constant 0 : i32
        %dma_start3A_1186 = tpu.memref_slice %arg4[%arg1, %dma_start3A_1185] : memref<16x20736xi32, #tpu.memory_space<hbm>> -> memref<1x20736xi32, #tpu.memory_space<hbm>>
        %dma_start3A_1187 = tpu.memref_squeeze %dma_start3A_1186 : memref<1x20736xi32, #tpu.memory_space<hbm>> -> memref<20736xi32, #tpu.memory_space<hbm>>
        %dma_start3A_1188 = tpu.memref_slice %dma_start3A_1187[%mul3A_1173] : memref<20736xi32, #tpu.memory_space<hbm>> -> memref<128xi32, #tpu.memory_space<hbm>>
        tpu.enqueue_dma source(%dma_start3A_1188 : memref<128xi32, #tpu.memory_space<hbm>>) target(%dma_start3A_1184 : memref<128xi32, #tpu.memory_space<vmem>>) target_semaphore(%arg36 : memref<!tpu.dma_semaphore, #tpu.memory_space<semaphore_mem>>)
        %mul3A_1189 = arith.constant 128 : i32
        %mul3A_1190 = arith.muli %add3A_1171, %mul3A_1189 : i32
        %dma_start3A_1191 = arith.constant 4 : i32
        %dma_start3A_1192 = arith.constant 0 : i32
        %dma_start3A_1193 = tpu.memref_slice %arg8[%dma_start3A_1191, %dma_start3A_1192] : memref<6x128xi32, #tpu.memory_space<vmem>> -> memref<1x128xi32, #tpu.memory_space<vmem>>
        %dma_start3A_1194 = tpu.memref_squeeze %dma_start3A_1193 : memref<1x128xi32, #tpu.memory_space<vmem>> -> memref<128xi32, #tpu.memory_space<vmem>>
        %dma_start3A_1195 = arith.constant 0 : i32
        %dma_start3A_1196 = tpu.memref_slice %arg5[%arg1, %dma_start3A_1195] : memref<16x20736xi32, #tpu.memory_space<hbm>> -> memref<1x20736xi32, #tpu.memory_space<hbm>>
        %dma_start3A_1197 = tpu.memref_squeeze %dma_start3A_1196 : memref<1x20736xi32, #tpu.memory_space<hbm>> -> memref<20736xi32, #tpu.memory_space<hbm>>
        %dma_start3A_1198 = tpu.memref_slice %dma_start3A_1197[%mul3A_1190] : memref<20736xi32, #tpu.memory_space<hbm>> -> memref<128xi32, #tpu.memory_space<hbm>>
        %dma_start3A_1199 = arith.constant 0 : i32
        %dma_start3A_1200 = tpu.memref_slice %arg8[%dma_start3A_1191, %dma_start3A_1199] : memref<6x128xi32, #tpu.memory_space<vmem>> -> memref<1x128xi32, #tpu.memory_space<vmem>>
        %dma_start3A_1201 = tpu.memref_squeeze %dma_start3A_1200 : memref<1x128xi32, #tpu.memory_space<vmem>> -> memref<128xi32, #tpu.memory_space<vmem>>
        %dma_start3A_1202 = arith.constant 0 : i32
        %dma_start3A_1203 = tpu.memref_slice %arg5[%arg1, %dma_start3A_1202] : memref<16x20736xi32, #tpu.memory_space<hbm>> -> memref<1x20736xi32, #tpu.memory_space<hbm>>
        %dma_start3A_1204 = tpu.memref_squeeze %dma_start3A_1203 : memref<1x20736xi32, #tpu.memory_space<hbm>> -> memref<20736xi32, #tpu.memory_space<hbm>>
        %dma_start3A_1205 = tpu.memref_slice %dma_start3A_1204[%mul3A_1190] : memref<20736xi32, #tpu.memory_space<hbm>> -> memref<128xi32, #tpu.memory_space<hbm>>
        tpu.enqueue_dma source(%dma_start3A_1205 : memref<128xi32, #tpu.memory_space<hbm>>) target(%dma_start3A_1201 : memref<128xi32, #tpu.memory_space<vmem>>) target_semaphore(%arg36 : memref<!tpu.dma_semaphore, #tpu.memory_space<semaphore_mem>>)
      } else {
      }
      %mul3A_1051 = arith.constant 6 : i32
      %mul3A_1052 = arith.muli %add3A_462, %mul3A_1051 : i32
      %add3A_1053 = arith.constant 5 : i32
      %add3A_1054 = arith.addi %mul3A_1052, %add3A_1053 : i32
      %dma_wait3A_1055 = arith.constant 0 : i32
      %dma_wait3A_1056 = arith.constant 0 : i32
      %dma_wait3A_1057 = tpu.memref_slice %arg7[%dma_wait3A_1055, %dma_wait3A_1056] : memref<6x128xi32, #tpu.memory_space<vmem>> -> memref<1x128xi32, #tpu.memory_space<vmem>>
      %dma_wait3A_1058 = tpu.memref_squeeze %dma_wait3A_1057 : memref<1x128xi32, #tpu.memory_space<vmem>> -> memref<128xi32, #tpu.memory_space<vmem>>
      %dma_wait3A_1059 = arith.constant 0 : i32
      %dma_wait3A_1060 = arith.constant 0 : i32
      %dma_wait3A_1061 = tpu.memref_slice %arg2[%arg0, %dma_wait3A_1059, %dma_wait3A_1060] : memref<2x10240x96xbf16, #tpu.memory_space<hbm>> -> memref<1x10240x96xbf16, #tpu.memory_space<hbm>>
      %dma_wait3A_1062 = tpu.memref_squeeze %dma_wait3A_1061 : memref<1x10240x96xbf16, #tpu.memory_space<hbm>> -> memref<10240x96xbf16, #tpu.memory_space<hbm>>
      %dma_wait3A_1063 = arith.constant 0 : i32
      %dma_wait3A_1064 = arith.constant 0 : i32
      %dma_wait3A_1065 = tpu.memref_slice %dma_wait3A_1062[%dma_wait3A_1063, %dma_wait3A_1064] : memref<10240x96xbf16, #tpu.memory_space<hbm>> -> memref<10240x96xbf16, #tpu.memory_space<hbm>>
      tpu.wait_indirect_dma semaphore(%arg29 : memref<!tpu.dma_semaphore, #tpu.memory_space<semaphore_mem>>) src(%dma_wait3A_1065 : memref<10240x96xbf16, #tpu.memory_space<hbm>>) dst(%arg15 : memref<128x96xbf16, #tpu.memory_space<vmem>>)
      %dma_wait3A_1066 = arith.constant 0 : i32
      %dma_wait3A_1067 = arith.constant 0 : i32
      %dma_wait3A_1068 = tpu.memref_slice %arg8[%dma_wait3A_1066, %dma_wait3A_1067] : memref<6x128xi32, #tpu.memory_space<vmem>> -> memref<1x128xi32, #tpu.memory_space<vmem>>
      %dma_wait3A_1069 = tpu.memref_squeeze %dma_wait3A_1068 : memref<1x128xi32, #tpu.memory_space<vmem>> -> memref<128xi32, #tpu.memory_space<vmem>>
      %dma_wait3A_1070 = arith.constant 0 : i32
      %dma_wait3A_1071 = arith.constant 0 : i32
      %dma_wait3A_1072 = tpu.memref_slice %arg3[%arg0, %dma_wait3A_1070, %dma_wait3A_1071] : memref<2x10240x16xf32, #tpu.memory_space<hbm>> -> memref<1x10240x16xf32, #tpu.memory_space<hbm>>
      %dma_wait3A_1073 = tpu.memref_squeeze %dma_wait3A_1072 : memref<1x10240x16xf32, #tpu.memory_space<hbm>> -> memref<10240x16xf32, #tpu.memory_space<hbm>>
      %dma_wait3A_1074 = arith.constant 0 : i32
      %dma_wait3A_1075 = arith.constant 0 : i32
      %dma_wait3A_1076 = tpu.memref_slice %dma_wait3A_1073[%dma_wait3A_1074, %dma_wait3A_1075] : memref<10240x16xf32, #tpu.memory_space<hbm>> -> memref<10240x16xf32, #tpu.memory_space<hbm>>
      tpu.wait_indirect_dma semaphore(%arg29 : memref<!tpu.dma_semaphore, #tpu.memory_space<semaphore_mem>>) src(%dma_wait3A_1076 : memref<10240x16xf32, #tpu.memory_space<hbm>>) dst(%arg21 : memref<128x16xf32, #tpu.memory_space<vmem>>)
      %ge3A_1077 = arith.constant 2 : i32
      %ge3A_1078 = arith.cmpi sge, %add3A_1054, %ge3A_1077 : i32
      %convert_element_type3A_1079 = arith.extui %ge3A_1078 : i1 to i32
      %cond3A_1080 = arith.constant 0 : i32
      %cond3A_1081 = arith.cmpi ne, %convert_element_type3A_1079, %cond3A_1080 : i32
      scf.if %cond3A_1081 {
        %dma_wait3A_1170 = arith.constant 0 : i32
        %dma_wait3A_1171 = arith.constant 0 : i32
        %dma_wait3A_1172 = tpu.memref_slice %arg9[%dma_wait3A_1170, %dma_wait3A_1171] : memref<3x128xi32, #tpu.memory_space<vmem>> -> memref<1x128xi32, #tpu.memory_space<vmem>>
        %dma_wait3A_1173 = tpu.memref_squeeze %dma_wait3A_1172 : memref<1x128xi32, #tpu.memory_space<vmem>> -> memref<128xi32, #tpu.memory_space<vmem>>
        %dma_wait3A_1174 = arith.constant 0 : i32
        %dma_wait3A_1175 = arith.constant 0 : i32
        %dma_wait3A_1176 = tpu.memref_slice %arg38[%dma_wait3A_1174, %dma_wait3A_1175] : memref<10240x80xf32, #tpu.memory_space<vmem_shared>> -> memref<10240x80xf32, #tpu.memory_space<vmem_shared>>
        tpu.wait_indirect_dma semaphore(%arg31 : memref<!tpu.dma_semaphore, #tpu.memory_space<semaphore_mem>>) src(%arg23 : memref<128x80xf32, #tpu.memory_space<vmem>>) dst(%dma_wait3A_1176 : memref<10240x80xf32, #tpu.memory_space<vmem_shared>>)
      } else {
      }
      %parallel_loop3A_1082 = arith.constant 0 : i32
      %parallel_loop3A_1083 = arith.constant 128 : i32
      %parallel_loop3A_1084 = arith.constant 1 : i32
      scf.for %parallel_loop3A_1170 = %parallel_loop3A_1082 to %parallel_loop3A_1083 step %parallel_loop3A_1084  : i32 {
        %parallel_loop3A_1171 = arith.index_cast %parallel_loop3A_1170 : i32 to index
        %parallel_loop3A_1172 = arith.constant 64 : index
        %parallel_loop3A_1173 = tpu.vector_load %arg15[%parallel_loop3A_1171, %parallel_loop3A_1172] {strides = array<i32>} : memref<128x96xbf16, #tpu.memory_space<vmem>>, vector<32xbf16>,
        %parallel_loop3A_1174 = tpu.unpack_subelements %parallel_loop3A_1173, 0 {pack_format = #tpu.pack_format<interleaved>} : vector<32xbf16> -> vector<16xf32>
        %parallel_loop3A_1175 = tpu.unpack_subelements %parallel_loop3A_1173, 1 {pack_format = #tpu.pack_format<interleaved>} : vector<32xbf16> -> vector<16xf32>
        %parallel_loop3A_1176 = arith.index_cast %parallel_loop3A_1170 : i32 to index
        %parallel_loop3A_1177 = arith.constant 0 : index
        %parallel_loop3A_1178 = tpu.vector_load %arg21[%parallel_loop3A_1176, %parallel_loop3A_1177] {strides = array<i32>} : memref<128x16xf32, #tpu.memory_space<vmem>>, vector<16xf32>,
        %parallel_loop3A_1179 = arith.addf %parallel_loop3A_1174, %parallel_loop3A_1178 : vector<16xf32>
        %parallel_loop3A_1180 = arith.constant 0.000000e+00 : f32
        %parallel_loop3A_1181 = vector.broadcast %parallel_loop3A_1180 : f32 to vector<16xf32>
        %parallel_loop3A_1182 = arith.cmpf ogt, %parallel_loop3A_1179, %parallel_loop3A_1181 : vector<16xf32>
        %parallel_loop3A_1183 = arith.constant 2.000000e-01 : f32
        %parallel_loop3A_1184 = vector.broadcast %parallel_loop3A_1183 : f32 to vector<16xf32>
        %parallel_loop3A_1185 = arith.mulf %parallel_loop3A_1179, %parallel_loop3A_1184 : vector<16xf32>
        %parallel_loop3A_1186 = arith.select %parallel_loop3A_1182, %parallel_loop3A_1179, %parallel_loop3A_1185 : vector<16xi1>, vector<16xf32>
        %parallel_loop3A_1187 = math.exp %parallel_loop3A_1186 : vector<16xf32>
        %parallel_loop3A_1188 = arith.index_cast %parallel_loop3A_1170 : i32 to index
        %parallel_loop3A_1189 = arith.constant 64 : index
        %parallel_loop3A_1190 = tpu.vector_load %arg23[%parallel_loop3A_1188, %parallel_loop3A_1189] {strides = array<i32>} : memref<128x80xf32, #tpu.memory_space<vmem>>, vector<16xf32>,
        tpu.vector_store %arg23[%parallel_loop3A_1188, %parallel_loop3A_1189], %parallel_loop3A_1187 {strides = array<i32>} : memref<128x80xf32, #tpu.memory_space<vmem>>, vector<16xf32>,
        %parallel_loop3A_1191 = arith.index_cast %parallel_loop3A_1170 : i32 to index
        %parallel_loop3A_1192 = arith.constant 0 : index
        %parallel_loop3A_1193 = tpu.vector_load %arg15[%parallel_loop3A_1191, %parallel_loop3A_1192] {strides = array<i32>} : memref<128x96xbf16, #tpu.memory_space<vmem>>, vector<32xbf16>,
        %parallel_loop3A_1194 = tpu.unpack_subelements %parallel_loop3A_1193, 0 {pack_format = #tpu.pack_format<interleaved>} : vector<32xbf16> -> vector<16xf32>
        %parallel_loop3A_1195 = tpu.unpack_subelements %parallel_loop3A_1193, 1 {pack_format = #tpu.pack_format<interleaved>} : vector<32xbf16> -> vector<16xf32>
        %parallel_loop3A_1196 = vector.extract_strided_slice %parallel_loop3A_1187 {offsets = [0], sizes = [1], strides = [1]} : vector<16xf32> to vector<1xf32>
        %parallel_loop3A_1197 = vector.extract %parallel_loop3A_1196[0] : f32 from vector<1xf32>
        %parallel_loop3A_1198 = vector.broadcast %parallel_loop3A_1197 : f32 to vector<16xf32>
        %parallel_loop3A_1199 = arith.mulf %parallel_loop3A_1194, %parallel_loop3A_1198 : vector<16xf32>
        %parallel_loop3A_1200 = arith.index_cast %parallel_loop3A_1170 : i32 to index
        %parallel_loop3A_1201 = arith.constant 0 : index
        %parallel_loop3A_1202 = tpu.vector_load %arg23[%parallel_loop3A_1200, %parallel_loop3A_1201] {strides = array<i32>} : memref<128x80xf32, #tpu.memory_space<vmem>>, vector<16xf32>,
        tpu.vector_store %arg23[%parallel_loop3A_1200, %parallel_loop3A_1201], %parallel_loop3A_1199 {strides = array<i32>} : memref<128x80xf32, #tpu.memory_space<vmem>>, vector<16xf32>,
        %parallel_loop3A_1203 = vector.extract_strided_slice %parallel_loop3A_1187 {offsets = [1], sizes = [1], strides = [1]} : vector<16xf32> to vector<1xf32>
        %parallel_loop3A_1204 = vector.extract %parallel_loop3A_1203[0] : f32 from vector<1xf32>
        %parallel_loop3A_1205 = vector.broadcast %parallel_loop3A_1204 : f32 to vector<16xf32>
        %parallel_loop3A_1206 = arith.mulf %parallel_loop3A_1195, %parallel_loop3A_1205 : vector<16xf32>
        %parallel_loop3A_1207 = arith.index_cast %parallel_loop3A_1170 : i32 to index
        %parallel_loop3A_1208 = arith.constant 16 : index
        %parallel_loop3A_1209 = tpu.vector_load %arg23[%parallel_loop3A_1207, %parallel_loop3A_1208] {strides = array<i32>} : memref<128x80xf32, #tpu.memory_space<vmem>>, vector<16xf32>,
        tpu.vector_store %arg23[%parallel_loop3A_1207, %parallel_loop3A_1208], %parallel_loop3A_1206 {strides = array<i32>} : memref<128x80xf32, #tpu.memory_space<vmem>>, vector<16xf32>,
        %parallel_loop3A_1210 = arith.index_cast %parallel_loop3A_1170 : i32 to index
        %parallel_loop3A_1211 = arith.constant 32 : index
        %parallel_loop3A_1212 = tpu.vector_load %arg15[%parallel_loop3A_1210, %parallel_loop3A_1211] {strides = array<i32>} : memref<128x96xbf16, #tpu.memory_space<vmem>>, vector<32xbf16>,
        %parallel_loop3A_1213 = tpu.unpack_subelements %parallel_loop3A_1212, 0 {pack_format = #tpu.pack_format<interleaved>} : vector<32xbf16> -> vector<16xf32>
        %parallel_loop3A_1214 = tpu.unpack_subelements %parallel_loop3A_1212, 1 {pack_format = #tpu.pack_format<interleaved>} : vector<32xbf16> -> vector<16xf32>
        %parallel_loop3A_1215 = vector.extract_strided_slice %parallel_loop3A_1187 {offsets = [2], sizes = [1], strides = [1]} : vector<16xf32> to vector<1xf32>
        %parallel_loop3A_1216 = vector.extract %parallel_loop3A_1215[0] : f32 from vector<1xf32>
        %parallel_loop3A_1217 = vector.broadcast %parallel_loop3A_1216 : f32 to vector<16xf32>
        %parallel_loop3A_1218 = arith.mulf %parallel_loop3A_1213, %parallel_loop3A_1217 : vector<16xf32>
        %parallel_loop3A_1219 = arith.index_cast %parallel_loop3A_1170 : i32 to index
        %parallel_loop3A_1220 = arith.constant 32 : index
        %parallel_loop3A_1221 = tpu.vector_load %arg23[%parallel_loop3A_1219, %parallel_loop3A_1220] {strides = array<i32>} : memref<128x80xf32, #tpu.memory_space<vmem>>, vector<16xf32>,
        tpu.vector_store %arg23[%parallel_loop3A_1219, %parallel_loop3A_1220], %parallel_loop3A_1218 {strides = array<i32>} : memref<128x80xf32, #tpu.memory_space<vmem>>, vector<16xf32>,
        %parallel_loop3A_1222 = vector.extract_strided_slice %parallel_loop3A_1187 {offsets = [3], sizes = [1], strides = [1]} : vector<16xf32> to vector<1xf32>
        %parallel_loop3A_1223 = vector.extract %parallel_loop3A_1222[0] : f32 from vector<1xf32>
        %parallel_loop3A_1224 = vector.broadcast %parallel_loop3A_1223 : f32 to vector<16xf32>
        %parallel_loop3A_1225 = arith.mulf %parallel_loop3A_1214, %parallel_loop3A_1224 : vector<16xf32>
        %parallel_loop3A_1226 = arith.index_cast %parallel_loop3A_1170 : i32 to index
        %parallel_loop3A_1227 = arith.constant 48 : index
        %parallel_loop3A_1228 = tpu.vector_load %arg23[%parallel_loop3A_1226, %parallel_loop3A_1227] {strides = array<i32>} : memref<128x80xf32, #tpu.memory_space<vmem>>, vector<16xf32>,
        tpu.vector_store %arg23[%parallel_loop3A_1226, %parallel_loop3A_1227], %parallel_loop3A_1225 {strides = array<i32>} : memref<128x80xf32, #tpu.memory_space<vmem>>, vector<16xf32>,
      } {sc.loop_unroll_factor = 8 : i64, sc.parallel_access}
      %get3A_1085 = arith.constant 5 : i32
      %get3A_1086 = arith.index_cast %get3A_1085 : i32 to index
      %get3A_1087 = arith.constant 0 : index
      %get3A_1088 = tpu.vector_load %arg8[%get3A_1086, %get3A_1087] {strides = array<i32>} : memref<6x128xi32, #tpu.memory_space<vmem>>, vector<16xi32>,
      %swap3A_1089 = arith.constant 2 : i32
      %swap3A_1090 = arith.index_cast %swap3A_1089 : i32 to index
      %swap3A_1091 = arith.constant 0 : index
      %swap3A_1092 = tpu.vector_load %arg9[%swap3A_1090, %swap3A_1091] {strides = array<i32>} : memref<3x128xi32, #tpu.memory_space<vmem>>, vector<16xi32>,
      tpu.vector_store %arg9[%swap3A_1090, %swap3A_1091], %get3A_1088 {strides = array<i32>} : memref<3x128xi32, #tpu.memory_space<vmem>>, vector<16xi32>,
      %get3A_1093 = arith.constant 5 : i32
      %get3A_1094 = arith.index_cast %get3A_1093 : i32 to index
      %get3A_1095 = arith.constant 16 : index
      %get3A_1096 = tpu.vector_load %arg8[%get3A_1094, %get3A_1095] {strides = array<i32>} : memref<6x128xi32, #tpu.memory_space<vmem>>, vector<16xi32>,
      %swap3A_1097 = arith.constant 2 : i32
      %swap3A_1098 = arith.index_cast %swap3A_1097 : i32 to index
      %swap3A_1099 = arith.constant 16 : index
      %swap3A_1100 = tpu.vector_load %arg9[%swap3A_1098, %swap3A_1099] {strides = array<i32>} : memref<3x128xi32, #tpu.memory_space<vmem>>, vector<16xi32>,
      tpu.vector_store %arg9[%swap3A_1098, %swap3A_1099], %get3A_1096 {strides = array<i32>} : memref<3x128xi32, #tpu.memory_space<vmem>>, vector<16xi32>,
      %get3A_1101 = arith.constant 5 : i32
      %get3A_1102 = arith.index_cast %get3A_1101 : i32 to index
      %get3A_1103 = arith.constant 32 : index
      %get3A_1104 = tpu.vector_load %arg8[%get3A_1102, %get3A_1103] {strides = array<i32>} : memref<6x128xi32, #tpu.memory_space<vmem>>, vector<16xi32>,
      %swap3A_1105 = arith.constant 2 : i32
      %swap3A_1106 = arith.index_cast %swap3A_1105 : i32 to index
      %swap3A_1107 = arith.constant 32 : index
      %swap3A_1108 = tpu.vector_load %arg9[%swap3A_1106, %swap3A_1107] {strides = array<i32>} : memref<3x128xi32, #tpu.memory_space<vmem>>, vector<16xi32>,
      tpu.vector_store %arg9[%swap3A_1106, %swap3A_1107], %get3A_1104 {strides = array<i32>} : memref<3x128xi32, #tpu.memory_space<vmem>>, vector<16xi32>,
      %get3A_1109 = arith.constant 5 : i32
      %get3A_1110 = arith.index_cast %get3A_1109 : i32 to index
      %get3A_1111 = arith.constant 48 : index
      %get3A_1112 = tpu.vector_load %arg8[%get3A_1110, %get3A_1111] {strides = array<i32>} : memref<6x128xi32, #tpu.memory_space<vmem>>, vector<16xi32>,
      %swap3A_1113 = arith.constant 2 : i32
      %swap3A_1114 = arith.index_cast %swap3A_1113 : i32 to index
      %swap3A_1115 = arith.constant 48 : index
      %swap3A_1116 = tpu.vector_load %arg9[%swap3A_1114, %swap3A_1115] {strides = array<i32>} : memref<3x128xi32, #tpu.memory_space<vmem>>, vector<16xi32>,
      tpu.vector_store %arg9[%swap3A_1114, %swap3A_1115], %get3A_1112 {strides = array<i32>} : memref<3x128xi32, #tpu.memory_space<vmem>>, vector<16xi32>,
      %get3A_1117 = arith.constant 5 : i32
      %get3A_1118 = arith.index_cast %get3A_1117 : i32 to index
      %get3A_1119 = arith.constant 64 : index
      %get3A_1120 = tpu.vector_load %arg8[%get3A_1118, %get3A_1119] {strides = array<i32>} : memref<6x128xi32, #tpu.memory_space<vmem>>, vector<16xi32>,
      %swap3A_1121 = arith.constant 2 : i32
      %swap3A_1122 = arith.index_cast %swap3A_1121 : i32 to index
      %swap3A_1123 = arith.constant 64 : index
      %swap3A_1124 = tpu.vector_load %arg9[%swap3A_1122, %swap3A_1123] {strides = array<i32>} : memref<3x128xi32, #tpu.memory_space<vmem>>, vector<16xi32>,
      tpu.vector_store %arg9[%swap3A_1122, %swap3A_1123], %get3A_1120 {strides = array<i32>} : memref<3x128xi32, #tpu.memory_space<vmem>>, vector<16xi32>,
      %get3A_1125 = arith.constant 5 : i32
      %get3A_1126 = arith.index_cast %get3A_1125 : i32 to index
      %get3A_1127 = arith.constant 80 : index
      %get3A_1128 = tpu.vector_load %arg8[%get3A_1126, %get3A_1127] {strides = array<i32>} : memref<6x128xi32, #tpu.memory_space<vmem>>, vector<16xi32>,
      %swap3A_1129 = arith.constant 2 : i32
      %swap3A_1130 = arith.index_cast %swap3A_1129 : i32 to index
      %swap3A_1131 = arith.constant 80 : index
      %swap3A_1132 = tpu.vector_load %arg9[%swap3A_1130, %swap3A_1131] {strides = array<i32>} : memref<3x128xi32, #tpu.memory_space<vmem>>, vector<16xi32>,
      tpu.vector_store %arg9[%swap3A_1130, %swap3A_1131], %get3A_1128 {strides = array<i32>} : memref<3x128xi32, #tpu.memory_space<vmem>>, vector<16xi32>,
      %get3A_1133 = arith.constant 5 : i32
      %get3A_1134 = arith.index_cast %get3A_1133 : i32 to index
      %get3A_1135 = arith.constant 96 : index
      %get3A_1136 = tpu.vector_load %arg8[%get3A_1134, %get3A_1135] {strides = array<i32>} : memref<6x128xi32, #tpu.memory_space<vmem>>, vector<16xi32>,
      %swap3A_1137 = arith.constant 2 : i32
      %swap3A_1138 = arith.index_cast %swap3A_1137 : i32 to index
      %swap3A_1139 = arith.constant 96 : index
      %swap3A_1140 = tpu.vector_load %arg9[%swap3A_1138, %swap3A_1139] {strides = array<i32>} : memref<3x128xi32, #tpu.memory_space<vmem>>, vector<16xi32>,
      tpu.vector_store %arg9[%swap3A_1138, %swap3A_1139], %get3A_1136 {strides = array<i32>} : memref<3x128xi32, #tpu.memory_space<vmem>>, vector<16xi32>,
      %get3A_1141 = arith.constant 5 : i32
      %get3A_1142 = arith.index_cast %get3A_1141 : i32 to index
      %get3A_1143 = arith.constant 112 : index
      %get3A_1144 = tpu.vector_load %arg8[%get3A_1142, %get3A_1143] {strides = array<i32>} : memref<6x128xi32, #tpu.memory_space<vmem>>, vector<16xi32>,
      %swap3A_1145 = arith.constant 2 : i32
      %swap3A_1146 = arith.index_cast %swap3A_1145 : i32 to index
      %swap3A_1147 = arith.constant 112 : index
      %swap3A_1148 = tpu.vector_load %arg9[%swap3A_1146, %swap3A_1147] {strides = array<i32>} : memref<3x128xi32, #tpu.memory_space<vmem>>, vector<16xi32>,
      tpu.vector_store %arg9[%swap3A_1146, %swap3A_1147], %get3A_1144 {strides = array<i32>} : memref<3x128xi32, #tpu.memory_space<vmem>>, vector<16xi32>,
      %dma_start3A_1149 = arith.constant 2 : i32
      %dma_start3A_1150 = arith.constant 0 : i32
      %dma_start3A_1151 = tpu.memref_slice %arg9[%dma_start3A_1149, %dma_start3A_1150] : memref<3x128xi32, #tpu.memory_space<vmem>> -> memref<1x128xi32, #tpu.memory_space<vmem>>
      %dma_start3A_1152 = tpu.memref_squeeze %dma_start3A_1151 : memref<1x128xi32, #tpu.memory_space<vmem>> -> memref<128xi32, #tpu.memory_space<vmem>>
      %dma_start3A_1153 = arith.constant 0 : i32
      %dma_start3A_1154 = arith.constant 0 : i32
      %dma_start3A_1155 = tpu.memref_slice %arg38[%dma_start3A_1153, %dma_start3A_1154] : memref<10240x80xf32, #tpu.memory_space<vmem_shared>> -> memref<10240x80xf32, #tpu.memory_space<vmem_shared>>
      tpu.enqueue_indirect_dma source(%arg23 : memref<128x80xf32, #tpu.memory_space<vmem>>) target(%dma_start3A_1155 : memref<10240x80xf32, #tpu.memory_space<vmem_shared>>) offsets(%dma_start3A_1152 : memref<128xi32, #tpu.memory_space<vmem>>) semaphore(%arg31 : memref<!tpu.dma_semaphore, #tpu.memory_space<semaphore_mem>>) {add = true}
      %add3A_1156 = arith.constant 4 : i32
      %add3A_1157 = arith.addi %add3A_1054, %add3A_1156 : i32
      %lt3A_1158 = arith.constant 162 : i32
      %lt3A_1159 = arith.cmpi slt, %add3A_1157, %lt3A_1158 : i32
      %convert_element_type3A_1160 = arith.extui %lt3A_1159 : i1 to i32
      %cond3A_1161 = arith.constant 0 : i32
      %cond3A_1162 = arith.cmpi ne, %convert_element_type3A_1160, %cond3A_1161 : i32
      scf.if %cond3A_1162 {
        %dma_wait3A_1170 = arith.constant 3 : i32
        %dma_wait3A_1171 = arith.constant 0 : i32
        %dma_wait3A_1172 = tpu.memref_slice %arg7[%dma_wait3A_1170, %dma_wait3A_1171] : memref<6x128xi32, #tpu.memory_space<vmem>> -> memref<1x128xi32, #tpu.memory_space<vmem>>
        %dma_wait3A_1173 = tpu.memref_squeeze %dma_wait3A_1172 : memref<1x128xi32, #tpu.memory_space<vmem>> -> memref<128xi32, #tpu.memory_space<vmem>>
        %dma_wait3A_1174 = arith.constant 0 : i32
        %dma_wait3A_1175 = tpu.memref_slice %arg4[%arg1, %dma_wait3A_1174] : memref<16x20736xi32, #tpu.memory_space<hbm>> -> memref<1x20736xi32, #tpu.memory_space<hbm>>
        %dma_wait3A_1176 = tpu.memref_squeeze %dma_wait3A_1175 : memref<1x20736xi32, #tpu.memory_space<hbm>> -> memref<20736xi32, #tpu.memory_space<hbm>>
        %dma_wait3A_1177 = arith.constant 0 : i32
        %dma_wait3A_1178 = tpu.memref_slice %dma_wait3A_1176[%dma_wait3A_1177] : memref<20736xi32, #tpu.memory_space<hbm>> -> memref<128xi32, #tpu.memory_space<hbm>>
        %dma_wait3A_1179 = arith.constant 0 : i32
        %dma_wait3A_1180 = tpu.memref_slice %arg7[%dma_wait3A_1170, %dma_wait3A_1179] : memref<6x128xi32, #tpu.memory_space<vmem>> -> memref<1x128xi32, #tpu.memory_space<vmem>>
        %dma_wait3A_1181 = tpu.memref_squeeze %dma_wait3A_1180 : memref<1x128xi32, #tpu.memory_space<vmem>> -> memref<128xi32, #tpu.memory_space<vmem>>
        %dma_wait3A_1182 = arith.constant 0 : i32
        %dma_wait3A_1183 = tpu.memref_slice %arg4[%arg1, %dma_wait3A_1182] : memref<16x20736xi32, #tpu.memory_space<hbm>> -> memref<1x20736xi32, #tpu.memory_space<hbm>>
        %dma_wait3A_1184 = tpu.memref_squeeze %dma_wait3A_1183 : memref<1x20736xi32, #tpu.memory_space<hbm>> -> memref<20736xi32, #tpu.memory_space<hbm>>
        %dma_wait3A_1185 = arith.constant 0 : i32
        %dma_wait3A_1186 = tpu.memref_slice %dma_wait3A_1184[%dma_wait3A_1185] : memref<20736xi32, #tpu.memory_space<hbm>> -> memref<128xi32, #tpu.memory_space<hbm>>
        tpu.wait_dma2 semaphore(%arg35 : memref<!tpu.dma_semaphore, #tpu.memory_space<semaphore_mem>>) src(%dma_wait3A_1186 : memref<128xi32, #tpu.memory_space<hbm>>) dst(%dma_wait3A_1181 : memref<128xi32, #tpu.memory_space<vmem>>)
        %dma_wait3A_1187 = arith.constant 3 : i32
        %dma_wait3A_1188 = arith.constant 0 : i32
        %dma_wait3A_1189 = tpu.memref_slice %arg8[%dma_wait3A_1187, %dma_wait3A_1188] : memref<6x128xi32, #tpu.memory_space<vmem>> -> memref<1x128xi32, #tpu.memory_space<vmem>>
        %dma_wait3A_1190 = tpu.memref_squeeze %dma_wait3A_1189 : memref<1x128xi32, #tpu.memory_space<vmem>> -> memref<128xi32, #tpu.memory_space<vmem>>
        %dma_wait3A_1191 = arith.constant 0 : i32
        %dma_wait3A_1192 = tpu.memref_slice %arg5[%arg1, %dma_wait3A_1191] : memref<16x20736xi32, #tpu.memory_space<hbm>> -> memref<1x20736xi32, #tpu.memory_space<hbm>>
        %dma_wait3A_1193 = tpu.memref_squeeze %dma_wait3A_1192 : memref<1x20736xi32, #tpu.memory_space<hbm>> -> memref<20736xi32, #tpu.memory_space<hbm>>
        %dma_wait3A_1194 = arith.constant 0 : i32
        %dma_wait3A_1195 = tpu.memref_slice %dma_wait3A_1193[%dma_wait3A_1194] : memref<20736xi32, #tpu.memory_space<hbm>> -> memref<128xi32, #tpu.memory_space<hbm>>
        %dma_wait3A_1196 = arith.constant 0 : i32
        %dma_wait3A_1197 = tpu.memref_slice %arg8[%dma_wait3A_1187, %dma_wait3A_1196] : memref<6x128xi32, #tpu.memory_space<vmem>> -> memref<1x128xi32, #tpu.memory_space<vmem>>
        %dma_wait3A_1198 = tpu.memref_squeeze %dma_wait3A_1197 : memref<1x128xi32, #tpu.memory_space<vmem>> -> memref<128xi32, #tpu.memory_space<vmem>>
        %dma_wait3A_1199 = arith.constant 0 : i32
        %dma_wait3A_1200 = tpu.memref_slice %arg5[%arg1, %dma_wait3A_1199] : memref<16x20736xi32, #tpu.memory_space<hbm>> -> memref<1x20736xi32, #tpu.memory_space<hbm>>
        %dma_wait3A_1201 = tpu.memref_squeeze %dma_wait3A_1200 : memref<1x20736xi32, #tpu.memory_space<hbm>> -> memref<20736xi32, #tpu.memory_space<hbm>>
        %dma_wait3A_1202 = arith.constant 0 : i32
        %dma_wait3A_1203 = tpu.memref_slice %dma_wait3A_1201[%dma_wait3A_1202] : memref<20736xi32, #tpu.memory_space<hbm>> -> memref<128xi32, #tpu.memory_space<hbm>>
        tpu.wait_dma2 semaphore(%arg35 : memref<!tpu.dma_semaphore, #tpu.memory_space<semaphore_mem>>) src(%dma_wait3A_1203 : memref<128xi32, #tpu.memory_space<hbm>>) dst(%dma_wait3A_1198 : memref<128xi32, #tpu.memory_space<vmem>>)
        %dma_start3A_1204 = arith.constant 3 : i32
        %dma_start3A_1205 = arith.constant 0 : i32
        %dma_start3A_1206 = tpu.memref_slice %arg7[%dma_start3A_1204, %dma_start3A_1205] : memref<6x128xi32, #tpu.memory_space<vmem>> -> memref<1x128xi32, #tpu.memory_space<vmem>>
        %dma_start3A_1207 = tpu.memref_squeeze %dma_start3A_1206 : memref<1x128xi32, #tpu.memory_space<vmem>> -> memref<128xi32, #tpu.memory_space<vmem>>
        %dma_start3A_1208 = arith.constant 0 : i32
        %dma_start3A_1209 = arith.constant 0 : i32
        %dma_start3A_1210 = tpu.memref_slice %arg2[%arg0, %dma_start3A_1208, %dma_start3A_1209] : memref<2x10240x96xbf16, #tpu.memory_space<hbm>> -> memref<1x10240x96xbf16, #tpu.memory_space<hbm>>
        %dma_start3A_1211 = tpu.memref_squeeze %dma_start3A_1210 : memref<1x10240x96xbf16, #tpu.memory_space<hbm>> -> memref<10240x96xbf16, #tpu.memory_space<hbm>>
        %dma_start3A_1212 = arith.constant 0 : i32
        %dma_start3A_1213 = arith.constant 0 : i32
        %dma_start3A_1214 = tpu.memref_slice %dma_start3A_1211[%dma_start3A_1212, %dma_start3A_1213] : memref<10240x96xbf16, #tpu.memory_space<hbm>> -> memref<10240x96xbf16, #tpu.memory_space<hbm>>
        tpu.enqueue_indirect_dma source(%dma_start3A_1214 : memref<10240x96xbf16, #tpu.memory_space<hbm>>) target(%arg13 : memref<128x96xbf16, #tpu.memory_space<vmem>>) offsets(%dma_start3A_1207 : memref<128xi32, #tpu.memory_space<vmem>>) semaphore(%arg27 : memref<!tpu.dma_semaphore, #tpu.memory_space<semaphore_mem>>)
        %dma_start3A_1215 = arith.constant 3 : i32
        %dma_start3A_1216 = arith.constant 0 : i32
        %dma_start3A_1217 = tpu.memref_slice %arg8[%dma_start3A_1215, %dma_start3A_1216] : memref<6x128xi32, #tpu.memory_space<vmem>> -> memref<1x128xi32, #tpu.memory_space<vmem>>
        %dma_start3A_1218 = tpu.memref_squeeze %dma_start3A_1217 : memref<1x128xi32, #tpu.memory_space<vmem>> -> memref<128xi32, #tpu.memory_space<vmem>>
        %dma_start3A_1219 = arith.constant 0 : i32
        %dma_start3A_1220 = arith.constant 0 : i32
        %dma_start3A_1221 = tpu.memref_slice %arg3[%arg0, %dma_start3A_1219, %dma_start3A_1220] : memref<2x10240x16xf32, #tpu.memory_space<hbm>> -> memref<1x10240x16xf32, #tpu.memory_space<hbm>>
        %dma_start3A_1222 = tpu.memref_squeeze %dma_start3A_1221 : memref<1x10240x16xf32, #tpu.memory_space<hbm>> -> memref<10240x16xf32, #tpu.memory_space<hbm>>
        %dma_start3A_1223 = arith.constant 0 : i32
        %dma_start3A_1224 = arith.constant 0 : i32
        %dma_start3A_1225 = tpu.memref_slice %dma_start3A_1222[%dma_start3A_1223, %dma_start3A_1224] : memref<10240x16xf32, #tpu.memory_space<hbm>> -> memref<10240x16xf32, #tpu.memory_space<hbm>>
        tpu.enqueue_indirect_dma source(%dma_start3A_1225 : memref<10240x16xf32, #tpu.memory_space<hbm>>) target(%arg19 : memref<128x16xf32, #tpu.memory_space<vmem>>) offsets(%dma_start3A_1218 : memref<128xi32, #tpu.memory_space<vmem>>) semaphore(%arg27 : memref<!tpu.dma_semaphore, #tpu.memory_space<semaphore_mem>>)
      } else {
      }
      %add3A_1163 = arith.constant 6 : i32
      %add3A_1164 = arith.addi %add3A_1054, %add3A_1163 : i32
      %lt3A_1165 = arith.constant 162 : i32
      %lt3A_1166 = arith.cmpi slt, %add3A_1164, %lt3A_1165 : i32
      %convert_element_type3A_1167 = arith.extui %lt3A_1166 : i1 to i32
      %cond3A_1168 = arith.constant 0 : i32
      %cond3A_1169 = arith.cmpi ne, %convert_element_type3A_1167, %cond3A_1168 : i32
      scf.if %cond3A_1169 {
        %add3A_1170 = arith.constant 6 : i32
        %add3A_1171 = arith.addi %add3A_1054, %add3A_1170 : i32
        %mul3A_1172 = arith.constant 128 : i32
        %mul3A_1173 = arith.muli %add3A_1171, %mul3A_1172 : i32
        %dma_start3A_1174 = arith.constant 5 : i32
        %dma_start3A_1175 = arith.constant 0 : i32
        %dma_start3A_1176 = tpu.memref_slice %arg7[%dma_start3A_1174, %dma_start3A_1175] : memref<6x128xi32, #tpu.memory_space<vmem>> -> memref<1x128xi32, #tpu.memory_space<vmem>>
        %dma_start3A_1177 = tpu.memref_squeeze %dma_start3A_1176 : memref<1x128xi32, #tpu.memory_space<vmem>> -> memref<128xi32, #tpu.memory_space<vmem>>
        %dma_start3A_1178 = arith.constant 0 : i32
        %dma_start3A_1179 = tpu.memref_slice %arg4[%arg1, %dma_start3A_1178] : memref<16x20736xi32, #tpu.memory_space<hbm>> -> memref<1x20736xi32, #tpu.memory_space<hbm>>
        %dma_start3A_1180 = tpu.memref_squeeze %dma_start3A_1179 : memref<1x20736xi32, #tpu.memory_space<hbm>> -> memref<20736xi32, #tpu.memory_space<hbm>>
        %dma_start3A_1181 = tpu.memref_slice %dma_start3A_1180[%mul3A_1173] : memref<20736xi32, #tpu.memory_space<hbm>> -> memref<128xi32, #tpu.memory_space<hbm>>
        %dma_start3A_1182 = arith.constant 0 : i32
        %dma_start3A_1183 = tpu.memref_slice %arg7[%dma_start3A_1174, %dma_start3A_1182] : memref<6x128xi32, #tpu.memory_space<vmem>> -> memref<1x128xi32, #tpu.memory_space<vmem>>
        %dma_start3A_1184 = tpu.memref_squeeze %dma_start3A_1183 : memref<1x128xi32, #tpu.memory_space<vmem>> -> memref<128xi32, #tpu.memory_space<vmem>>
        %dma_start3A_1185 = arith.constant 0 : i32
        %dma_start3A_1186 = tpu.memref_slice %arg4[%arg1, %dma_start3A_1185] : memref<16x20736xi32, #tpu.memory_space<hbm>> -> memref<1x20736xi32, #tpu.memory_space<hbm>>
        %dma_start3A_1187 = tpu.memref_squeeze %dma_start3A_1186 : memref<1x20736xi32, #tpu.memory_space<hbm>> -> memref<20736xi32, #tpu.memory_space<hbm>>
        %dma_start3A_1188 = tpu.memref_slice %dma_start3A_1187[%mul3A_1173] : memref<20736xi32, #tpu.memory_space<hbm>> -> memref<128xi32, #tpu.memory_space<hbm>>
        tpu.enqueue_dma source(%dma_start3A_1188 : memref<128xi32, #tpu.memory_space<hbm>>) target(%dma_start3A_1184 : memref<128xi32, #tpu.memory_space<vmem>>) target_semaphore(%arg37 : memref<!tpu.dma_semaphore, #tpu.memory_space<semaphore_mem>>)
        %mul3A_1189 = arith.constant 128 : i32
        %mul3A_1190 = arith.muli %add3A_1171, %mul3A_1189 : i32
        %dma_start3A_1191 = arith.constant 5 : i32
        %dma_start3A_1192 = arith.constant 0 : i32
        %dma_start3A_1193 = tpu.memref_slice %arg8[%dma_start3A_1191, %dma_start3A_1192] : memref<6x128xi32, #tpu.memory_space<vmem>> -> memref<1x128xi32, #tpu.memory_space<vmem>>
        %dma_start3A_1194 = tpu.memref_squeeze %dma_start3A_1193 : memref<1x128xi32, #tpu.memory_space<vmem>> -> memref<128xi32, #tpu.memory_space<vmem>>
        %dma_start3A_1195 = arith.constant 0 : i32
        %dma_start3A_1196 = tpu.memref_slice %arg5[%arg1, %dma_start3A_1195] : memref<16x20736xi32, #tpu.memory_space<hbm>> -> memref<1x20736xi32, #tpu.memory_space<hbm>>
        %dma_start3A_1197 = tpu.memref_squeeze %dma_start3A_1196 : memref<1x20736xi32, #tpu.memory_space<hbm>> -> memref<20736xi32, #tpu.memory_space<hbm>>
        %dma_start3A_1198 = tpu.memref_slice %dma_start3A_1197[%mul3A_1190] : memref<20736xi32, #tpu.memory_space<hbm>> -> memref<128xi32, #tpu.memory_space<hbm>>
        %dma_start3A_1199 = arith.constant 0 : i32
        %dma_start3A_1200 = tpu.memref_slice %arg8[%dma_start3A_1191, %dma_start3A_1199] : memref<6x128xi32, #tpu.memory_space<vmem>> -> memref<1x128xi32, #tpu.memory_space<vmem>>
        %dma_start3A_1201 = tpu.memref_squeeze %dma_start3A_1200 : memref<1x128xi32, #tpu.memory_space<vmem>> -> memref<128xi32, #tpu.memory_space<vmem>>
        %dma_start3A_1202 = arith.constant 0 : i32
        %dma_start3A_1203 = tpu.memref_slice %arg5[%arg1, %dma_start3A_1202] : memref<16x20736xi32, #tpu.memory_space<hbm>> -> memref<1x20736xi32, #tpu.memory_space<hbm>>
        %dma_start3A_1204 = tpu.memref_squeeze %dma_start3A_1203 : memref<1x20736xi32, #tpu.memory_space<hbm>> -> memref<20736xi32, #tpu.memory_space<hbm>>
        %dma_start3A_1205 = tpu.memref_slice %dma_start3A_1204[%mul3A_1190] : memref<20736xi32, #tpu.memory_space<hbm>> -> memref<128xi32, #tpu.memory_space<hbm>>
        tpu.enqueue_dma source(%dma_start3A_1205 : memref<128xi32, #tpu.memory_space<hbm>>) target(%dma_start3A_1201 : memref<128xi32, #tpu.memory_space<vmem>>) target_semaphore(%arg37 : memref<!tpu.dma_semaphore, #tpu.memory_space<semaphore_mem>>)
      } else {
      }
    }
    %scan3A_439 = arith.constant 27 : i32
    %dma_wait3A_440 = arith.constant 0 : i32
    %dma_wait3A_441 = arith.constant 0 : i32
    %dma_wait3A_442 = tpu.memref_slice %arg9[%dma_wait3A_440, %dma_wait3A_441] : memref<3x128xi32, #tpu.memory_space<vmem>> -> memref<1x128xi32, #tpu.memory_space<vmem>>
    %dma_wait3A_443 = tpu.memref_squeeze %dma_wait3A_442 : memref<1x128xi32, #tpu.memory_space<vmem>> -> memref<128xi32, #tpu.memory_space<vmem>>
    %dma_wait3A_444 = arith.constant 0 : i32
    %dma_wait3A_445 = arith.constant 0 : i32
    %dma_wait3A_446 = tpu.memref_slice %arg38[%dma_wait3A_444, %dma_wait3A_445] : memref<10240x80xf32, #tpu.memory_space<vmem_shared>> -> memref<10240x80xf32, #tpu.memory_space<vmem_shared>>
    tpu.wait_indirect_dma semaphore(%arg30 : memref<!tpu.dma_semaphore, #tpu.memory_space<semaphore_mem>>) src(%arg22 : memref<128x80xf32, #tpu.memory_space<vmem>>) dst(%dma_wait3A_446 : memref<10240x80xf32, #tpu.memory_space<vmem_shared>>)
    %dma_wait3A_447 = arith.constant 0 : i32
    %dma_wait3A_448 = arith.constant 0 : i32
    %dma_wait3A_449 = tpu.memref_slice %arg9[%dma_wait3A_447, %dma_wait3A_448] : memref<3x128xi32, #tpu.memory_space<vmem>> -> memref<1x128xi32, #tpu.memory_space<vmem>>
    %dma_wait3A_450 = tpu.memref_squeeze %dma_wait3A_449 : memref<1x128xi32, #tpu.memory_space<vmem>> -> memref<128xi32, #tpu.memory_space<vmem>>
    %dma_wait3A_451 = arith.constant 0 : i32
    %dma_wait3A_452 = arith.constant 0 : i32
    %dma_wait3A_453 = tpu.memref_slice %arg38[%dma_wait3A_451, %dma_wait3A_452] : memref<10240x80xf32, #tpu.memory_space<vmem_shared>> -> memref<10240x80xf32, #tpu.memory_space<vmem_shared>>
    tpu.wait_indirect_dma semaphore(%arg31 : memref<!tpu.dma_semaphore, #tpu.memory_space<semaphore_mem>>) src(%arg23 : memref<128x80xf32, #tpu.memory_space<vmem>>) dst(%dma_wait3A_453 : memref<10240x80xf32, #tpu.memory_space<vmem_shared>>)
    %barrier3A_454 = arith.constant 0 : index
    tpu.barrier barrier_id(%barrier3A_454)
    %scan3A_455 = arith.constant 0 : i32
    %scan3A_456 = arith.constant 5 : i32
    %scan3A_457 = arith.addi %scan3A_455, %scan3A_456 : i32
    %scan3A_458 = arith.constant 1 : i32
    scf.for %scan3A_460 = %scan3A_455 to %scan3A_457 step %scan3A_458  : i32 {
      %mul3A = arith.constant 1 : i32
      %mul3A_461 = arith.muli %scan3A_460, %mul3A : i32
      %add3A = arith.constant 0 : i32
      %add3A_462 = arith.addi %add3A, %mul3A_461 : i32
      %mul3A_463 = arith.constant 640 : i32
      %mul3A_464 = arith.muli %arg1, %mul3A_463 : i32
      %mul3A_465 = arith.constant 128 : i32
      %mul3A_466 = arith.muli %add3A_462, %mul3A_465 : i32
      %add3A_467 = arith.addi %mul3A_464, %mul3A_466 : i32
      "tpu.region"() ({
        %run_scoped3A = tpu.sem_alloc : memref<!tpu.dma_semaphore, #tpu.memory_space<semaphore_mem>>
        %dma_start3A_468 = arith.constant 0 : i32
        %dma_start3A_469 = tpu.memref_slice %arg38[%add3A_467, %dma_start3A_468] : memref<10240x80xf32, #tpu.memory_space<vmem_shared>> -> memref<128x80xf32, #tpu.memory_space<vmem_shared>>
        %dma_start3A_470 = arith.constant 0 : i32
        %dma_start3A_471 = tpu.memref_slice %arg38[%add3A_467, %dma_start3A_470] : memref<10240x80xf32, #tpu.memory_space<vmem_shared>> -> memref<128x80xf32, #tpu.memory_space<vmem_shared>>
        tpu.enqueue_dma source(%dma_start3A_471 : memref<128x80xf32, #tpu.memory_space<vmem_shared>>) target(%arg22 : memref<128x80xf32, #tpu.memory_space<vmem>>) target_semaphore(%run_scoped3A : memref<!tpu.dma_semaphore, #tpu.memory_space<semaphore_mem>>)
        %dma_wait3A_472 = arith.constant 0 : i32
        %dma_wait3A_473 = tpu.memref_slice %arg38[%add3A_467, %dma_wait3A_472] : memref<10240x80xf32, #tpu.memory_space<vmem_shared>> -> memref<128x80xf32, #tpu.memory_space<vmem_shared>>
        %dma_wait3A_474 = arith.constant 0 : i32
        %dma_wait3A_475 = tpu.memref_slice %arg38[%add3A_467, %dma_wait3A_474] : memref<10240x80xf32, #tpu.memory_space<vmem_shared>> -> memref<128x80xf32, #tpu.memory_space<vmem_shared>>
        tpu.wait_dma2 semaphore(%run_scoped3A : memref<!tpu.dma_semaphore, #tpu.memory_space<semaphore_mem>>) src(%dma_wait3A_475 : memref<128x80xf32, #tpu.memory_space<vmem_shared>>) dst(%arg22 : memref<128x80xf32, #tpu.memory_space<vmem>>)
        tpu.yield
      }) : () -> ()
      "tpu.region"() ({
        %run_scoped3A = tpu.sem_alloc : memref<!tpu.dma_semaphore, #tpu.memory_space<semaphore_mem>>
        %dma_start3A_468 = arith.constant 0 : i32
        %dma_start3A_469 = arith.constant 0 : i32
        %dma_start3A_470 = tpu.memref_slice %arg6[%arg0, %dma_start3A_468, %dma_start3A_469] : memref<2x10240x80xf32, #tpu.memory_space<hbm>> -> memref<1x10240x80xf32, #tpu.memory_space<hbm>>
        %dma_start3A_471 = tpu.memref_squeeze %dma_start3A_470 : memref<1x10240x80xf32, #tpu.memory_space<hbm>> -> memref<10240x80xf32, #tpu.memory_space<hbm>>
        %dma_start3A_472 = arith.constant 0 : i32
        %dma_start3A_473 = tpu.memref_slice %dma_start3A_471[%add3A_467, %dma_start3A_472] : memref<10240x80xf32, #tpu.memory_space<hbm>> -> memref<128x80xf32, #tpu.memory_space<hbm>>
        %dma_start3A_474 = arith.constant 0 : i32
        %dma_start3A_475 = arith.constant 0 : i32
        %dma_start3A_476 = tpu.memref_slice %arg6[%arg0, %dma_start3A_474, %dma_start3A_475] : memref<2x10240x80xf32, #tpu.memory_space<hbm>> -> memref<1x10240x80xf32, #tpu.memory_space<hbm>>
        %dma_start3A_477 = tpu.memref_squeeze %dma_start3A_476 : memref<1x10240x80xf32, #tpu.memory_space<hbm>> -> memref<10240x80xf32, #tpu.memory_space<hbm>>
        %dma_start3A_478 = arith.constant 0 : i32
        %dma_start3A_479 = tpu.memref_slice %dma_start3A_477[%add3A_467, %dma_start3A_478] : memref<10240x80xf32, #tpu.memory_space<hbm>> -> memref<128x80xf32, #tpu.memory_space<hbm>>
        tpu.enqueue_dma source(%arg22 : memref<128x80xf32, #tpu.memory_space<vmem>>) target(%dma_start3A_479 : memref<128x80xf32, #tpu.memory_space<hbm>>) target_semaphore(%run_scoped3A : memref<!tpu.dma_semaphore, #tpu.memory_space<semaphore_mem>>)
        %dma_wait3A_480 = arith.constant 0 : i32
        %dma_wait3A_481 = arith.constant 0 : i32
        %dma_wait3A_482 = tpu.memref_slice %arg6[%arg0, %dma_wait3A_480, %dma_wait3A_481] : memref<2x10240x80xf32, #tpu.memory_space<hbm>> -> memref<1x10240x80xf32, #tpu.memory_space<hbm>>
        %dma_wait3A_483 = tpu.memref_squeeze %dma_wait3A_482 : memref<1x10240x80xf32, #tpu.memory_space<hbm>> -> memref<10240x80xf32, #tpu.memory_space<hbm>>
        %dma_wait3A_484 = arith.constant 0 : i32
        %dma_wait3A_485 = tpu.memref_slice %dma_wait3A_483[%add3A_467, %dma_wait3A_484] : memref<10240x80xf32, #tpu.memory_space<hbm>> -> memref<128x80xf32, #tpu.memory_space<hbm>>
        %dma_wait3A_486 = arith.constant 0 : i32
        %dma_wait3A_487 = arith.constant 0 : i32
        %dma_wait3A_488 = tpu.memref_slice %arg6[%arg0, %dma_wait3A_486, %dma_wait3A_487] : memref<2x10240x80xf32, #tpu.memory_space<hbm>> -> memref<1x10240x80xf32, #tpu.memory_space<hbm>>
        %dma_wait3A_489 = tpu.memref_squeeze %dma_wait3A_488 : memref<1x10240x80xf32, #tpu.memory_space<hbm>> -> memref<10240x80xf32, #tpu.memory_space<hbm>>
        %dma_wait3A_490 = arith.constant 0 : i32
        %dma_wait3A_491 = tpu.memref_slice %dma_wait3A_489[%add3A_467, %dma_wait3A_490] : memref<10240x80xf32, #tpu.memory_space<hbm>> -> memref<128x80xf32, #tpu.memory_space<hbm>>
        tpu.wait_dma2 semaphore(%run_scoped3A : memref<!tpu.dma_semaphore, #tpu.memory_space<semaphore_mem>>) src(%arg22 : memref<128x80xf32, #tpu.memory_space<vmem>>) dst(%dma_wait3A_491 : memref<128x80xf32, #tpu.memory_space<hbm>>)
        tpu.yield
      }) : () -> ()
    }
    %scan3A_459 = arith.constant 5 : i32
    return
  }
}

</mosaic_0001>

<sc_bundles>
// kernel: _edge_pass.3.cloned.1.call-start
scs
__scs_entry_jumppad:
0x0: {  	(pc) =	sbr.rel $0x88, $3  }
0x1: {  	(tag) =	ssettag $0x0;
	lr =	simm.s32 $0x1  }
0x2: {  	[smem:$0x3F9D] =	sst lr;
	_ =	strace $0xD0000000  }
0x3: {  	_ = 	snop  }
0x4: {  	_ = 	snop  }
0x5: {  	_ = 	snop  }
0x6: {  	_ = 	snop  }
0x7: {  	_ = 	snop  }
__scs_overlays_trampoline_lowered:
0x8: {  	[smem:$0x3FAC] =	sst s0  }
0x9: {  	[smem:$0x3FAD] =	sst s1  }
0xa: {  	[smem:$0x3FAE] =	sst s2  }
0xb: {  	[smem:$0x3FAF] =	sst s3  }
0xc: {  	[smem:$0x3FB0] =	sst s4  }
0xd: {  	[smem:$0x3FB1] =	sst s5  }
0xe: {  	[smem:$0x3FB2] =	sst s6  }
0xf: {  	[smem:$0x3FB3] =	sst s7  }
0x10: {  	[smem:$0x3FB4] =	sst s8  }
0x11: {  	[smem:$0x3FB5] =	sst s9;
	s0 =	simm.s32 @!p0 $0x0  }
0x12: {  	s1 =	sld [smem:$0x3F9B];
	s0 =	simm.s32 @p0 $0x1  }
0x13: {  	[smem:$0x3FB6] =	sst s0;
	s0 =	simm.s32 @!p1 $0x0  }
0x14: {  	s2 =	sld [smem:$0x3F9A];
	s0 =	simm.s32 @p1 $0x1  }
0x15: {  	[smem:$0x3FB7] =	sst s0;
	s0 =	simm.s32 @!p2 $0x0  }
0x16: {  	s3 =	sld [smem:$0x3FDB];
	s0 =	simm.s32 @p2 $0x1  }
0x17: {  	s4 =	simm.s32 $0x1BF5;
	[smem:$0x3FB9] =	sst s0  }
0x18: {  	s0 =	sld [smem:$0x3F9C];
	_ =	swait.ge [sflag:s4], $0x0  }
0x19: {  	s7 =	sld [smem:$0x3F9D]  }
0x1a: {  	s8 =	sadd.s32 $0xFFFFE003, lr  }
0x1b: {  	s9 =	sadd.s32 $0xFFFFFEF7, lr;
	s5 =	simm.s32 $0xFFFFFFFF;
	p2 =	slt.u32 s8, $0xFFFFF086  }
0x1c: {  	p1 =	slt.u32 s9, $0xF7A;
	s5 =	simm.s32 @!p2 $0x0  }
0x1d: {  	s5 =	simm.s32 @p1 $0x1;
	p0 =	seq.s32 s7, s2  }
0x1e: {  	s7 =	smul.u32 @!p0 $0xF7A, s2;
	p2 =	seq.s32 @!p0 s5, $0x0  }
0x1f: {  	s9 =	smul.u32 $0xF7A, s1;
	s8 =	simm.s32 @!p0 $0x1BF5;
	p2 =	por !p2, p0  }
0x20: {  	[sflag:s8] =	ssyncset.s32 @!p0 $0xFFFFF086;
	s6 =	sadd.s32 @!p0 s3, s7;
	s7 =	simm.s32 @!p0 $0x108  }
0x21: {  	s3 =	sadd.s32 s3, s9;
	s6 =	sadd.s32 @!p0 $0x88, s6;
	s7 =	simm.s32 @p2 $0x1082  }
0x22: {  	[simem:s7], [sflag:s8] =	dma.local @!p0 [hbm:s6], $0xF7A  }
0x23: {  	s9 =	sor.u32 $0xD0000000, s2;
	s6 =	simm.s32 $0x108;
	_ =	swait.ge @!p0 [sflag:s8], $0x0  }
0x24: {  	s3 =	sadd.s32 $0x88, s3;
	s6 =	simm.s32 @!p1 $0x1082;
	[sflag:s4] =	ssyncset.s32 $0xFFFFF086  }
0x25: {  	[simem:s6], [sflag:s4] =	dma.local [hbm:s3], $0xF7A  }
0x26: {  	[smem:$0x3F9D] =	sst s1;
	(tag) =	ssettag s2;
	_ =	strace s9  }
0x27: {  	s1 =	sld [smem:$0x3FAD]  }
0x28: {  	s2 =	sld [smem:$0x3FAE]  }
0x29: {  	s4 =	sld [smem:$0x3FB0]  }
0x2a: {  	p0 =	seq.s32 s5, $0x0;
	s5 =	sld [smem:$0x3FB1]  }
0x2b: {  	s6 =	sld [smem:$0x3FB2]  }
0x2c: {  	s7 =	sld [smem:$0x3FB3]  }
0x2d: {  	s3 =	simm.s32 $0x108;
	s8 =	sld [smem:$0x3FB4]  }
0x2e: {  	s3 =	simm.s32 @!p0 $0x1082;
	s9 =	sld [smem:$0x3FB5]  }
0x2f: {  	lr =	sadd.s32 s0, s3;
	s0 =	sld [smem:$0x3FAC]  }
0x30: {  	s3 =	sld [smem:$0x3FAF]  }
0x31: {  	[smem:$0x3FB8] =	sst s10  }
0x32: {  	s10 =	sld [smem:$0x3FB6];
	_ =	sdelay $0x3  }
0x33: {  	p0 =	seq.s32 s10, $0x1;
	s10 =	sld [smem:$0x3FB8];
	_ =	sdelay $0x3  }
0x34: {  	[smem:$0x3FB8] =	sst s10  }
0x35: {  	s10 =	sld [smem:$0x3FB7];
	_ =	sdelay $0x3  }
0x36: {  	p1 =	seq.s32 s10, $0x1;
	s10 =	sld [smem:$0x3FB8];
	_ =	sdelay $0x3  }
0x37: {  	[smem:$0x3FB8] =	sst s10  }
0x38: {  	s10 =	sld [smem:$0x3FB9]  }
0x39: {  	_ = 	snop;
	(pc) =	sbr.ind lr, $3  }
0x3a: {  	_ = 	snop  }
0x3b: {  	_ = 	snop  }
0x3c: {  	p2 =	seq.s32 s10, $0x1;
	s10 =	sld [smem:$0x3FB8]  }
0x3d: {  	_ =	shalt  }
0x3e: {  	_ =	shalt  }
0x3f: {  	_ =	shalt  }
0x40: {  	_ =	shalt  }
0x41: {  	_ =	shalt  }
0x42: {  	_ =	shalt  }
0x43: {  	_ =	shalt  }
0x44: {  	_ =	shalt  }
0x45: {  	_ =	shalt  }
0x46: {  	_ =	shalt  }
0x47: {  	_ =	shalt  }
0x48: {  	_ =	shalt  }
0x49: {  	_ =	shalt  }
0x4a: {  	_ =	shalt  }
0x4b: {  	_ =	shalt  }
0x4c: {  	_ =	shalt  }
0x4d: {  	_ =	shalt  }
0x4e: {  	_ =	shalt  }
0x4f: {  	_ =	shalt  }
0x50: {  	_ =	shalt  }
0x51: {  	_ =	shalt  }
0x52: {  	_ =	shalt  }
0x53: {  	_ =	shalt  }
0x54: {  	_ =	shalt  }
0x55: {  	_ =	shalt  }
0x56: {  	_ =	shalt  }
0x57: {  	_ =	shalt  }
0x58: {  	_ =	shalt  }
0x59: {  	_ =	shalt  }
0x5a: {  	_ =	shalt  }
0x5b: {  	_ =	shalt  }
0x5c: {  	_ =	shalt  }
0x5d: {  	_ =	shalt  }
0x5e: {  	_ =	shalt  }
0x5f: {  	_ =	shalt  }
0x60: {  	_ =	shalt  }
0x61: {  	_ =	shalt  }
0x62: {  	_ =	shalt  }
0x63: {  	_ =	shalt  }
0x64: {  	_ =	shalt  }
0x65: {  	_ =	shalt  }
0x66: {  	_ =	shalt  }
0x67: {  	_ =	shalt  }
0x68: {  	_ =	shalt  }
0x69: {  	_ =	shalt  }
0x6a: {  	_ =	shalt  }
0x6b: {  	_ =	shalt  }
0x6c: {  	_ =	shalt  }
0x6d: {  	_ =	shalt  }
0x6e: {  	_ =	shalt  }
0x6f: {  	_ =	shalt  }
0x70: {  	_ =	shalt  }
0x71: {  	_ =	shalt  }
0x72: {  	_ =	shalt  }
0x73: {  	_ =	shalt  }
0x74: {  	_ =	shalt  }
0x75: {  	_ =	shalt  }
0x76: {  	_ =	shalt  }
0x77: {  	_ =	shalt  }
0x78: {  	_ =	shalt  }
0x79: {  	_ =	shalt  }
0x7a: {  	_ =	shalt  }
0x7b: {  	_ =	shalt  }
0x7c: {  	_ =	shalt  }
0x7d: {  	_ =	shalt  }
0x7e: {  	_ =	shalt  }
0x7f: {  	_ =	shalt  }
0x80: {  	_ =	shalt  }
0x81: {  	_ =	shalt  }
0x82: {  	_ =	shalt  }
0x83: {  	_ =	shalt  }
0x84: {  	_ =	shalt  }
0x85: {  	_ =	shalt  }
0x86: {  	_ =	shalt  }
0x87: {  	_ =	shalt  }
.Lfunc_end0:
.L_simem_size_0:
called_computation_lowered:
.L_overlay_start_0:
0x88: {  	s2 =	sld [smem:$0x3FD9]  }
0x89: {  	s3 =	sld [smem:$0x3FFE];
	_ =	sdelay $0x1  }
0x8a: {  	s1 =	srdreg.scid  }
0x8b: {  	s0 =	sand.u32 $0x1, s1  }
0x8c: {  	s17 =	sshll.u32 s0, $0xA;
	s2 =	sadd.s32 s3, s2  }
0x8d: {  	s2 =	sadd.s32 s2, s17  }
0x8e: {  	[smem:$0x3FC4] =	sst s2  }
0x8f: {  	_ = 	snop  }
0x90: {  	s2 =	sld [smem:$0x3FC7]  }
0x91: {  	s18 =	sld [smem:$0x3FC6]  }
0x92: {  	s4 =	sld [smem:$0x3FD0];
	(tm) =	ssettm $0x1  }
0x93: {  	s5 =	sld [smem:$0x3FFB];
	_ =	sdelay $0x3  }
0x94: {  	_ =	strace s5  }
0x95: {  	s5 =	sld [smem:$0x3FFC];
	_ =	sdelay $0x3  }
0x96: {  	_ =	strace s5  }
0x97: {  	s5 =	sld [smem:$0x3FFD];
	_ =	sdelay $0x3  }
0x98: {  	_ =	strace s5  }
0x99: {  	_ =	strace $0x8FFFFFFF  }
0x9a: {  	s19 =	sld [smem:$0x3FDB];
	_ =	sdelay $0x1  }
0x9b: {  	s6 =	simm.s32 $_scs_section_size  }
0x9c: {  	s7 =	simm.s32 $_size__tile_overlayer_lowered;
	s8 =	simm.s32 $_tile_overlayer_lowered  }
0x9d: {  	s22 =	simm.s32 $0x1BFF;
	s21 =	sshll.u32 s8, $0x1;
	s5 =	sadd.s32 s6, s19  }
0x9e: {  	s9 =	simm.s32 $0x0;
	s20 =	sshll.u32 s7, $0x1;
	s7 =	sadd.s32 s21, s5  }
0x9f: {  	[timem:s9], [sflag:s22] =	dma.local [hbm:s7], s20  }
0xa0: {  	_ =	swait.ge [sflag:s22], s20  }
0xa1: {  	s6 =	ssub.s32 $0x0, s20;
	[sflag:s22] =	ssyncset.done $0x0  }
0xa2: {  	[sflag:s22] =	ssyncadd.s32 s6;
	_ =	sdelay $0x1  }
0xa3: {  	s23 =	simm.s32 $0x1B8B  }
0xa4: {  	_ =	swait.ge [sflag:s23], $0x1  }
0xa5: {  	[sflag:s23] =	ssyncset.done $0x0  }
0xa6: {  	s25 =	simm.s32 $0x1B8E;
	s24 =	sld [smem:$0x3FFE];
	[sflag:s23] =	ssyncadd.s32 $0xFFFFFFFF  }
0xa7: {  	s26 =	simm.s32 $execute0_lowered;
	[smem:$0x3FD2] =	sst s25  }
0xa8: {  	s7 =	sshll.u32 s26, $0x1;
	_ =	strace $0x80000046;
	[dreg:$0x1] =	wrdreg $0xFFFFFFFF  }
0xa9: {  	s28 =	simm.s32 $_size_execute0_lowered;
	s5 =	sadd.s32 s5, s7;
	[dreg:$0x0] =	wrdreg $0x0  }
0xaa: {  	s7 =	sshll.u32 s28, $0x1;
	[dreg:$0x2] =	wrdreg s5  }
0xab: {  	[dreg:$0x3] =	wrdreg s7  }
0xac: {  	[dreg:$0x4] =	wrdreg $0xC0  }
0xad: {  	_ =	task [dreg:s9], $0x5FFFF  }
0xae: {  	[dreg:$0x1] =	wrdreg $0xFFFFFFFF  }
0xaf: {  	[dreg:$0x0] =	wrdreg $0x60  }
0xb0: {  	[dreg:$0x2] =	wrdreg s24  }
0xb1: {  	[dreg:$0x3] =	wrdreg s2  }
0xb2: {  	[dreg:$0x4] =	wrdreg s18  }
0xb3: {  	[dreg:$0x5] =	wrdreg s4  }
0xb4: {  	[dreg:$0x6] =	wrdreg $0x117800  }
0xb5: {  	[dreg:$0x7] =	wrdreg $0x9  }
0xb6: {  	_ =	task.clear_ibuf [dreg:s9], $0x8FFFF;
	_ =	strace $0x90000046  }
0xb7: {  	s29 =	simm.s32 $0x9;
	_ =	strace $0x80000048  }
0xb8: {  	_ =	swait.ge [sflag:s29], $0x1  }
0xb9: {  	[sflag:s29] =	ssyncadd.s32 $0xFFFFFFFF  }
0xba: {  	_ =	strace $0x90000048  }
0xbb: {  	_ =	sfence  }
0xbc: {  	s30 =	sld [smem:$0x0];
	_ =	sdelay $0x2  }
0xbd: {  	s31 =	sshll.u32 s1, $0xD;
	s1 =	sshrl.u32 s1, $0x2  }
0xbe: {  	s3 =	sand.u32 $0x4000, s31;
	s1 =	sadd.s32 s1, s30  }
0xbf: {  	s0 =	sor.u32 s3, s0;
	s1 =	sshll.u32 s1, $0x11  }
0xc0: {  	s0 =	sor.u32 s1, s0  }
0xc1: {  	s0 =	sadd.s32 $0x8F2B, s0  }
0xc2: {  	[sflag:s0] =	ssyncadd.remote.s32 $0x1  }
0xc3: {  	_ =	sfence.sel $0xFFFF  }
0xc4: {  	[dreg:$0x0] =	wrdreg $0xFFFFFFFF;
	(pc) =	sbr.abs _section_cstart, $3  }
0xc5: {  	[dreg:$0x1] =	wrdreg $0xFFFFFFFF  }
0xc6: {  	_ =	task.clear_ibuf [dreg:s9], $0x2FFFF;
	_ =	strace $0x9FFFFFFF  }
0xc7: {  	(tm) =	ssettm $0x7FFFFFFF  }
tec
execute0_lowered:
.L_overlay_start_1:
0x0: {  	(tag) =	ssettag $0x1  }
0x1: {  	s0 =	rddreg [dreg:$0x0]  }
0x2: {  	s3 =	rddreg [dreg:$0x1]  }
0x3: {  	s5 =	rddreg [dreg:$0x2];
	s13 =	stileid.u32  }
0x4: {  	s8 =	rddreg [dreg:$0x3];
	s9 =	smul.u32 $0x280, s13  }
0x5: {  	s1 =	rddreg [dreg:$0x4];
	s11 =	smul.u32 $0xA20, s13  }
0x6: {  	s4 =	srdreg.scid;
	s2 =	simm.s32 $0x0;
	s26 =	smul.u32 $0xC800, s13  }
0x7: {  	s19 =	simm.s32 $0xC780;
	s4 =	sand.u32 $0x1, s4;
	s29 =	smul.u32 $0x32000, s13  }
0x8: {  	s28 =	simm.s32 $0x80;
	[smem:$0x7FF] =	sst s2;
	s6 =	smul.u32 $0xF000, s4  }
0x9: {  	s7 =	smul.u32 $0x5000, s4;
	_ =	strace $0x80000047;
	s10 =	ssub.s32 $0x2, s4  }
0xa: {  	s12 =	smul.u32 $0x19000, s4;
	s25 =	sshrl.u32 s10, $0x1;
	s4 =	sadd.s32 s3, s11  }
0xb: {  	s5 =	sadd.s32 s5, s11;
	s9 =	sadd.s32 $0x80, s9;
	s31 =	sadd.s32 s26, s1  }
0xc: {  	s13 =	sadd.s32 $0x14000, s29;
	s15 =	sadd.s32 $0x1E000, s29;
	s16 =	sadd.s32 $0x28000, s29  }
0xd: {  	s18 =	sshrl.u32 s26, $0x3;
	s21 =	sadd.s32 $0x5000, s26;
	s23 =	sadd.s32 $0x7800, s26  }
0xe: {  	s3 =	sadd.s32 $0xA000, s26;
	s6 =	sadd.s32 s6, s0;
	s0 =	sadd.s32 s7, s0  }
0xf: {  	s10 =	ssub.s32 s10, s25;
	s30 =	smul.u32 $0x140, s9;
	s8 =	sadd.s32 s8, s12  }
0x10: {  	[dreg:$0x6] =	wrdreg s31;
	s12 =	sshrl.u32 s29, $0x2;
	s14 =	sshrl.u32 s13, $0x2  }
0x11: {  	s9 =	smul.u32 $0x50, s9;
	s22 =	sadd.s32 s21, s1;
	s24 =	sadd.s32 s23, s1  }
0x12: {  	s11 =	sshrl.u32 s23, $0x3;
	s25 =	sadd.s32 s3, s1;
	s3 =	sshrl.u32 s3, $0x3  }
0x13: {  	s23 =	simm.s32 $0xE;
	s13 =	simm.s32 $0x4;
	[dreg:$0xe] =	wrdreg s22  }
0x14: {  	s6 =	sadd.s32 $0x600, s6;
	s7 =	sadd.s32 $0x1E600, s0;
	[dreg:$0xf] =	wrdreg s24  }
0x15: {  	s10 =	smax.u32 s10, $0x1;
	[dreg:$0x10] =	wrdreg s25;
	s31 =	sadd.s32 s3, s8  }
0x16: {  	s22 =	simm.s32 $0xEF80;
	s24 =	simm.s32 $0x6;
	s3 =	simm.s32 $0x0  }
0x17: {  	[dreg:$0x7] =	wrdreg s10;
	s0 =	sshrl.u32 s30, $0x2;
	s10 =	sadd.s32 s12, s1  }
0x18: {  	s20 =	sadd.s32 s9, s1;
	s9 =	sshrl.u32 s9, $0x3;
	[dreg:$0x15] =	wrdreg s31  }
0x19: {  	s30 =	sadd.s32 s11, s8;
	s11 =	simm.s32 $0xC;
	[dreg:$0x8] =	wrdreg s10  }
0x1a: {  	s12 =	simm.s32 $0x700;
	s0 =	sadd.s32 s0, s1;
	[dreg:$0xd] =	wrdreg s20  }
0x1b: {  	s10 =	sshrl.u32 s16, $0x2;
	s26 =	sadd.s32 s9, s8;
	[dreg:$0x14] =	wrdreg s30  }
0x1c: {  	s16 =	simm.s32 $0xD;
	s20 =	simm.s32 $0x2;
	s9 =	simm.s32 $0x3  }
0x1d: {  	[dreg:$0x9] =	wrdreg s0;
	s0 =	sadd.s32 s14, s1;
	s17 =	sadd.s32 s10, s1  }
0x1e: {  	s10 =	sshrl.u32 s21, $0x3;
	[dreg:$0x12] =	wrdreg s26;
	s14 =	simm.s32 $0x1  }
.Ltmp0:
0x1f: {  	s21 =	simm.s32 $0x680;
	[dreg:$0xa] =	wrdreg s0;
	(pc) =	sbr.rel .LBB2_1-.Ltmp0, $4  }
0x20: {  	s0 =	sshrl.u32 s15, $0x2;
	[dreg:$0xc] =	wrdreg s17;
	s29 =	sadd.s32 s10, s8  }
0x21: {  	s10 =	simm.s32 $0x7;
	s0 =	sadd.s32 s0, s1;
	[dreg:$0x13] =	wrdreg s29  }
0x22: {  	s17 =	simm.s32 $0x8;
	[dreg:$0xb] =	wrdreg s0;
	s0 =	sadd.s32 s18, s8  }
0x23: {  	v0 =	vimm.f32 $0.0e+00;
	s8 =	simm.s32 $0xF;
	s18 =	simm.s32 $0x5;
	[dreg:$0x11] =	wrdreg s0  }
.LBB2_26:
0x24: {  	_ =	swait.ge [sflag:s10], $0x2800  }
0x25: {  	[sflag:s10] =	ssyncset.done $0x0  }
0x26: {  	[sflag:s10] =	ssyncadd.s32 $0xFFFFD800  }
0x27: {  	_ =	swait.ge [sflag:s17], $0x2800  }
0x28: {  	[sflag:s17] =	ssyncset.done $0x0  }
0x29: {  	[sflag:s17] =	ssyncadd.s32 $0xFFFFD800  }
0x2a: {  	[bflag:$0x0] =	sbarrier.arrive $0xFFFF  }
0x2b: {  	s8 =	simm.s32 $0xF;
	s0 =	rddreg [dreg:$0x6]  }
0x2c: {  	[tilespmem:s19], [sflag:$0xF] =	stream.linear.gather [spmem:s0], $0x2800, $0x38;
	[tilespmem:$0x1DF80] =	vst v63  }
0x2d: {  	_ =	swait.ge [sflag:s8], $0x2800  }
0x2e: {  	[sflag:s8] =	ssyncset.done $0x0  }
0x2f: {  	s29 =	rddreg [dreg:$0x11];
	[sflag:s8] =	ssyncadd.s32 $0xFFFFD800  }
0x30: {  	[hbm4b:s29+s2] =	stream.linear.scatter [tilespmem:s19], [sflag:$0xF], $0x2800, $0x38;
	[tilespmem:$0x1DF80] =	vst v63  }
0x31: {  	_ =	swait.ge [sflag:s8], $0x2800  }
0x32: {  	[sflag:s8] =	ssyncset.done $0x0  }
0x33: {  	s30 =	rddreg [dreg:$0xd];
	[sflag:s8] =	ssyncadd.s32 $0xFFFFD800  }
0x34: {  	[tilespmem:s19], [sflag:$0xF] =	stream.linear.gather [spmem:s30], $0x2800, $0x38;
	[tilespmem:$0x1DF80] =	vst v63  }
0x35: {  	_ =	swait.ge [sflag:s8], $0x2800  }
0x36: {  	[sflag:s8] =	ssyncset.done $0x0  }
0x37: {  	s31 =	rddreg [dreg:$0x12];
	[sflag:s8] =	ssyncadd.s32 $0xFFFFD800  }
0x38: {  	[hbm4b:s31+s2] =	stream.linear.scatter [tilespmem:s19], [sflag:$0xF], $0x2800, $0x38;
	[tilespmem:$0x1DF80] =	vst v63  }
0x39: {  	_ =	swait.ge [sflag:s8], $0x2800  }
0x3a: {  	[sflag:s8] =	ssyncset.done $0x0  }
0x3b: {  	s3 =	rddreg [dreg:$0xe];
	[sflag:s8] =	ssyncadd.s32 $0xFFFFD800  }
0x3c: {  	[tilespmem:s19], [sflag:$0xF] =	stream.linear.gather [spmem:s3], $0x2800, $0x38;
	[tilespmem:$0x1DF80] =	vst v63  }
0x3d: {  	_ =	swait.ge [sflag:s8], $0x2800  }
0x3e: {  	[sflag:s8] =	ssyncset.done $0x0  }
0x3f: {  	s15 =	rddreg [dreg:$0x13];
	[sflag:s8] =	ssyncadd.s32 $0xFFFFD800  }
0x40: {  	[hbm4b:s15+s2] =	stream.linear.scatter [tilespmem:s19], [sflag:$0xF], $0x2800, $0x38;
	[tilespmem:$0x1DF80] =	vst v63  }
0x41: {  	_ =	swait.ge [sflag:s8], $0x2800  }
0x42: {  	[sflag:s8] =	ssyncset.done $0x0  }
0x43: {  	s25 =	rddreg [dreg:$0xf];
	[sflag:s8] =	ssyncadd.s32 $0xFFFFD800  }
0x44: {  	[tilespmem:s19], [sflag:$0xF] =	stream.linear.gather [spmem:s25], $0x2800, $0x38;
	[tilespmem:$0x1DF80] =	vst v63  }
0x45: {  	_ =	swait.ge [sflag:s8], $0x2800  }
0x46: {  	[sflag:s8] =	ssyncset.done $0x0  }
0x47: {  	s26 =	rddreg [dreg:$0x14];
	[sflag:s8] =	ssyncadd.s32 $0xFFFFD800  }
0x48: {  	[hbm4b:s26+s2] =	stream.linear.scatter [tilespmem:s19], [sflag:$0xF], $0x2800, $0x38;
	[tilespmem:$0x1DF80] =	vst v63  }
0x49: {  	_ =	swait.ge [sflag:s8], $0x2800  }
0x4a: {  	[sflag:s8] =	ssyncset.done $0x0  }
0x4b: {  	s29 =	rddreg [dreg:$0x10];
	[sflag:s8] =	ssyncadd.s32 $0xFFFFD800  }
0x4c: {  	[tilespmem:s19], [sflag:$0xF] =	stream.linear.gather [spmem:s29], $0x2800, $0x38;
	[tilespmem:$0x1DF80] =	vst v63  }
0x4d: {  	_ =	swait.ge [sflag:s8], $0x2800  }
0x4e: {  	[sflag:s8] =	ssyncset.done $0x0  }
0x4f: {  	s30 =	rddreg [dreg:$0x15];
	[sflag:s8] =	ssyncadd.s32 $0xFFFFD800  }
0x50: {  	[hbm4b:s30+s2] =	stream.linear.scatter [tilespmem:s19], [sflag:$0xF], $0x2800, $0x38;
	[tilespmem:$0x1DF80] =	vst v63  }
0x51: {  	_ =	swait.ge [sflag:s8], $0x2800  }
0x52: {  	s3 =	rddreg [dreg:$0x16]  }
0x53: {  	s31 =	rddreg [dreg:$0x7];
	s3 =	sadd.s32 $0x1, s3  }
0x54: {  	p0 =	sne.s32 s3, s31  }
.Ltmp1:
0x55: {  	_ = 	snop;
	(pc) =	sbr.rel @!p0 .LBB2_27-.Ltmp1, $3  }
0x56: {  	_ =	sdelay $0x1  }
0x57: {  	[sflag:s8] =	ssyncset.done $0x0  }
0x58: {  	[sflag:s8] =	ssyncadd.s32 $0xFFFFD800  }
.LBB2_1:
0x59: {  	[dreg:$0x16] =	wrdreg s3;
	s0 =	simm.s32 $0x0  }
.LBB2_2:
0x5a: {  	p0 =	sne.s32 s0, $0x9EC0  }
.Ltmp2:
0x5b: {  	_ = 	snop;
	(pc) =	sbr.rel @p0 .LBB2_2-.Ltmp2, $3  }
0x5c: {  	_ =	sdelay $0x1  }
0x5d: {  	s3 =	sshra.s32 s0, $0x2  }
0x5e: {  	s0 =	sadd.s32 $0x140, s0;
	[tilespmem:s3+$0xC780] =	vst v0  }
0x5f: {  	s0 =	simm.s32 $0x40  }
.LBB2_4:
0x60: {  	p0 =	sne.s32 s0, $0x9F00  }
.Ltmp3:
0x61: {  	_ = 	snop;
	(pc) =	sbr.rel @p0 .LBB2_4-.Ltmp3, $3  }
0x62: {  	_ =	sdelay $0x1  }
0x63: {  	s3 =	sshra.s32 s0, $0x2  }
0x64: {  	s0 =	sadd.s32 $0x140, s0;
	[tilespmem:s3+$0xC780] =	vst v0  }
0x65: {  	s0 =	simm.s32 $0x80  }
.LBB2_6:
0x66: {  	p0 =	sne.s32 s0, $0x9F40  }
.Ltmp4:
0x67: {  	_ = 	snop;
	(pc) =	sbr.rel @p0 .LBB2_6-.Ltmp4, $3  }
0x68: {  	_ =	sdelay $0x1  }
0x69: {  	s3 =	sshra.s32 s0, $0x2  }
0x6a: {  	s0 =	sadd.s32 $0x140, s0;
	[tilespmem:s3+$0xC780] =	vst v0  }
0x6b: {  	s0 =	simm.s32 $0xC0  }
.LBB2_8:
0x6c: {  	p0 =	sne.s32 s0, $0x9F80  }
.Ltmp5:
0x6d: {  	_ = 	snop;
	(pc) =	sbr.rel @p0 .LBB2_8-.Ltmp5, $3  }
0x6e: {  	_ =	sdelay $0x1  }
0x6f: {  	s3 =	sshra.s32 s0, $0x2  }
0x70: {  	s0 =	sadd.s32 $0x140, s0;
	[tilespmem:s3+$0xC780] =	vst v0  }
0x71: {  	s0 =	simm.s32 $0x240;
	s3 =	simm.s32 $0x40  }
.LBB2_10:
0x72: {  	p0 =	sne.s32 s0, $0x9FC0;
	[tilespmem:s3+$0xC780] =	vst v0;
	s3 =	smov.u32 s0;
	s0 =	sadd.s32 $0x140, s0  }
.Ltmp6:
0x73: {  	(pc) =	sbr.rel @p0 .LBB2_10-.Ltmp6, $2  }
0x74: {  	_ =	sdelay $0x2  }
0x75: {  	s3 =	sshra.s32 s3, $0x2  }
0x76: {  	[tilespmem:s3+$0xC780] =	vst v0;
	s0 =	rddreg [dreg:$0x8]  }
0x77: {  	[spmem:s0] =	stream.linear.scatter [tilespmem:s19], [sflag:$0xF], $0x2800, $0x38;
	[tilespmem:$0x1DF80] =	vst v63  }
0x78: {  	_ =	swait.ge [sflag:s8], $0x2800  }
0x79: {  	[sflag:s8] =	ssyncset.done $0x0  }
0x7a: {  	s30 =	rddreg [dreg:$0x9];
	[sflag:s8] =	ssyncadd.s32 $0xFFFFD800  }
0x7b: {  	[spmem:s30] =	stream.linear.scatter [tilespmem:s19], [sflag:$0xF], $0x2800, $0x38;
	[tilespmem:$0x1DF80] =	vst v63  }
0x7c: {  	_ =	swait.ge [sflag:s8], $0x2800  }
0x7d: {  	[sflag:s8] =	ssyncset.done $0x0  }
0x7e: {  	s31 =	rddreg [dreg:$0xa];
	[sflag:s8] =	ssyncadd.s32 $0xFFFFD800  }
0x7f: {  	[spmem:s31] =	stream.linear.scatter [tilespmem:s19], [sflag:$0xF], $0x2800, $0x38;
	[tilespmem:$0x1DF80] =	vst v63  }
0x80: {  	_ =	swait.ge [sflag:s8], $0x2800  }
0x81: {  	[sflag:s8] =	ssyncset.done $0x0  }
0x82: {  	s3 =	rddreg [dreg:$0xb];
	[sflag:s8] =	ssyncadd.s32 $0xFFFFD800  }
0x83: {  	[spmem:s3] =	stream.linear.scatter [tilespmem:s19], [sflag:$0xF], $0x2800, $0x38;
	[tilespmem:$0x1DF80] =	vst v63  }
0x84: {  	_ =	swait.ge [sflag:s8], $0x2800  }
0x85: {  	[sflag:s8] =	ssyncset.done $0x0  }
0x86: {  	s15 =	rddreg [dreg:$0xc];
	[sflag:s8] =	ssyncadd.s32 $0xFFFFD800  }
0x87: {  	[spmem:s15] =	stream.linear.scatter [tilespmem:s19], [sflag:$0xF], $0x2800, $0x38;
	[tilespmem:$0x1DF80] =	vst v63  }
0x88: {  	_ =	swait.ge [sflag:s8], $0x2800  }
0x89: {  	[sflag:s8] =	ssyncset.done $0x0  }
0x8a: {  	[sflag:s8] =	ssyncadd.s32 $0xFFFFD800  }
0x8b: {  	s8 =	simm.s32 $0x0;
	[bflag:$0x0] =	sbarrier.arrive $0xFFFF  }
0x8c: {  	[tilespmem:s8], [sflag:$0x9] =	stream.linear.gather [hbm4b:s4+s8], $0x80, $0x38;
	[tilespmem:$0x1DF80] =	vst v63  }
0x8d: {  	s3 =	simm.s32 $0x300  }
0x8e: {  	[tilespmem:s3], [sflag:$0x9] =	stream.linear.gather [hbm4b:s5+s8], $0x80, $0x38;
	[tilespmem:$0x1DF80] =	vst v63  }
0x8f: {  	s25 =	sadd.s32 $0x10, s4  }
0x90: {  	[tilespmem:s28], [sflag:$0xA] =	stream.linear.gather [hbm4b:s25+s8], $0x80, $0x38;
	[tilespmem:$0x1DF80] =	vst v63  }
0x91: {  	s26 =	sadd.s32 $0x10, s5;
	s25 =	simm.s32 $0x380  }
0x92: {  	[tilespmem:s25], [sflag:$0xA] =	stream.linear.gather [hbm4b:s26+s8], $0x80, $0x38;
	[tilespmem:$0x1DF80] =	vst v63  }
0x93: {  	s29 =	sadd.s32 $0x20, s4;
	s26 =	simm.s32 $0x100  }
0x94: {  	[tilespmem:s26], [sflag:$0xB] =	stream.linear.gather [hbm4b:s29+s8], $0x80, $0x38;
	[tilespmem:$0x1DF80] =	vst v63  }
0x95: {  	s30 =	sadd.s32 $0x20, s5;
	s29 =	simm.s32 $0x400  }
0x96: {  	[tilespmem:s29], [sflag:$0xB] =	stream.linear.gather [hbm4b:s30+s8], $0x80, $0x38;
	[tilespmem:$0x1DF80] =	vst v63  }
0x97: {  	s31 =	sadd.s32 $0x30, s4;
	s30 =	simm.s32 $0x180  }
0x98: {  	[tilespmem:s30], [sflag:$0xC] =	stream.linear.gather [hbm4b:s31+s8], $0x80, $0x38;
	[tilespmem:$0x1DF80] =	vst v63  }
0x99: {  	s15 =	sadd.s32 $0x30, s5;
	s31 =	simm.s32 $0x480  }
0x9a: {  	[tilespmem:s31], [sflag:$0xC] =	stream.linear.gather [hbm4b:s15+s8], $0x80, $0x38;
	[tilespmem:$0x1DF80] =	vst v63  }
0x9b: {  	s0 =	sadd.s32 $0x40, s4;
	s15 =	simm.s32 $0x200  }
0x9c: {  	[tilespmem:s15], [sflag:$0xD] =	stream.linear.gather [hbm4b:s0+s8], $0x80, $0x38;
	[tilespmem:$0x1DF80] =	vst v63  }
0x9d: {  	s0 =	sadd.s32 $0x40, s5;
	s15 =	simm.s32 $0x500  }
0x9e: {  	[tilespmem:s15], [sflag:$0xD] =	stream.linear.gather [hbm4b:s0+s8], $0x80, $0x38;
	[tilespmem:$0x1DF80] =	vst v63  }
0x9f: {  	s0 =	sadd.s32 $0x50, s4;
	s15 =	simm.s32 $0x280  }
0xa0: {  	[tilespmem:s15], [sflag:$0xE] =	stream.linear.gather [hbm4b:s0+s8], $0x80, $0x38;
	[tilespmem:$0x1DF80] =	vst v63  }
0xa1: {  	s0 =	sadd.s32 $0x50, s5;
	s15 =	simm.s32 $0x580  }
0xa2: {  	[tilespmem:s15], [sflag:$0xE] =	stream.linear.gather [hbm4b:s0+s8], $0x80, $0x38;
	[tilespmem:$0x1DF80] =	vst v63  }
0xa3: {  	s0 =	simm.s32 $0x9  }
0xa4: {  	_ =	swait.ge [sflag:s0], $0x80  }
0xa5: {  	[sflag:s0] =	ssyncset.done $0x0  }
0xa6: {  	[sflag:s0] =	ssyncadd.s32 $0xFFFFFF80  }
0xa7: {  	_ =	swait.ge [sflag:s0], $0x80  }
0xa8: {  	[sflag:s0] =	ssyncset.done $0x0  }
0xa9: {  	[sflag:s0] =	ssyncadd.s32 $0xFFFFFF80;
	s0 =	simm.s32 $0x780  }
0xaa: {  	[tilespmem:s0], [sflag:$0x1] =	stream.indirect.gather [hbm4b:s6+s28], $0x30, s8, s28, $0xb8;
	[tilespmem:$0x1DF80] =	vst v63  }
0xab: {  	s0 =	simm.s32 $0x9780  }
0xac: {  	[tilespmem:s0], [sflag:$0x1] =	stream.indirect.gather [hbm4b:s7+s28], $0x10, s3, s28, $0xb8;
	[tilespmem:$0x1DF80] =	vst v63  }
0xad: {  	s3 =	simm.s32 $0xA  }
0xae: {  	_ =	swait.ge [sflag:s3], $0x80  }
0xaf: {  	[sflag:s3] =	ssyncset.done $0x0  }
0xb0: {  	[sflag:s3] =	ssyncadd.s32 $0xFFFFFF80  }
0xb1: {  	_ =	swait.ge [sflag:s3], $0x80  }
0xb2: {  	[sflag:s3] =	ssyncset.done $0x0  }
0xb3: {  	[sflag:s3] =	ssyncadd.s32 $0xFFFFFF80;
	s3 =	simm.s32 $0x1F80  }
0xb4: {  	[tilespmem:s3], [sflag:$0x2] =	stream.indirect.gather [hbm4b:s6+s28], $0x30, s28, s28, $0xb8;
	[tilespmem:$0x1DF80] =	vst v63  }
0xb5: {  	s3 =	simm.s32 $0x9F80  }
0xb6: {  	[tilespmem:s3], [sflag:$0x2] =	stream.indirect.gather [hbm4b:s7+s28], $0x10, s25, s28, $0xb8;
	[tilespmem:$0x1DF80] =	vst v63  }
0xb7: {  	s3 =	simm.s32 $0xB  }
0xb8: {  	_ =	swait.ge [sflag:s3], $0x80  }
0xb9: {  	[sflag:s3] =	ssyncset.done $0x0  }
0xba: {  	[sflag:s3] =	ssyncadd.s32 $0xFFFFFF80  }
0xbb: {  	_ =	swait.ge [sflag:s3], $0x80  }
0xbc: {  	[sflag:s3] =	ssyncset.done $0x0  }
0xbd: {  	s25 =	simm.s32 $0x3780;
	[sflag:s3] =	ssyncadd.s32 $0xFFFFFF80  }
0xbe: {  	[tilespmem:s25], [sflag:$0x3] =	stream.indirect.gather [hbm4b:s6+s28], $0x30, s26, s28, $0xb8;
	[tilespmem:$0x1DF80] =	vst v63  }
0xbf: {  	s26 =	simm.s32 $0xA780  }
0xc0: {  	[tilespmem:s26], [sflag:$0x3] =	stream.indirect.gather [hbm4b:s7+s28], $0x10, s29, s28, $0xb8;
	[tilespmem:$0x1DF80] =	vst v63  }
0xc1: {  	_ =	swait.ge [sflag:s11], $0x80  }
0xc2: {  	[sflag:s11] =	ssyncset.done $0x0  }
0xc3: {  	[sflag:s11] =	ssyncadd.s32 $0xFFFFFF80  }
0xc4: {  	_ =	swait.ge [sflag:s11], $0x80  }
0xc5: {  	[sflag:s11] =	ssyncset.done $0x0  }
0xc6: {  	s29 =	simm.s32 $0x4F80;
	[sflag:s11] =	ssyncadd.s32 $0xFFFFFF80  }
0xc7: {  	[tilespmem:s29], [sflag:$0x4] =	stream.indirect.gather [hbm4b:s6+s28], $0x30, s30, s28, $0xb8;
	[tilespmem:$0x1DF80] =	vst v63  }
0xc8: {  	s30 =	simm.s32 $0xAF80  }
0xc9: {  	[tilespmem:s30], [sflag:$0x4] =	stream.indirect.gather [hbm4b:s7+s28], $0x10, s31, s28, $0xb8;
	[tilespmem:$0x1DF80] =	vst v63  }
.LBB2_12:
0xca: {  	_ =	swait.ge [sflag:s14], $0x1800  }
0xcb: {  	[sflag:s14] =	ssyncset.done $0x0  }
0xcc: {  	[sflag:s14] =	ssyncadd.s32 $0xFFFFE800  }
0xcd: {  	_ =	swait.ge [sflag:s14], $0x800  }
0xce: {  	p1 =	seq.s32 s8, $0x0;
	[sflag:s14] =	ssyncset.done $0x0  }
0xcf: {  	s0 =	simm.s32 @!p1 $0x7;
	[sflag:s14] =	ssyncadd.s32 $0xFFFFF800  }
0xd0: {  	_ =	swait.ge @!p1 [sflag:s0], $0x2800  }
0xd1: {  	[sflag:s0] =	ssyncset.done @!p1 $0x0  }
0xd2: {  	s25 =	simm.s32 $0x840;
	[sflag:s0] =	ssyncadd.s32 @!p1 $0xFFFFD800  }
0xd3: {  	s31 =	simm.s32 $0x97C0;
	v1 =	vld [tilespmem:s25+$0xB0]  }
0xd4: {  	v2 =	vld [tilespmem:s31+$0x30];
	_ =	sdelay $0x1  }
0xd5: {  	v3 =	vld [tilespmem:s25+$0xFFFFFF90]  }
0xd6: {  	v4 =	vld [tilespmem:s25+$0xFFFFFFC0]  }
0xd7: {  	v5 =	vld [tilespmem:s25+$0xFFFFFFF0];
	v1 =	vunpack.i.l.bf16.f32 v1  }
0xd8: {  	v6 =	vld [tilespmem:s25+$0x50];
	v1 =	vadd.f32 v2, v1  }
0xd9: {  	v8 =	vld [tilespmem:s25+$0x80]  }
0xda: {  	v10 =	vld [tilespmem:s31+$0xFFFFFFD0];
	v7 =	vmul.f32 $2.000000030e-01, v1  }
0xdb: {  	v9 =	vld [tilespmem:s25+$0xFFFFFF60];
	vm0 =	vgt.f32 v1, $0.0e+00  }
0xdc: {  	v11 =	vld [tilespmem:s31+$0xFFFFFFE0];
	v1 =	vsel vm0, v1, v7  }
0xdd: {  	v2 =	vld [tilespmem:s25+$0x20];
	v1 =	vmul.f32 $1.442695020e+00, v1  }
0xde: {  	v3 =	vunpack.i.l.bf16.f32 v3;
	v7 =	vld [tilespmem:s31+$0xFFFFFFC0]  }
0xdf: {  	v3 =	vadd.f32 v10, v3;
	v10 =	vld [tilespmem:s31+$0x20];
	(erf) = vpow2.f32 v1  }
0xe0: {  	v12 =	vld [tilespmem:s31+$0x0];
	v4 =	vunpack.i.l.bf16.f32 v4  }
0xe1: {  	v9 =	vunpack.i.l.bf16.f32 v9;
	v5 =	vunpack.i.l.bf16.f32 v5;
	v4 =	vadd.f32 v11, v4;
	v1 =	vld [tilespmem:s31+$0xFFFFFFF0]  }
0xe2: {  	v6 =	vunpack.i.l.bf16.f32 v6;
	v8 =	vunpack.i.l.bf16.f32 v8;
	v11 =	vmul.f32 $2.000000030e-01, v3  }
0xe3: {  	vm1 =	vgt.f32 v3, $0.0e+00;
	vm2 =	vgt.f32 v4, $0.0e+00;
	v7 =	vadd.f32 v7, v9  }
0xe4: {  	v3 =	vsel vm1, v3, v11;
	v2 =	vunpack.i.l.bf16.f32 v2;
	v8 =	vadd.f32 v10, v8;
	v9 =	vld [tilespmem:s31+$0x10]  }
0xe5: {  	v3 =	vmul.f32 $1.442695020e+00, v3;
	v2 =	vadd.f32 v12, v2;
	v13 =	vmul.f32 $2.000000030e-01, v7  }
0xe6: {  	v11 =	vmul.f32 $2.000000030e-01, v8;
	vm15 =	vgt.f32 v7, $0.0e+00;
	v1 =	vadd.f32 v1, v5  }
0xe7: {  	vm4 =	vgt.f32 v2, $0.0e+00;
	v5 =	vmul.f32 $2.000000030e-01, v4;
	v7 =	vsel vm15, v7, v13  }
0xe8: {  	s0 =	simm.s32 $0xC8C0;
	vm3 =	vgt.f32 v1, $0.0e+00;
	v12 =	vmul.f32 $2.000000030e-01, v1;
	v7 =	vmul.f32 $1.442695020e+00, v7;
	v10 =	vpop (erf)  }
0xe9: {  	v6 =	vadd.f32 v9, v6;
	v9 =	vmul.f32 $2.000000030e-01, v2;
	v4 =	vsel vm2, v4, v5;
	[tilespmem:s0+$0x130] =	vst v10  }
0xea: {  	v4 =	vmul.f32 $1.442695020e+00, v4;
	v1 =	vsel vm3, v1, v12;
	(erf) = vpow2.f32 v7;
	v5 =	vld [tilespmem:s25+$0x90]  }
0xeb: {  	v13 =	vmul.f32 $2.000000030e-01, v6;
	v2 =	vsel vm4, v2, v9;
	v1 =	vmul.f32 $1.442695020e+00, v1  }
0xec: {  	vm7 =	vgt.f32 v8, $0.0e+00;
	v2 =	vmul.f32 $1.442695020e+00, v2;
	(erf) = vpow2.f32 v3  }
0xed: {  	vm6 =	vgt.f32 v6, $0.0e+00;
	v7 =	vbroadcast v10, $0x0;
	v12 =	vbroadcast v10, $0x1  }
0xee: {  	v6 =	vsel vm6, v6, v13;
	(erf) = vpow2.f32 v4;
	v4 =	vsel vm7, v8, v11  }
0xef: {  	(erf) = vpow2.f32 v1;
	v1 =	vmul.f32 $1.442695020e+00, v4;
	v9 =	vunpack.i.l.bf16.f32 v5  }
0xf0: {  	v6 =	vmul.f32 $1.442695020e+00, v6;
	v3 =	vunpack.i.u.bf16.f32 v5;
	v5 =	vmul.f32 v7, v9  }
0xf1: {  	(erf) = vpow2.f32 v2;
	v3 =	vmul.f32 v12, v3  }
0xf2: {  	(erf) = vpow2.f32 v6;
	[tilespmem:s0+$0xF0] =	vst v5  }
0xf3: {  	(erf) = vpow2.f32 v1;
	v1 =	vpop (erf);
	[tilespmem:s0+$0x100] =	vst v3  }
0xf4: {  	v5 =	vbroadcast v10, $0x2;
	[tilespmem:s0+$0xFFFFFF00] =	vst v1;
	v6 =	vld [tilespmem:s25+$0xA0]  }
0xf5: {  	v2 =	vbroadcast v1, $0x0;
	v3 =	vbroadcast v10, $0x3;
	v4 =	vpop (erf);
	v7 =	vld [tilespmem:s25+$0xFFFFFF40]  }
0xf6: {  	v8 =	vbroadcast v1, $0x1;
	[tilespmem:s0+$0xFFFFFF50] =	vst v4;
	v9 =	vbroadcast v4, $0x0  }
0xf7: {  	v11 =	vpop (erf);
	v12 =	vbroadcast v4, $0x1;
	v45 =	vbroadcast v4, $0x3;
	v13 =	vld [tilespmem:s25+$0xFFFFFF70]  }
0xf8: {  	v14 =	vbroadcast v11, $0x0;
	v16 =	vbroadcast v11, $0x1  }
0xf9: {  	[tilespmem:s0+$0xFFFFFFA0] =	vst v11;
	v34 =	vbroadcast v11, $0x2;
	v11 =	vbroadcast v11, $0x3  }
0xfa: {  	v15 =	vld [tilespmem:s25+$0xFFFFFFA0];
	v10 =	vunpack.i.u.bf16.f32 v6;
	v25 =	vunpack.i.u.bf16.f32 v7;
	v7 =	vunpack.i.l.bf16.f32 v7  }
0xfb: {  	v6 =	vunpack.i.l.bf16.f32 v6;
	v10 =	vmul.f32 v10, v3;
	v2 =	vmul.f32 v2, v7  }
0xfc: {  	s3 =	simm.s32 $0x9C0;
	v3 =	vpop (erf);
	v32 =	vunpack.i.u.bf16.f32 v13;
	v8 =	vmul.f32 v8, v25;
	v5 =	vmul.f32 v6, v5  }
0xfd: {  	v38 =	vld [tilespmem:s3+$0xFFFFFF60];
	v7 =	vunpack.i.l.bf16.f32 v13;
	[tilespmem:s0+$0xFFFFFFF0] =	vst v3;
	v17 =	vpop (erf);
	v18 =	vbroadcast v3, $0x0;
	v20 =	vbroadcast v3, $0x1  }
0xfe: {  	v7 =	vmul.f32 v9, v7;
	v12 =	vmul.f32 v12, v32;
	v19 =	vld [tilespmem:s25+$0xFFFFFFD0];
	[tilespmem:s0+$0x40] =	vst v17  }
0xff: {  	v13 =	vunpack.i.u.bf16.f32 v15;
	v36 =	vbroadcast v3, $0x2;
	v37 =	vbroadcast v3, $0x3;
	[tilespmem:s0+$0xFFFFFED0] =	vst v8;
	v8 =	vld [tilespmem:s3+$0xB0]  }
0x100: {  	v15 =	vunpack.i.l.bf16.f32 v15;
	v21 =	vpop (erf);
	v22 =	vbroadcast v17, $0x0;
	v23 =	vbroadcast v17, $0x1;
	v26 =	vld [tilespmem:s25+$0x0]  }
0x101: {  	v14 =	vmul.f32 v14, v15;
	v13 =	vmul.f32 v16, v13;
	v24 =	vpop (erf);
	[tilespmem:s0+$0x90] =	vst v21  }
0x102: {  	v39 =	vbroadcast v17, $0x2;
	v42 =	vbroadcast v17, $0x3;
	v29 =	vld [tilespmem:s25+$0x30];
	[tilespmem:s0+$0xE0] =	vst v24  }
0x103: {  	v47 =	vunpack.i.l.bf16.f32 v38;
	v27 =	vbroadcast v21, $0x0;
	v28 =	vbroadcast v21, $0x1;
	v33 =	vld [tilespmem:s25+$0x60]  }
0x104: {  	s26 =	simm.s32 $0x9840;
	[tilespmem:s0+$0xFFFFFEC0] =	vst v2;
	v30 =	vbroadcast v24, $0x0;
	v31 =	vbroadcast v24, $0x1;
	v25 =	vunpack.i.u.bf16.f32 v19  }
0x105: {  	v40 =	vld [tilespmem:s26+$0xFFFFFFC0];
	[tilespmem:s0+$0xFFFFFF10] =	vst v7;
	v2 =	vunpack.i.l.bf16.f32 v19;
	v8 =	vunpack.i.l.bf16.f32 v8;
	v9 =	vunpack.i.u.bf16.f32 v26  }
0x106: {  	v7 =	vld [tilespmem:s26+$0x30];
	[tilespmem:s0+$0xFFFFFF20] =	vst v12;
	v19 =	vunpack.i.l.bf16.f32 v26;
	v16 =	vmul.f32 v18, v2;
	v12 =	vmul.f32 v20, v25  }
0x107: {  	v25 =	vld [tilespmem:s3+$0xFFFFFFC0];
	v26 =	vunpack.i.u.bf16.f32 v29;
	v15 =	vunpack.i.l.bf16.f32 v29;
	v18 =	vmul.f32 v22, v19  }
0x108: {  	v29 =	vld [tilespmem:s25+$0xFFFFFF50];
	v9 =	vmul.f32 v23, v9;
	v2 =	vunpack.i.u.bf16.f32 v33;
	v15 =	vmul.f32 v27, v15  }
0x109: {  	v19 =	vld [tilespmem:s25+$0xFFFFFF80];
	v20 =	vunpack.i.l.bf16.f32 v33;
	v23 =	vmul.f32 v28, v26;
	v26 =	vbroadcast v1, $0x2  }
0x10a: {  	v22 =	vld [tilespmem:s3+$0xFFFFFF90];
	v33 =	vadd.f32 v40, v47;
	v20 =	vmul.f32 v30, v20;
	v27 =	vmul.f32 v31, v2  }
0x10b: {  	v17 =	vld [tilespmem:s26+$0xFFFFFFD0];
	v2 =	vadd.f32 v7, v8;
	v7 =	vbroadcast v1, $0x3;
	v8 =	vbroadcast v4, $0x2  }
0x10c: {  	v46 =	vld [tilespmem:s3+$0x50];
	[tilespmem:s0+$0xFFFFFF60] =	vst v14;
	v4 =	vbroadcast v24, $0x3;
	vm9 =	vgt.f32 v33, $0.0e+00;
	v14 =	vmul.f32 $2.000000030e-01, v33  }
0x10d: {  	v28 =	vld [tilespmem:s3+$0xFFFFFFF0];
	v1 =	vmul.f32 $2.000000030e-01, v2;
	vm8 =	vgt.f32 v2, $0.0e+00;
	v25 =	vunpack.i.l.bf16.f32 v25  }
0x10e: {  	v35 =	vld [tilespmem:s3+$0x80];
	v31 =	vunpack.i.u.bf16.f32 v29;
	v29 =	vunpack.i.l.bf16.f32 v29;
	v41 =	vunpack.i.u.bf16.f32 v19  }
0x10f: {  	v43 =	vld [tilespmem:s26+$0x0];
	v22 =	vunpack.i.l.bf16.f32 v22;
	v14 =	vsel vm9, v33, v14;
	v1 =	vsel vm8, v2, v1  }
0x110: {  	v48 =	vld [tilespmem:s26+$0x10];
	[tilespmem:s0+$0x120] =	vst v10;
	v2 =	vbroadcast v21, $0x3;
	v26 =	vmul.f32 v29, v26;
	v10 =	vadd.f32 v17, v22  }
0x111: {  	v30 =	vld [tilespmem:s3+$0x20];
	v19 =	vunpack.i.l.bf16.f32 v19;
	v14 =	vmul.f32 $1.442695020e+00, v14;
	v3 =	vmul.f32 $1.442695020e+00, v1  }
0x112: {  	[tilespmem:s0+$0xFFFFFF70] =	vst v13;
	v28 =	vunpack.i.l.bf16.f32 v28;
	v1 =	vbroadcast v21, $0x2;
	v21 =	vld [tilespmem:s26+$0xFFFFFFE0];
	v13 =	vmul.f32 $2.000000030e-01, v10  }
0x113: {  	v29 =	vunpack.i.l.bf16.f32 v46;
	(erf) = vpow2.f32 v3;
	v3 =	vbroadcast v24, $0x2;
	v24 =	vld [tilespmem:s26+$0xFFFFFFF0]  }
0x114: {  	v49 =	vld [tilespmem:s26+$0x20];
	v7 =	vmul.f32 v31, v7;
	v31 =	vunpack.i.l.bf16.f32 v35;
	vm10 =	vgt.f32 v10, $0.0e+00  }
0x115: {  	v22 =	vadd.f32 v48, v29;
	v10 =	vsel vm10, v10, v13;
	(erf) = vpow2.f32 v14;
	v14 =	vld [tilespmem:s25+$0xFFFFFFB0]  }
0x116: {  	v8 =	vmul.f32 v19, v8;
	v30 =	vunpack.i.l.bf16.f32 v30;
	v10 =	vmul.f32 $1.442695020e+00, v10  }
0x117: {  	[tilespmem:s0+$0x0] =	vst v18;
	v18 =	vmul.f32 $2.000000030e-01, v22;
	vm14 =	vgt.f32 v22, $0.0e+00;
	v17 =	vadd.f32 v21, v25  }
0x118: {  	[tilespmem:s0+$0x110] =	vst v5;
	v21 =	vadd.f32 v43, v30;
	(erf) = vpow2.f32 v10;
	v19 =	vadd.f32 v24, v28  }
0x119: {  	[tilespmem:s0+$0xFFFFFFB0] =	vst v16;
	vm11 =	vgt.f32 v17, $0.0e+00;
	v16 =	vmul.f32 $2.000000030e-01, v17;
	v24 =	vadd.f32 v49, v31  }
0x11a: {  	[tilespmem:s0+$0xFFFFFFC0] =	vst v12;
	vm13 =	vgt.f32 v21, $0.0e+00;
	v28 =	vmul.f32 $2.000000030e-01, v21;
	v6 =	vunpack.i.l.bf16.f32 v14  }
0x11b: {  	[tilespmem:s0+$0x10] =	vst v9;
	vm12 =	vgt.f32 v19, $0.0e+00;
	v12 =	vmul.f32 $2.000000030e-01, v19;
	v13 =	vmul.f32 $2.000000030e-01, v24  }
0x11c: {  	s29 =	simm.s32 $0xCB40;
	[tilespmem:s0+$0x50] =	vst v15;
	v9 =	vsel vm11, v17, v16;
	v15 =	vsel vm13, v21, v28;
	v6 =	vmul.f32 v6, v34;
	v25 =	vpop (erf)  }
0x11d: {  	v9 =	vmul.f32 $1.442695020e+00, v9;
	v15 =	vmul.f32 $1.442695020e+00, v15;
	v12 =	vsel vm12, v19, v12;
	[tilespmem:s29+$0x130] =	vst v25  }
0x11e: {  	[tilespmem:s0+$0x60] =	vst v23;
	vm15 =	vgt.f32 v24, $0.0e+00;
	v12 =	vmul.f32 $1.442695020e+00, v12;
	v16 =	vbroadcast v25, $0x0;
	v29 =	vld [tilespmem:s3+$0x90]  }
0x11f: {  	[tilespmem:s0+$0xFFFFFEF0] =	vst v7;
	v7 =	vld [tilespmem:s25+$0xFFFFFFE0];
	v13 =	vsel vm15, v24, v13;
	v19 =	vbroadcast v25, $0x1;
	(erf) = vpow2.f32 v9  }
0x120: {  	[tilespmem:s0+$0xA0] =	vst v20;
	v9 =	vsel vm14, v22, v18;
	v13 =	vmul.f32 $1.442695020e+00, v13;
	v5 =	vbroadcast v25, $0x2  }
0x121: {  	[tilespmem:s0+$0xB0] =	vst v27;
	v18 =	vld [tilespmem:s25+$0x10];
	v9 =	vmul.f32 $1.442695020e+00, v9;
	(erf) = vpow2.f32 v12  }
0x122: {  	[tilespmem:s0+$0xFFFFFEE0] =	vst v26;
	v12 =	vmul.f32 v41, v45;
	(erf) = vpow2.f32 v15  }
0x123: {  	[tilespmem:s0+$0xFFFFFF30] =	vst v8;
	(erf) = vpow2.f32 v9;
	v9 =	vunpack.i.u.bf16.f32 v14;
	v17 =	vunpack.i.l.bf16.f32 v29  }
0x124: {  	[tilespmem:s0+$0xFFFFFF40] =	vst v12;
	v12 =	vunpack.i.u.bf16.f32 v7;
	v10 =	vunpack.i.u.bf16.f32 v29;
	v16 =	vmul.f32 v16, v17  }
0x125: {  	[tilespmem:s0+$0xFFFFFF80] =	vst v6;
	v7 =	vunpack.i.l.bf16.f32 v7;
	(erf) = vpow2.f32 v13;
	v10 =	vmul.f32 v19, v10  }
0x126: {  	v8 =	vld [tilespmem:s25+$0x40];
	v22 =	vmul.f32 v7, v36;
	v6 =	vunpack.i.l.bf16.f32 v18;
	v23 =	vmul.f32 v12, v37;
	[tilespmem:s29+$0xF0] =	vst v16  }
0x127: {  	v13 =	vld [tilespmem:s25+$0x70];
	v14 =	vunpack.i.u.bf16.f32 v18;
	v7 =	vbroadcast v25, $0x3;
	v24 =	vmul.f32 v6, v39;
	[tilespmem:s29+$0x100] =	vst v10;
	v17 =	vpop (erf)  }
0x128: {  	v19 =	vmul.f32 v9, v11;
	v11 =	vmul.f32 v14, v42;
	v10 =	vld [tilespmem:s3+$0xA0];
	[tilespmem:s29+$0xFFFFFF00] =	vst v17;
	v18 =	vpop (erf)  }
0x129: {  	v25 =	vbroadcast v17, $0x0;
	v26 =	vbroadcast v17, $0x1;
	[tilespmem:s29+$0xFFFFFF50] =	vst v18;
	v21 =	vld [tilespmem:s3+$0xFFFFFF40]  }
0x12a: {  	[tilespmem:s0+$0xFFFFFFD0] =	vst v22;
	v16 =	vpop (erf);
	v27 =	vbroadcast v18, $0x0;
	v29 =	vbroadcast v18, $0x1;
	v28 =	vld [tilespmem:s3+$0xFFFFFF70]  }
0x12b: {  	v6 =	vunpack.i.u.bf16.f32 v8;
	[tilespmem:s29+$0xFFFFFFA0] =	vst v16;
	v14 =	vpop (erf);
	v30 =	vbroadcast v16, $0x0;
	v50 =	vbroadcast v16, $0x1  }
0x12c: {  	v8 =	vunpack.i.l.bf16.f32 v8;
	[tilespmem:s0+$0xFFFFFFE0] =	vst v23;
	v15 =	vpop (erf);
	v31 =	vld [tilespmem:s3+$0xFFFFFFA0];
	v51 =	vbroadcast v14, $0x0;
	v53 =	vbroadcast v14, $0x1  }
0x12d: {  	[tilespmem:s29+$0xFFFFFFF0] =	vst v14;
	v54 =	vbroadcast v15, $0x0;
	v55 =	vbroadcast v15, $0x1;
	v9 =	vunpack.i.u.bf16.f32 v10  }
0x12e: {  	[tilespmem:s0+$0x20] =	vst v24;
	v52 =	vld [tilespmem:s3+$0xFFFFFFD0];
	v10 =	vunpack.i.l.bf16.f32 v10;
	v9 =	vmul.f32 v9, v7;
	v7 =	vunpack.i.u.bf16.f32 v13  }
0x12f: {  	[tilespmem:s29+$0x40] =	vst v15;
	v56 =	vunpack.i.u.bf16.f32 v21;
	v59 =	vunpack.i.l.bf16.f32 v21;
	v61 =	vunpack.i.u.bf16.f32 v28  }
0x130: {  	v57 =	vld [tilespmem:s3+$0x0];
	v28 =	vunpack.i.l.bf16.f32 v28;
	v25 =	vmul.f32 v25, v59;
	[tilespmem:s29+$0x120] =	vst v9;
	v9 =	vunpack.i.l.bf16.f32 v13;
	v13 =	vpop (erf)  }
0x131: {  	v26 =	vmul.f32 v26, v56;
	v22 =	vunpack.i.u.bf16.f32 v31;
	v24 =	vmul.f32 v27, v28;
	v12 =	vpop (erf);
	[tilespmem:s29+$0x90] =	vst v13  }
0x132: {  	v31 =	vunpack.i.l.bf16.f32 v31;
	v29 =	vmul.f32 v29, v61;
	v58 =	vbroadcast v13, $0x0;
	[tilespmem:s29+$0xE0] =	vst v12;
	v60 =	vld [tilespmem:s3+$0x30]  }
0x133: {  	v20 =	vbroadcast v13, $0x1;
	v62 =	vunpack.i.u.bf16.f32 v52;
	[tilespmem:s29+$0xFFFFFED0] =	vst v26;
	v26 =	vmul.f32 v30, v31;
	v44 =	vld [tilespmem:s3+$0x60]  }
0x134: {  	[tilespmem:s0+$0xFFFFFF90] =	vst v19;
	v23 =	vunpack.i.l.bf16.f32 v52;
	v32 =	vmul.f32 v50, v22;
	v21 =	vbroadcast v12, $0x0  }
0x135: {  	[tilespmem:s29+$0xFFFFFEC0] =	vst v25;
	v19 =	vbroadcast v12, $0x1;
	v27 =	vunpack.i.l.bf16.f32 v57;
	v30 =	vmul.f32 v51, v23  }
0x136: {  	v28 =	vunpack.i.u.bf16.f32 v57;
	v23 =	vld [tilespmem:s3+$0xFFFFFF50];
	[tilespmem:s29+$0xFFFFFF20] =	vst v29;
	v29 =	vmul.f32 v53, v62;
	v27 =	vmul.f32 v54, v27  }
0x137: {  	[tilespmem:s29+$0xFFFFFF10] =	vst v24;
	v28 =	vmul.f32 v55, v28;
	v25 =	vunpack.i.u.bf16.f32 v60;
	v63 =	vunpack.i.l.bf16.f32 v60  }
0x138: {  	s30 =	simm.s32 $0xB40;
	s25 =	simm.s32 $0x8;
	v22 =	vld [tilespmem:s3+$0xFFFFFF80];
	[tilespmem:s29+$0xFFFFFF60] =	vst v26;
	v24 =	vunpack.i.u.bf16.f32 v44;
	v31 =	vunpack.i.l.bf16.f32 v44;
	v26 =	vmul.f32 v58, v63  }
.LBB2_13:
0x139: {  	v33 =	vld [tilespmem:s30+$0xB0];
	[tilespmem:s29+$0xFFFFFF70] =	vst v32;
	v20 =	vmul.f32 v20, v25;
	v21 =	vmul.f32 v21, v31;
	s26 =	sadd.s32 $0x80, s26  }
0x13a: {  	s25 =	sadd.s32 $0x8, s25;
	v31 =	vbroadcast v17, $0x2;
	v24 =	vmul.f32 v19, v24;
	v25 =	vld [tilespmem:s26+$0x30];
	[tilespmem:s29+$0xFFFFFFB0] =	vst v30  }
0x13b: {  	v34 =	vbroadcast v17, $0x3;
	v35 =	vbroadcast v18, $0x2;
	p0 =	slt.u32 s25, $0x78;
	v30 =	vld [tilespmem:s30+$0xFFFFFF90];
	v32 =	vunpack.i.u.bf16.f32 v23;
	[tilespmem:s29+$0xFFFFFFC0] =	vst v29  }
0x13c: {  	v36 =	vbroadcast v18, $0x3;
	v17 =	vbroadcast v16, $0x2;
	v23 =	vunpack.i.l.bf16.f32 v23;
	v29 =	vld [tilespmem:s30+$0xFFFFFFC0];
	[tilespmem:s29+$0x0] =	vst v27  }
0x13d: {  	v18 =	vbroadcast v16, $0x3;
	v16 =	vbroadcast v14, $0x2;
	v27 =	vld [tilespmem:s30+$0xFFFFFFF0];
	v37 =	vunpack.i.u.bf16.f32 v22;
	[tilespmem:s29+$0x10] =	vst v28  }
0x13e: {  	v19 =	vbroadcast v14, $0x3;
	v14 =	vbroadcast v15, $0x2;
	v28 =	vld [tilespmem:s30+$0x20];
	v33 =	vunpack.i.l.bf16.f32 v33;
	[tilespmem:s29+$0x50] =	vst v26  }
0x13f: {  	v15 =	vbroadcast v15, $0x3;
	v26 =	vld [tilespmem:s30+$0x50];
	v25 =	vadd.f32 v25, v33;
	[tilespmem:s29+$0x60] =	vst v20;
	v20 =	vbroadcast v13, $0x2  }
0x140: {  	v13 =	vbroadcast v13, $0x3;
	v30 =	vunpack.i.l.bf16.f32 v30;
	v33 =	vld [tilespmem:s30+$0x80];
	[tilespmem:s29+$0xA0] =	vst v21;
	v21 =	vbroadcast v12, $0x2  }
0x141: {  	v12 =	vbroadcast v12, $0x3;
	v38 =	vld [tilespmem:s30+$0xFFFFFF60];
	v29 =	vunpack.i.l.bf16.f32 v29;
	v39 =	vmul.f32 $2.000000030e-01, v25;
	[tilespmem:s29+$0xB0] =	vst v24  }
0x142: {  	v22 =	vunpack.i.l.bf16.f32 v22;
	vm0 =	vgt.f32 v25, $0.0e+00;
	v24 =	vld [tilespmem:s26+$0xFFFFFFC0];
	v27 =	vunpack.i.l.bf16.f32 v27;
	[tilespmem:s0+$0x30] =	vst v11  }
0x143: {  	v23 =	vmul.f32 v23, v31;
	v11 =	vld [tilespmem:s26+$0xFFFFFFD0];
	v28 =	vunpack.i.l.bf16.f32 v28;
	v25 =	vsel vm0, v25, v39  }
0x144: {  	v32 =	vmul.f32 v32, v34;
	v31 =	vld [tilespmem:s26+$0xFFFFFFE0];
	v26 =	vunpack.i.l.bf16.f32 v26;
	v25 =	vmul.f32 $1.442695020e+00, v25  }
0x145: {  	v22 =	vmul.f32 v22, v35;
	v34 =	vld [tilespmem:s26+$0xFFFFFFF0];
	v33 =	vunpack.i.l.bf16.f32 v33;
	[tilespmem:s29+$0xFFFFFEE0] =	vst v23;
	v23 =	vmul.f32 v37, v36  }
0x146: {  	v8 =	vmul.f32 v8, v1;
	v1 =	vmovc v20;
	v35 =	vunpack.i.l.bf16.f32 v38;
	v36 =	vld [tilespmem:s26+$0x0];
	(erf) = vpow2.f32 v25;
	[tilespmem:s29+$0xFFFFFEF0] =	vst v32  }
0x147: {  	v6 =	vmul.f32 v6, v2;
	v9 =	vmul.f32 v9, v3;
	v20 =	vadd.f32 v24, v35;
	v24 =	vld [tilespmem:s26+$0x10];
	[tilespmem:s29+$0xFFFFFF30] =	vst v22  }
0x148: {  	v5 =	vmul.f32 v10, v5;
	v7 =	vmul.f32 v7, v4;
	v11 =	vadd.f32 v11, v30;
	v22 =	vld [tilespmem:s26+$0x20];
	[tilespmem:s29+$0xFFFFFF40] =	vst v23  }
0x149: {  	v2 =	vmovc v13;
	v3 =	vmovc v21;
	vm0 =	vgt.f32 v20, $0.0e+00;
	v10 =	vmul.f32 $2.000000030e-01, v20;
	v23 =	vadd.f32 v31, v29;
	v25 =	vld [tilespmem:s3+$0xFFFFFFB0];
	[tilespmem:s0+$0x70] =	vst v8  }
0x14a: {  	v4 =	vmovc v12;
	vm1 =	vgt.f32 v11, $0.0e+00;
	v8 =	vmul.f32 $2.000000030e-01, v11;
	v13 =	vadd.f32 v34, v27;
	v21 =	vld [tilespmem:s3+$0xFFFFFFE0];
	[tilespmem:s0+$0x80] =	vst v6  }
0x14b: {  	vm2 =	vgt.f32 v23, $0.0e+00;
	v6 =	vmul.f32 $2.000000030e-01, v23;
	v12 =	vadd.f32 v36, v28;
	v27 =	vld [tilespmem:s3+$0x10];
	[tilespmem:s0+$0xC0] =	vst v9  }
0x14c: {  	vm3 =	vgt.f32 v13, $0.0e+00;
	v9 =	vmul.f32 $2.000000030e-01, v13;
	v24 =	vadd.f32 v24, v26;
	v26 =	vld [tilespmem:s3+$0x40];
	[tilespmem:s0+$0xD0] =	vst v7;
	s0 =	smov.u32 s29  }
0x14d: {  	vm4 =	vgt.f32 v12, $0.0e+00;
	v7 =	vmul.f32 $2.000000030e-01, v12;
	v22 =	vadd.f32 v22, v33;
	v28 =	vld [tilespmem:s3+$0x70];
	[tilespmem:s29+$0x110] =	vst v5;
	s3 =	smov.u32 s30  }
0x14e: {  	v5 =	vsel vm0, v20, v10;
	vm0 =	vgt.f32 v24, $0.0e+00;
	v10 =	vmul.f32 $2.000000030e-01, v24  }
0x14f: {  	v8 =	vsel vm1, v11, v8;
	s29 =	sadd.s32 $0x280, s29;
	vm1 =	vgt.f32 v22, $0.0e+00;
	v11 =	vmul.f32 $2.000000030e-01, v22;
	v20 =	vpop (erf)  }
0x150: {  	v6 =	vsel vm2, v23, v6;
	v9 =	vsel vm3, v13, v9;
	v7 =	vsel vm4, v12, v7;
	[tilespmem:s29+$0x130] =	vst v20  }
0x151: {  	v5 =	vmul.f32 $1.442695020e+00, v5;
	v10 =	vsel vm0, v24, v10;
	v11 =	vsel vm1, v22, v11;
	v12 =	vld [tilespmem:s30+$0x90]  }
0x152: {  	v8 =	vmul.f32 $1.442695020e+00, v8;
	v6 =	vmul.f32 $1.442695020e+00, v6;
	v13 =	vunpack.i.u.bf16.f32 v25  }
0x153: {  	v9 =	vmul.f32 $1.442695020e+00, v9;
	v7 =	vmul.f32 $1.442695020e+00, v7;
	v22 =	vunpack.i.l.bf16.f32 v25  }
0x154: {  	v23 =	vunpack.i.u.bf16.f32 v21;
	v10 =	vmul.f32 $1.442695020e+00, v10;
	v11 =	vmul.f32 $1.442695020e+00, v11  }
0x155: {  	v21 =	vunpack.i.l.bf16.f32 v21;
	v24 =	vbroadcast v20, $0x0;
	(erf) = vpow2.f32 v5  }
0x156: {  	v25 =	vbroadcast v20, $0x1;
	v5 =	vunpack.i.l.bf16.f32 v12;
	(erf) = vpow2.f32 v8  }
0x157: {  	v8 =	vunpack.i.u.bf16.f32 v12;
	v5 =	vmul.f32 v24, v5;
	(erf) = vpow2.f32 v6  }
0x158: {  	v12 =	vunpack.i.u.bf16.f32 v27;
	v6 =	vmul.f32 v25, v8;
	(erf) = vpow2.f32 v9  }
0x159: {  	v24 =	vunpack.i.l.bf16.f32 v27;
	[tilespmem:s29+$0xF0] =	vst v5;
	v5 =	vbroadcast v20, $0x2;
	(erf) = vpow2.f32 v7  }
0x15a: {  	v8 =	vunpack.i.l.bf16.f32 v26;
	[tilespmem:s29+$0x100] =	vst v6;
	(erf) = vpow2.f32 v10;
	v6 =	vunpack.i.u.bf16.f32 v26  }
0x15b: {  	v9 =	vunpack.i.l.bf16.f32 v28;
	v7 =	vunpack.i.u.bf16.f32 v28;
	v10 =	vld [tilespmem:s30+$0xA0];
	(erf) = vpow2.f32 v11  }
0x15c: {  	v11 =	vmul.f32 v22, v17;
	v22 =	vmul.f32 v13, v18  }
0x15d: {  	v23 =	vmul.f32 v23, v19;
	v25 =	vmul.f32 v21, v16  }
0x15e: {  	v24 =	vmul.f32 v24, v14;
	v17 =	vpop (erf);
	[tilespmem:s0+$0xFFFFFF80] =	vst v11;
	v11 =	vmul.f32 v12, v15  }
0x15f: {  	v12 =	vbroadcast v20, $0x3;
	[tilespmem:s29+$0xFFFFFF00] =	vst v17;
	v26 =	vbroadcast v17, $0x0;
	v18 =	vpop (erf)  }
0x160: {  	v27 =	vbroadcast v17, $0x1;
	v19 =	vld [tilespmem:s30+$0xFFFFFF40];
	[tilespmem:s29+$0xFFFFFF50] =	vst v18;
	v28 =	vbroadcast v18, $0x0;
	v13 =	vunpack.i.u.bf16.f32 v10;
	v16 =	vpop (erf)  }
0x161: {  	v30 =	vbroadcast v18, $0x1;
	v10 =	vunpack.i.l.bf16.f32 v10;
	v29 =	vld [tilespmem:s30+$0xFFFFFF70];
	[tilespmem:s29+$0xFFFFFFA0] =	vst v16;
	v20 =	vmul.f32 v13, v12;
	v14 =	vpop (erf)  }
0x162: {  	v32 =	vbroadcast v16, $0x0;
	v33 =	vbroadcast v16, $0x1;
	v31 =	vld [tilespmem:s30+$0xFFFFFFA0];
	[tilespmem:s29+$0xFFFFFFF0] =	vst v14;
	v15 =	vpop (erf)  }
0x163: {  	v35 =	vbroadcast v14, $0x0;
	v36 =	vbroadcast v14, $0x1;
	v34 =	vld [tilespmem:s30+$0xFFFFFFD0];
	[tilespmem:s29+$0x120] =	vst v20;
	v13 =	vpop (erf)  }
0x164: {  	v37 =	vbroadcast v15, $0x0;
	v38 =	vbroadcast v15, $0x1;
	[tilespmem:s29+$0x40] =	vst v15;
	v12 =	vpop (erf)  }
0x165: {  	v41 =	vbroadcast v13, $0x0;
	v20 =	vbroadcast v13, $0x1;
	v39 =	vunpack.i.u.bf16.f32 v19;
	v40 =	vld [tilespmem:s30+$0x0];
	[tilespmem:s29+$0x90] =	vst v13  }
0x166: {  	v42 =	vunpack.i.l.bf16.f32 v19;
	v21 =	vbroadcast v12, $0x0;
	v19 =	vbroadcast v12, $0x1;
	v43 =	vld [tilespmem:s30+$0x30];
	[tilespmem:s29+$0xE0] =	vst v12  }
0x167: {  	v44 =	vunpack.i.u.bf16.f32 v29;
	v29 =	vunpack.i.l.bf16.f32 v29;
	v45 =	vunpack.i.u.bf16.f32 v31;
	v46 =	vld [tilespmem:s30+$0x60];
	[tilespmem:s0+$0xFFFFFF90] =	vst v22  }
0x168: {  	v22 =	vunpack.i.l.bf16.f32 v31;
	v47 =	vunpack.i.u.bf16.f32 v34;
	v34 =	vunpack.i.l.bf16.f32 v34;
	[tilespmem:s0+$0xFFFFFFD0] =	vst v25  }
0x169: {  	v25 =	vmul.f32 v26, v42;
	v26 =	vmul.f32 v27, v39;
	[tilespmem:s0+$0xFFFFFFE0] =	vst v23  }
0x16a: {  	v27 =	vmul.f32 v28, v29;
	v28 =	vunpack.i.u.bf16.f32 v40;
	v39 =	vunpack.i.l.bf16.f32 v40;
	[tilespmem:s0+$0x20] =	vst v24  }
.Ltmp7:
0x16b: {  	v29 =	vmul.f32 v30, v44;
	[tilespmem:s29+$0xFFFFFEC0] =	vst v25;
	v25 =	vunpack.i.u.bf16.f32 v43;
	v40 =	vunpack.i.l.bf16.f32 v43;
	(pc) =	sbr.rel @p0 .LBB2_13-.Ltmp7, $4  }
0x16c: {  	[tilespmem:s29+$0xFFFFFED0] =	vst v26;
	v26 =	vmul.f32 v32, v22;
	v24 =	vunpack.i.u.bf16.f32 v46;
	v31 =	vunpack.i.l.bf16.f32 v46  }
0x16d: {  	v30 =	vmul.f32 v35, v34;
	v32 =	vmul.f32 v33, v45;
	v23 =	vld [tilespmem:s30+$0xFFFFFF50];
	[tilespmem:s29+$0xFFFFFF10] =	vst v27  }
0x16e: {  	v27 =	vmul.f32 v37, v39;
	[tilespmem:s29+$0xFFFFFF20] =	vst v29;
	v29 =	vmul.f32 v36, v47  }
0x16f: {  	v28 =	vmul.f32 v38, v28;
	s30 =	sadd.s32 $0x180, s30;
	v22 =	vld [tilespmem:s3+$0xFFFFFF80];
	[tilespmem:s29+$0xFFFFFF60] =	vst v26;
	v26 =	vmul.f32 v41, v40  }
0x170: {  	[tilespmem:s29+$0xFFFFFF70] =	vst v32  }
0x171: {  	[tilespmem:s29+$0xFFFFFFB0] =	vst v30  }
0x172: {  	[tilespmem:s29+$0xFFFFFFC0] =	vst v29  }
0x173: {  	[tilespmem:s29+$0x0] =	vst v27  }
0x174: {  	[tilespmem:s0+$0x30] =	vst v11  }
0x175: {  	v20 =	vmul.f32 v20, v25;
	[tilespmem:s29+$0x10] =	vst v28  }
0x176: {  	v21 =	vmul.f32 v21, v31;
	[tilespmem:s29+$0x50] =	vst v26  }
0x177: {  	v25 =	vbroadcast v17, $0x2;
	v19 =	vmul.f32 v19, v24;
	[tilespmem:s29+$0x60] =	vst v20  }
0x178: {  	v17 =	vbroadcast v17, $0x3;
	v1 =	vmul.f32 v8, v1;
	[tilespmem:s29+$0xA0] =	vst v21  }
0x179: {  	v2 =	vmul.f32 v6, v2;
	v21 =	vunpack.i.u.bf16.f32 v23;
	[tilespmem:s29+$0xB0] =	vst v19  }
0x17a: {  	[tilespmem:s0+$0x70] =	vst v1;
	v11 =	vmul.f32 v21, v17  }
0x17b: {  	v3 =	vmul.f32 v9, v3;
	v6 =	vld [tilespmem:s3+$0xFFFFFFE0];
	[tilespmem:s0+$0x80] =	vst v2  }
0x17c: {  	v4 =	vmul.f32 v7, v4;
	v20 =	vunpack.i.l.bf16.f32 v23;
	[tilespmem:s29+$0xFFFFFEF0] =	vst v11;
	v11 =	vld [tilespmem:s3+$0xFFFFFFB0]  }
0x17d: {  	v23 =	vbroadcast v18, $0x2;
	[tilespmem:s0+$0xC0] =	vst v3;
	v19 =	vmul.f32 v20, v25  }
0x17e: {  	v5 =	vmul.f32 v10, v5;
	v18 =	vbroadcast v18, $0x3;
	[tilespmem:s0+$0xD0] =	vst v4;
	v20 =	vunpack.i.l.bf16.f32 v22  }
0x17f: {  	v8 =	vbroadcast v14, $0x2;
	v2 =	vld [tilespmem:s3+$0x10];
	v17 =	vunpack.i.u.bf16.f32 v22;
	[tilespmem:s29+$0xFFFFFEE0] =	vst v19;
	v19 =	vmul.f32 v20, v23  }
0x180: {  	v1 =	vbroadcast v16, $0x2;
	[tilespmem:s29+$0x110] =	vst v5;
	v17 =	vmul.f32 v17, v18;
	v5 =	vunpack.i.l.bf16.f32 v6  }
0x181: {  	v7 =	vbroadcast v16, $0x3;
	v9 =	vld [tilespmem:s3+$0x40];
	[tilespmem:s29+$0xFFFFFF30] =	vst v19;
	v5 =	vmul.f32 v5, v8;
	v3 =	vunpack.i.l.bf16.f32 v11  }
0x182: {  	[tilespmem:s29+$0xFFFFFF40] =	vst v17;
	v4 =	vunpack.i.u.bf16.f32 v11;
	v1 =	vmul.f32 v3, v1;
	v3 =	vbroadcast v14, $0x3  }
0x183: {  	v10 =	vld [tilespmem:s3+$0x70];
	v6 =	vunpack.i.u.bf16.f32 v6;
	[tilespmem:s29+$0xFFFFFFD0] =	vst v5;
	v4 =	vmul.f32 v4, v7;
	v7 =	vbroadcast v15, $0x2  }
0x184: {  	v8 =	vunpack.i.l.bf16.f32 v2;
	[tilespmem:s29+$0xFFFFFF80] =	vst v1;
	v1 =	vbroadcast v15, $0x3;
	v3 =	vmul.f32 v6, v3  }
0x185: {  	v2 =	vunpack.i.u.bf16.f32 v2;
	[tilespmem:s29+$0xFFFFFF90] =	vst v4;
	v4 =	vbroadcast v13, $0x2;
	v6 =	vmul.f32 v8, v7  }
0x186: {  	v5 =	vbroadcast v13, $0x3;
	v7 =	vunpack.i.l.bf16.f32 v9;
	v1 =	vmul.f32 v2, v1;
	[tilespmem:s29+$0xFFFFFFE0] =	vst v3  }
0x187: {  	v2 =	vbroadcast v12, $0x2;
	v3 =	vunpack.i.u.bf16.f32 v9;
	[tilespmem:s29+$0x20] =	vst v6;
	v4 =	vmul.f32 v7, v4  }
0x188: {  	v6 =	vbroadcast v12, $0x3;
	v7 =	vunpack.i.l.bf16.f32 v10;
	[tilespmem:s29+$0x30] =	vst v1;
	v1 =	vmul.f32 v3, v5  }
0x189: {  	v3 =	vunpack.i.u.bf16.f32 v10;
	v2 =	vmul.f32 v7, v2;
	[tilespmem:s29+$0x70] =	vst v4  }
0x18a: {  	v3 =	vmul.f32 v3, v6;
	[tilespmem:s29+$0x80] =	vst v1  }
0x18b: {  	[tilespmem:s29+$0xC0] =	vst v2  }
0x18c: {  	[tilespmem:s29+$0xD0] =	vst v3  }
0x18d: {  	v1 =	vld [tilespmem:$0x300]  }
0x18e: {  	v2 =	vld [tilespmem:$0x310]  }
0x18f: {  	v3 =	vld [tilespmem:$0x320]  }
0x190: {  	v4 =	vld [tilespmem:$0x330]  }
0x191: {  	v5 =	vld [tilespmem:$0x340]  }
0x192: {  	[tilespmem:$0x600] =	vst v1;
	v1 =	vld [tilespmem:$0x350]  }
0x193: {  	[tilespmem:$0x610] =	vst v2;
	v2 =	vld [tilespmem:$0x360]  }
0x194: {  	[tilespmem:$0x620] =	vst v3;
	v3 =	vld [tilespmem:$0x370]  }
0x195: {  	[tilespmem:$0x630] =	vst v4  }
0x196: {  	[tilespmem:$0x640] =	vst v5  }
0x197: {  	[tilespmem:$0x650] =	vst v1  }
0x198: {  	[tilespmem:$0x660] =	vst v2  }
0x199: {  	s26 =	simm.s32 $0x600;
	[tilespmem:$0x670] =	vst v3  }
0x19a: {  	[spmem:s1] =	stream.indirect.scatter.add.f32 [tilespmem:s19], [sflag:$0x7], $0x50, s26, s28, $0xb8;
	[tilespmem:$0x1DF80] =	vst v63  }
0x19b: {  	_ =	swait.ge [sflag:s16], $0x80  }
0x19c: {  	[sflag:s16] =	ssyncset.done $0x0  }
0x19d: {  	[sflag:s16] =	ssyncadd.s32 $0xFFFFFF80  }
0x19e: {  	_ =	swait.ge [sflag:s16], $0x80  }
0x19f: {  	s25 =	simm.s32 $0x6780;
	p0 =	seq.s32 s8, $0x1A;
	[sflag:s16] =	ssyncset.done $0x0  }
0x1a0: {  	s0 =	smul.u32 @!p0 $0x60, s8;
	s3 =	simm.s32 $0x200;
	[sflag:s16] =	ssyncadd.s32 $0xFFFFFF80  }
0x1a1: {  	[tilespmem:s25], [sflag:$0x5] =	stream.indirect.gather [hbm4b:s6+s28], $0x30, s3, s28, $0xb8;
	[tilespmem:$0x1DF80] =	vst v63  }
0x1a2: {  	s26 =	simm.s32 $0xB780;
	s25 =	simm.s32 $0x500;
	s3 =	sadd.s32 @!p0 $0x60, s0  }
0x1a3: {  	[tilespmem:s26], [sflag:$0x5] =	stream.indirect.gather [hbm4b:s7+s28], $0x10, s25, s28, $0xb8;
	[tilespmem:$0x1DF80] =	vst v63  }
0x1a4: {  	s25 =	sadd.s32 @!p0 s4, s3;
	s26 =	simm.s32 @!p0 $0x0  }
0x1a5: {  	[tilespmem:s26], [sflag:$0x9] =	stream.linear.gather @!p0 [hbm4b:s25+s26], $0x80, $0x38;
	[tilespmem:$0x1DF80] =	vst v63  }
0x1a6: {  	s3 =	sadd.s32 @!p0 s5, s3;
	s25 =	simm.s32 @!p0 $0x300  }
0x1a7: {  	[tilespmem:s25], [sflag:$0x9] =	stream.linear.gather @!p0 [hbm4b:s3+s26], $0x80, $0x38;
	[tilespmem:$0x1DF80] =	vst v63  }
0x1a8: {  	_ =	swait.ge [sflag:s20], $0x1800  }
0x1a9: {  	[sflag:s20] =	ssyncset.done $0x0  }
0x1aa: {  	[sflag:s20] =	ssyncadd.s32 $0xFFFFE800  }
0x1ab: {  	_ =	swait.ge [sflag:s20], $0x800  }
0x1ac: {  	[sflag:s20] =	ssyncset.done $0x0  }
0x1ad: {  	s3 =	simm.s32 @!p1 $0x8;
	[sflag:s20] =	ssyncadd.s32 $0xFFFFF800  }
0x1ae: {  	_ =	swait.ge @!p1 [sflag:s3], $0x2800  }
0x1af: {  	[sflag:s3] =	ssyncset.done @!p1 $0x0  }
0x1b0: {  	s30 =	simm.s32 $0x2040;
	[sflag:s3] =	ssyncadd.s32 @!p1 $0xFFFFD800  }
0x1b1: {  	s26 =	simm.s32 $0x9FC0;
	v1 =	vld [tilespmem:s30+$0xB0]  }
0x1b2: {  	v2 =	vld [tilespmem:s26+$0x30];
	_ =	sdelay $0x1  }
0x1b3: {  	v3 =	vld [tilespmem:s30+$0xFFFFFF90]  }
0x1b4: {  	v4 =	vld [tilespmem:s30+$0xFFFFFFC0]  }
0x1b5: {  	v5 =	vld [tilespmem:s30+$0xFFFFFFF0];
	v1 =	vunpack.i.l.bf16.f32 v1  }
0x1b6: {  	v6 =	vld [tilespmem:s30+$0x50];
	v1 =	vadd.f32 v2, v1  }
0x1b7: {  	v8 =	vld [tilespmem:s30+$0x80]  }
0x1b8: {  	v10 =	vld [tilespmem:s26+$0xFFFFFFD0];
	v7 =	vmul.f32 $2.000000030e-01, v1  }
0x1b9: {  	v9 =	vld [tilespmem:s30+$0xFFFFFF60];
	vm0 =	vgt.f32 v1, $0.0e+00  }
0x1ba: {  	v11 =	vld [tilespmem:s26+$0xFFFFFFE0];
	v1 =	vsel vm0, v1, v7  }
0x1bb: {  	v2 =	vld [tilespmem:s30+$0x20];
	v1 =	vmul.f32 $1.442695020e+00, v1  }
0x1bc: {  	v3 =	vunpack.i.l.bf16.f32 v3;
	v7 =	vld [tilespmem:s26+$0xFFFFFFC0]  }
0x1bd: {  	v3 =	vadd.f32 v10, v3;
	v10 =	vld [tilespmem:s26+$0x20];
	(erf) = vpow2.f32 v1  }
0x1be: {  	v12 =	vld [tilespmem:s26+$0x0];
	v4 =	vunpack.i.l.bf16.f32 v4  }
0x1bf: {  	v9 =	vunpack.i.l.bf16.f32 v9;
	v5 =	vunpack.i.l.bf16.f32 v5;
	v4 =	vadd.f32 v11, v4;
	v1 =	vld [tilespmem:s26+$0xFFFFFFF0]  }
0x1c0: {  	v6 =	vunpack.i.l.bf16.f32 v6;
	v8 =	vunpack.i.l.bf16.f32 v8;
	v11 =	vmul.f32 $2.000000030e-01, v3  }
0x1c1: {  	vm1 =	vgt.f32 v3, $0.0e+00;
	vm2 =	vgt.f32 v4, $0.0e+00;
	v7 =	vadd.f32 v7, v9  }
0x1c2: {  	v3 =	vsel vm1, v3, v11;
	v2 =	vunpack.i.l.bf16.f32 v2;
	v8 =	vadd.f32 v10, v8;
	v9 =	vld [tilespmem:s26+$0x10]  }
0x1c3: {  	v3 =	vmul.f32 $1.442695020e+00, v3;
	v2 =	vadd.f32 v12, v2;
	v13 =	vmul.f32 $2.000000030e-01, v7  }
0x1c4: {  	v11 =	vmul.f32 $2.000000030e-01, v8;
	vm15 =	vgt.f32 v7, $0.0e+00;
	v1 =	vadd.f32 v1, v5  }
0x1c5: {  	vm4 =	vgt.f32 v2, $0.0e+00;
	v5 =	vmul.f32 $2.000000030e-01, v4;
	v7 =	vsel vm15, v7, v13  }
0x1c6: {  	s3 =	simm.s32 $0xF0C0;
	vm3 =	vgt.f32 v1, $0.0e+00;
	v12 =	vmul.f32 $2.000000030e-01, v1;
	v7 =	vmul.f32 $1.442695020e+00, v7;
	v10 =	vpop (erf)  }
0x1c7: {  	v6 =	vadd.f32 v9, v6;
	v9 =	vmul.f32 $2.000000030e-01, v2;
	v4 =	vsel vm2, v4, v5;
	[tilespmem:s3+$0x130] =	vst v10  }
0x1c8: {  	v4 =	vmul.f32 $1.442695020e+00, v4;
	v1 =	vsel vm3, v1, v12;
	(erf) = vpow2.f32 v7;
	v5 =	vld [tilespmem:s30+$0x90]  }
0x1c9: {  	v13 =	vmul.f32 $2.000000030e-01, v6;
	v2 =	vsel vm4, v2, v9;
	v1 =	vmul.f32 $1.442695020e+00, v1  }
0x1ca: {  	vm7 =	vgt.f32 v8, $0.0e+00;
	v2 =	vmul.f32 $1.442695020e+00, v2;
	(erf) = vpow2.f32 v3  }
0x1cb: {  	vm6 =	vgt.f32 v6, $0.0e+00;
	v7 =	vbroadcast v10, $0x0;
	v12 =	vbroadcast v10, $0x1  }
0x1cc: {  	v6 =	vsel vm6, v6, v13;
	(erf) = vpow2.f32 v4;
	v4 =	vsel vm7, v8, v11  }
0x1cd: {  	(erf) = vpow2.f32 v1;
	v1 =	vmul.f32 $1.442695020e+00, v4;
	v9 =	vunpack.i.l.bf16.f32 v5  }
0x1ce: {  	v6 =	vmul.f32 $1.442695020e+00, v6;
	v3 =	vunpack.i.u.bf16.f32 v5;
	v5 =	vmul.f32 v7, v9  }
0x1cf: {  	(erf) = vpow2.f32 v2;
	v3 =	vmul.f32 v12, v3  }
0x1d0: {  	(erf) = vpow2.f32 v6;
	[tilespmem:s3+$0xF0] =	vst v5  }
0x1d1: {  	(erf) = vpow2.f32 v1;
	v1 =	vpop (erf);
	[tilespmem:s3+$0x100] =	vst v3  }
0x1d2: {  	v5 =	vbroadcast v10, $0x2;
	[tilespmem:s3+$0xFFFFFF00] =	vst v1;
	v6 =	vld [tilespmem:s30+$0xA0]  }
0x1d3: {  	v2 =	vbroadcast v1, $0x0;
	v3 =	vbroadcast v10, $0x3;
	v4 =	vpop (erf);
	v7 =	vld [tilespmem:s30+$0xFFFFFF40]  }
0x1d4: {  	v8 =	vbroadcast v1, $0x1;
	[tilespmem:s3+$0xFFFFFF50] =	vst v4;
	v9 =	vbroadcast v4, $0x0  }
0x1d5: {  	v11 =	vpop (erf);
	v12 =	vbroadcast v4, $0x1;
	v45 =	vbroadcast v4, $0x3;
	v13 =	vld [tilespmem:s30+$0xFFFFFF70]  }
0x1d6: {  	v14 =	vbroadcast v11, $0x0;
	v16 =	vbroadcast v11, $0x1  }
0x1d7: {  	[tilespmem:s3+$0xFFFFFFA0] =	vst v11;
	v34 =	vbroadcast v11, $0x2;
	v11 =	vbroadcast v11, $0x3  }
0x1d8: {  	v15 =	vld [tilespmem:s30+$0xFFFFFFA0];
	v10 =	vunpack.i.u.bf16.f32 v6;
	v25 =	vunpack.i.u.bf16.f32 v7;
	v7 =	vunpack.i.l.bf16.f32 v7  }
0x1d9: {  	v6 =	vunpack.i.l.bf16.f32 v6;
	v10 =	vmul.f32 v10, v3;
	v2 =	vmul.f32 v2, v7  }
0x1da: {  	s26 =	simm.s32 $0x21C0;
	v3 =	vpop (erf);
	v44 =	vunpack.i.u.bf16.f32 v13;
	v8 =	vmul.f32 v8, v25;
	v5 =	vmul.f32 v6, v5  }
0x1db: {  	v38 =	vld [tilespmem:s26+$0xFFFFFF60];
	v7 =	vunpack.i.l.bf16.f32 v13;
	[tilespmem:s3+$0xFFFFFFF0] =	vst v3;
	v17 =	vpop (erf);
	v18 =	vbroadcast v3, $0x0;
	v20 =	vbroadcast v3, $0x1  }
0x1dc: {  	v7 =	vmul.f32 v9, v7;
	v12 =	vmul.f32 v12, v44;
	v19 =	vld [tilespmem:s30+$0xFFFFFFD0];
	[tilespmem:s3+$0x40] =	vst v17  }
0x1dd: {  	v13 =	vunpack.i.u.bf16.f32 v15;
	v36 =	vbroadcast v3, $0x2;
	v37 =	vbroadcast v3, $0x3;
	[tilespmem:s3+$0xFFFFFED0] =	vst v8;
	v8 =	vld [tilespmem:s26+$0xB0]  }
0x1de: {  	v15 =	vunpack.i.l.bf16.f32 v15;
	v21 =	vpop (erf);
	v22 =	vbroadcast v17, $0x0;
	v23 =	vbroadcast v17, $0x1;
	v26 =	vld [tilespmem:s30+$0x0]  }
0x1df: {  	v14 =	vmul.f32 v14, v15;
	v13 =	vmul.f32 v16, v13;
	v24 =	vpop (erf);
	[tilespmem:s3+$0x90] =	vst v21  }
0x1e0: {  	v39 =	vbroadcast v17, $0x2;
	v42 =	vbroadcast v17, $0x3;
	v29 =	vld [tilespmem:s30+$0x30];
	[tilespmem:s3+$0xE0] =	vst v24  }
0x1e1: {  	v47 =	vunpack.i.l.bf16.f32 v38;
	v27 =	vbroadcast v21, $0x0;
	v28 =	vbroadcast v21, $0x1;
	v33 =	vld [tilespmem:s30+$0x60]  }
0x1e2: {  	s29 =	simm.s32 $0xA040;
	[tilespmem:s3+$0xFFFFFEC0] =	vst v2;
	v30 =	vbroadcast v24, $0x0;
	v31 =	vbroadcast v24, $0x1;
	v25 =	vunpack.i.u.bf16.f32 v19  }
0x1e3: {  	v40 =	vld [tilespmem:s29+$0xFFFFFFC0];
	[tilespmem:s3+$0xFFFFFF10] =	vst v7;
	v2 =	vunpack.i.l.bf16.f32 v19;
	v8 =	vunpack.i.l.bf16.f32 v8;
	v9 =	vunpack.i.u.bf16.f32 v26  }
0x1e4: {  	v7 =	vld [tilespmem:s29+$0x30];
	[tilespmem:s3+$0xFFFFFF20] =	vst v12;
	v19 =	vunpack.i.l.bf16.f32 v26;
	v16 =	vmul.f32 v18, v2;
	v12 =	vmul.f32 v20, v25  }
0x1e5: {  	v25 =	vld [tilespmem:s26+$0xFFFFFFC0];
	v26 =	vunpack.i.u.bf16.f32 v29;
	v15 =	vunpack.i.l.bf16.f32 v29;
	v18 =	vmul.f32 v22, v19  }
0x1e6: {  	v29 =	vld [tilespmem:s30+$0xFFFFFF50];
	v9 =	vmul.f32 v23, v9;
	v2 =	vunpack.i.u.bf16.f32 v33;
	v15 =	vmul.f32 v27, v15  }
0x1e7: {  	v19 =	vld [tilespmem:s30+$0xFFFFFF80];
	v20 =	vunpack.i.l.bf16.f32 v33;
	v23 =	vmul.f32 v28, v26;
	v26 =	vbroadcast v1, $0x2  }
0x1e8: {  	v22 =	vld [tilespmem:s26+$0xFFFFFF90];
	v33 =	vadd.f32 v40, v47;
	v20 =	vmul.f32 v30, v20;
	v27 =	vmul.f32 v31, v2  }
0x1e9: {  	v17 =	vld [tilespmem:s29+$0xFFFFFFD0];
	v2 =	vadd.f32 v7, v8;
	v7 =	vbroadcast v1, $0x3;
	v8 =	vbroadcast v4, $0x2  }
0x1ea: {  	v43 =	vld [tilespmem:s29+$0x0];
	[tilespmem:s3+$0xFFFFFF60] =	vst v14;
	v4 =	vbroadcast v24, $0x3;
	vm9 =	vgt.f32 v33, $0.0e+00;
	v14 =	vmul.f32 $2.000000030e-01, v33  }
0x1eb: {  	v28 =	vld [tilespmem:s26+$0xFFFFFFF0];
	v1 =	vmul.f32 $2.000000030e-01, v2;
	vm8 =	vgt.f32 v2, $0.0e+00;
	v25 =	vunpack.i.l.bf16.f32 v25  }
0x1ec: {  	v46 =	vld [tilespmem:s26+$0x50];
	v31 =	vunpack.i.u.bf16.f32 v29;
	v29 =	vunpack.i.l.bf16.f32 v29;
	v41 =	vunpack.i.u.bf16.f32 v19  }
0x1ed: {  	v35 =	vld [tilespmem:s26+$0x80];
	v22 =	vunpack.i.l.bf16.f32 v22;
	v14 =	vsel vm9, v33, v14;
	v1 =	vsel vm8, v2, v1  }
0x1ee: {  	v48 =	vld [tilespmem:s29+$0x10];
	[tilespmem:s3+$0x120] =	vst v10;
	v2 =	vbroadcast v21, $0x3;
	v26 =	vmul.f32 v29, v26;
	v10 =	vadd.f32 v17, v22  }
0x1ef: {  	v30 =	vld [tilespmem:s26+$0x20];
	v19 =	vunpack.i.l.bf16.f32 v19;
	v14 =	vmul.f32 $1.442695020e+00, v14;
	v3 =	vmul.f32 $1.442695020e+00, v1  }
0x1f0: {  	[tilespmem:s3+$0xFFFFFF70] =	vst v13;
	v28 =	vunpack.i.l.bf16.f32 v28;
	v1 =	vbroadcast v21, $0x2;
	v21 =	vld [tilespmem:s29+$0xFFFFFFE0];
	v13 =	vmul.f32 $2.000000030e-01, v10  }
0x1f1: {  	v29 =	vunpack.i.l.bf16.f32 v46;
	(erf) = vpow2.f32 v3;
	v3 =	vbroadcast v24, $0x2;
	v24 =	vld [tilespmem:s29+$0xFFFFFFF0]  }
0x1f2: {  	v49 =	vld [tilespmem:s29+$0x20];
	v7 =	vmul.f32 v31, v7;
	v31 =	vunpack.i.l.bf16.f32 v35;
	vm10 =	vgt.f32 v10, $0.0e+00  }
0x1f3: {  	v22 =	vadd.f32 v48, v29;
	v10 =	vsel vm10, v10, v13;
	(erf) = vpow2.f32 v14;
	v14 =	vld [tilespmem:s30+$0xFFFFFFB0]  }
0x1f4: {  	v8 =	vmul.f32 v19, v8;
	v30 =	vunpack.i.l.bf16.f32 v30;
	v10 =	vmul.f32 $1.442695020e+00, v10  }
0x1f5: {  	[tilespmem:s3+$0x0] =	vst v18;
	v18 =	vmul.f32 $2.000000030e-01, v22;
	vm14 =	vgt.f32 v22, $0.0e+00;
	v17 =	vadd.f32 v21, v25  }
0x1f6: {  	[tilespmem:s3+$0x110] =	vst v5;
	v21 =	vadd.f32 v43, v30;
	(erf) = vpow2.f32 v10;
	v19 =	vadd.f32 v24, v28  }
0x1f7: {  	[tilespmem:s3+$0xFFFFFFB0] =	vst v16;
	vm11 =	vgt.f32 v17, $0.0e+00;
	v16 =	vmul.f32 $2.000000030e-01, v17;
	v24 =	vadd.f32 v49, v31  }
0x1f8: {  	[tilespmem:s3+$0xFFFFFFC0] =	vst v12;
	vm13 =	vgt.f32 v21, $0.0e+00;
	v28 =	vmul.f32 $2.000000030e-01, v21;
	v6 =	vunpack.i.l.bf16.f32 v14  }
0x1f9: {  	[tilespmem:s3+$0x10] =	vst v9;
	vm12 =	vgt.f32 v19, $0.0e+00;
	v12 =	vmul.f32 $2.000000030e-01, v19;
	v13 =	vmul.f32 $2.000000030e-01, v24  }
0x1fa: {  	s25 =	simm.s32 $0xF340;
	[tilespmem:s3+$0x50] =	vst v15;
	v9 =	vsel vm11, v17, v16;
	v15 =	vsel vm13, v21, v28;
	v6 =	vmul.f32 v6, v34;
	v25 =	vpop (erf)  }
0x1fb: {  	v9 =	vmul.f32 $1.442695020e+00, v9;
	v15 =	vmul.f32 $1.442695020e+00, v15;
	v12 =	vsel vm12, v19, v12;
	[tilespmem:s25+$0x130] =	vst v25  }
0x1fc: {  	[tilespmem:s3+$0x60] =	vst v23;
	vm15 =	vgt.f32 v24, $0.0e+00;
	v12 =	vmul.f32 $1.442695020e+00, v12;
	v16 =	vbroadcast v25, $0x0;
	v29 =	vld [tilespmem:s26+$0x90]  }
0x1fd: {  	[tilespmem:s3+$0xFFFFFEF0] =	vst v7;
	v7 =	vld [tilespmem:s30+$0xFFFFFFE0];
	v13 =	vsel vm15, v24, v13;
	v19 =	vbroadcast v25, $0x1;
	(erf) = vpow2.f32 v9  }
0x1fe: {  	[tilespmem:s3+$0xA0] =	vst v20;
	v9 =	vsel vm14, v22, v18;
	v13 =	vmul.f32 $1.442695020e+00, v13;
	v5 =	vbroadcast v25, $0x2  }
0x1ff: {  	[tilespmem:s3+$0xB0] =	vst v27;
	v18 =	vld [tilespmem:s30+$0x10];
	v9 =	vmul.f32 $1.442695020e+00, v9;
	(erf) = vpow2.f32 v12  }
0x200: {  	[tilespmem:s3+$0xFFFFFEE0] =	vst v26;
	v12 =	vmul.f32 v41, v45;
	(erf) = vpow2.f32 v15  }
0x201: {  	[tilespmem:s3+$0xFFFFFF30] =	vst v8;
	(erf) = vpow2.f32 v9;
	v9 =	vunpack.i.u.bf16.f32 v14;
	v17 =	vunpack.i.l.bf16.f32 v29  }
0x202: {  	[tilespmem:s3+$0xFFFFFF40] =	vst v12;
	v12 =	vunpack.i.u.bf16.f32 v7;
	v10 =	vunpack.i.u.bf16.f32 v29;
	v16 =	vmul.f32 v16, v17  }
0x203: {  	[tilespmem:s3+$0xFFFFFF80] =	vst v6;
	v7 =	vunpack.i.l.bf16.f32 v7;
	(erf) = vpow2.f32 v13;
	v10 =	vmul.f32 v19, v10  }
0x204: {  	v8 =	vld [tilespmem:s30+$0x40];
	v22 =	vmul.f32 v7, v36;
	v6 =	vunpack.i.l.bf16.f32 v18;
	v23 =	vmul.f32 v12, v37;
	[tilespmem:s25+$0xF0] =	vst v16  }
0x205: {  	v13 =	vld [tilespmem:s30+$0x70];
	v14 =	vunpack.i.u.bf16.f32 v18;
	v7 =	vbroadcast v25, $0x3;
	v24 =	vmul.f32 v6, v39;
	[tilespmem:s25+$0x100] =	vst v10;
	v17 =	vpop (erf)  }
0x206: {  	v19 =	vmul.f32 v9, v11;
	v11 =	vmul.f32 v14, v42;
	v10 =	vld [tilespmem:s26+$0xA0];
	[tilespmem:s25+$0xFFFFFF00] =	vst v17;
	v18 =	vpop (erf)  }
0x207: {  	v25 =	vbroadcast v17, $0x0;
	v26 =	vbroadcast v17, $0x1;
	[tilespmem:s25+$0xFFFFFF50] =	vst v18;
	v21 =	vld [tilespmem:s26+$0xFFFFFF40]  }
0x208: {  	[tilespmem:s3+$0xFFFFFFD0] =	vst v22;
	v16 =	vpop (erf);
	v27 =	vbroadcast v18, $0x0;
	v29 =	vbroadcast v18, $0x1;
	v28 =	vld [tilespmem:s26+$0xFFFFFF70]  }
0x209: {  	v6 =	vunpack.i.u.bf16.f32 v8;
	[tilespmem:s25+$0xFFFFFFA0] =	vst v16;
	v14 =	vpop (erf);
	v30 =	vbroadcast v16, $0x0;
	v50 =	vbroadcast v16, $0x1  }
0x20a: {  	v8 =	vunpack.i.l.bf16.f32 v8;
	[tilespmem:s3+$0xFFFFFFE0] =	vst v23;
	v15 =	vpop (erf);
	v31 =	vld [tilespmem:s26+$0xFFFFFFA0];
	v51 =	vbroadcast v14, $0x0;
	v53 =	vbroadcast v14, $0x1  }
0x20b: {  	[tilespmem:s25+$0xFFFFFFF0] =	vst v14;
	v54 =	vbroadcast v15, $0x0;
	v55 =	vbroadcast v15, $0x1;
	v9 =	vunpack.i.u.bf16.f32 v10  }
0x20c: {  	[tilespmem:s3+$0x20] =	vst v24;
	v52 =	vld [tilespmem:s26+$0xFFFFFFD0];
	v10 =	vunpack.i.l.bf16.f32 v10;
	v9 =	vmul.f32 v9, v7;
	v7 =	vunpack.i.u.bf16.f32 v13  }
0x20d: {  	[tilespmem:s25+$0x40] =	vst v15;
	v56 =	vunpack.i.u.bf16.f32 v21;
	v59 =	vunpack.i.l.bf16.f32 v21;
	v61 =	vunpack.i.u.bf16.f32 v28  }
0x20e: {  	v57 =	vld [tilespmem:s26+$0x0];
	v28 =	vunpack.i.l.bf16.f32 v28;
	v25 =	vmul.f32 v25, v59;
	[tilespmem:s25+$0x120] =	vst v9;
	v9 =	vunpack.i.l.bf16.f32 v13;
	v13 =	vpop (erf)  }
0x20f: {  	v26 =	vmul.f32 v26, v56;
	v22 =	vunpack.i.u.bf16.f32 v31;
	v24 =	vmul.f32 v27, v28;
	v12 =	vpop (erf);
	[tilespmem:s25+$0x90] =	vst v13  }
0x210: {  	v31 =	vunpack.i.l.bf16.f32 v31;
	v29 =	vmul.f32 v29, v61;
	v58 =	vbroadcast v13, $0x0;
	[tilespmem:s25+$0xE0] =	vst v12;
	v60 =	vld [tilespmem:s26+$0x30]  }
0x211: {  	v20 =	vbroadcast v13, $0x1;
	v62 =	vunpack.i.u.bf16.f32 v52;
	[tilespmem:s25+$0xFFFFFED0] =	vst v26;
	v26 =	vmul.f32 v30, v31;
	v44 =	vld [tilespmem:s26+$0x60]  }
0x212: {  	[tilespmem:s3+$0xFFFFFF90] =	vst v19;
	v23 =	vunpack.i.l.bf16.f32 v52;
	v32 =	vmul.f32 v50, v22;
	v21 =	vbroadcast v12, $0x0  }
0x213: {  	[tilespmem:s25+$0xFFFFFEC0] =	vst v25;
	v19 =	vbroadcast v12, $0x1;
	v27 =	vunpack.i.l.bf16.f32 v57;
	v30 =	vmul.f32 v51, v23  }
0x214: {  	v28 =	vunpack.i.u.bf16.f32 v57;
	v23 =	vld [tilespmem:s26+$0xFFFFFF50];
	[tilespmem:s25+$0xFFFFFF20] =	vst v29;
	v29 =	vmul.f32 v53, v62;
	v27 =	vmul.f32 v54, v27  }
0x215: {  	[tilespmem:s25+$0xFFFFFF10] =	vst v24;
	v28 =	vmul.f32 v55, v28;
	v25 =	vunpack.i.u.bf16.f32 v60;
	v63 =	vunpack.i.l.bf16.f32 v60  }
0x216: {  	s31 =	simm.s32 $0x2340;
	s30 =	simm.s32 $0x8;
	v22 =	vld [tilespmem:s26+$0xFFFFFF80];
	[tilespmem:s25+$0xFFFFFF60] =	vst v26;
	v24 =	vunpack.i.u.bf16.f32 v44;
	v31 =	vunpack.i.l.bf16.f32 v44;
	v26 =	vmul.f32 v58, v63  }
.LBB2_15:
0x217: {  	v33 =	vld [tilespmem:s31+$0xB0];
	[tilespmem:s25+$0xFFFFFF70] =	vst v32;
	v20 =	vmul.f32 v20, v25;
	v21 =	vmul.f32 v21, v31;
	s29 =	sadd.s32 $0x80, s29  }
0x218: {  	s30 =	sadd.s32 $0x8, s30;
	v31 =	vbroadcast v17, $0x2;
	v24 =	vmul.f32 v19, v24;
	v25 =	vld [tilespmem:s29+$0x30];
	[tilespmem:s25+$0xFFFFFFB0] =	vst v30  }
0x219: {  	v34 =	vbroadcast v17, $0x3;
	v35 =	vbroadcast v18, $0x2;
	p1 =	slt.u32 s30, $0x78;
	v30 =	vld [tilespmem:s31+$0xFFFFFF90];
	v32 =	vunpack.i.u.bf16.f32 v23;
	[tilespmem:s25+$0xFFFFFFC0] =	vst v29  }
0x21a: {  	v36 =	vbroadcast v18, $0x3;
	v17 =	vbroadcast v16, $0x2;
	v23 =	vunpack.i.l.bf16.f32 v23;
	v29 =	vld [tilespmem:s31+$0xFFFFFFC0];
	[tilespmem:s25+$0x0] =	vst v27  }
0x21b: {  	v18 =	vbroadcast v16, $0x3;
	v16 =	vbroadcast v14, $0x2;
	v27 =	vld [tilespmem:s31+$0xFFFFFFF0];
	v37 =	vunpack.i.u.bf16.f32 v22;
	[tilespmem:s25+$0x10] =	vst v28  }
0x21c: {  	v19 =	vbroadcast v14, $0x3;
	v14 =	vbroadcast v15, $0x2;
	v28 =	vld [tilespmem:s31+$0x20];
	v33 =	vunpack.i.l.bf16.f32 v33;
	[tilespmem:s25+$0x50] =	vst v26  }
0x21d: {  	v15 =	vbroadcast v15, $0x3;
	v26 =	vld [tilespmem:s31+$0x50];
	v25 =	vadd.f32 v25, v33;
	[tilespmem:s25+$0x60] =	vst v20;
	v20 =	vbroadcast v13, $0x2  }
0x21e: {  	v13 =	vbroadcast v13, $0x3;
	v30 =	vunpack.i.l.bf16.f32 v30;
	v33 =	vld [tilespmem:s31+$0x80];
	[tilespmem:s25+$0xA0] =	vst v21;
	v21 =	vbroadcast v12, $0x2  }
0x21f: {  	v12 =	vbroadcast v12, $0x3;
	v38 =	vld [tilespmem:s31+$0xFFFFFF60];
	v29 =	vunpack.i.l.bf16.f32 v29;
	v39 =	vmul.f32 $2.000000030e-01, v25;
	[tilespmem:s25+$0xB0] =	vst v24  }
0x220: {  	v22 =	vunpack.i.l.bf16.f32 v22;
	vm0 =	vgt.f32 v25, $0.0e+00;
	v24 =	vld [tilespmem:s29+$0xFFFFFFC0];
	v27 =	vunpack.i.l.bf16.f32 v27;
	[tilespmem:s3+$0x30] =	vst v11  }
0x221: {  	v23 =	vmul.f32 v23, v31;
	v11 =	vld [tilespmem:s29+$0xFFFFFFD0];
	v28 =	vunpack.i.l.bf16.f32 v28;
	v25 =	vsel vm0, v25, v39  }
0x222: {  	v32 =	vmul.f32 v32, v34;
	v31 =	vld [tilespmem:s29+$0xFFFFFFE0];
	v26 =	vunpack.i.l.bf16.f32 v26;
	v25 =	vmul.f32 $1.442695020e+00, v25  }
0x223: {  	v22 =	vmul.f32 v22, v35;
	v34 =	vld [tilespmem:s29+$0xFFFFFFF0];
	v33 =	vunpack.i.l.bf16.f32 v33;
	[tilespmem:s25+$0xFFFFFEE0] =	vst v23;
	v23 =	vmul.f32 v37, v36  }
0x224: {  	v8 =	vmul.f32 v8, v1;
	v1 =	vmovc v20;
	v35 =	vunpack.i.l.bf16.f32 v38;
	v36 =	vld [tilespmem:s29+$0x0];
	(erf) = vpow2.f32 v25;
	[tilespmem:s25+$0xFFFFFEF0] =	vst v32  }
0x225: {  	v6 =	vmul.f32 v6, v2;
	v9 =	vmul.f32 v9, v3;
	v20 =	vadd.f32 v24, v35;
	v24 =	vld [tilespmem:s29+$0x10];
	[tilespmem:s25+$0xFFFFFF30] =	vst v22  }
0x226: {  	v5 =	vmul.f32 v10, v5;
	v7 =	vmul.f32 v7, v4;
	v11 =	vadd.f32 v11, v30;
	v22 =	vld [tilespmem:s29+$0x20];
	[tilespmem:s25+$0xFFFFFF40] =	vst v23  }
0x227: {  	v2 =	vmovc v13;
	v3 =	vmovc v21;
	vm0 =	vgt.f32 v20, $0.0e+00;
	v10 =	vmul.f32 $2.000000030e-01, v20;
	v23 =	vadd.f32 v31, v29;
	v25 =	vld [tilespmem:s26+$0xFFFFFFB0];
	[tilespmem:s3+$0x70] =	vst v8  }
0x228: {  	v4 =	vmovc v12;
	vm1 =	vgt.f32 v11, $0.0e+00;
	v8 =	vmul.f32 $2.000000030e-01, v11;
	v13 =	vadd.f32 v34, v27;
	v21 =	vld [tilespmem:s26+$0xFFFFFFE0];
	[tilespmem:s3+$0x80] =	vst v6  }
0x229: {  	vm2 =	vgt.f32 v23, $0.0e+00;
	v6 =	vmul.f32 $2.000000030e-01, v23;
	v12 =	vadd.f32 v36, v28;
	v27 =	vld [tilespmem:s26+$0x10];
	[tilespmem:s3+$0xC0] =	vst v9  }
0x22a: {  	vm3 =	vgt.f32 v13, $0.0e+00;
	v9 =	vmul.f32 $2.000000030e-01, v13;
	v24 =	vadd.f32 v24, v26;
	v26 =	vld [tilespmem:s26+$0x40];
	[tilespmem:s3+$0xD0] =	vst v7;
	s3 =	smov.u32 s25  }
0x22b: {  	vm4 =	vgt.f32 v12, $0.0e+00;
	v7 =	vmul.f32 $2.000000030e-01, v12;
	v22 =	vadd.f32 v22, v33;
	v28 =	vld [tilespmem:s26+$0x70];
	[tilespmem:s25+$0x110] =	vst v5;
	s26 =	smov.u32 s31  }
0x22c: {  	v5 =	vsel vm0, v20, v10;
	vm0 =	vgt.f32 v24, $0.0e+00;
	v10 =	vmul.f32 $2.000000030e-01, v24  }
0x22d: {  	v8 =	vsel vm1, v11, v8;
	s25 =	sadd.s32 $0x280, s25;
	vm1 =	vgt.f32 v22, $0.0e+00;
	v11 =	vmul.f32 $2.000000030e-01, v22;
	v20 =	vpop (erf)  }
0x22e: {  	v6 =	vsel vm2, v23, v6;
	v9 =	vsel vm3, v13, v9;
	v7 =	vsel vm4, v12, v7;
	[tilespmem:s25+$0x130] =	vst v20  }
0x22f: {  	v5 =	vmul.f32 $1.442695020e+00, v5;
	v10 =	vsel vm0, v24, v10;
	v11 =	vsel vm1, v22, v11;
	v12 =	vld [tilespmem:s31+$0x90]  }
0x230: {  	v8 =	vmul.f32 $1.442695020e+00, v8;
	v6 =	vmul.f32 $1.442695020e+00, v6;
	v13 =	vunpack.i.u.bf16.f32 v25  }
0x231: {  	v9 =	vmul.f32 $1.442695020e+00, v9;
	v7 =	vmul.f32 $1.442695020e+00, v7;
	v22 =	vunpack.i.l.bf16.f32 v25  }
0x232: {  	v23 =	vunpack.i.u.bf16.f32 v21;
	v10 =	vmul.f32 $1.442695020e+00, v10;
	v11 =	vmul.f32 $1.442695020e+00, v11  }
0x233: {  	v21 =	vunpack.i.l.bf16.f32 v21;
	v24 =	vbroadcast v20, $0x0;
	(erf) = vpow2.f32 v5  }
0x234: {  	v25 =	vbroadcast v20, $0x1;
	v5 =	vunpack.i.l.bf16.f32 v12;
	(erf) = vpow2.f32 v8  }
0x235: {  	v8 =	vunpack.i.u.bf16.f32 v12;
	v5 =	vmul.f32 v24, v5;
	(erf) = vpow2.f32 v6  }
0x236: {  	v12 =	vunpack.i.u.bf16.f32 v27;
	v6 =	vmul.f32 v25, v8;
	(erf) = vpow2.f32 v9  }
0x237: {  	v24 =	vunpack.i.l.bf16.f32 v27;
	[tilespmem:s25+$0xF0] =	vst v5;
	v5 =	vbroadcast v20, $0x2;
	(erf) = vpow2.f32 v7  }
0x238: {  	v8 =	vunpack.i.l.bf16.f32 v26;
	[tilespmem:s25+$0x100] =	vst v6;
	(erf) = vpow2.f32 v10;
	v6 =	vunpack.i.u.bf16.f32 v26  }
0x239: {  	v9 =	vunpack.i.l.bf16.f32 v28;
	v7 =	vunpack.i.u.bf16.f32 v28;
	v10 =	vld [tilespmem:s31+$0xA0];
	(erf) = vpow2.f32 v11  }
0x23a: {  	v11 =	vmul.f32 v22, v17;
	v22 =	vmul.f32 v13, v18  }
0x23b: {  	v23 =	vmul.f32 v23, v19;
	v25 =	vmul.f32 v21, v16  }
0x23c: {  	v24 =	vmul.f32 v24, v14;
	v17 =	vpop (erf);
	[tilespmem:s3+$0xFFFFFF80] =	vst v11;
	v11 =	vmul.f32 v12, v15  }
0x23d: {  	v12 =	vbroadcast v20, $0x3;
	[tilespmem:s25+$0xFFFFFF00] =	vst v17;
	v26 =	vbroadcast v17, $0x0;
	v18 =	vpop (erf)  }
0x23e: {  	v27 =	vbroadcast v17, $0x1;
	v19 =	vld [tilespmem:s31+$0xFFFFFF40];
	[tilespmem:s25+$0xFFFFFF50] =	vst v18;
	v28 =	vbroadcast v18, $0x0;
	v13 =	vunpack.i.u.bf16.f32 v10;
	v16 =	vpop (erf)  }
0x23f: {  	v30 =	vbroadcast v18, $0x1;
	v10 =	vunpack.i.l.bf16.f32 v10;
	v29 =	vld [tilespmem:s31+$0xFFFFFF70];
	[tilespmem:s25+$0xFFFFFFA0] =	vst v16;
	v20 =	vmul.f32 v13, v12;
	v14 =	vpop (erf)  }
0x240: {  	v32 =	vbroadcast v16, $0x0;
	v33 =	vbroadcast v16, $0x1;
	v31 =	vld [tilespmem:s31+$0xFFFFFFA0];
	[tilespmem:s25+$0xFFFFFFF0] =	vst v14;
	v15 =	vpop (erf)  }
0x241: {  	v35 =	vbroadcast v14, $0x0;
	v36 =	vbroadcast v14, $0x1;
	v34 =	vld [tilespmem:s31+$0xFFFFFFD0];
	[tilespmem:s25+$0x120] =	vst v20;
	v13 =	vpop (erf)  }
0x242: {  	v37 =	vbroadcast v15, $0x0;
	v38 =	vbroadcast v15, $0x1;
	[tilespmem:s25+$0x40] =	vst v15;
	v12 =	vpop (erf)  }
0x243: {  	v41 =	vbroadcast v13, $0x0;
	v20 =	vbroadcast v13, $0x1;
	v39 =	vunpack.i.u.bf16.f32 v19;
	v40 =	vld [tilespmem:s31+$0x0];
	[tilespmem:s25+$0x90] =	vst v13  }
0x244: {  	v42 =	vunpack.i.l.bf16.f32 v19;
	v21 =	vbroadcast v12, $0x0;
	v19 =	vbroadcast v12, $0x1;
	v43 =	vld [tilespmem:s31+$0x30];
	[tilespmem:s25+$0xE0] =	vst v12  }
0x245: {  	v44 =	vunpack.i.u.bf16.f32 v29;
	v29 =	vunpack.i.l.bf16.f32 v29;
	v45 =	vunpack.i.u.bf16.f32 v31;
	v46 =	vld [tilespmem:s31+$0x60];
	[tilespmem:s3+$0xFFFFFF90] =	vst v22  }
0x246: {  	v22 =	vunpack.i.l.bf16.f32 v31;
	v47 =	vunpack.i.u.bf16.f32 v34;
	v34 =	vunpack.i.l.bf16.f32 v34;
	[tilespmem:s3+$0xFFFFFFD0] =	vst v25  }
0x247: {  	v25 =	vmul.f32 v26, v42;
	v26 =	vmul.f32 v27, v39;
	[tilespmem:s3+$0xFFFFFFE0] =	vst v23  }
0x248: {  	v27 =	vmul.f32 v28, v29;
	v28 =	vunpack.i.u.bf16.f32 v40;
	v39 =	vunpack.i.l.bf16.f32 v40;
	[tilespmem:s3+$0x20] =	vst v24  }
.Ltmp8:
0x249: {  	v29 =	vmul.f32 v30, v44;
	[tilespmem:s25+$0xFFFFFEC0] =	vst v25;
	v25 =	vunpack.i.u.bf16.f32 v43;
	v40 =	vunpack.i.l.bf16.f32 v43;
	(pc) =	sbr.rel @p1 .LBB2_15-.Ltmp8, $4  }
0x24a: {  	[tilespmem:s25+$0xFFFFFED0] =	vst v26;
	v26 =	vmul.f32 v32, v22;
	v24 =	vunpack.i.u.bf16.f32 v46;
	v31 =	vunpack.i.l.bf16.f32 v46  }
0x24b: {  	v30 =	vmul.f32 v35, v34;
	v32 =	vmul.f32 v33, v45;
	v23 =	vld [tilespmem:s31+$0xFFFFFF50];
	[tilespmem:s25+$0xFFFFFF10] =	vst v27  }
0x24c: {  	v27 =	vmul.f32 v37, v39;
	[tilespmem:s25+$0xFFFFFF20] =	vst v29;
	v29 =	vmul.f32 v36, v47  }
0x24d: {  	v28 =	vmul.f32 v38, v28;
	s31 =	sadd.s32 $0x180, s31;
	v22 =	vld [tilespmem:s26+$0xFFFFFF80];
	[tilespmem:s25+$0xFFFFFF60] =	vst v26;
	v26 =	vmul.f32 v41, v40  }
0x24e: {  	[tilespmem:s25+$0xFFFFFF70] =	vst v32  }
0x24f: {  	[tilespmem:s25+$0xFFFFFFB0] =	vst v30  }
0x250: {  	[tilespmem:s25+$0xFFFFFFC0] =	vst v29  }
0x251: {  	[tilespmem:s25+$0x0] =	vst v27  }
0x252: {  	[tilespmem:s3+$0x30] =	vst v11  }
0x253: {  	v20 =	vmul.f32 v20, v25;
	[tilespmem:s25+$0x10] =	vst v28  }
0x254: {  	v21 =	vmul.f32 v21, v31;
	[tilespmem:s25+$0x50] =	vst v26  }
0x255: {  	v25 =	vbroadcast v17, $0x2;
	v19 =	vmul.f32 v19, v24;
	[tilespmem:s25+$0x60] =	vst v20  }
0x256: {  	v17 =	vbroadcast v17, $0x3;
	v1 =	vmul.f32 v8, v1;
	[tilespmem:s25+$0xA0] =	vst v21  }
0x257: {  	v2 =	vmul.f32 v6, v2;
	v21 =	vunpack.i.u.bf16.f32 v23;
	[tilespmem:s25+$0xB0] =	vst v19  }
0x258: {  	[tilespmem:s3+$0x70] =	vst v1;
	v11 =	vmul.f32 v21, v17  }
0x259: {  	v3 =	vmul.f32 v9, v3;
	v6 =	vld [tilespmem:s26+$0xFFFFFFE0];
	[tilespmem:s3+$0x80] =	vst v2  }
0x25a: {  	v4 =	vmul.f32 v7, v4;
	v20 =	vunpack.i.l.bf16.f32 v23;
	[tilespmem:s25+$0xFFFFFEF0] =	vst v11;
	v11 =	vld [tilespmem:s26+$0xFFFFFFB0]  }
0x25b: {  	v23 =	vbroadcast v18, $0x2;
	[tilespmem:s3+$0xC0] =	vst v3;
	v19 =	vmul.f32 v20, v25  }
0x25c: {  	v5 =	vmul.f32 v10, v5;
	v18 =	vbroadcast v18, $0x3;
	[tilespmem:s3+$0xD0] =	vst v4;
	v20 =	vunpack.i.l.bf16.f32 v22  }
0x25d: {  	v8 =	vbroadcast v14, $0x2;
	v2 =	vld [tilespmem:s26+$0x10];
	v17 =	vunpack.i.u.bf16.f32 v22;
	[tilespmem:s25+$0xFFFFFEE0] =	vst v19;
	v19 =	vmul.f32 v20, v23  }
0x25e: {  	v1 =	vbroadcast v16, $0x2;
	[tilespmem:s25+$0x110] =	vst v5;
	v17 =	vmul.f32 v17, v18;
	v5 =	vunpack.i.l.bf16.f32 v6  }
0x25f: {  	v7 =	vbroadcast v16, $0x3;
	v9 =	vld [tilespmem:s26+$0x40];
	[tilespmem:s25+$0xFFFFFF30] =	vst v19;
	v5 =	vmul.f32 v5, v8;
	v3 =	vunpack.i.l.bf16.f32 v11  }
0x260: {  	[tilespmem:s25+$0xFFFFFF40] =	vst v17;
	v4 =	vunpack.i.u.bf16.f32 v11;
	v1 =	vmul.f32 v3, v1;
	v3 =	vbroadcast v14, $0x3  }
0x261: {  	v10 =	vld [tilespmem:s26+$0x70];
	v6 =	vunpack.i.u.bf16.f32 v6;
	[tilespmem:s25+$0xFFFFFFD0] =	vst v5;
	v4 =	vmul.f32 v4, v7;
	v7 =	vbroadcast v15, $0x2  }
0x262: {  	v8 =	vunpack.i.l.bf16.f32 v2;
	[tilespmem:s25+$0xFFFFFF80] =	vst v1;
	v1 =	vbroadcast v15, $0x3;
	v3 =	vmul.f32 v6, v3  }
0x263: {  	v2 =	vunpack.i.u.bf16.f32 v2;
	[tilespmem:s25+$0xFFFFFF90] =	vst v4;
	v4 =	vbroadcast v13, $0x2;
	v6 =	vmul.f32 v8, v7  }
0x264: {  	v5 =	vbroadcast v13, $0x3;
	v7 =	vunpack.i.l.bf16.f32 v9;
	v1 =	vmul.f32 v2, v1;
	[tilespmem:s25+$0xFFFFFFE0] =	vst v3  }
0x265: {  	v2 =	vbroadcast v12, $0x2;
	v3 =	vunpack.i.u.bf16.f32 v9;
	[tilespmem:s25+$0x20] =	vst v6;
	v4 =	vmul.f32 v7, v4  }
0x266: {  	v6 =	vbroadcast v12, $0x3;
	v7 =	vunpack.i.l.bf16.f32 v10;
	[tilespmem:s25+$0x30] =	vst v1;
	v1 =	vmul.f32 v3, v5  }
0x267: {  	v3 =	vunpack.i.u.bf16.f32 v10;
	v2 =	vmul.f32 v7, v2;
	[tilespmem:s25+$0x70] =	vst v4  }
0x268: {  	v3 =	vmul.f32 v3, v6;
	[tilespmem:s25+$0x80] =	vst v1  }
0x269: {  	[tilespmem:s25+$0xC0] =	vst v2  }
0x26a: {  	[tilespmem:s25+$0xD0] =	vst v3  }
0x26b: {  	v1 =	vld [tilespmem:$0x380]  }
0x26c: {  	v2 =	vld [tilespmem:$0x390]  }
0x26d: {  	v3 =	vld [tilespmem:$0x3A0]  }
0x26e: {  	v4 =	vld [tilespmem:$0x3B0]  }
0x26f: {  	v5 =	vld [tilespmem:$0x3C0]  }
0x270: {  	[tilespmem:$0x680] =	vst v1;
	v1 =	vld [tilespmem:$0x3D0]  }
0x271: {  	[tilespmem:$0x690] =	vst v2;
	v2 =	vld [tilespmem:$0x3E0]  }
0x272: {  	[tilespmem:$0x6A0] =	vst v3;
	v3 =	vld [tilespmem:$0x3F0]  }
0x273: {  	[tilespmem:$0x6B0] =	vst v4  }
0x274: {  	[tilespmem:$0x6C0] =	vst v5  }
0x275: {  	[tilespmem:$0x6D0] =	vst v1  }
0x276: {  	[tilespmem:$0x6E0] =	vst v2  }
0x277: {  	[tilespmem:$0x6F0] =	vst v3  }
0x278: {  	[spmem:s1] =	stream.indirect.scatter.add.f32 [tilespmem:s22], [sflag:$0x8], $0x50, s21, s28, $0xb8;
	[tilespmem:$0x1DF80] =	vst v63  }
0x279: {  	_ =	swait.ge [sflag:s23], $0x80  }
0x27a: {  	[sflag:s23] =	ssyncset.done $0x0  }
0x27b: {  	[sflag:s23] =	ssyncadd.s32 $0xFFFFFF80  }
0x27c: {  	_ =	swait.ge [sflag:s23], $0x80  }
0x27d: {  	[sflag:s23] =	ssyncset.done $0x0  }
0x27e: {  	s26 =	simm.s32 $0x7F80;
	s25 =	simm.s32 $0x280;
	[sflag:s23] =	ssyncadd.s32 $0xFFFFFF80  }
0x27f: {  	[tilespmem:s26], [sflag:$0x6] =	stream.indirect.gather [hbm4b:s6+s28], $0x30, s25, s28, $0xb8;
	[tilespmem:$0x1DF80] =	vst v63  }
0x280: {  	s3 =	sadd.s32 @!p0 $0x70, s0;
	s25 =	simm.s32 $0xBF80  }
0x281: {  	[tilespmem:s25], [sflag:$0x6] =	stream.indirect.gather [hbm4b:s7+s28], $0x10, s15, s28, $0xb8;
	[tilespmem:$0x1DF80] =	vst v63  }
0x282: {  	s29 =	simm.s32 @!p0 $0x80;
	s26 =	simm.s32 @!p0 $0x0;
	s25 =	sadd.s32 @!p0 s4, s3  }
0x283: {  	[tilespmem:s29], [sflag:$0xA] =	stream.linear.gather @!p0 [hbm4b:s25+s26], $0x80, $0x38;
	[tilespmem:$0x1DF80] =	vst v63  }
0x284: {  	s3 =	sadd.s32 @!p0 s5, s3;
	s25 =	simm.s32 @!p0 $0x380  }
0x285: {  	[tilespmem:s25], [sflag:$0xA] =	stream.linear.gather @!p0 [hbm4b:s3+s26], $0x80, $0x38;
	[tilespmem:$0x1DF80] =	vst v63  }
0x286: {  	_ =	swait.ge [sflag:s9], $0x1800  }
0x287: {  	[sflag:s9] =	ssyncset.done $0x0  }
0x288: {  	[sflag:s9] =	ssyncadd.s32 $0xFFFFE800  }
0x289: {  	_ =	swait.ge [sflag:s9], $0x800  }
0x28a: {  	[sflag:s9] =	ssyncset.done $0x0  }
0x28b: {  	[sflag:s9] =	ssyncadd.s32 $0xFFFFF800  }
0x28c: {  	_ =	swait.ge [sflag:s10], $0x2800  }
0x28d: {  	[sflag:s10] =	ssyncset.done $0x0  }
0x28e: {  	s30 =	simm.s32 $0x3840;
	[sflag:s10] =	ssyncadd.s32 $0xFFFFD800  }
0x28f: {  	s26 =	simm.s32 $0xA7C0;
	v1 =	vld [tilespmem:s30+$0xB0]  }
0x290: {  	v2 =	vld [tilespmem:s26+$0x30];
	_ =	sdelay $0x1  }
0x291: {  	v3 =	vld [tilespmem:s30+$0xFFFFFF90]  }
0x292: {  	v4 =	vld [tilespmem:s30+$0xFFFFFFC0]  }
0x293: {  	v5 =	vld [tilespmem:s30+$0xFFFFFFF0];
	v1 =	vunpack.i.l.bf16.f32 v1  }
0x294: {  	v6 =	vld [tilespmem:s30+$0x50];
	v1 =	vadd.f32 v2, v1  }
0x295: {  	v8 =	vld [tilespmem:s30+$0x80]  }
0x296: {  	v10 =	vld [tilespmem:s26+$0xFFFFFFD0];
	v7 =	vmul.f32 $2.000000030e-01, v1  }
0x297: {  	v9 =	vld [tilespmem:s30+$0xFFFFFF60];
	vm0 =	vgt.f32 v1, $0.0e+00  }
0x298: {  	v11 =	vld [tilespmem:s26+$0xFFFFFFE0];
	v1 =	vsel vm0, v1, v7  }
0x299: {  	v2 =	vld [tilespmem:s30+$0x20];
	v1 =	vmul.f32 $1.442695020e+00, v1  }
0x29a: {  	v3 =	vunpack.i.l.bf16.f32 v3;
	v7 =	vld [tilespmem:s26+$0xFFFFFFC0]  }
0x29b: {  	v3 =	vadd.f32 v10, v3;
	v10 =	vld [tilespmem:s26+$0x20];
	(erf) = vpow2.f32 v1  }
0x29c: {  	v12 =	vld [tilespmem:s26+$0x0];
	v4 =	vunpack.i.l.bf16.f32 v4  }
0x29d: {  	v9 =	vunpack.i.l.bf16.f32 v9;
	v5 =	vunpack.i.l.bf16.f32 v5;
	v4 =	vadd.f32 v11, v4;
	v1 =	vld [tilespmem:s26+$0xFFFFFFF0]  }
0x29e: {  	v6 =	vunpack.i.l.bf16.f32 v6;
	v8 =	vunpack.i.l.bf16.f32 v8;
	v11 =	vmul.f32 $2.000000030e-01, v3  }
0x29f: {  	vm1 =	vgt.f32 v3, $0.0e+00;
	vm2 =	vgt.f32 v4, $0.0e+00;
	v7 =	vadd.f32 v7, v9  }
0x2a0: {  	v3 =	vsel vm1, v3, v11;
	v2 =	vunpack.i.l.bf16.f32 v2;
	v8 =	vadd.f32 v10, v8;
	v9 =	vld [tilespmem:s26+$0x10]  }
0x2a1: {  	v3 =	vmul.f32 $1.442695020e+00, v3;
	v2 =	vadd.f32 v12, v2;
	v13 =	vmul.f32 $2.000000030e-01, v7  }
0x2a2: {  	v11 =	vmul.f32 $2.000000030e-01, v8;
	vm15 =	vgt.f32 v7, $0.0e+00;
	v1 =	vadd.f32 v1, v5  }
0x2a3: {  	vm4 =	vgt.f32 v2, $0.0e+00;
	v5 =	vmul.f32 $2.000000030e-01, v4;
	v7 =	vsel vm15, v7, v13  }
0x2a4: {  	s3 =	simm.s32 $0xC8C0;
	vm3 =	vgt.f32 v1, $0.0e+00;
	v12 =	vmul.f32 $2.000000030e-01, v1;
	v7 =	vmul.f32 $1.442695020e+00, v7;
	v10 =	vpop (erf)  }
0x2a5: {  	v6 =	vadd.f32 v9, v6;
	v9 =	vmul.f32 $2.000000030e-01, v2;
	v4 =	vsel vm2, v4, v5;
	[tilespmem:s3+$0x130] =	vst v10  }
0x2a6: {  	v4 =	vmul.f32 $1.442695020e+00, v4;
	v1 =	vsel vm3, v1, v12;
	(erf) = vpow2.f32 v7;
	v5 =	vld [tilespmem:s30+$0x90]  }
0x2a7: {  	v13 =	vmul.f32 $2.000000030e-01, v6;
	v2 =	vsel vm4, v2, v9;
	v1 =	vmul.f32 $1.442695020e+00, v1  }
0x2a8: {  	vm7 =	vgt.f32 v8, $0.0e+00;
	v2 =	vmul.f32 $1.442695020e+00, v2;
	(erf) = vpow2.f32 v3  }
0x2a9: {  	vm6 =	vgt.f32 v6, $0.0e+00;
	v7 =	vbroadcast v10, $0x0;
	v12 =	vbroadcast v10, $0x1  }
0x2aa: {  	v6 =	vsel vm6, v6, v13;
	(erf) = vpow2.f32 v4;
	v4 =	vsel vm7, v8, v11  }
0x2ab: {  	(erf) = vpow2.f32 v1;
	v1 =	vmul.f32 $1.442695020e+00, v4;
	v9 =	vunpack.i.l.bf16.f32 v5  }
0x2ac: {  	v6 =	vmul.f32 $1.442695020e+00, v6;
	v3 =	vunpack.i.u.bf16.f32 v5;
	v5 =	vmul.f32 v7, v9  }
0x2ad: {  	(erf) = vpow2.f32 v2;
	v3 =	vmul.f32 v12, v3  }
0x2ae: {  	(erf) = vpow2.f32 v6;
	[tilespmem:s3+$0xF0] =	vst v5  }
0x2af: {  	(erf) = vpow2.f32 v1;
	v1 =	vpop (erf);
	[tilespmem:s3+$0x100] =	vst v3  }
0x2b0: {  	v5 =	vbroadcast v10, $0x2;
	[tilespmem:s3+$0xFFFFFF00] =	vst v1;
	v6 =	vld [tilespmem:s30+$0xA0]  }
0x2b1: {  	v2 =	vbroadcast v1, $0x0;
	v3 =	vbroadcast v10, $0x3;
	v4 =	vpop (erf);
	v7 =	vld [tilespmem:s30+$0xFFFFFF40]  }
0x2b2: {  	v8 =	vbroadcast v1, $0x1;
	[tilespmem:s3+$0xFFFFFF50] =	vst v4;
	v9 =	vbroadcast v4, $0x0  }
0x2b3: {  	v11 =	vpop (erf);
	v12 =	vbroadcast v4, $0x1;
	v45 =	vbroadcast v4, $0x3;
	v13 =	vld [tilespmem:s30+$0xFFFFFF70]  }
0x2b4: {  	v14 =	vbroadcast v11, $0x0;
	v16 =	vbroadcast v11, $0x1  }
0x2b5: {  	[tilespmem:s3+$0xFFFFFFA0] =	vst v11;
	v34 =	vbroadcast v11, $0x2;
	v11 =	vbroadcast v11, $0x3  }
0x2b6: {  	v15 =	vld [tilespmem:s30+$0xFFFFFFA0];
	v10 =	vunpack.i.u.bf16.f32 v6;
	v25 =	vunpack.i.u.bf16.f32 v7;
	v7 =	vunpack.i.l.bf16.f32 v7  }
0x2b7: {  	v6 =	vunpack.i.l.bf16.f32 v6;
	v10 =	vmul.f32 v10, v3;
	v2 =	vmul.f32 v2, v7  }
0x2b8: {  	s26 =	simm.s32 $0x39C0;
	v3 =	vpop (erf);
	v44 =	vunpack.i.u.bf16.f32 v13;
	v8 =	vmul.f32 v8, v25;
	v5 =	vmul.f32 v6, v5  }
0x2b9: {  	v38 =	vld [tilespmem:s26+$0xFFFFFF60];
	v7 =	vunpack.i.l.bf16.f32 v13;
	[tilespmem:s3+$0xFFFFFFF0] =	vst v3;
	v17 =	vpop (erf);
	v18 =	vbroadcast v3, $0x0;
	v20 =	vbroadcast v3, $0x1  }
0x2ba: {  	v7 =	vmul.f32 v9, v7;
	v12 =	vmul.f32 v12, v44;
	v19 =	vld [tilespmem:s30+$0xFFFFFFD0];
	[tilespmem:s3+$0x40] =	vst v17  }
0x2bb: {  	v13 =	vunpack.i.u.bf16.f32 v15;
	v36 =	vbroadcast v3, $0x2;
	v37 =	vbroadcast v3, $0x3;
	[tilespmem:s3+$0xFFFFFED0] =	vst v8;
	v8 =	vld [tilespmem:s26+$0xB0]  }
0x2bc: {  	v15 =	vunpack.i.l.bf16.f32 v15;
	v21 =	vpop (erf);
	v22 =	vbroadcast v17, $0x0;
	v23 =	vbroadcast v17, $0x1;
	v26 =	vld [tilespmem:s30+$0x0]  }
0x2bd: {  	v14 =	vmul.f32 v14, v15;
	v13 =	vmul.f32 v16, v13;
	v24 =	vpop (erf);
	[tilespmem:s3+$0x90] =	vst v21  }
0x2be: {  	v39 =	vbroadcast v17, $0x2;
	v42 =	vbroadcast v17, $0x3;
	v29 =	vld [tilespmem:s30+$0x30];
	[tilespmem:s3+$0xE0] =	vst v24  }
0x2bf: {  	v47 =	vunpack.i.l.bf16.f32 v38;
	v27 =	vbroadcast v21, $0x0;
	v28 =	vbroadcast v21, $0x1;
	v33 =	vld [tilespmem:s30+$0x60]  }
0x2c0: {  	s29 =	simm.s32 $0xA840;
	[tilespmem:s3+$0xFFFFFEC0] =	vst v2;
	v30 =	vbroadcast v24, $0x0;
	v31 =	vbroadcast v24, $0x1;
	v25 =	vunpack.i.u.bf16.f32 v19  }
0x2c1: {  	v40 =	vld [tilespmem:s29+$0xFFFFFFC0];
	[tilespmem:s3+$0xFFFFFF10] =	vst v7;
	v2 =	vunpack.i.l.bf16.f32 v19;
	v8 =	vunpack.i.l.bf16.f32 v8;
	v9 =	vunpack.i.u.bf16.f32 v26  }
0x2c2: {  	v7 =	vld [tilespmem:s29+$0x30];
	[tilespmem:s3+$0xFFFFFF20] =	vst v12;
	v19 =	vunpack.i.l.bf16.f32 v26;
	v16 =	vmul.f32 v18, v2;
	v12 =	vmul.f32 v20, v25  }
0x2c3: {  	v25 =	vld [tilespmem:s26+$0xFFFFFFC0];
	v26 =	vunpack.i.u.bf16.f32 v29;
	v15 =	vunpack.i.l.bf16.f32 v29;
	v18 =	vmul.f32 v22, v19  }
0x2c4: {  	v29 =	vld [tilespmem:s30+$0xFFFFFF50];
	v9 =	vmul.f32 v23, v9;
	v2 =	vunpack.i.u.bf16.f32 v33;
	v15 =	vmul.f32 v27, v15  }
0x2c5: {  	v19 =	vld [tilespmem:s30+$0xFFFFFF80];
	v20 =	vunpack.i.l.bf16.f32 v33;
	v23 =	vmul.f32 v28, v26;
	v26 =	vbroadcast v1, $0x2  }
0x2c6: {  	v22 =	vld [tilespmem:s26+$0xFFFFFF90];
	v33 =	vadd.f32 v40, v47;
	v20 =	vmul.f32 v30, v20;
	v27 =	vmul.f32 v31, v2  }
0x2c7: {  	v17 =	vld [tilespmem:s29+$0xFFFFFFD0];
	v2 =	vadd.f32 v7, v8;
	v7 =	vbroadcast v1, $0x3;
	v8 =	vbroadcast v4, $0x2  }
0x2c8: {  	v43 =	vld [tilespmem:s29+$0x0];
	[tilespmem:s3+$0xFFFFFF60] =	vst v14;
	v4 =	vbroadcast v24, $0x3;
	vm9 =	vgt.f32 v33, $0.0e+00;
	v14 =	vmul.f32 $2.000000030e-01, v33  }
0x2c9: {  	v28 =	vld [tilespmem:s26+$0xFFFFFFF0];
	v1 =	vmul.f32 $2.000000030e-01, v2;
	vm8 =	vgt.f32 v2, $0.0e+00;
	v25 =	vunpack.i.l.bf16.f32 v25  }
0x2ca: {  	v46 =	vld [tilespmem:s26+$0x50];
	v31 =	vunpack.i.u.bf16.f32 v29;
	v29 =	vunpack.i.l.bf16.f32 v29;
	v41 =	vunpack.i.u.bf16.f32 v19  }
0x2cb: {  	v35 =	vld [tilespmem:s26+$0x80];
	v22 =	vunpack.i.l.bf16.f32 v22;
	v14 =	vsel vm9, v33, v14;
	v1 =	vsel vm8, v2, v1  }
0x2cc: {  	v48 =	vld [tilespmem:s29+$0x10];
	[tilespmem:s3+$0x120] =	vst v10;
	v2 =	vbroadcast v21, $0x3;
	v26 =	vmul.f32 v29, v26;
	v10 =	vadd.f32 v17, v22  }
0x2cd: {  	v30 =	vld [tilespmem:s26+$0x20];
	v19 =	vunpack.i.l.bf16.f32 v19;
	v14 =	vmul.f32 $1.442695020e+00, v14;
	v3 =	vmul.f32 $1.442695020e+00, v1  }
0x2ce: {  	[tilespmem:s3+$0xFFFFFF70] =	vst v13;
	v28 =	vunpack.i.l.bf16.f32 v28;
	v1 =	vbroadcast v21, $0x2;
	v21 =	vld [tilespmem:s29+$0xFFFFFFE0];
	v13 =	vmul.f32 $2.000000030e-01, v10  }
0x2cf: {  	v29 =	vunpack.i.l.bf16.f32 v46;
	(erf) = vpow2.f32 v3;
	v3 =	vbroadcast v24, $0x2;
	v24 =	vld [tilespmem:s29+$0xFFFFFFF0]  }
0x2d0: {  	v49 =	vld [tilespmem:s29+$0x20];
	v7 =	vmul.f32 v31, v7;
	v31 =	vunpack.i.l.bf16.f32 v35;
	vm10 =	vgt.f32 v10, $0.0e+00  }
0x2d1: {  	v22 =	vadd.f32 v48, v29;
	v10 =	vsel vm10, v10, v13;
	(erf) = vpow2.f32 v14;
	v14 =	vld [tilespmem:s30+$0xFFFFFFB0]  }
0x2d2: {  	v8 =	vmul.f32 v19, v8;
	v30 =	vunpack.i.l.bf16.f32 v30;
	v10 =	vmul.f32 $1.442695020e+00, v10  }
0x2d3: {  	[tilespmem:s3+$0x0] =	vst v18;
	v18 =	vmul.f32 $2.000000030e-01, v22;
	vm14 =	vgt.f32 v22, $0.0e+00;
	v17 =	vadd.f32 v21, v25  }
0x2d4: {  	[tilespmem:s3+$0x110] =	vst v5;
	v21 =	vadd.f32 v43, v30;
	(erf) = vpow2.f32 v10;
	v19 =	vadd.f32 v24, v28  }
0x2d5: {  	[tilespmem:s3+$0xFFFFFFB0] =	vst v16;
	vm11 =	vgt.f32 v17, $0.0e+00;
	v16 =	vmul.f32 $2.000000030e-01, v17;
	v24 =	vadd.f32 v49, v31  }
0x2d6: {  	[tilespmem:s3+$0xFFFFFFC0] =	vst v12;
	vm13 =	vgt.f32 v21, $0.0e+00;
	v28 =	vmul.f32 $2.000000030e-01, v21;
	v6 =	vunpack.i.l.bf16.f32 v14  }
0x2d7: {  	[tilespmem:s3+$0x10] =	vst v9;
	vm12 =	vgt.f32 v19, $0.0e+00;
	v12 =	vmul.f32 $2.000000030e-01, v19;
	v13 =	vmul.f32 $2.000000030e-01, v24  }
0x2d8: {  	s25 =	simm.s32 $0xCB40;
	[tilespmem:s3+$0x50] =	vst v15;
	v9 =	vsel vm11, v17, v16;
	v15 =	vsel vm13, v21, v28;
	v6 =	vmul.f32 v6, v34;
	v25 =	vpop (erf)  }
0x2d9: {  	v9 =	vmul.f32 $1.442695020e+00, v9;
	v15 =	vmul.f32 $1.442695020e+00, v15;
	v12 =	vsel vm12, v19, v12;
	[tilespmem:s25+$0x130] =	vst v25  }
0x2da: {  	[tilespmem:s3+$0x60] =	vst v23;
	vm15 =	vgt.f32 v24, $0.0e+00;
	v12 =	vmul.f32 $1.442695020e+00, v12;
	v16 =	vbroadcast v25, $0x0;
	v29 =	vld [tilespmem:s26+$0x90]  }
0x2db: {  	[tilespmem:s3+$0xFFFFFEF0] =	vst v7;
	v7 =	vld [tilespmem:s30+$0xFFFFFFE0];
	v13 =	vsel vm15, v24, v13;
	v19 =	vbroadcast v25, $0x1;
	(erf) = vpow2.f32 v9  }
0x2dc: {  	[tilespmem:s3+$0xA0] =	vst v20;
	v9 =	vsel vm14, v22, v18;
	v13 =	vmul.f32 $1.442695020e+00, v13;
	v5 =	vbroadcast v25, $0x2  }
0x2dd: {  	[tilespmem:s3+$0xB0] =	vst v27;
	v18 =	vld [tilespmem:s30+$0x10];
	v9 =	vmul.f32 $1.442695020e+00, v9;
	(erf) = vpow2.f32 v12  }
0x2de: {  	[tilespmem:s3+$0xFFFFFEE0] =	vst v26;
	v12 =	vmul.f32 v41, v45;
	(erf) = vpow2.f32 v15  }
0x2df: {  	[tilespmem:s3+$0xFFFFFF30] =	vst v8;
	(erf) = vpow2.f32 v9;
	v9 =	vunpack.i.u.bf16.f32 v14;
	v17 =	vunpack.i.l.bf16.f32 v29  }
0x2e0: {  	[tilespmem:s3+$0xFFFFFF40] =	vst v12;
	v12 =	vunpack.i.u.bf16.f32 v7;
	v10 =	vunpack.i.u.bf16.f32 v29;
	v16 =	vmul.f32 v16, v17  }
0x2e1: {  	[tilespmem:s3+$0xFFFFFF80] =	vst v6;
	v7 =	vunpack.i.l.bf16.f32 v7;
	(erf) = vpow2.f32 v13;
	v10 =	vmul.f32 v19, v10  }
0x2e2: {  	v8 =	vld [tilespmem:s30+$0x40];
	v22 =	vmul.f32 v7, v36;
	v6 =	vunpack.i.l.bf16.f32 v18;
	v23 =	vmul.f32 v12, v37;
	[tilespmem:s25+$0xF0] =	vst v16  }
0x2e3: {  	v13 =	vld [tilespmem:s30+$0x70];
	v14 =	vunpack.i.u.bf16.f32 v18;
	v7 =	vbroadcast v25, $0x3;
	v24 =	vmul.f32 v6, v39;
	[tilespmem:s25+$0x100] =	vst v10;
	v17 =	vpop (erf)  }
0x2e4: {  	v19 =	vmul.f32 v9, v11;
	v11 =	vmul.f32 v14, v42;
	v10 =	vld [tilespmem:s26+$0xA0];
	[tilespmem:s25+$0xFFFFFF00] =	vst v17;
	v18 =	vpop (erf)  }
0x2e5: {  	v25 =	vbroadcast v17, $0x0;
	v26 =	vbroadcast v17, $0x1;
	[tilespmem:s25+$0xFFFFFF50] =	vst v18;
	v21 =	vld [tilespmem:s26+$0xFFFFFF40]  }
0x2e6: {  	[tilespmem:s3+$0xFFFFFFD0] =	vst v22;
	v16 =	vpop (erf);
	v27 =	vbroadcast v18, $0x0;
	v29 =	vbroadcast v18, $0x1;
	v28 =	vld [tilespmem:s26+$0xFFFFFF70]  }
0x2e7: {  	v6 =	vunpack.i.u.bf16.f32 v8;
	[tilespmem:s25+$0xFFFFFFA0] =	vst v16;
	v14 =	vpop (erf);
	v30 =	vbroadcast v16, $0x0;
	v50 =	vbroadcast v16, $0x1  }
0x2e8: {  	v8 =	vunpack.i.l.bf16.f32 v8;
	[tilespmem:s3+$0xFFFFFFE0] =	vst v23;
	v15 =	vpop (erf);
	v31 =	vld [tilespmem:s26+$0xFFFFFFA0];
	v51 =	vbroadcast v14, $0x0;
	v53 =	vbroadcast v14, $0x1  }
0x2e9: {  	[tilespmem:s25+$0xFFFFFFF0] =	vst v14;
	v54 =	vbroadcast v15, $0x0;
	v55 =	vbroadcast v15, $0x1;
	v9 =	vunpack.i.u.bf16.f32 v10  }
0x2ea: {  	[tilespmem:s3+$0x20] =	vst v24;
	v52 =	vld [tilespmem:s26+$0xFFFFFFD0];
	v10 =	vunpack.i.l.bf16.f32 v10;
	v9 =	vmul.f32 v9, v7;
	v7 =	vunpack.i.u.bf16.f32 v13  }
0x2eb: {  	[tilespmem:s25+$0x40] =	vst v15;
	v56 =	vunpack.i.u.bf16.f32 v21;
	v59 =	vunpack.i.l.bf16.f32 v21;
	v61 =	vunpack.i.u.bf16.f32 v28  }
0x2ec: {  	v57 =	vld [tilespmem:s26+$0x0];
	v28 =	vunpack.i.l.bf16.f32 v28;
	v25 =	vmul.f32 v25, v59;
	[tilespmem:s25+$0x120] =	vst v9;
	v9 =	vunpack.i.l.bf16.f32 v13;
	v13 =	vpop (erf)  }
0x2ed: {  	v26 =	vmul.f32 v26, v56;
	v22 =	vunpack.i.u.bf16.f32 v31;
	v24 =	vmul.f32 v27, v28;
	v12 =	vpop (erf);
	[tilespmem:s25+$0x90] =	vst v13  }
0x2ee: {  	v31 =	vunpack.i.l.bf16.f32 v31;
	v29 =	vmul.f32 v29, v61;
	v58 =	vbroadcast v13, $0x0;
	[tilespmem:s25+$0xE0] =	vst v12;
	v60 =	vld [tilespmem:s26+$0x30]  }
0x2ef: {  	v20 =	vbroadcast v13, $0x1;
	v62 =	vunpack.i.u.bf16.f32 v52;
	[tilespmem:s25+$0xFFFFFED0] =	vst v26;
	v26 =	vmul.f32 v30, v31;
	v44 =	vld [tilespmem:s26+$0x60]  }
0x2f0: {  	[tilespmem:s3+$0xFFFFFF90] =	vst v19;
	v23 =	vunpack.i.l.bf16.f32 v52;
	v32 =	vmul.f32 v50, v22;
	v21 =	vbroadcast v12, $0x0  }
0x2f1: {  	[tilespmem:s25+$0xFFFFFEC0] =	vst v25;
	v19 =	vbroadcast v12, $0x1;
	v27 =	vunpack.i.l.bf16.f32 v57;
	v30 =	vmul.f32 v51, v23  }
0x2f2: {  	v28 =	vunpack.i.u.bf16.f32 v57;
	v23 =	vld [tilespmem:s26+$0xFFFFFF50];
	[tilespmem:s25+$0xFFFFFF20] =	vst v29;
	v29 =	vmul.f32 v53, v62;
	v27 =	vmul.f32 v54, v27  }
0x2f3: {  	[tilespmem:s25+$0xFFFFFF10] =	vst v24;
	v28 =	vmul.f32 v55, v28;
	v25 =	vunpack.i.u.bf16.f32 v60;
	v63 =	vunpack.i.l.bf16.f32 v60  }
0x2f4: {  	s31 =	simm.s32 $0x3B40;
	s30 =	simm.s32 $0x8;
	v22 =	vld [tilespmem:s26+$0xFFFFFF80];
	[tilespmem:s25+$0xFFFFFF60] =	vst v26;
	v24 =	vunpack.i.u.bf16.f32 v44;
	v31 =	vunpack.i.l.bf16.f32 v44;
	v26 =	vmul.f32 v58, v63  }
.LBB2_17:
0x2f5: {  	v33 =	vld [tilespmem:s31+$0xB0];
	[tilespmem:s25+$0xFFFFFF70] =	vst v32;
	v20 =	vmul.f32 v20, v25;
	v21 =	vmul.f32 v21, v31;
	s29 =	sadd.s32 $0x80, s29  }
0x2f6: {  	s30 =	sadd.s32 $0x8, s30;
	v31 =	vbroadcast v17, $0x2;
	v24 =	vmul.f32 v19, v24;
	v25 =	vld [tilespmem:s29+$0x30];
	[tilespmem:s25+$0xFFFFFFB0] =	vst v30  }
0x2f7: {  	v34 =	vbroadcast v17, $0x3;
	v35 =	vbroadcast v18, $0x2;
	p1 =	slt.u32 s30, $0x78;
	v30 =	vld [tilespmem:s31+$0xFFFFFF90];
	v32 =	vunpack.i.u.bf16.f32 v23;
	[tilespmem:s25+$0xFFFFFFC0] =	vst v29  }
0x2f8: {  	v36 =	vbroadcast v18, $0x3;
	v17 =	vbroadcast v16, $0x2;
	v23 =	vunpack.i.l.bf16.f32 v23;
	v29 =	vld [tilespmem:s31+$0xFFFFFFC0];
	[tilespmem:s25+$0x0] =	vst v27  }
0x2f9: {  	v18 =	vbroadcast v16, $0x3;
	v16 =	vbroadcast v14, $0x2;
	v27 =	vld [tilespmem:s31+$0xFFFFFFF0];
	v37 =	vunpack.i.u.bf16.f32 v22;
	[tilespmem:s25+$0x10] =	vst v28  }
0x2fa: {  	v19 =	vbroadcast v14, $0x3;
	v14 =	vbroadcast v15, $0x2;
	v28 =	vld [tilespmem:s31+$0x20];
	v33 =	vunpack.i.l.bf16.f32 v33;
	[tilespmem:s25+$0x50] =	vst v26  }
0x2fb: {  	v15 =	vbroadcast v15, $0x3;
	v26 =	vld [tilespmem:s31+$0x50];
	v25 =	vadd.f32 v25, v33;
	[tilespmem:s25+$0x60] =	vst v20;
	v20 =	vbroadcast v13, $0x2  }
0x2fc: {  	v13 =	vbroadcast v13, $0x3;
	v30 =	vunpack.i.l.bf16.f32 v30;
	v33 =	vld [tilespmem:s31+$0x80];
	[tilespmem:s25+$0xA0] =	vst v21;
	v21 =	vbroadcast v12, $0x2  }
0x2fd: {  	v12 =	vbroadcast v12, $0x3;
	v38 =	vld [tilespmem:s31+$0xFFFFFF60];
	v29 =	vunpack.i.l.bf16.f32 v29;
	v39 =	vmul.f32 $2.000000030e-01, v25;
	[tilespmem:s25+$0xB0] =	vst v24  }
0x2fe: {  	v22 =	vunpack.i.l.bf16.f32 v22;
	vm0 =	vgt.f32 v25, $0.0e+00;
	v24 =	vld [tilespmem:s29+$0xFFFFFFC0];
	v27 =	vunpack.i.l.bf16.f32 v27;
	[tilespmem:s3+$0x30] =	vst v11  }
0x2ff: {  	v23 =	vmul.f32 v23, v31;
	v11 =	vld [tilespmem:s29+$0xFFFFFFD0];
	v28 =	vunpack.i.l.bf16.f32 v28;
	v25 =	vsel vm0, v25, v39  }
0x300: {  	v32 =	vmul.f32 v32, v34;
	v31 =	vld [tilespmem:s29+$0xFFFFFFE0];
	v26 =	vunpack.i.l.bf16.f32 v26;
	v25 =	vmul.f32 $1.442695020e+00, v25  }
0x301: {  	v22 =	vmul.f32 v22, v35;
	v34 =	vld [tilespmem:s29+$0xFFFFFFF0];
	v33 =	vunpack.i.l.bf16.f32 v33;
	[tilespmem:s25+$0xFFFFFEE0] =	vst v23;
	v23 =	vmul.f32 v37, v36  }
0x302: {  	v8 =	vmul.f32 v8, v1;
	v1 =	vmovc v20;
	v35 =	vunpack.i.l.bf16.f32 v38;
	v36 =	vld [tilespmem:s29+$0x0];
	(erf) = vpow2.f32 v25;
	[tilespmem:s25+$0xFFFFFEF0] =	vst v32  }
0x303: {  	v6 =	vmul.f32 v6, v2;
	v9 =	vmul.f32 v9, v3;
	v20 =	vadd.f32 v24, v35;
	v24 =	vld [tilespmem:s29+$0x10];
	[tilespmem:s25+$0xFFFFFF30] =	vst v22  }
0x304: {  	v5 =	vmul.f32 v10, v5;
	v7 =	vmul.f32 v7, v4;
	v11 =	vadd.f32 v11, v30;
	v22 =	vld [tilespmem:s29+$0x20];
	[tilespmem:s25+$0xFFFFFF40] =	vst v23  }
0x305: {  	v2 =	vmovc v13;
	v3 =	vmovc v21;
	vm0 =	vgt.f32 v20, $0.0e+00;
	v10 =	vmul.f32 $2.000000030e-01, v20;
	v23 =	vadd.f32 v31, v29;
	v25 =	vld [tilespmem:s26+$0xFFFFFFB0];
	[tilespmem:s3+$0x70] =	vst v8  }
0x306: {  	v4 =	vmovc v12;
	vm1 =	vgt.f32 v11, $0.0e+00;
	v8 =	vmul.f32 $2.000000030e-01, v11;
	v13 =	vadd.f32 v34, v27;
	v21 =	vld [tilespmem:s26+$0xFFFFFFE0];
	[tilespmem:s3+$0x80] =	vst v6  }
0x307: {  	vm2 =	vgt.f32 v23, $0.0e+00;
	v6 =	vmul.f32 $2.000000030e-01, v23;
	v12 =	vadd.f32 v36, v28;
	v27 =	vld [tilespmem:s26+$0x10];
	[tilespmem:s3+$0xC0] =	vst v9  }
0x308: {  	vm3 =	vgt.f32 v13, $0.0e+00;
	v9 =	vmul.f32 $2.000000030e-01, v13;
	v24 =	vadd.f32 v24, v26;
	v26 =	vld [tilespmem:s26+$0x40];
	[tilespmem:s3+$0xD0] =	vst v7;
	s3 =	smov.u32 s25  }
0x309: {  	vm4 =	vgt.f32 v12, $0.0e+00;
	v7 =	vmul.f32 $2.000000030e-01, v12;
	v22 =	vadd.f32 v22, v33;
	v28 =	vld [tilespmem:s26+$0x70];
	[tilespmem:s25+$0x110] =	vst v5;
	s26 =	smov.u32 s31  }
0x30a: {  	v5 =	vsel vm0, v20, v10;
	vm0 =	vgt.f32 v24, $0.0e+00;
	v10 =	vmul.f32 $2.000000030e-01, v24  }
0x30b: {  	v8 =	vsel vm1, v11, v8;
	s25 =	sadd.s32 $0x280, s25;
	vm1 =	vgt.f32 v22, $0.0e+00;
	v11 =	vmul.f32 $2.000000030e-01, v22;
	v20 =	vpop (erf)  }
0x30c: {  	v6 =	vsel vm2, v23, v6;
	v9 =	vsel vm3, v13, v9;
	v7 =	vsel vm4, v12, v7;
	[tilespmem:s25+$0x130] =	vst v20  }
0x30d: {  	v5 =	vmul.f32 $1.442695020e+00, v5;
	v10 =	vsel vm0, v24, v10;
	v11 =	vsel vm1, v22, v11;
	v12 =	vld [tilespmem:s31+$0x90]  }
0x30e: {  	v8 =	vmul.f32 $1.442695020e+00, v8;
	v6 =	vmul.f32 $1.442695020e+00, v6;
	v13 =	vunpack.i.u.bf16.f32 v25  }
0x30f: {  	v9 =	vmul.f32 $1.442695020e+00, v9;
	v7 =	vmul.f32 $1.442695020e+00, v7;
	v22 =	vunpack.i.l.bf16.f32 v25  }
0x310: {  	v23 =	vunpack.i.u.bf16.f32 v21;
	v10 =	vmul.f32 $1.442695020e+00, v10;
	v11 =	vmul.f32 $1.442695020e+00, v11  }
0x311: {  	v21 =	vunpack.i.l.bf16.f32 v21;
	v24 =	vbroadcast v20, $0x0;
	(erf) = vpow2.f32 v5  }
0x312: {  	v25 =	vbroadcast v20, $0x1;
	v5 =	vunpack.i.l.bf16.f32 v12;
	(erf) = vpow2.f32 v8  }
0x313: {  	v8 =	vunpack.i.u.bf16.f32 v12;
	v5 =	vmul.f32 v24, v5;
	(erf) = vpow2.f32 v6  }
0x314: {  	v12 =	vunpack.i.u.bf16.f32 v27;
	v6 =	vmul.f32 v25, v8;
	(erf) = vpow2.f32 v9  }
0x315: {  	v24 =	vunpack.i.l.bf16.f32 v27;
	[tilespmem:s25+$0xF0] =	vst v5;
	v5 =	vbroadcast v20, $0x2;
	(erf) = vpow2.f32 v7  }
0x316: {  	v8 =	vunpack.i.l.bf16.f32 v26;
	[tilespmem:s25+$0x100] =	vst v6;
	(erf) = vpow2.f32 v10;
	v6 =	vunpack.i.u.bf16.f32 v26  }
0x317: {  	v9 =	vunpack.i.l.bf16.f32 v28;
	v7 =	vunpack.i.u.bf16.f32 v28;
	v10 =	vld [tilespmem:s31+$0xA0];
	(erf) = vpow2.f32 v11  }
0x318: {  	v11 =	vmul.f32 v22, v17;
	v22 =	vmul.f32 v13, v18  }
0x319: {  	v23 =	vmul.f32 v23, v19;
	v25 =	vmul.f32 v21, v16  }
0x31a: {  	v24 =	vmul.f32 v24, v14;
	v17 =	vpop (erf);
	[tilespmem:s3+$0xFFFFFF80] =	vst v11;
	v11 =	vmul.f32 v12, v15  }
0x31b: {  	v12 =	vbroadcast v20, $0x3;
	[tilespmem:s25+$0xFFFFFF00] =	vst v17;
	v26 =	vbroadcast v17, $0x0;
	v18 =	vpop (erf)  }
0x31c: {  	v27 =	vbroadcast v17, $0x1;
	v19 =	vld [tilespmem:s31+$0xFFFFFF40];
	[tilespmem:s25+$0xFFFFFF50] =	vst v18;
	v28 =	vbroadcast v18, $0x0;
	v13 =	vunpack.i.u.bf16.f32 v10;
	v16 =	vpop (erf)  }
0x31d: {  	v30 =	vbroadcast v18, $0x1;
	v10 =	vunpack.i.l.bf16.f32 v10;
	v29 =	vld [tilespmem:s31+$0xFFFFFF70];
	[tilespmem:s25+$0xFFFFFFA0] =	vst v16;
	v20 =	vmul.f32 v13, v12;
	v14 =	vpop (erf)  }
0x31e: {  	v32 =	vbroadcast v16, $0x0;
	v33 =	vbroadcast v16, $0x1;
	v31 =	vld [tilespmem:s31+$0xFFFFFFA0];
	[tilespmem:s25+$0xFFFFFFF0] =	vst v14;
	v15 =	vpop (erf)  }
0x31f: {  	v35 =	vbroadcast v14, $0x0;
	v36 =	vbroadcast v14, $0x1;
	v34 =	vld [tilespmem:s31+$0xFFFFFFD0];
	[tilespmem:s25+$0x120] =	vst v20;
	v13 =	vpop (erf)  }
0x320: {  	v37 =	vbroadcast v15, $0x0;
	v38 =	vbroadcast v15, $0x1;
	[tilespmem:s25+$0x40] =	vst v15;
	v12 =	vpop (erf)  }
0x321: {  	v41 =	vbroadcast v13, $0x0;
	v20 =	vbroadcast v13, $0x1;
	v39 =	vunpack.i.u.bf16.f32 v19;
	v40 =	vld [tilespmem:s31+$0x0];
	[tilespmem:s25+$0x90] =	vst v13  }
0x322: {  	v42 =	vunpack.i.l.bf16.f32 v19;
	v21 =	vbroadcast v12, $0x0;
	v19 =	vbroadcast v12, $0x1;
	v43 =	vld [tilespmem:s31+$0x30];
	[tilespmem:s25+$0xE0] =	vst v12  }
0x323: {  	v44 =	vunpack.i.u.bf16.f32 v29;
	v29 =	vunpack.i.l.bf16.f32 v29;
	v45 =	vunpack.i.u.bf16.f32 v31;
	v46 =	vld [tilespmem:s31+$0x60];
	[tilespmem:s3+$0xFFFFFF90] =	vst v22  }
0x324: {  	v22 =	vunpack.i.l.bf16.f32 v31;
	v47 =	vunpack.i.u.bf16.f32 v34;
	v34 =	vunpack.i.l.bf16.f32 v34;
	[tilespmem:s3+$0xFFFFFFD0] =	vst v25  }
0x325: {  	v25 =	vmul.f32 v26, v42;
	v26 =	vmul.f32 v27, v39;
	[tilespmem:s3+$0xFFFFFFE0] =	vst v23  }
0x326: {  	v27 =	vmul.f32 v28, v29;
	v28 =	vunpack.i.u.bf16.f32 v40;
	v39 =	vunpack.i.l.bf16.f32 v40;
	[tilespmem:s3+$0x20] =	vst v24  }
.Ltmp9:
0x327: {  	v29 =	vmul.f32 v30, v44;
	[tilespmem:s25+$0xFFFFFEC0] =	vst v25;
	v25 =	vunpack.i.u.bf16.f32 v43;
	v40 =	vunpack.i.l.bf16.f32 v43;
	(pc) =	sbr.rel @p1 .LBB2_17-.Ltmp9, $4  }
0x328: {  	[tilespmem:s25+$0xFFFFFED0] =	vst v26;
	v26 =	vmul.f32 v32, v22;
	v24 =	vunpack.i.u.bf16.f32 v46;
	v31 =	vunpack.i.l.bf16.f32 v46  }
0x329: {  	v30 =	vmul.f32 v35, v34;
	v32 =	vmul.f32 v33, v45;
	v23 =	vld [tilespmem:s31+$0xFFFFFF50];
	[tilespmem:s25+$0xFFFFFF10] =	vst v27  }
0x32a: {  	v27 =	vmul.f32 v37, v39;
	[tilespmem:s25+$0xFFFFFF20] =	vst v29;
	v29 =	vmul.f32 v36, v47  }
0x32b: {  	v28 =	vmul.f32 v38, v28;
	s31 =	sadd.s32 $0x180, s31;
	v22 =	vld [tilespmem:s26+$0xFFFFFF80];
	[tilespmem:s25+$0xFFFFFF60] =	vst v26;
	v26 =	vmul.f32 v41, v40  }
0x32c: {  	[tilespmem:s25+$0xFFFFFF70] =	vst v32  }
0x32d: {  	[tilespmem:s25+$0xFFFFFFB0] =	vst v30  }
0x32e: {  	[tilespmem:s25+$0xFFFFFFC0] =	vst v29  }
0x32f: {  	[tilespmem:s25+$0x0] =	vst v27  }
0x330: {  	[tilespmem:s3+$0x30] =	vst v11  }
0x331: {  	v20 =	vmul.f32 v20, v25;
	[tilespmem:s25+$0x10] =	vst v28  }
0x332: {  	v21 =	vmul.f32 v21, v31;
	[tilespmem:s25+$0x50] =	vst v26  }
0x333: {  	v25 =	vbroadcast v17, $0x2;
	v19 =	vmul.f32 v19, v24;
	[tilespmem:s25+$0x60] =	vst v20  }
0x334: {  	v17 =	vbroadcast v17, $0x3;
	v1 =	vmul.f32 v8, v1;
	[tilespmem:s25+$0xA0] =	vst v21  }
0x335: {  	v2 =	vmul.f32 v6, v2;
	v21 =	vunpack.i.u.bf16.f32 v23;
	[tilespmem:s25+$0xB0] =	vst v19  }
0x336: {  	[tilespmem:s3+$0x70] =	vst v1;
	v11 =	vmul.f32 v21, v17  }
0x337: {  	v3 =	vmul.f32 v9, v3;
	v6 =	vld [tilespmem:s26+$0xFFFFFFE0];
	[tilespmem:s3+$0x80] =	vst v2  }
0x338: {  	v4 =	vmul.f32 v7, v4;
	v20 =	vunpack.i.l.bf16.f32 v23;
	[tilespmem:s25+$0xFFFFFEF0] =	vst v11;
	v11 =	vld [tilespmem:s26+$0xFFFFFFB0]  }
0x339: {  	v23 =	vbroadcast v18, $0x2;
	[tilespmem:s3+$0xC0] =	vst v3;
	v19 =	vmul.f32 v20, v25  }
0x33a: {  	v5 =	vmul.f32 v10, v5;
	v18 =	vbroadcast v18, $0x3;
	[tilespmem:s3+$0xD0] =	vst v4;
	v20 =	vunpack.i.l.bf16.f32 v22  }
0x33b: {  	v8 =	vbroadcast v14, $0x2;
	v2 =	vld [tilespmem:s26+$0x10];
	v17 =	vunpack.i.u.bf16.f32 v22;
	[tilespmem:s25+$0xFFFFFEE0] =	vst v19;
	v19 =	vmul.f32 v20, v23  }
0x33c: {  	v1 =	vbroadcast v16, $0x2;
	[tilespmem:s25+$0x110] =	vst v5;
	v17 =	vmul.f32 v17, v18;
	v5 =	vunpack.i.l.bf16.f32 v6  }
0x33d: {  	v7 =	vbroadcast v16, $0x3;
	v9 =	vld [tilespmem:s26+$0x40];
	[tilespmem:s25+$0xFFFFFF30] =	vst v19;
	v5 =	vmul.f32 v5, v8;
	v3 =	vunpack.i.l.bf16.f32 v11  }
0x33e: {  	[tilespmem:s25+$0xFFFFFF40] =	vst v17;
	v4 =	vunpack.i.u.bf16.f32 v11;
	v1 =	vmul.f32 v3, v1;
	v3 =	vbroadcast v14, $0x3  }
0x33f: {  	v10 =	vld [tilespmem:s26+$0x70];
	v6 =	vunpack.i.u.bf16.f32 v6;
	[tilespmem:s25+$0xFFFFFFD0] =	vst v5;
	v4 =	vmul.f32 v4, v7;
	v7 =	vbroadcast v15, $0x2  }
0x340: {  	v8 =	vunpack.i.l.bf16.f32 v2;
	[tilespmem:s25+$0xFFFFFF80] =	vst v1;
	v1 =	vbroadcast v15, $0x3;
	v3 =	vmul.f32 v6, v3  }
0x341: {  	v2 =	vunpack.i.u.bf16.f32 v2;
	[tilespmem:s25+$0xFFFFFF90] =	vst v4;
	v4 =	vbroadcast v13, $0x2;
	v6 =	vmul.f32 v8, v7  }
0x342: {  	v5 =	vbroadcast v13, $0x3;
	v7 =	vunpack.i.l.bf16.f32 v9;
	v1 =	vmul.f32 v2, v1;
	[tilespmem:s25+$0xFFFFFFE0] =	vst v3  }
0x343: {  	v2 =	vbroadcast v12, $0x2;
	v3 =	vunpack.i.u.bf16.f32 v9;
	[tilespmem:s25+$0x20] =	vst v6;
	v4 =	vmul.f32 v7, v4  }
0x344: {  	v6 =	vbroadcast v12, $0x3;
	v7 =	vunpack.i.l.bf16.f32 v10;
	[tilespmem:s25+$0x30] =	vst v1;
	v1 =	vmul.f32 v3, v5  }
0x345: {  	v3 =	vunpack.i.u.bf16.f32 v10;
	v2 =	vmul.f32 v7, v2;
	[tilespmem:s25+$0x70] =	vst v4  }
0x346: {  	v3 =	vmul.f32 v3, v6;
	[tilespmem:s25+$0x80] =	vst v1  }
0x347: {  	[tilespmem:s25+$0xC0] =	vst v2  }
0x348: {  	[tilespmem:s25+$0xD0] =	vst v3  }
0x349: {  	v1 =	vld [tilespmem:$0x400]  }
0x34a: {  	v2 =	vld [tilespmem:$0x410]  }
0x34b: {  	v3 =	vld [tilespmem:$0x420]  }
0x34c: {  	v4 =	vld [tilespmem:$0x430]  }
0x34d: {  	v5 =	vld [tilespmem:$0x440]  }
0x34e: {  	[tilespmem:$0x700] =	vst v1;
	v1 =	vld [tilespmem:$0x450]  }
0x34f: {  	[tilespmem:$0x710] =	vst v2;
	v2 =	vld [tilespmem:$0x460]  }
0x350: {  	[tilespmem:$0x720] =	vst v3;
	v3 =	vld [tilespmem:$0x470]  }
0x351: {  	[tilespmem:$0x730] =	vst v4  }
0x352: {  	[tilespmem:$0x740] =	vst v5  }
0x353: {  	[tilespmem:$0x750] =	vst v1  }
0x354: {  	[tilespmem:$0x760] =	vst v2  }
0x355: {  	s3 =	simm.s32 @!p0 $0x9;
	[tilespmem:$0x770] =	vst v3  }
0x356: {  	[spmem:s1] =	stream.indirect.scatter.add.f32 [tilespmem:s19], [sflag:$0x7], $0x50, s12, s28, $0xb8;
	[tilespmem:$0x1DF80] =	vst v63  }
0x357: {  	_ =	swait.ge @!p0 [sflag:s3], $0x80  }
0x358: {  	[sflag:s3] =	ssyncset.done @!p0 $0x0  }
0x359: {  	[sflag:s3] =	ssyncadd.s32 @!p0 $0xFFFFFF80  }
0x35a: {  	_ =	swait.ge @!p0 [sflag:s3], $0x80  }
0x35b: {  	s26 =	simm.s32 @!p0 $0x780;
	[sflag:s3] =	ssyncset.done @!p0 $0x0  }
0x35c: {  	s25 =	simm.s32 @!p0 $0x0;
	[sflag:s3] =	ssyncadd.s32 @!p0 $0xFFFFFF80;
	s3 =	simm.s32 @!p0 $0x80  }
0x35d: {  	[tilespmem:s26], [sflag:$0x1] =	stream.indirect.gather @!p0 [hbm4b:s6+s3], $0x30, s25, s3, $0xb8;
	[tilespmem:$0x1DF80] =	vst v63  }
0x35e: {  	s29 =	simm.s32 @!p0 $0x9780;
	s26 =	simm.s32 @!p0 $0x300  }
0x35f: {  	[tilespmem:s29], [sflag:$0x1] =	stream.indirect.gather @!p0 [hbm4b:s7+s3], $0x10, s26, s3, $0xb8;
	[tilespmem:$0x1DF80] =	vst v63  }
0x360: {  	s3 =	sadd.s32 @!p0 $0x80, s0  }
0x361: {  	s29 =	simm.s32 @!p0 $0x100;
	s26 =	sadd.s32 @!p0 s4, s3  }
0x362: {  	[tilespmem:s29], [sflag:$0xB] =	stream.linear.gather @!p0 [hbm4b:s26+s25], $0x80, $0x38;
	[tilespmem:$0x1DF80] =	vst v63  }
0x363: {  	s3 =	sadd.s32 @!p0 s5, s3;
	s26 =	simm.s32 @!p0 $0x400  }
0x364: {  	[tilespmem:s26], [sflag:$0xB] =	stream.linear.gather @!p0 [hbm4b:s3+s25], $0x80, $0x38;
	[tilespmem:$0x1DF80] =	vst v63  }
0x365: {  	_ =	swait.ge [sflag:s13], $0x1800  }
0x366: {  	[sflag:s13] =	ssyncset.done $0x0  }
0x367: {  	[sflag:s13] =	ssyncadd.s32 $0xFFFFE800  }
0x368: {  	_ =	swait.ge [sflag:s13], $0x800  }
0x369: {  	[sflag:s13] =	ssyncset.done $0x0  }
0x36a: {  	[sflag:s13] =	ssyncadd.s32 $0xFFFFF800  }
0x36b: {  	_ =	swait.ge [sflag:s17], $0x2800  }
0x36c: {  	[sflag:s17] =	ssyncset.done $0x0  }
0x36d: {  	s30 =	simm.s32 $0x5040;
	[sflag:s17] =	ssyncadd.s32 $0xFFFFD800  }
0x36e: {  	s26 =	simm.s32 $0xAFC0;
	v1 =	vld [tilespmem:s30+$0xB0]  }
0x36f: {  	v2 =	vld [tilespmem:s26+$0x30];
	_ =	sdelay $0x1  }
0x370: {  	v3 =	vld [tilespmem:s30+$0xFFFFFF90]  }
0x371: {  	v4 =	vld [tilespmem:s30+$0xFFFFFFC0]  }
0x372: {  	v5 =	vld [tilespmem:s30+$0xFFFFFFF0];
	v1 =	vunpack.i.l.bf16.f32 v1  }
0x373: {  	v6 =	vld [tilespmem:s30+$0x50];
	v1 =	vadd.f32 v2, v1  }
0x374: {  	v8 =	vld [tilespmem:s30+$0x80]  }
0x375: {  	v10 =	vld [tilespmem:s26+$0xFFFFFFD0];
	v7 =	vmul.f32 $2.000000030e-01, v1  }
0x376: {  	v9 =	vld [tilespmem:s30+$0xFFFFFF60];
	vm0 =	vgt.f32 v1, $0.0e+00  }
0x377: {  	v11 =	vld [tilespmem:s26+$0xFFFFFFE0];
	v1 =	vsel vm0, v1, v7  }
0x378: {  	v2 =	vld [tilespmem:s30+$0x20];
	v1 =	vmul.f32 $1.442695020e+00, v1  }
0x379: {  	v3 =	vunpack.i.l.bf16.f32 v3;
	v7 =	vld [tilespmem:s26+$0xFFFFFFC0]  }
0x37a: {  	v3 =	vadd.f32 v10, v3;
	v10 =	vld [tilespmem:s26+$0x20];
	(erf) = vpow2.f32 v1  }
0x37b: {  	v12 =	vld [tilespmem:s26+$0x0];
	v4 =	vunpack.i.l.bf16.f32 v4  }
0x37c: {  	v9 =	vunpack.i.l.bf16.f32 v9;
	v5 =	vunpack.i.l.bf16.f32 v5;
	v4 =	vadd.f32 v11, v4;
	v1 =	vld [tilespmem:s26+$0xFFFFFFF0]  }
0x37d: {  	v6 =	vunpack.i.l.bf16.f32 v6;
	v8 =	vunpack.i.l.bf16.f32 v8;
	v11 =	vmul.f32 $2.000000030e-01, v3  }
0x37e: {  	vm1 =	vgt.f32 v3, $0.0e+00;
	vm2 =	vgt.f32 v4, $0.0e+00;
	v7 =	vadd.f32 v7, v9  }
0x37f: {  	v3 =	vsel vm1, v3, v11;
	v2 =	vunpack.i.l.bf16.f32 v2;
	v8 =	vadd.f32 v10, v8;
	v9 =	vld [tilespmem:s26+$0x10]  }
0x380: {  	v3 =	vmul.f32 $1.442695020e+00, v3;
	v2 =	vadd.f32 v12, v2;
	v13 =	vmul.f32 $2.000000030e-01, v7  }
0x381: {  	v11 =	vmul.f32 $2.000000030e-01, v8;
	vm15 =	vgt.f32 v7, $0.0e+00;
	v1 =	vadd.f32 v1, v5  }
0x382: {  	vm4 =	vgt.f32 v2, $0.0e+00;
	v5 =	vmul.f32 $2.000000030e-01, v4;
	v7 =	vsel vm15, v7, v13  }
0x383: {  	s3 =	simm.s32 $0xF0C0;
	vm3 =	vgt.f32 v1, $0.0e+00;
	v12 =	vmul.f32 $2.000000030e-01, v1;
	v7 =	vmul.f32 $1.442695020e+00, v7;
	v10 =	vpop (erf)  }
0x384: {  	v6 =	vadd.f32 v9, v6;
	v9 =	vmul.f32 $2.000000030e-01, v2;
	v4 =	vsel vm2, v4, v5;
	[tilespmem:s3+$0x130] =	vst v10  }
0x385: {  	v4 =	vmul.f32 $1.442695020e+00, v4;
	v1 =	vsel vm3, v1, v12;
	(erf) = vpow2.f32 v7;
	v5 =	vld [tilespmem:s30+$0x90]  }
0x386: {  	v13 =	vmul.f32 $2.000000030e-01, v6;
	v2 =	vsel vm4, v2, v9;
	v1 =	vmul.f32 $1.442695020e+00, v1  }
0x387: {  	vm7 =	vgt.f32 v8, $0.0e+00;
	v2 =	vmul.f32 $1.442695020e+00, v2;
	(erf) = vpow2.f32 v3  }
0x388: {  	vm6 =	vgt.f32 v6, $0.0e+00;
	v7 =	vbroadcast v10, $0x0;
	v12 =	vbroadcast v10, $0x1  }
0x389: {  	v6 =	vsel vm6, v6, v13;
	(erf) = vpow2.f32 v4;
	v4 =	vsel vm7, v8, v11  }
0x38a: {  	(erf) = vpow2.f32 v1;
	v1 =	vmul.f32 $1.442695020e+00, v4;
	v9 =	vunpack.i.l.bf16.f32 v5  }
0x38b: {  	v6 =	vmul.f32 $1.442695020e+00, v6;
	v3 =	vunpack.i.u.bf16.f32 v5;
	v5 =	vmul.f32 v7, v9  }
0x38c: {  	(erf) = vpow2.f32 v2;
	v3 =	vmul.f32 v12, v3  }
0x38d: {  	(erf) = vpow2.f32 v6;
	[tilespmem:s3+$0xF0] =	vst v5  }
0x38e: {  	(erf) = vpow2.f32 v1;
	v1 =	vpop (erf);
	[tilespmem:s3+$0x100] =	vst v3  }
0x38f: {  	v5 =	vbroadcast v10, $0x2;
	[tilespmem:s3+$0xFFFFFF00] =	vst v1;
	v6 =	vld [tilespmem:s30+$0xA0]  }
0x390: {  	v2 =	vbroadcast v1, $0x0;
	v3 =	vbroadcast v10, $0x3;
	v4 =	vpop (erf);
	v7 =	vld [tilespmem:s30+$0xFFFFFF40]  }
0x391: {  	v8 =	vbroadcast v1, $0x1;
	[tilespmem:s3+$0xFFFFFF50] =	vst v4;
	v9 =	vbroadcast v4, $0x0  }
0x392: {  	v11 =	vpop (erf);
	v12 =	vbroadcast v4, $0x1;
	v45 =	vbroadcast v4, $0x3;
	v13 =	vld [tilespmem:s30+$0xFFFFFF70]  }
0x393: {  	v14 =	vbroadcast v11, $0x0;
	v16 =	vbroadcast v11, $0x1  }
0x394: {  	[tilespmem:s3+$0xFFFFFFA0] =	vst v11;
	v34 =	vbroadcast v11, $0x2;
	v11 =	vbroadcast v11, $0x3  }
0x395: {  	v15 =	vld [tilespmem:s30+$0xFFFFFFA0];
	v10 =	vunpack.i.u.bf16.f32 v6;
	v25 =	vunpack.i.u.bf16.f32 v7;
	v7 =	vunpack.i.l.bf16.f32 v7  }
0x396: {  	v6 =	vunpack.i.l.bf16.f32 v6;
	v10 =	vmul.f32 v10, v3;
	v2 =	vmul.f32 v2, v7  }
0x397: {  	s26 =	simm.s32 $0x51C0;
	v3 =	vpop (erf);
	v44 =	vunpack.i.u.bf16.f32 v13;
	v8 =	vmul.f32 v8, v25;
	v5 =	vmul.f32 v6, v5  }
0x398: {  	v38 =	vld [tilespmem:s26+$0xFFFFFF60];
	v7 =	vunpack.i.l.bf16.f32 v13;
	[tilespmem:s3+$0xFFFFFFF0] =	vst v3;
	v17 =	vpop (erf);
	v18 =	vbroadcast v3, $0x0;
	v20 =	vbroadcast v3, $0x1  }
0x399: {  	v7 =	vmul.f32 v9, v7;
	v12 =	vmul.f32 v12, v44;
	v19 =	vld [tilespmem:s30+$0xFFFFFFD0];
	[tilespmem:s3+$0x40] =	vst v17  }
0x39a: {  	v13 =	vunpack.i.u.bf16.f32 v15;
	v36 =	vbroadcast v3, $0x2;
	v37 =	vbroadcast v3, $0x3;
	[tilespmem:s3+$0xFFFFFED0] =	vst v8;
	v8 =	vld [tilespmem:s26+$0xB0]  }
0x39b: {  	v15 =	vunpack.i.l.bf16.f32 v15;
	v21 =	vpop (erf);
	v22 =	vbroadcast v17, $0x0;
	v23 =	vbroadcast v17, $0x1;
	v26 =	vld [tilespmem:s30+$0x0]  }
0x39c: {  	v14 =	vmul.f32 v14, v15;
	v13 =	vmul.f32 v16, v13;
	v24 =	vpop (erf);
	[tilespmem:s3+$0x90] =	vst v21  }
0x39d: {  	v39 =	vbroadcast v17, $0x2;
	v42 =	vbroadcast v17, $0x3;
	v29 =	vld [tilespmem:s30+$0x30];
	[tilespmem:s3+$0xE0] =	vst v24  }
0x39e: {  	v47 =	vunpack.i.l.bf16.f32 v38;
	v27 =	vbroadcast v21, $0x0;
	v28 =	vbroadcast v21, $0x1;
	v33 =	vld [tilespmem:s30+$0x60]  }
0x39f: {  	s29 =	simm.s32 $0xB040;
	[tilespmem:s3+$0xFFFFFEC0] =	vst v2;
	v30 =	vbroadcast v24, $0x0;
	v31 =	vbroadcast v24, $0x1;
	v25 =	vunpack.i.u.bf16.f32 v19  }
0x3a0: {  	v40 =	vld [tilespmem:s29+$0xFFFFFFC0];
	[tilespmem:s3+$0xFFFFFF10] =	vst v7;
	v2 =	vunpack.i.l.bf16.f32 v19;
	v8 =	vunpack.i.l.bf16.f32 v8;
	v9 =	vunpack.i.u.bf16.f32 v26  }
0x3a1: {  	v7 =	vld [tilespmem:s29+$0x30];
	[tilespmem:s3+$0xFFFFFF20] =	vst v12;
	v19 =	vunpack.i.l.bf16.f32 v26;
	v16 =	vmul.f32 v18, v2;
	v12 =	vmul.f32 v20, v25  }
0x3a2: {  	v25 =	vld [tilespmem:s26+$0xFFFFFFC0];
	v26 =	vunpack.i.u.bf16.f32 v29;
	v15 =	vunpack.i.l.bf16.f32 v29;
	v18 =	vmul.f32 v22, v19  }
0x3a3: {  	v29 =	vld [tilespmem:s30+$0xFFFFFF50];
	v9 =	vmul.f32 v23, v9;
	v2 =	vunpack.i.u.bf16.f32 v33;
	v15 =	vmul.f32 v27, v15  }
0x3a4: {  	v19 =	vld [tilespmem:s30+$0xFFFFFF80];
	v20 =	vunpack.i.l.bf16.f32 v33;
	v23 =	vmul.f32 v28, v26;
	v26 =	vbroadcast v1, $0x2  }
0x3a5: {  	v22 =	vld [tilespmem:s26+$0xFFFFFF90];
	v33 =	vadd.f32 v40, v47;
	v20 =	vmul.f32 v30, v20;
	v27 =	vmul.f32 v31, v2  }
0x3a6: {  	v17 =	vld [tilespmem:s29+$0xFFFFFFD0];
	v2 =	vadd.f32 v7, v8;
	v7 =	vbroadcast v1, $0x3;
	v8 =	vbroadcast v4, $0x2  }
0x3a7: {  	v43 =	vld [tilespmem:s29+$0x0];
	[tilespmem:s3+$0xFFFFFF60] =	vst v14;
	v4 =	vbroadcast v24, $0x3;
	vm9 =	vgt.f32 v33, $0.0e+00;
	v14 =	vmul.f32 $2.000000030e-01, v33  }
0x3a8: {  	v28 =	vld [tilespmem:s26+$0xFFFFFFF0];
	v1 =	vmul.f32 $2.000000030e-01, v2;
	vm8 =	vgt.f32 v2, $0.0e+00;
	v25 =	vunpack.i.l.bf16.f32 v25  }
0x3a9: {  	v46 =	vld [tilespmem:s26+$0x50];
	v31 =	vunpack.i.u.bf16.f32 v29;
	v29 =	vunpack.i.l.bf16.f32 v29;
	v41 =	vunpack.i.u.bf16.f32 v19  }
0x3aa: {  	v35 =	vld [tilespmem:s26+$0x80];
	v22 =	vunpack.i.l.bf16.f32 v22;
	v14 =	vsel vm9, v33, v14;
	v1 =	vsel vm8, v2, v1  }
0x3ab: {  	v48 =	vld [tilespmem:s29+$0x10];
	[tilespmem:s3+$0x120] =	vst v10;
	v2 =	vbroadcast v21, $0x3;
	v26 =	vmul.f32 v29, v26;
	v10 =	vadd.f32 v17, v22  }
0x3ac: {  	v30 =	vld [tilespmem:s26+$0x20];
	v19 =	vunpack.i.l.bf16.f32 v19;
	v14 =	vmul.f32 $1.442695020e+00, v14;
	v3 =	vmul.f32 $1.442695020e+00, v1  }
0x3ad: {  	[tilespmem:s3+$0xFFFFFF70] =	vst v13;
	v28 =	vunpack.i.l.bf16.f32 v28;
	v1 =	vbroadcast v21, $0x2;
	v21 =	vld [tilespmem:s29+$0xFFFFFFE0];
	v13 =	vmul.f32 $2.000000030e-01, v10  }
0x3ae: {  	v29 =	vunpack.i.l.bf16.f32 v46;
	(erf) = vpow2.f32 v3;
	v3 =	vbroadcast v24, $0x2;
	v24 =	vld [tilespmem:s29+$0xFFFFFFF0]  }
0x3af: {  	v49 =	vld [tilespmem:s29+$0x20];
	v7 =	vmul.f32 v31, v7;
	v31 =	vunpack.i.l.bf16.f32 v35;
	vm10 =	vgt.f32 v10, $0.0e+00  }
0x3b0: {  	v22 =	vadd.f32 v48, v29;
	v10 =	vsel vm10, v10, v13;
	(erf) = vpow2.f32 v14;
	v14 =	vld [tilespmem:s30+$0xFFFFFFB0]  }
0x3b1: {  	v8 =	vmul.f32 v19, v8;
	v30 =	vunpack.i.l.bf16.f32 v30;
	v10 =	vmul.f32 $1.442695020e+00, v10  }
0x3b2: {  	[tilespmem:s3+$0x0] =	vst v18;
	v18 =	vmul.f32 $2.000000030e-01, v22;
	vm14 =	vgt.f32 v22, $0.0e+00;
	v17 =	vadd.f32 v21, v25  }
0x3b3: {  	[tilespmem:s3+$0x110] =	vst v5;
	v21 =	vadd.f32 v43, v30;
	(erf) = vpow2.f32 v10;
	v19 =	vadd.f32 v24, v28  }
0x3b4: {  	[tilespmem:s3+$0xFFFFFFB0] =	vst v16;
	vm11 =	vgt.f32 v17, $0.0e+00;
	v16 =	vmul.f32 $2.000000030e-01, v17;
	v24 =	vadd.f32 v49, v31  }
0x3b5: {  	[tilespmem:s3+$0xFFFFFFC0] =	vst v12;
	vm13 =	vgt.f32 v21, $0.0e+00;
	v28 =	vmul.f32 $2.000000030e-01, v21;
	v6 =	vunpack.i.l.bf16.f32 v14  }
0x3b6: {  	[tilespmem:s3+$0x10] =	vst v9;
	vm12 =	vgt.f32 v19, $0.0e+00;
	v12 =	vmul.f32 $2.000000030e-01, v19;
	v13 =	vmul.f32 $2.000000030e-01, v24  }
0x3b7: {  	s25 =	simm.s32 $0xF340;
	[tilespmem:s3+$0x50] =	vst v15;
	v9 =	vsel vm11, v17, v16;
	v15 =	vsel vm13, v21, v28;
	v6 =	vmul.f32 v6, v34;
	v25 =	vpop (erf)  }
0x3b8: {  	v9 =	vmul.f32 $1.442695020e+00, v9;
	v15 =	vmul.f32 $1.442695020e+00, v15;
	v12 =	vsel vm12, v19, v12;
	[tilespmem:s25+$0x130] =	vst v25  }
0x3b9: {  	[tilespmem:s3+$0x60] =	vst v23;
	vm15 =	vgt.f32 v24, $0.0e+00;
	v12 =	vmul.f32 $1.442695020e+00, v12;
	v16 =	vbroadcast v25, $0x0;
	v29 =	vld [tilespmem:s26+$0x90]  }
0x3ba: {  	[tilespmem:s3+$0xFFFFFEF0] =	vst v7;
	v7 =	vld [tilespmem:s30+$0xFFFFFFE0];
	v13 =	vsel vm15, v24, v13;
	v19 =	vbroadcast v25, $0x1;
	(erf) = vpow2.f32 v9  }
0x3bb: {  	[tilespmem:s3+$0xA0] =	vst v20;
	v9 =	vsel vm14, v22, v18;
	v13 =	vmul.f32 $1.442695020e+00, v13;
	v5 =	vbroadcast v25, $0x2  }
0x3bc: {  	[tilespmem:s3+$0xB0] =	vst v27;
	v18 =	vld [tilespmem:s30+$0x10];
	v9 =	vmul.f32 $1.442695020e+00, v9;
	(erf) = vpow2.f32 v12  }
0x3bd: {  	[tilespmem:s3+$0xFFFFFEE0] =	vst v26;
	v12 =	vmul.f32 v41, v45;
	(erf) = vpow2.f32 v15  }
0x3be: {  	[tilespmem:s3+$0xFFFFFF30] =	vst v8;
	(erf) = vpow2.f32 v9;
	v9 =	vunpack.i.u.bf16.f32 v14;
	v17 =	vunpack.i.l.bf16.f32 v29  }
0x3bf: {  	[tilespmem:s3+$0xFFFFFF40] =	vst v12;
	v12 =	vunpack.i.u.bf16.f32 v7;
	v10 =	vunpack.i.u.bf16.f32 v29;
	v16 =	vmul.f32 v16, v17  }
0x3c0: {  	[tilespmem:s3+$0xFFFFFF80] =	vst v6;
	v7 =	vunpack.i.l.bf16.f32 v7;
	(erf) = vpow2.f32 v13;
	v10 =	vmul.f32 v19, v10  }
0x3c1: {  	v8 =	vld [tilespmem:s30+$0x40];
	v22 =	vmul.f32 v7, v36;
	v6 =	vunpack.i.l.bf16.f32 v18;
	v23 =	vmul.f32 v12, v37;
	[tilespmem:s25+$0xF0] =	vst v16  }
0x3c2: {  	v13 =	vld [tilespmem:s30+$0x70];
	v14 =	vunpack.i.u.bf16.f32 v18;
	v7 =	vbroadcast v25, $0x3;
	v24 =	vmul.f32 v6, v39;
	[tilespmem:s25+$0x100] =	vst v10;
	v17 =	vpop (erf)  }
0x3c3: {  	v19 =	vmul.f32 v9, v11;
	v11 =	vmul.f32 v14, v42;
	v10 =	vld [tilespmem:s26+$0xA0];
	[tilespmem:s25+$0xFFFFFF00] =	vst v17;
	v18 =	vpop (erf)  }
0x3c4: {  	v25 =	vbroadcast v17, $0x0;
	v26 =	vbroadcast v17, $0x1;
	[tilespmem:s25+$0xFFFFFF50] =	vst v18;
	v21 =	vld [tilespmem:s26+$0xFFFFFF40]  }
0x3c5: {  	[tilespmem:s3+$0xFFFFFFD0] =	vst v22;
	v16 =	vpop (erf);
	v27 =	vbroadcast v18, $0x0;
	v29 =	vbroadcast v18, $0x1;
	v28 =	vld [tilespmem:s26+$0xFFFFFF70]  }
0x3c6: {  	v6 =	vunpack.i.u.bf16.f32 v8;
	[tilespmem:s25+$0xFFFFFFA0] =	vst v16;
	v14 =	vpop (erf);
	v30 =	vbroadcast v16, $0x0;
	v50 =	vbroadcast v16, $0x1  }
0x3c7: {  	v8 =	vunpack.i.l.bf16.f32 v8;
	[tilespmem:s3+$0xFFFFFFE0] =	vst v23;
	v15 =	vpop (erf);
	v31 =	vld [tilespmem:s26+$0xFFFFFFA0];
	v51 =	vbroadcast v14, $0x0;
	v53 =	vbroadcast v14, $0x1  }
0x3c8: {  	[tilespmem:s25+$0xFFFFFFF0] =	vst v14;
	v54 =	vbroadcast v15, $0x0;
	v55 =	vbroadcast v15, $0x1;
	v9 =	vunpack.i.u.bf16.f32 v10  }
0x3c9: {  	[tilespmem:s3+$0x20] =	vst v24;
	v52 =	vld [tilespmem:s26+$0xFFFFFFD0];
	v10 =	vunpack.i.l.bf16.f32 v10;
	v9 =	vmul.f32 v9, v7;
	v7 =	vunpack.i.u.bf16.f32 v13  }
0x3ca: {  	[tilespmem:s25+$0x40] =	vst v15;
	v56 =	vunpack.i.u.bf16.f32 v21;
	v59 =	vunpack.i.l.bf16.f32 v21;
	v61 =	vunpack.i.u.bf16.f32 v28  }
0x3cb: {  	v57 =	vld [tilespmem:s26+$0x0];
	v28 =	vunpack.i.l.bf16.f32 v28;
	v25 =	vmul.f32 v25, v59;
	[tilespmem:s25+$0x120] =	vst v9;
	v9 =	vunpack.i.l.bf16.f32 v13;
	v13 =	vpop (erf)  }
0x3cc: {  	v26 =	vmul.f32 v26, v56;
	v22 =	vunpack.i.u.bf16.f32 v31;
	v24 =	vmul.f32 v27, v28;
	v12 =	vpop (erf);
	[tilespmem:s25+$0x90] =	vst v13  }
0x3cd: {  	v31 =	vunpack.i.l.bf16.f32 v31;
	v29 =	vmul.f32 v29, v61;
	v58 =	vbroadcast v13, $0x0;
	[tilespmem:s25+$0xE0] =	vst v12;
	v60 =	vld [tilespmem:s26+$0x30]  }
0x3ce: {  	v20 =	vbroadcast v13, $0x1;
	v62 =	vunpack.i.u.bf16.f32 v52;
	[tilespmem:s25+$0xFFFFFED0] =	vst v26;
	v26 =	vmul.f32 v30, v31;
	v44 =	vld [tilespmem:s26+$0x60]  }
0x3cf: {  	[tilespmem:s3+$0xFFFFFF90] =	vst v19;
	v23 =	vunpack.i.l.bf16.f32 v52;
	v32 =	vmul.f32 v50, v22;
	v21 =	vbroadcast v12, $0x0  }
0x3d0: {  	[tilespmem:s25+$0xFFFFFEC0] =	vst v25;
	v19 =	vbroadcast v12, $0x1;
	v27 =	vunpack.i.l.bf16.f32 v57;
	v30 =	vmul.f32 v51, v23  }
0x3d1: {  	v28 =	vunpack.i.u.bf16.f32 v57;
	v23 =	vld [tilespmem:s26+$0xFFFFFF50];
	[tilespmem:s25+$0xFFFFFF20] =	vst v29;
	v29 =	vmul.f32 v53, v62;
	v27 =	vmul.f32 v54, v27  }
0x3d2: {  	[tilespmem:s25+$0xFFFFFF10] =	vst v24;
	v28 =	vmul.f32 v55, v28;
	v25 =	vunpack.i.u.bf16.f32 v60;
	v63 =	vunpack.i.l.bf16.f32 v60  }
0x3d3: {  	s31 =	simm.s32 $0x5340;
	s30 =	simm.s32 $0x8;
	v22 =	vld [tilespmem:s26+$0xFFFFFF80];
	[tilespmem:s25+$0xFFFFFF60] =	vst v26;
	v24 =	vunpack.i.u.bf16.f32 v44;
	v31 =	vunpack.i.l.bf16.f32 v44;
	v26 =	vmul.f32 v58, v63  }
.LBB2_19:
0x3d4: {  	v33 =	vld [tilespmem:s31+$0xB0];
	[tilespmem:s25+$0xFFFFFF70] =	vst v32;
	v20 =	vmul.f32 v20, v25;
	v21 =	vmul.f32 v21, v31;
	s29 =	sadd.s32 $0x80, s29  }
0x3d5: {  	s30 =	sadd.s32 $0x8, s30;
	v31 =	vbroadcast v17, $0x2;
	v24 =	vmul.f32 v19, v24;
	v25 =	vld [tilespmem:s29+$0x30];
	[tilespmem:s25+$0xFFFFFFB0] =	vst v30  }
0x3d6: {  	v34 =	vbroadcast v17, $0x3;
	v35 =	vbroadcast v18, $0x2;
	p1 =	slt.u32 s30, $0x78;
	v30 =	vld [tilespmem:s31+$0xFFFFFF90];
	v32 =	vunpack.i.u.bf16.f32 v23;
	[tilespmem:s25+$0xFFFFFFC0] =	vst v29  }
0x3d7: {  	v36 =	vbroadcast v18, $0x3;
	v17 =	vbroadcast v16, $0x2;
	v23 =	vunpack.i.l.bf16.f32 v23;
	v29 =	vld [tilespmem:s31+$0xFFFFFFC0];
	[tilespmem:s25+$0x0] =	vst v27  }
0x3d8: {  	v18 =	vbroadcast v16, $0x3;
	v16 =	vbroadcast v14, $0x2;
	v27 =	vld [tilespmem:s31+$0xFFFFFFF0];
	v37 =	vunpack.i.u.bf16.f32 v22;
	[tilespmem:s25+$0x10] =	vst v28  }
0x3d9: {  	v19 =	vbroadcast v14, $0x3;
	v14 =	vbroadcast v15, $0x2;
	v28 =	vld [tilespmem:s31+$0x20];
	v33 =	vunpack.i.l.bf16.f32 v33;
	[tilespmem:s25+$0x50] =	vst v26  }
0x3da: {  	v15 =	vbroadcast v15, $0x3;
	v26 =	vld [tilespmem:s31+$0x50];
	v25 =	vadd.f32 v25, v33;
	[tilespmem:s25+$0x60] =	vst v20;
	v20 =	vbroadcast v13, $0x2  }
0x3db: {  	v13 =	vbroadcast v13, $0x3;
	v30 =	vunpack.i.l.bf16.f32 v30;
	v33 =	vld [tilespmem:s31+$0x80];
	[tilespmem:s25+$0xA0] =	vst v21;
	v21 =	vbroadcast v12, $0x2  }
0x3dc: {  	v12 =	vbroadcast v12, $0x3;
	v38 =	vld [tilespmem:s31+$0xFFFFFF60];
	v29 =	vunpack.i.l.bf16.f32 v29;
	v39 =	vmul.f32 $2.000000030e-01, v25;
	[tilespmem:s25+$0xB0] =	vst v24  }
0x3dd: {  	v22 =	vunpack.i.l.bf16.f32 v22;
	vm0 =	vgt.f32 v25, $0.0e+00;
	v24 =	vld [tilespmem:s29+$0xFFFFFFC0];
	v27 =	vunpack.i.l.bf16.f32 v27;
	[tilespmem:s3+$0x30] =	vst v11  }
0x3de: {  	v23 =	vmul.f32 v23, v31;
	v11 =	vld [tilespmem:s29+$0xFFFFFFD0];
	v28 =	vunpack.i.l.bf16.f32 v28;
	v25 =	vsel vm0, v25, v39  }
0x3df: {  	v32 =	vmul.f32 v32, v34;
	v31 =	vld [tilespmem:s29+$0xFFFFFFE0];
	v26 =	vunpack.i.l.bf16.f32 v26;
	v25 =	vmul.f32 $1.442695020e+00, v25  }
0x3e0: {  	v22 =	vmul.f32 v22, v35;
	v34 =	vld [tilespmem:s29+$0xFFFFFFF0];
	v33 =	vunpack.i.l.bf16.f32 v33;
	[tilespmem:s25+$0xFFFFFEE0] =	vst v23;
	v23 =	vmul.f32 v37, v36  }
0x3e1: {  	v8 =	vmul.f32 v8, v1;
	v1 =	vmovc v20;
	v35 =	vunpack.i.l.bf16.f32 v38;
	v36 =	vld [tilespmem:s29+$0x0];
	(erf) = vpow2.f32 v25;
	[tilespmem:s25+$0xFFFFFEF0] =	vst v32  }
0x3e2: {  	v6 =	vmul.f32 v6, v2;
	v9 =	vmul.f32 v9, v3;
	v20 =	vadd.f32 v24, v35;
	v24 =	vld [tilespmem:s29+$0x10];
	[tilespmem:s25+$0xFFFFFF30] =	vst v22  }
0x3e3: {  	v5 =	vmul.f32 v10, v5;
	v7 =	vmul.f32 v7, v4;
	v11 =	vadd.f32 v11, v30;
	v22 =	vld [tilespmem:s29+$0x20];
	[tilespmem:s25+$0xFFFFFF40] =	vst v23  }
0x3e4: {  	v2 =	vmovc v13;
	v3 =	vmovc v21;
	vm0 =	vgt.f32 v20, $0.0e+00;
	v10 =	vmul.f32 $2.000000030e-01, v20;
	v23 =	vadd.f32 v31, v29;
	v25 =	vld [tilespmem:s26+$0xFFFFFFB0];
	[tilespmem:s3+$0x70] =	vst v8  }
0x3e5: {  	v4 =	vmovc v12;
	vm1 =	vgt.f32 v11, $0.0e+00;
	v8 =	vmul.f32 $2.000000030e-01, v11;
	v13 =	vadd.f32 v34, v27;
	v21 =	vld [tilespmem:s26+$0xFFFFFFE0];
	[tilespmem:s3+$0x80] =	vst v6  }
0x3e6: {  	vm2 =	vgt.f32 v23, $0.0e+00;
	v6 =	vmul.f32 $2.000000030e-01, v23;
	v12 =	vadd.f32 v36, v28;
	v27 =	vld [tilespmem:s26+$0x10];
	[tilespmem:s3+$0xC0] =	vst v9  }
0x3e7: {  	vm3 =	vgt.f32 v13, $0.0e+00;
	v9 =	vmul.f32 $2.000000030e-01, v13;
	v24 =	vadd.f32 v24, v26;
	v26 =	vld [tilespmem:s26+$0x40];
	[tilespmem:s3+$0xD0] =	vst v7;
	s3 =	smov.u32 s25  }
0x3e8: {  	vm4 =	vgt.f32 v12, $0.0e+00;
	v7 =	vmul.f32 $2.000000030e-01, v12;
	v22 =	vadd.f32 v22, v33;
	v28 =	vld [tilespmem:s26+$0x70];
	[tilespmem:s25+$0x110] =	vst v5;
	s26 =	smov.u32 s31  }
0x3e9: {  	v5 =	vsel vm0, v20, v10;
	vm0 =	vgt.f32 v24, $0.0e+00;
	v10 =	vmul.f32 $2.000000030e-01, v24  }
0x3ea: {  	v8 =	vsel vm1, v11, v8;
	s25 =	sadd.s32 $0x280, s25;
	vm1 =	vgt.f32 v22, $0.0e+00;
	v11 =	vmul.f32 $2.000000030e-01, v22;
	v20 =	vpop (erf)  }
0x3eb: {  	v6 =	vsel vm2, v23, v6;
	v9 =	vsel vm3, v13, v9;
	v7 =	vsel vm4, v12, v7;
	[tilespmem:s25+$0x130] =	vst v20  }
0x3ec: {  	v5 =	vmul.f32 $1.442695020e+00, v5;
	v10 =	vsel vm0, v24, v10;
	v11 =	vsel vm1, v22, v11;
	v12 =	vld [tilespmem:s31+$0x90]  }
0x3ed: {  	v8 =	vmul.f32 $1.442695020e+00, v8;
	v6 =	vmul.f32 $1.442695020e+00, v6;
	v13 =	vunpack.i.u.bf16.f32 v25  }
0x3ee: {  	v9 =	vmul.f32 $1.442695020e+00, v9;
	v7 =	vmul.f32 $1.442695020e+00, v7;
	v22 =	vunpack.i.l.bf16.f32 v25  }
0x3ef: {  	v23 =	vunpack.i.u.bf16.f32 v21;
	v10 =	vmul.f32 $1.442695020e+00, v10;
	v11 =	vmul.f32 $1.442695020e+00, v11  }
0x3f0: {  	v21 =	vunpack.i.l.bf16.f32 v21;
	v24 =	vbroadcast v20, $0x0;
	(erf) = vpow2.f32 v5  }
0x3f1: {  	v25 =	vbroadcast v20, $0x1;
	v5 =	vunpack.i.l.bf16.f32 v12;
	(erf) = vpow2.f32 v8  }
0x3f2: {  	v8 =	vunpack.i.u.bf16.f32 v12;
	v5 =	vmul.f32 v24, v5;
	(erf) = vpow2.f32 v6  }
0x3f3: {  	v12 =	vunpack.i.u.bf16.f32 v27;
	v6 =	vmul.f32 v25, v8;
	(erf) = vpow2.f32 v9  }
0x3f4: {  	v24 =	vunpack.i.l.bf16.f32 v27;
	[tilespmem:s25+$0xF0] =	vst v5;
	v5 =	vbroadcast v20, $0x2;
	(erf) = vpow2.f32 v7  }
0x3f5: {  	v8 =	vunpack.i.l.bf16.f32 v26;
	[tilespmem:s25+$0x100] =	vst v6;
	(erf) = vpow2.f32 v10;
	v6 =	vunpack.i.u.bf16.f32 v26  }
0x3f6: {  	v9 =	vunpack.i.l.bf16.f32 v28;
	v7 =	vunpack.i.u.bf16.f32 v28;
	v10 =	vld [tilespmem:s31+$0xA0];
	(erf) = vpow2.f32 v11  }
0x3f7: {  	v11 =	vmul.f32 v22, v17;
	v22 =	vmul.f32 v13, v18  }
0x3f8: {  	v23 =	vmul.f32 v23, v19;
	v25 =	vmul.f32 v21, v16  }
0x3f9: {  	v24 =	vmul.f32 v24, v14;
	v17 =	vpop (erf);
	[tilespmem:s3+$0xFFFFFF80] =	vst v11;
	v11 =	vmul.f32 v12, v15  }
0x3fa: {  	v12 =	vbroadcast v20, $0x3;
	[tilespmem:s25+$0xFFFFFF00] =	vst v17;
	v26 =	vbroadcast v17, $0x0;
	v18 =	vpop (erf)  }
0x3fb: {  	v27 =	vbroadcast v17, $0x1;
	v19 =	vld [tilespmem:s31+$0xFFFFFF40];
	[tilespmem:s25+$0xFFFFFF50] =	vst v18;
	v28 =	vbroadcast v18, $0x0;
	v13 =	vunpack.i.u.bf16.f32 v10;
	v16 =	vpop (erf)  }
0x3fc: {  	v30 =	vbroadcast v18, $0x1;
	v10 =	vunpack.i.l.bf16.f32 v10;
	v29 =	vld [tilespmem:s31+$0xFFFFFF70];
	[tilespmem:s25+$0xFFFFFFA0] =	vst v16;
	v20 =	vmul.f32 v13, v12;
	v14 =	vpop (erf)  }
0x3fd: {  	v32 =	vbroadcast v16, $0x0;
	v33 =	vbroadcast v16, $0x1;
	v31 =	vld [tilespmem:s31+$0xFFFFFFA0];
	[tilespmem:s25+$0xFFFFFFF0] =	vst v14;
	v15 =	vpop (erf)  }
0x3fe: {  	v35 =	vbroadcast v14, $0x0;
	v36 =	vbroadcast v14, $0x1;
	v34 =	vld [tilespmem:s31+$0xFFFFFFD0];
	[tilespmem:s25+$0x120] =	vst v20;
	v13 =	vpop (erf)  }
0x3ff: {  	v37 =	vbroadcast v15, $0x0;
	v38 =	vbroadcast v15, $0x1;
	[tilespmem:s25+$0x40] =	vst v15;
	v12 =	vpop (erf)  }
0x400: {  	v41 =	vbroadcast v13, $0x0;
	v20 =	vbroadcast v13, $0x1;
	v39 =	vunpack.i.u.bf16.f32 v19;
	v40 =	vld [tilespmem:s31+$0x0];
	[tilespmem:s25+$0x90] =	vst v13  }
0x401: {  	v42 =	vunpack.i.l.bf16.f32 v19;
	v21 =	vbroadcast v12, $0x0;
	v19 =	vbroadcast v12, $0x1;
	v43 =	vld [tilespmem:s31+$0x30];
	[tilespmem:s25+$0xE0] =	vst v12  }
0x402: {  	v44 =	vunpack.i.u.bf16.f32 v29;
	v29 =	vunpack.i.l.bf16.f32 v29;
	v45 =	vunpack.i.u.bf16.f32 v31;
	v46 =	vld [tilespmem:s31+$0x60];
	[tilespmem:s3+$0xFFFFFF90] =	vst v22  }
0x403: {  	v22 =	vunpack.i.l.bf16.f32 v31;
	v47 =	vunpack.i.u.bf16.f32 v34;
	v34 =	vunpack.i.l.bf16.f32 v34;
	[tilespmem:s3+$0xFFFFFFD0] =	vst v25  }
0x404: {  	v25 =	vmul.f32 v26, v42;
	v26 =	vmul.f32 v27, v39;
	[tilespmem:s3+$0xFFFFFFE0] =	vst v23  }
0x405: {  	v27 =	vmul.f32 v28, v29;
	v28 =	vunpack.i.u.bf16.f32 v40;
	v39 =	vunpack.i.l.bf16.f32 v40;
	[tilespmem:s3+$0x20] =	vst v24  }
.Ltmp10:
0x406: {  	v29 =	vmul.f32 v30, v44;
	[tilespmem:s25+$0xFFFFFEC0] =	vst v25;
	v25 =	vunpack.i.u.bf16.f32 v43;
	v40 =	vunpack.i.l.bf16.f32 v43;
	(pc) =	sbr.rel @p1 .LBB2_19-.Ltmp10, $4  }
0x407: {  	[tilespmem:s25+$0xFFFFFED0] =	vst v26;
	v26 =	vmul.f32 v32, v22;
	v24 =	vunpack.i.u.bf16.f32 v46;
	v31 =	vunpack.i.l.bf16.f32 v46  }
0x408: {  	v30 =	vmul.f32 v35, v34;
	v32 =	vmul.f32 v33, v45;
	v23 =	vld [tilespmem:s31+$0xFFFFFF50];
	[tilespmem:s25+$0xFFFFFF10] =	vst v27  }
0x409: {  	v27 =	vmul.f32 v37, v39;
	[tilespmem:s25+$0xFFFFFF20] =	vst v29;
	v29 =	vmul.f32 v36, v47  }
0x40a: {  	v28 =	vmul.f32 v38, v28;
	s31 =	sadd.s32 $0x180, s31;
	v22 =	vld [tilespmem:s26+$0xFFFFFF80];
	[tilespmem:s25+$0xFFFFFF60] =	vst v26;
	v26 =	vmul.f32 v41, v40  }
0x40b: {  	[tilespmem:s25+$0xFFFFFF70] =	vst v32  }
0x40c: {  	[tilespmem:s25+$0xFFFFFFB0] =	vst v30  }
0x40d: {  	[tilespmem:s25+$0xFFFFFFC0] =	vst v29  }
0x40e: {  	[tilespmem:s25+$0x0] =	vst v27  }
0x40f: {  	[tilespmem:s3+$0x30] =	vst v11  }
0x410: {  	v20 =	vmul.f32 v20, v25;
	[tilespmem:s25+$0x10] =	vst v28  }
0x411: {  	v21 =	vmul.f32 v21, v31;
	[tilespmem:s25+$0x50] =	vst v26  }
0x412: {  	v25 =	vbroadcast v17, $0x2;
	v19 =	vmul.f32 v19, v24;
	[tilespmem:s25+$0x60] =	vst v20  }
0x413: {  	v17 =	vbroadcast v17, $0x3;
	v1 =	vmul.f32 v8, v1;
	[tilespmem:s25+$0xA0] =	vst v21  }
0x414: {  	v2 =	vmul.f32 v6, v2;
	v21 =	vunpack.i.u.bf16.f32 v23;
	[tilespmem:s25+$0xB0] =	vst v19  }
0x415: {  	[tilespmem:s3+$0x70] =	vst v1;
	v11 =	vmul.f32 v21, v17  }
0x416: {  	v3 =	vmul.f32 v9, v3;
	v6 =	vld [tilespmem:s26+$0xFFFFFFE0];
	[tilespmem:s3+$0x80] =	vst v2  }
0x417: {  	v4 =	vmul.f32 v7, v4;
	v20 =	vunpack.i.l.bf16.f32 v23;
	[tilespmem:s25+$0xFFFFFEF0] =	vst v11;
	v11 =	vld [tilespmem:s26+$0xFFFFFFB0]  }
0x418: {  	v23 =	vbroadcast v18, $0x2;
	[tilespmem:s3+$0xC0] =	vst v3;
	v19 =	vmul.f32 v20, v25  }
0x419: {  	v5 =	vmul.f32 v10, v5;
	v18 =	vbroadcast v18, $0x3;
	[tilespmem:s3+$0xD0] =	vst v4;
	v20 =	vunpack.i.l.bf16.f32 v22  }
0x41a: {  	v8 =	vbroadcast v14, $0x2;
	v2 =	vld [tilespmem:s26+$0x10];
	v17 =	vunpack.i.u.bf16.f32 v22;
	[tilespmem:s25+$0xFFFFFEE0] =	vst v19;
	v19 =	vmul.f32 v20, v23  }
0x41b: {  	v1 =	vbroadcast v16, $0x2;
	[tilespmem:s25+$0x110] =	vst v5;
	v17 =	vmul.f32 v17, v18;
	v5 =	vunpack.i.l.bf16.f32 v6  }
0x41c: {  	v7 =	vbroadcast v16, $0x3;
	v9 =	vld [tilespmem:s26+$0x40];
	[tilespmem:s25+$0xFFFFFF30] =	vst v19;
	v5 =	vmul.f32 v5, v8;
	v3 =	vunpack.i.l.bf16.f32 v11  }
0x41d: {  	[tilespmem:s25+$0xFFFFFF40] =	vst v17;
	v4 =	vunpack.i.u.bf16.f32 v11;
	v1 =	vmul.f32 v3, v1;
	v3 =	vbroadcast v14, $0x3  }
0x41e: {  	v10 =	vld [tilespmem:s26+$0x70];
	v6 =	vunpack.i.u.bf16.f32 v6;
	[tilespmem:s25+$0xFFFFFFD0] =	vst v5;
	v4 =	vmul.f32 v4, v7;
	v7 =	vbroadcast v15, $0x2  }
0x41f: {  	v8 =	vunpack.i.l.bf16.f32 v2;
	[tilespmem:s25+$0xFFFFFF80] =	vst v1;
	v1 =	vbroadcast v15, $0x3;
	v3 =	vmul.f32 v6, v3  }
0x420: {  	v2 =	vunpack.i.u.bf16.f32 v2;
	[tilespmem:s25+$0xFFFFFF90] =	vst v4;
	v4 =	vbroadcast v13, $0x2;
	v6 =	vmul.f32 v8, v7  }
0x421: {  	v5 =	vbroadcast v13, $0x3;
	v7 =	vunpack.i.l.bf16.f32 v9;
	v1 =	vmul.f32 v2, v1;
	[tilespmem:s25+$0xFFFFFFE0] =	vst v3  }
0x422: {  	v2 =	vbroadcast v12, $0x2;
	v3 =	vunpack.i.u.bf16.f32 v9;
	[tilespmem:s25+$0x20] =	vst v6;
	v4 =	vmul.f32 v7, v4  }
0x423: {  	v6 =	vbroadcast v12, $0x3;
	v7 =	vunpack.i.l.bf16.f32 v10;
	[tilespmem:s25+$0x30] =	vst v1;
	v1 =	vmul.f32 v3, v5  }
0x424: {  	v3 =	vunpack.i.u.bf16.f32 v10;
	v2 =	vmul.f32 v7, v2;
	[tilespmem:s25+$0x70] =	vst v4  }
0x425: {  	v3 =	vmul.f32 v3, v6;
	[tilespmem:s25+$0x80] =	vst v1  }
0x426: {  	[tilespmem:s25+$0xC0] =	vst v2  }
0x427: {  	[tilespmem:s25+$0xD0] =	vst v3  }
0x428: {  	v1 =	vld [tilespmem:$0x480]  }
0x429: {  	v2 =	vld [tilespmem:$0x490]  }
0x42a: {  	v3 =	vld [tilespmem:$0x4A0]  }
0x42b: {  	v4 =	vld [tilespmem:$0x4B0]  }
0x42c: {  	v5 =	vld [tilespmem:$0x4C0]  }
0x42d: {  	[tilespmem:$0x600] =	vst v1;
	v1 =	vld [tilespmem:$0x4D0]  }
0x42e: {  	[tilespmem:$0x610] =	vst v2;
	v2 =	vld [tilespmem:$0x4E0]  }
0x42f: {  	[tilespmem:$0x620] =	vst v3;
	v3 =	vld [tilespmem:$0x4F0]  }
0x430: {  	[tilespmem:$0x630] =	vst v4  }
0x431: {  	[tilespmem:$0x640] =	vst v5  }
0x432: {  	[tilespmem:$0x650] =	vst v1  }
0x433: {  	[tilespmem:$0x660] =	vst v2  }
0x434: {  	s3 =	simm.s32 @!p0 $0xA;
	s25 =	simm.s32 $0x600;
	[tilespmem:$0x670] =	vst v3  }
0x435: {  	[spmem:s1] =	stream.indirect.scatter.add.f32 [tilespmem:s22], [sflag:$0x8], $0x50, s25, s28, $0xb8;
	[tilespmem:$0x1DF80] =	vst v63  }
0x436: {  	_ =	swait.ge @!p0 [sflag:s3], $0x80  }
0x437: {  	[sflag:s3] =	ssyncset.done @!p0 $0x0  }
0x438: {  	[sflag:s3] =	ssyncadd.s32 @!p0 $0xFFFFFF80  }
0x439: {  	_ =	swait.ge @!p0 [sflag:s3], $0x80  }
0x43a: {  	[sflag:s3] =	ssyncset.done @!p0 $0x0  }
0x43b: {  	s25 =	simm.s32 @!p0 $0x1F80;
	[sflag:s3] =	ssyncadd.s32 @!p0 $0xFFFFFF80;
	s3 =	simm.s32 @!p0 $0x80  }
0x43c: {  	[tilespmem:s25], [sflag:$0x2] =	stream.indirect.gather @!p0 [hbm4b:s6+s3], $0x30, s3, s3, $0xb8;
	[tilespmem:$0x1DF80] =	vst v63  }
0x43d: {  	s26 =	simm.s32 @!p0 $0x9F80;
	s25 =	simm.s32 @!p0 $0x380  }
0x43e: {  	[tilespmem:s26], [sflag:$0x2] =	stream.indirect.gather @!p0 [hbm4b:s7+s3], $0x10, s25, s3, $0xb8;
	[tilespmem:$0x1DF80] =	vst v63  }
0x43f: {  	s3 =	sadd.s32 @!p0 $0x90, s0  }
0x440: {  	s29 =	simm.s32 @!p0 $0x180;
	s26 =	simm.s32 @!p0 $0x0;
	s25 =	sadd.s32 @!p0 s4, s3  }
0x441: {  	[tilespmem:s29], [sflag:$0xC] =	stream.linear.gather @!p0 [hbm4b:s25+s26], $0x80, $0x38;
	[tilespmem:$0x1DF80] =	vst v63  }
0x442: {  	s3 =	sadd.s32 @!p0 s5, s3;
	s25 =	simm.s32 @!p0 $0x480  }
0x443: {  	[tilespmem:s25], [sflag:$0xC] =	stream.linear.gather @!p0 [hbm4b:s3+s26], $0x80, $0x38;
	[tilespmem:$0x1DF80] =	vst v63  }
0x444: {  	_ =	swait.ge [sflag:s18], $0x1800  }
0x445: {  	[sflag:s18] =	ssyncset.done $0x0  }
0x446: {  	[sflag:s18] =	ssyncadd.s32 $0xFFFFE800  }
0x447: {  	_ =	swait.ge [sflag:s18], $0x800  }
0x448: {  	[sflag:s18] =	ssyncset.done $0x0  }
0x449: {  	[sflag:s18] =	ssyncadd.s32 $0xFFFFF800  }
0x44a: {  	_ =	swait.ge [sflag:s10], $0x2800  }
0x44b: {  	[sflag:s10] =	ssyncset.done $0x0  }
0x44c: {  	s30 =	simm.s32 $0x6840;
	[sflag:s10] =	ssyncadd.s32 $0xFFFFD800  }
0x44d: {  	s26 =	simm.s32 $0xB7C0;
	v1 =	vld [tilespmem:s30+$0xB0]  }
0x44e: {  	v2 =	vld [tilespmem:s26+$0x30];
	_ =	sdelay $0x1  }
0x44f: {  	v3 =	vld [tilespmem:s30+$0xFFFFFF90]  }
0x450: {  	v4 =	vld [tilespmem:s30+$0xFFFFFFC0]  }
0x451: {  	v5 =	vld [tilespmem:s30+$0xFFFFFFF0];
	v1 =	vunpack.i.l.bf16.f32 v1  }
0x452: {  	v6 =	vld [tilespmem:s30+$0x50];
	v1 =	vadd.f32 v2, v1  }
0x453: {  	v8 =	vld [tilespmem:s30+$0x80]  }
0x454: {  	v10 =	vld [tilespmem:s26+$0xFFFFFFD0];
	v7 =	vmul.f32 $2.000000030e-01, v1  }
0x455: {  	v9 =	vld [tilespmem:s30+$0xFFFFFF60];
	vm0 =	vgt.f32 v1, $0.0e+00  }
0x456: {  	v11 =	vld [tilespmem:s26+$0xFFFFFFE0];
	v1 =	vsel vm0, v1, v7  }
0x457: {  	v2 =	vld [tilespmem:s30+$0x20];
	v1 =	vmul.f32 $1.442695020e+00, v1  }
0x458: {  	v3 =	vunpack.i.l.bf16.f32 v3;
	v7 =	vld [tilespmem:s26+$0xFFFFFFC0]  }
0x459: {  	v3 =	vadd.f32 v10, v3;
	v10 =	vld [tilespmem:s26+$0x20];
	(erf) = vpow2.f32 v1  }
0x45a: {  	v12 =	vld [tilespmem:s26+$0x0];
	v4 =	vunpack.i.l.bf16.f32 v4  }
0x45b: {  	v9 =	vunpack.i.l.bf16.f32 v9;
	v5 =	vunpack.i.l.bf16.f32 v5;
	v4 =	vadd.f32 v11, v4;
	v1 =	vld [tilespmem:s26+$0xFFFFFFF0]  }
0x45c: {  	v6 =	vunpack.i.l.bf16.f32 v6;
	v8 =	vunpack.i.l.bf16.f32 v8;
	v11 =	vmul.f32 $2.000000030e-01, v3  }
0x45d: {  	vm1 =	vgt.f32 v3, $0.0e+00;
	vm2 =	vgt.f32 v4, $0.0e+00;
	v7 =	vadd.f32 v7, v9  }
0x45e: {  	v3 =	vsel vm1, v3, v11;
	v2 =	vunpack.i.l.bf16.f32 v2;
	v8 =	vadd.f32 v10, v8;
	v9 =	vld [tilespmem:s26+$0x10]  }
0x45f: {  	v3 =	vmul.f32 $1.442695020e+00, v3;
	v2 =	vadd.f32 v12, v2;
	v13 =	vmul.f32 $2.000000030e-01, v7  }
0x460: {  	v11 =	vmul.f32 $2.000000030e-01, v8;
	vm15 =	vgt.f32 v7, $0.0e+00;
	v1 =	vadd.f32 v1, v5  }
0x461: {  	vm4 =	vgt.f32 v2, $0.0e+00;
	v5 =	vmul.f32 $2.000000030e-01, v4;
	v7 =	vsel vm15, v7, v13  }
0x462: {  	s3 =	simm.s32 $0xC8C0;
	vm3 =	vgt.f32 v1, $0.0e+00;
	v12 =	vmul.f32 $2.000000030e-01, v1;
	v7 =	vmul.f32 $1.442695020e+00, v7;
	v10 =	vpop (erf)  }
0x463: {  	v6 =	vadd.f32 v9, v6;
	v9 =	vmul.f32 $2.000000030e-01, v2;
	v4 =	vsel vm2, v4, v5;
	[tilespmem:s3+$0x130] =	vst v10  }
0x464: {  	v4 =	vmul.f32 $1.442695020e+00, v4;
	v1 =	vsel vm3, v1, v12;
	(erf) = vpow2.f32 v7;
	v5 =	vld [tilespmem:s30+$0x90]  }
0x465: {  	v13 =	vmul.f32 $2.000000030e-01, v6;
	v2 =	vsel vm4, v2, v9;
	v1 =	vmul.f32 $1.442695020e+00, v1  }
0x466: {  	vm7 =	vgt.f32 v8, $0.0e+00;
	v2 =	vmul.f32 $1.442695020e+00, v2;
	(erf) = vpow2.f32 v3  }
0x467: {  	vm6 =	vgt.f32 v6, $0.0e+00;
	v7 =	vbroadcast v10, $0x0;
	v12 =	vbroadcast v10, $0x1  }
0x468: {  	v6 =	vsel vm6, v6, v13;
	(erf) = vpow2.f32 v4;
	v4 =	vsel vm7, v8, v11  }
0x469: {  	(erf) = vpow2.f32 v1;
	v1 =	vmul.f32 $1.442695020e+00, v4;
	v9 =	vunpack.i.l.bf16.f32 v5  }
0x46a: {  	v6 =	vmul.f32 $1.442695020e+00, v6;
	v3 =	vunpack.i.u.bf16.f32 v5;
	v5 =	vmul.f32 v7, v9  }
0x46b: {  	(erf) = vpow2.f32 v2;
	v3 =	vmul.f32 v12, v3  }
0x46c: {  	(erf) = vpow2.f32 v6;
	[tilespmem:s3+$0xF0] =	vst v5  }
0x46d: {  	(erf) = vpow2.f32 v1;
	v1 =	vpop (erf);
	[tilespmem:s3+$0x100] =	vst v3  }
0x46e: {  	v5 =	vbroadcast v10, $0x2;
	[tilespmem:s3+$0xFFFFFF00] =	vst v1;
	v6 =	vld [tilespmem:s30+$0xA0]  }
0x46f: {  	v2 =	vbroadcast v1, $0x0;
	v3 =	vbroadcast v10, $0x3;
	v4 =	vpop (erf);
	v7 =	vld [tilespmem:s30+$0xFFFFFF40]  }
0x470: {  	v8 =	vbroadcast v1, $0x1;
	[tilespmem:s3+$0xFFFFFF50] =	vst v4;
	v9 =	vbroadcast v4, $0x0  }
0x471: {  	v11 =	vpop (erf);
	v12 =	vbroadcast v4, $0x1;
	v45 =	vbroadcast v4, $0x3;
	v13 =	vld [tilespmem:s30+$0xFFFFFF70]  }
0x472: {  	v14 =	vbroadcast v11, $0x0;
	v16 =	vbroadcast v11, $0x1  }
0x473: {  	[tilespmem:s3+$0xFFFFFFA0] =	vst v11;
	v34 =	vbroadcast v11, $0x2;
	v11 =	vbroadcast v11, $0x3  }
0x474: {  	v15 =	vld [tilespmem:s30+$0xFFFFFFA0];
	v10 =	vunpack.i.u.bf16.f32 v6;
	v25 =	vunpack.i.u.bf16.f32 v7;
	v7 =	vunpack.i.l.bf16.f32 v7  }
0x475: {  	v6 =	vunpack.i.l.bf16.f32 v6;
	v10 =	vmul.f32 v10, v3;
	v2 =	vmul.f32 v2, v7  }
0x476: {  	s26 =	simm.s32 $0x69C0;
	v3 =	vpop (erf);
	v44 =	vunpack.i.u.bf16.f32 v13;
	v8 =	vmul.f32 v8, v25;
	v5 =	vmul.f32 v6, v5  }
0x477: {  	v38 =	vld [tilespmem:s26+$0xFFFFFF60];
	v7 =	vunpack.i.l.bf16.f32 v13;
	[tilespmem:s3+$0xFFFFFFF0] =	vst v3;
	v17 =	vpop (erf);
	v18 =	vbroadcast v3, $0x0;
	v20 =	vbroadcast v3, $0x1  }
0x478: {  	v7 =	vmul.f32 v9, v7;
	v12 =	vmul.f32 v12, v44;
	v19 =	vld [tilespmem:s30+$0xFFFFFFD0];
	[tilespmem:s3+$0x40] =	vst v17  }
0x479: {  	v13 =	vunpack.i.u.bf16.f32 v15;
	v36 =	vbroadcast v3, $0x2;
	v37 =	vbroadcast v3, $0x3;
	[tilespmem:s3+$0xFFFFFED0] =	vst v8;
	v8 =	vld [tilespmem:s26+$0xB0]  }
0x47a: {  	v15 =	vunpack.i.l.bf16.f32 v15;
	v21 =	vpop (erf);
	v22 =	vbroadcast v17, $0x0;
	v23 =	vbroadcast v17, $0x1;
	v26 =	vld [tilespmem:s30+$0x0]  }
0x47b: {  	v14 =	vmul.f32 v14, v15;
	v13 =	vmul.f32 v16, v13;
	v24 =	vpop (erf);
	[tilespmem:s3+$0x90] =	vst v21  }
0x47c: {  	v39 =	vbroadcast v17, $0x2;
	v42 =	vbroadcast v17, $0x3;
	v29 =	vld [tilespmem:s30+$0x30];
	[tilespmem:s3+$0xE0] =	vst v24  }
0x47d: {  	v47 =	vunpack.i.l.bf16.f32 v38;
	v27 =	vbroadcast v21, $0x0;
	v28 =	vbroadcast v21, $0x1;
	v33 =	vld [tilespmem:s30+$0x60]  }
0x47e: {  	s29 =	simm.s32 $0xB840;
	[tilespmem:s3+$0xFFFFFEC0] =	vst v2;
	v30 =	vbroadcast v24, $0x0;
	v31 =	vbroadcast v24, $0x1;
	v25 =	vunpack.i.u.bf16.f32 v19  }
0x47f: {  	v40 =	vld [tilespmem:s29+$0xFFFFFFC0];
	[tilespmem:s3+$0xFFFFFF10] =	vst v7;
	v2 =	vunpack.i.l.bf16.f32 v19;
	v8 =	vunpack.i.l.bf16.f32 v8;
	v9 =	vunpack.i.u.bf16.f32 v26  }
0x480: {  	v7 =	vld [tilespmem:s29+$0x30];
	[tilespmem:s3+$0xFFFFFF20] =	vst v12;
	v19 =	vunpack.i.l.bf16.f32 v26;
	v16 =	vmul.f32 v18, v2;
	v12 =	vmul.f32 v20, v25  }
0x481: {  	v25 =	vld [tilespmem:s26+$0xFFFFFFC0];
	v26 =	vunpack.i.u.bf16.f32 v29;
	v15 =	vunpack.i.l.bf16.f32 v29;
	v18 =	vmul.f32 v22, v19  }
0x482: {  	v29 =	vld [tilespmem:s30+$0xFFFFFF50];
	v9 =	vmul.f32 v23, v9;
	v2 =	vunpack.i.u.bf16.f32 v33;
	v15 =	vmul.f32 v27, v15  }
0x483: {  	v19 =	vld [tilespmem:s30+$0xFFFFFF80];
	v20 =	vunpack.i.l.bf16.f32 v33;
	v23 =	vmul.f32 v28, v26;
	v26 =	vbroadcast v1, $0x2  }
0x484: {  	v22 =	vld [tilespmem:s26+$0xFFFFFF90];
	v33 =	vadd.f32 v40, v47;
	v20 =	vmul.f32 v30, v20;
	v27 =	vmul.f32 v31, v2  }
0x485: {  	v17 =	vld [tilespmem:s29+$0xFFFFFFD0];
	v2 =	vadd.f32 v7, v8;
	v7 =	vbroadcast v1, $0x3;
	v8 =	vbroadcast v4, $0x2  }
0x486: {  	v43 =	vld [tilespmem:s29+$0x0];
	[tilespmem:s3+$0xFFFFFF60] =	vst v14;
	v4 =	vbroadcast v24, $0x3;
	vm9 =	vgt.f32 v33, $0.0e+00;
	v14 =	vmul.f32 $2.000000030e-01, v33  }
0x487: {  	v28 =	vld [tilespmem:s26+$0xFFFFFFF0];
	v1 =	vmul.f32 $2.000000030e-01, v2;
	vm8 =	vgt.f32 v2, $0.0e+00;
	v25 =	vunpack.i.l.bf16.f32 v25  }
0x488: {  	v46 =	vld [tilespmem:s26+$0x50];
	v31 =	vunpack.i.u.bf16.f32 v29;
	v29 =	vunpack.i.l.bf16.f32 v29;
	v41 =	vunpack.i.u.bf16.f32 v19  }
0x489: {  	v35 =	vld [tilespmem:s26+$0x80];
	v22 =	vunpack.i.l.bf16.f32 v22;
	v14 =	vsel vm9, v33, v14;
	v1 =	vsel vm8, v2, v1  }
0x48a: {  	v48 =	vld [tilespmem:s29+$0x10];
	[tilespmem:s3+$0x120] =	vst v10;
	v2 =	vbroadcast v21, $0x3;
	v26 =	vmul.f32 v29, v26;
	v10 =	vadd.f32 v17, v22  }
0x48b: {  	v30 =	vld [tilespmem:s26+$0x20];
	v19 =	vunpack.i.l.bf16.f32 v19;
	v14 =	vmul.f32 $1.442695020e+00, v14;
	v3 =	vmul.f32 $1.442695020e+00, v1  }
0x48c: {  	[tilespmem:s3+$0xFFFFFF70] =	vst v13;
	v28 =	vunpack.i.l.bf16.f32 v28;
	v1 =	vbroadcast v21, $0x2;
	v21 =	vld [tilespmem:s29+$0xFFFFFFE0];
	v13 =	vmul.f32 $2.000000030e-01, v10  }
0x48d: {  	v29 =	vunpack.i.l.bf16.f32 v46;
	(erf) = vpow2.f32 v3;
	v3 =	vbroadcast v24, $0x2;
	v24 =	vld [tilespmem:s29+$0xFFFFFFF0]  }
0x48e: {  	v49 =	vld [tilespmem:s29+$0x20];
	v7 =	vmul.f32 v31, v7;
	v31 =	vunpack.i.l.bf16.f32 v35;
	vm10 =	vgt.f32 v10, $0.0e+00  }
0x48f: {  	v22 =	vadd.f32 v48, v29;
	v10 =	vsel vm10, v10, v13;
	(erf) = vpow2.f32 v14;
	v14 =	vld [tilespmem:s30+$0xFFFFFFB0]  }
0x490: {  	v8 =	vmul.f32 v19, v8;
	v30 =	vunpack.i.l.bf16.f32 v30;
	v10 =	vmul.f32 $1.442695020e+00, v10  }
0x491: {  	[tilespmem:s3+$0x0] =	vst v18;
	v18 =	vmul.f32 $2.000000030e-01, v22;
	vm14 =	vgt.f32 v22, $0.0e+00;
	v17 =	vadd.f32 v21, v25  }
0x492: {  	[tilespmem:s3+$0x110] =	vst v5;
	v21 =	vadd.f32 v43, v30;
	(erf) = vpow2.f32 v10;
	v19 =	vadd.f32 v24, v28  }
0x493: {  	[tilespmem:s3+$0xFFFFFFB0] =	vst v16;
	vm11 =	vgt.f32 v17, $0.0e+00;
	v16 =	vmul.f32 $2.000000030e-01, v17;
	v24 =	vadd.f32 v49, v31  }
0x494: {  	[tilespmem:s3+$0xFFFFFFC0] =	vst v12;
	vm13 =	vgt.f32 v21, $0.0e+00;
	v28 =	vmul.f32 $2.000000030e-01, v21;
	v6 =	vunpack.i.l.bf16.f32 v14  }
0x495: {  	[tilespmem:s3+$0x10] =	vst v9;
	vm12 =	vgt.f32 v19, $0.0e+00;
	v12 =	vmul.f32 $2.000000030e-01, v19;
	v13 =	vmul.f32 $2.000000030e-01, v24  }
0x496: {  	s25 =	simm.s32 $0xCB40;
	[tilespmem:s3+$0x50] =	vst v15;
	v9 =	vsel vm11, v17, v16;
	v15 =	vsel vm13, v21, v28;
	v6 =	vmul.f32 v6, v34;
	v25 =	vpop (erf)  }
0x497: {  	v9 =	vmul.f32 $1.442695020e+00, v9;
	v15 =	vmul.f32 $1.442695020e+00, v15;
	v12 =	vsel vm12, v19, v12;
	[tilespmem:s25+$0x130] =	vst v25  }
0x498: {  	[tilespmem:s3+$0x60] =	vst v23;
	vm15 =	vgt.f32 v24, $0.0e+00;
	v12 =	vmul.f32 $1.442695020e+00, v12;
	v16 =	vbroadcast v25, $0x0;
	v29 =	vld [tilespmem:s26+$0x90]  }
0x499: {  	[tilespmem:s3+$0xFFFFFEF0] =	vst v7;
	v7 =	vld [tilespmem:s30+$0xFFFFFFE0];
	v13 =	vsel vm15, v24, v13;
	v19 =	vbroadcast v25, $0x1;
	(erf) = vpow2.f32 v9  }
0x49a: {  	[tilespmem:s3+$0xA0] =	vst v20;
	v9 =	vsel vm14, v22, v18;
	v13 =	vmul.f32 $1.442695020e+00, v13;
	v5 =	vbroadcast v25, $0x2  }
0x49b: {  	[tilespmem:s3+$0xB0] =	vst v27;
	v18 =	vld [tilespmem:s30+$0x10];
	v9 =	vmul.f32 $1.442695020e+00, v9;
	(erf) = vpow2.f32 v12  }
0x49c: {  	[tilespmem:s3+$0xFFFFFEE0] =	vst v26;
	v12 =	vmul.f32 v41, v45;
	(erf) = vpow2.f32 v15  }
0x49d: {  	[tilespmem:s3+$0xFFFFFF30] =	vst v8;
	(erf) = vpow2.f32 v9;
	v9 =	vunpack.i.u.bf16.f32 v14;
	v17 =	vunpack.i.l.bf16.f32 v29  }
0x49e: {  	[tilespmem:s3+$0xFFFFFF40] =	vst v12;
	v12 =	vunpack.i.u.bf16.f32 v7;
	v10 =	vunpack.i.u.bf16.f32 v29;
	v16 =	vmul.f32 v16, v17  }
0x49f: {  	[tilespmem:s3+$0xFFFFFF80] =	vst v6;
	v7 =	vunpack.i.l.bf16.f32 v7;
	(erf) = vpow2.f32 v13;
	v10 =	vmul.f32 v19, v10  }
0x4a0: {  	v8 =	vld [tilespmem:s30+$0x40];
	v22 =	vmul.f32 v7, v36;
	v6 =	vunpack.i.l.bf16.f32 v18;
	v23 =	vmul.f32 v12, v37;
	[tilespmem:s25+$0xF0] =	vst v16  }
0x4a1: {  	v13 =	vld [tilespmem:s30+$0x70];
	v14 =	vunpack.i.u.bf16.f32 v18;
	v7 =	vbroadcast v25, $0x3;
	v24 =	vmul.f32 v6, v39;
	[tilespmem:s25+$0x100] =	vst v10;
	v17 =	vpop (erf)  }
0x4a2: {  	v19 =	vmul.f32 v9, v11;
	v11 =	vmul.f32 v14, v42;
	v10 =	vld [tilespmem:s26+$0xA0];
	[tilespmem:s25+$0xFFFFFF00] =	vst v17;
	v18 =	vpop (erf)  }
0x4a3: {  	v25 =	vbroadcast v17, $0x0;
	v26 =	vbroadcast v17, $0x1;
	[tilespmem:s25+$0xFFFFFF50] =	vst v18;
	v21 =	vld [tilespmem:s26+$0xFFFFFF40]  }
0x4a4: {  	[tilespmem:s3+$0xFFFFFFD0] =	vst v22;
	v16 =	vpop (erf);
	v27 =	vbroadcast v18, $0x0;
	v29 =	vbroadcast v18, $0x1;
	v28 =	vld [tilespmem:s26+$0xFFFFFF70]  }
0x4a5: {  	v6 =	vunpack.i.u.bf16.f32 v8;
	[tilespmem:s25+$0xFFFFFFA0] =	vst v16;
	v14 =	vpop (erf);
	v30 =	vbroadcast v16, $0x0;
	v50 =	vbroadcast v16, $0x1  }
0x4a6: {  	v8 =	vunpack.i.l.bf16.f32 v8;
	[tilespmem:s3+$0xFFFFFFE0] =	vst v23;
	v15 =	vpop (erf);
	v31 =	vld [tilespmem:s26+$0xFFFFFFA0];
	v51 =	vbroadcast v14, $0x0;
	v53 =	vbroadcast v14, $0x1  }
0x4a7: {  	[tilespmem:s25+$0xFFFFFFF0] =	vst v14;
	v54 =	vbroadcast v15, $0x0;
	v55 =	vbroadcast v15, $0x1;
	v9 =	vunpack.i.u.bf16.f32 v10  }
0x4a8: {  	[tilespmem:s3+$0x20] =	vst v24;
	v52 =	vld [tilespmem:s26+$0xFFFFFFD0];
	v10 =	vunpack.i.l.bf16.f32 v10;
	v9 =	vmul.f32 v9, v7;
	v7 =	vunpack.i.u.bf16.f32 v13  }
0x4a9: {  	[tilespmem:s25+$0x40] =	vst v15;
	v56 =	vunpack.i.u.bf16.f32 v21;
	v59 =	vunpack.i.l.bf16.f32 v21;
	v61 =	vunpack.i.u.bf16.f32 v28  }
0x4aa: {  	v57 =	vld [tilespmem:s26+$0x0];
	v28 =	vunpack.i.l.bf16.f32 v28;
	v25 =	vmul.f32 v25, v59;
	[tilespmem:s25+$0x120] =	vst v9;
	v9 =	vunpack.i.l.bf16.f32 v13;
	v13 =	vpop (erf)  }
0x4ab: {  	v26 =	vmul.f32 v26, v56;
	v22 =	vunpack.i.u.bf16.f32 v31;
	v24 =	vmul.f32 v27, v28;
	v12 =	vpop (erf);
	[tilespmem:s25+$0x90] =	vst v13  }
0x4ac: {  	v31 =	vunpack.i.l.bf16.f32 v31;
	v29 =	vmul.f32 v29, v61;
	v58 =	vbroadcast v13, $0x0;
	[tilespmem:s25+$0xE0] =	vst v12;
	v60 =	vld [tilespmem:s26+$0x30]  }
0x4ad: {  	v20 =	vbroadcast v13, $0x1;
	v62 =	vunpack.i.u.bf16.f32 v52;
	[tilespmem:s25+$0xFFFFFED0] =	vst v26;
	v26 =	vmul.f32 v30, v31;
	v44 =	vld [tilespmem:s26+$0x60]  }
0x4ae: {  	[tilespmem:s3+$0xFFFFFF90] =	vst v19;
	v23 =	vunpack.i.l.bf16.f32 v52;
	v32 =	vmul.f32 v50, v22;
	v21 =	vbroadcast v12, $0x0  }
0x4af: {  	[tilespmem:s25+$0xFFFFFEC0] =	vst v25;
	v19 =	vbroadcast v12, $0x1;
	v27 =	vunpack.i.l.bf16.f32 v57;
	v30 =	vmul.f32 v51, v23  }
0x4b0: {  	v28 =	vunpack.i.u.bf16.f32 v57;
	v23 =	vld [tilespmem:s26+$0xFFFFFF50];
	[tilespmem:s25+$0xFFFFFF20] =	vst v29;
	v29 =	vmul.f32 v53, v62;
	v27 =	vmul.f32 v54, v27  }
0x4b1: {  	[tilespmem:s25+$0xFFFFFF10] =	vst v24;
	v28 =	vmul.f32 v55, v28;
	v25 =	vunpack.i.u.bf16.f32 v60;
	v63 =	vunpack.i.l.bf16.f32 v60  }
0x4b2: {  	s31 =	simm.s32 $0x6B40;
	s30 =	simm.s32 $0x8;
	v22 =	vld [tilespmem:s26+$0xFFFFFF80];
	[tilespmem:s25+$0xFFFFFF60] =	vst v26;
	v24 =	vunpack.i.u.bf16.f32 v44;
	v31 =	vunpack.i.l.bf16.f32 v44;
	v26 =	vmul.f32 v58, v63  }
.LBB2_21:
0x4b3: {  	v33 =	vld [tilespmem:s31+$0xB0];
	[tilespmem:s25+$0xFFFFFF70] =	vst v32;
	v20 =	vmul.f32 v20, v25;
	v21 =	vmul.f32 v21, v31;
	s29 =	sadd.s32 $0x80, s29  }
0x4b4: {  	s30 =	sadd.s32 $0x8, s30;
	v31 =	vbroadcast v17, $0x2;
	v24 =	vmul.f32 v19, v24;
	v25 =	vld [tilespmem:s29+$0x30];
	[tilespmem:s25+$0xFFFFFFB0] =	vst v30  }
0x4b5: {  	v34 =	vbroadcast v17, $0x3;
	v35 =	vbroadcast v18, $0x2;
	p1 =	slt.u32 s30, $0x78;
	v30 =	vld [tilespmem:s31+$0xFFFFFF90];
	v32 =	vunpack.i.u.bf16.f32 v23;
	[tilespmem:s25+$0xFFFFFFC0] =	vst v29  }
0x4b6: {  	v36 =	vbroadcast v18, $0x3;
	v17 =	vbroadcast v16, $0x2;
	v23 =	vunpack.i.l.bf16.f32 v23;
	v29 =	vld [tilespmem:s31+$0xFFFFFFC0];
	[tilespmem:s25+$0x0] =	vst v27  }
0x4b7: {  	v18 =	vbroadcast v16, $0x3;
	v16 =	vbroadcast v14, $0x2;
	v27 =	vld [tilespmem:s31+$0xFFFFFFF0];
	v37 =	vunpack.i.u.bf16.f32 v22;
	[tilespmem:s25+$0x10] =	vst v28  }
0x4b8: {  	v19 =	vbroadcast v14, $0x3;
	v14 =	vbroadcast v15, $0x2;
	v28 =	vld [tilespmem:s31+$0x20];
	v33 =	vunpack.i.l.bf16.f32 v33;
	[tilespmem:s25+$0x50] =	vst v26  }
0x4b9: {  	v15 =	vbroadcast v15, $0x3;
	v26 =	vld [tilespmem:s31+$0x50];
	v25 =	vadd.f32 v25, v33;
	[tilespmem:s25+$0x60] =	vst v20;
	v20 =	vbroadcast v13, $0x2  }
0x4ba: {  	v13 =	vbroadcast v13, $0x3;
	v30 =	vunpack.i.l.bf16.f32 v30;
	v33 =	vld [tilespmem:s31+$0x80];
	[tilespmem:s25+$0xA0] =	vst v21;
	v21 =	vbroadcast v12, $0x2  }
0x4bb: {  	v12 =	vbroadcast v12, $0x3;
	v38 =	vld [tilespmem:s31+$0xFFFFFF60];
	v29 =	vunpack.i.l.bf16.f32 v29;
	v39 =	vmul.f32 $2.000000030e-01, v25;
	[tilespmem:s25+$0xB0] =	vst v24  }
0x4bc: {  	v22 =	vunpack.i.l.bf16.f32 v22;
	vm0 =	vgt.f32 v25, $0.0e+00;
	v24 =	vld [tilespmem:s29+$0xFFFFFFC0];
	v27 =	vunpack.i.l.bf16.f32 v27;
	[tilespmem:s3+$0x30] =	vst v11  }
0x4bd: {  	v23 =	vmul.f32 v23, v31;
	v11 =	vld [tilespmem:s29+$0xFFFFFFD0];
	v28 =	vunpack.i.l.bf16.f32 v28;
	v25 =	vsel vm0, v25, v39  }
0x4be: {  	v32 =	vmul.f32 v32, v34;
	v31 =	vld [tilespmem:s29+$0xFFFFFFE0];
	v26 =	vunpack.i.l.bf16.f32 v26;
	v25 =	vmul.f32 $1.442695020e+00, v25  }
0x4bf: {  	v22 =	vmul.f32 v22, v35;
	v34 =	vld [tilespmem:s29+$0xFFFFFFF0];
	v33 =	vunpack.i.l.bf16.f32 v33;
	[tilespmem:s25+$0xFFFFFEE0] =	vst v23;
	v23 =	vmul.f32 v37, v36  }
0x4c0: {  	v8 =	vmul.f32 v8, v1;
	v1 =	vmovc v20;
	v35 =	vunpack.i.l.bf16.f32 v38;
	v36 =	vld [tilespmem:s29+$0x0];
	(erf) = vpow2.f32 v25;
	[tilespmem:s25+$0xFFFFFEF0] =	vst v32  }
0x4c1: {  	v6 =	vmul.f32 v6, v2;
	v9 =	vmul.f32 v9, v3;
	v20 =	vadd.f32 v24, v35;
	v24 =	vld [tilespmem:s29+$0x10];
	[tilespmem:s25+$0xFFFFFF30] =	vst v22  }
0x4c2: {  	v5 =	vmul.f32 v10, v5;
	v7 =	vmul.f32 v7, v4;
	v11 =	vadd.f32 v11, v30;
	v22 =	vld [tilespmem:s29+$0x20];
	[tilespmem:s25+$0xFFFFFF40] =	vst v23  }
0x4c3: {  	v2 =	vmovc v13;
	v3 =	vmovc v21;
	vm0 =	vgt.f32 v20, $0.0e+00;
	v10 =	vmul.f32 $2.000000030e-01, v20;
	v23 =	vadd.f32 v31, v29;
	v25 =	vld [tilespmem:s26+$0xFFFFFFB0];
	[tilespmem:s3+$0x70] =	vst v8  }
0x4c4: {  	v4 =	vmovc v12;
	vm1 =	vgt.f32 v11, $0.0e+00;
	v8 =	vmul.f32 $2.000000030e-01, v11;
	v13 =	vadd.f32 v34, v27;
	v21 =	vld [tilespmem:s26+$0xFFFFFFE0];
	[tilespmem:s3+$0x80] =	vst v6  }
0x4c5: {  	vm2 =	vgt.f32 v23, $0.0e+00;
	v6 =	vmul.f32 $2.000000030e-01, v23;
	v12 =	vadd.f32 v36, v28;
	v27 =	vld [tilespmem:s26+$0x10];
	[tilespmem:s3+$0xC0] =	vst v9  }
0x4c6: {  	vm3 =	vgt.f32 v13, $0.0e+00;
	v9 =	vmul.f32 $2.000000030e-01, v13;
	v24 =	vadd.f32 v24, v26;
	v26 =	vld [tilespmem:s26+$0x40];
	[tilespmem:s3+$0xD0] =	vst v7;
	s3 =	smov.u32 s25  }
0x4c7: {  	vm4 =	vgt.f32 v12, $0.0e+00;
	v7 =	vmul.f32 $2.000000030e-01, v12;
	v22 =	vadd.f32 v22, v33;
	v28 =	vld [tilespmem:s26+$0x70];
	[tilespmem:s25+$0x110] =	vst v5;
	s26 =	smov.u32 s31  }
0x4c8: {  	v5 =	vsel vm0, v20, v10;
	vm0 =	vgt.f32 v24, $0.0e+00;
	v10 =	vmul.f32 $2.000000030e-01, v24  }
0x4c9: {  	v8 =	vsel vm1, v11, v8;
	s25 =	sadd.s32 $0x280, s25;
	vm1 =	vgt.f32 v22, $0.0e+00;
	v11 =	vmul.f32 $2.000000030e-01, v22;
	v20 =	vpop (erf)  }
0x4ca: {  	v6 =	vsel vm2, v23, v6;
	v9 =	vsel vm3, v13, v9;
	v7 =	vsel vm4, v12, v7;
	[tilespmem:s25+$0x130] =	vst v20  }
0x4cb: {  	v5 =	vmul.f32 $1.442695020e+00, v5;
	v10 =	vsel vm0, v24, v10;
	v11 =	vsel vm1, v22, v11;
	v12 =	vld [tilespmem:s31+$0x90]  }
0x4cc: {  	v8 =	vmul.f32 $1.442695020e+00, v8;
	v6 =	vmul.f32 $1.442695020e+00, v6;
	v13 =	vunpack.i.u.bf16.f32 v25  }
0x4cd: {  	v9 =	vmul.f32 $1.442695020e+00, v9;
	v7 =	vmul.f32 $1.442695020e+00, v7;
	v22 =	vunpack.i.l.bf16.f32 v25  }
0x4ce: {  	v23 =	vunpack.i.u.bf16.f32 v21;
	v10 =	vmul.f32 $1.442695020e+00, v10;
	v11 =	vmul.f32 $1.442695020e+00, v11  }
0x4cf: {  	v21 =	vunpack.i.l.bf16.f32 v21;
	v24 =	vbroadcast v20, $0x0;
	(erf) = vpow2.f32 v5  }
0x4d0: {  	v25 =	vbroadcast v20, $0x1;
	v5 =	vunpack.i.l.bf16.f32 v12;
	(erf) = vpow2.f32 v8  }
0x4d1: {  	v8 =	vunpack.i.u.bf16.f32 v12;
	v5 =	vmul.f32 v24, v5;
	(erf) = vpow2.f32 v6  }
0x4d2: {  	v12 =	vunpack.i.u.bf16.f32 v27;
	v6 =	vmul.f32 v25, v8;
	(erf) = vpow2.f32 v9  }
0x4d3: {  	v24 =	vunpack.i.l.bf16.f32 v27;
	[tilespmem:s25+$0xF0] =	vst v5;
	v5 =	vbroadcast v20, $0x2;
	(erf) = vpow2.f32 v7  }
0x4d4: {  	v8 =	vunpack.i.l.bf16.f32 v26;
	[tilespmem:s25+$0x100] =	vst v6;
	(erf) = vpow2.f32 v10;
	v6 =	vunpack.i.u.bf16.f32 v26  }
0x4d5: {  	v9 =	vunpack.i.l.bf16.f32 v28;
	v7 =	vunpack.i.u.bf16.f32 v28;
	v10 =	vld [tilespmem:s31+$0xA0];
	(erf) = vpow2.f32 v11  }
0x4d6: {  	v11 =	vmul.f32 v22, v17;
	v22 =	vmul.f32 v13, v18  }
0x4d7: {  	v23 =	vmul.f32 v23, v19;
	v25 =	vmul.f32 v21, v16  }
0x4d8: {  	v24 =	vmul.f32 v24, v14;
	v17 =	vpop (erf);
	[tilespmem:s3+$0xFFFFFF80] =	vst v11;
	v11 =	vmul.f32 v12, v15  }
0x4d9: {  	v12 =	vbroadcast v20, $0x3;
	[tilespmem:s25+$0xFFFFFF00] =	vst v17;
	v26 =	vbroadcast v17, $0x0;
	v18 =	vpop (erf)  }
0x4da: {  	v27 =	vbroadcast v17, $0x1;
	v19 =	vld [tilespmem:s31+$0xFFFFFF40];
	[tilespmem:s25+$0xFFFFFF50] =	vst v18;
	v28 =	vbroadcast v18, $0x0;
	v13 =	vunpack.i.u.bf16.f32 v10;
	v16 =	vpop (erf)  }
0x4db: {  	v30 =	vbroadcast v18, $0x1;
	v10 =	vunpack.i.l.bf16.f32 v10;
	v29 =	vld [tilespmem:s31+$0xFFFFFF70];
	[tilespmem:s25+$0xFFFFFFA0] =	vst v16;
	v20 =	vmul.f32 v13, v12;
	v14 =	vpop (erf)  }
0x4dc: {  	v32 =	vbroadcast v16, $0x0;
	v33 =	vbroadcast v16, $0x1;
	v31 =	vld [tilespmem:s31+$0xFFFFFFA0];
	[tilespmem:s25+$0xFFFFFFF0] =	vst v14;
	v15 =	vpop (erf)  }
0x4dd: {  	v35 =	vbroadcast v14, $0x0;
	v36 =	vbroadcast v14, $0x1;
	v34 =	vld [tilespmem:s31+$0xFFFFFFD0];
	[tilespmem:s25+$0x120] =	vst v20;
	v13 =	vpop (erf)  }
0x4de: {  	v37 =	vbroadcast v15, $0x0;
	v38 =	vbroadcast v15, $0x1;
	[tilespmem:s25+$0x40] =	vst v15;
	v12 =	vpop (erf)  }
0x4df: {  	v41 =	vbroadcast v13, $0x0;
	v20 =	vbroadcast v13, $0x1;
	v39 =	vunpack.i.u.bf16.f32 v19;
	v40 =	vld [tilespmem:s31+$0x0];
	[tilespmem:s25+$0x90] =	vst v13  }
0x4e0: {  	v42 =	vunpack.i.l.bf16.f32 v19;
	v21 =	vbroadcast v12, $0x0;
	v19 =	vbroadcast v12, $0x1;
	v43 =	vld [tilespmem:s31+$0x30];
	[tilespmem:s25+$0xE0] =	vst v12  }
0x4e1: {  	v44 =	vunpack.i.u.bf16.f32 v29;
	v29 =	vunpack.i.l.bf16.f32 v29;
	v45 =	vunpack.i.u.bf16.f32 v31;
	v46 =	vld [tilespmem:s31+$0x60];
	[tilespmem:s3+$0xFFFFFF90] =	vst v22  }
0x4e2: {  	v22 =	vunpack.i.l.bf16.f32 v31;
	v47 =	vunpack.i.u.bf16.f32 v34;
	v34 =	vunpack.i.l.bf16.f32 v34;
	[tilespmem:s3+$0xFFFFFFD0] =	vst v25  }
0x4e3: {  	v25 =	vmul.f32 v26, v42;
	v26 =	vmul.f32 v27, v39;
	[tilespmem:s3+$0xFFFFFFE0] =	vst v23  }
0x4e4: {  	v27 =	vmul.f32 v28, v29;
	v28 =	vunpack.i.u.bf16.f32 v40;
	v39 =	vunpack.i.l.bf16.f32 v40;
	[tilespmem:s3+$0x20] =	vst v24  }
.Ltmp11:
0x4e5: {  	v29 =	vmul.f32 v30, v44;
	[tilespmem:s25+$0xFFFFFEC0] =	vst v25;
	v25 =	vunpack.i.u.bf16.f32 v43;
	v40 =	vunpack.i.l.bf16.f32 v43;
	(pc) =	sbr.rel @p1 .LBB2_21-.Ltmp11, $4  }
0x4e6: {  	[tilespmem:s25+$0xFFFFFED0] =	vst v26;
	v26 =	vmul.f32 v32, v22;
	v24 =	vunpack.i.u.bf16.f32 v46;
	v31 =	vunpack.i.l.bf16.f32 v46  }
0x4e7: {  	v30 =	vmul.f32 v35, v34;
	v32 =	vmul.f32 v33, v45;
	v23 =	vld [tilespmem:s31+$0xFFFFFF50];
	[tilespmem:s25+$0xFFFFFF10] =	vst v27  }
0x4e8: {  	v27 =	vmul.f32 v37, v39;
	[tilespmem:s25+$0xFFFFFF20] =	vst v29;
	v29 =	vmul.f32 v36, v47  }
0x4e9: {  	v28 =	vmul.f32 v38, v28;
	s31 =	sadd.s32 $0x180, s31;
	v22 =	vld [tilespmem:s26+$0xFFFFFF80];
	[tilespmem:s25+$0xFFFFFF60] =	vst v26;
	v26 =	vmul.f32 v41, v40  }
0x4ea: {  	[tilespmem:s25+$0xFFFFFF70] =	vst v32  }
0x4eb: {  	[tilespmem:s25+$0xFFFFFFB0] =	vst v30  }
0x4ec: {  	[tilespmem:s25+$0xFFFFFFC0] =	vst v29  }
0x4ed: {  	[tilespmem:s25+$0x0] =	vst v27  }
0x4ee: {  	[tilespmem:s3+$0x30] =	vst v11  }
0x4ef: {  	v20 =	vmul.f32 v20, v25;
	[tilespmem:s25+$0x10] =	vst v28  }
0x4f0: {  	v21 =	vmul.f32 v21, v31;
	[tilespmem:s25+$0x50] =	vst v26  }
0x4f1: {  	v25 =	vbroadcast v17, $0x2;
	v19 =	vmul.f32 v19, v24;
	[tilespmem:s25+$0x60] =	vst v20  }
0x4f2: {  	v17 =	vbroadcast v17, $0x3;
	v1 =	vmul.f32 v8, v1;
	[tilespmem:s25+$0xA0] =	vst v21  }
0x4f3: {  	v2 =	vmul.f32 v6, v2;
	v21 =	vunpack.i.u.bf16.f32 v23;
	[tilespmem:s25+$0xB0] =	vst v19  }
0x4f4: {  	[tilespmem:s3+$0x70] =	vst v1;
	v11 =	vmul.f32 v21, v17  }
0x4f5: {  	v3 =	vmul.f32 v9, v3;
	v6 =	vld [tilespmem:s26+$0xFFFFFFE0];
	[tilespmem:s3+$0x80] =	vst v2  }
0x4f6: {  	v4 =	vmul.f32 v7, v4;
	v20 =	vunpack.i.l.bf16.f32 v23;
	[tilespmem:s25+$0xFFFFFEF0] =	vst v11;
	v11 =	vld [tilespmem:s26+$0xFFFFFFB0]  }
0x4f7: {  	v23 =	vbroadcast v18, $0x2;
	[tilespmem:s3+$0xC0] =	vst v3;
	v19 =	vmul.f32 v20, v25  }
0x4f8: {  	v5 =	vmul.f32 v10, v5;
	v18 =	vbroadcast v18, $0x3;
	[tilespmem:s3+$0xD0] =	vst v4;
	v20 =	vunpack.i.l.bf16.f32 v22  }
0x4f9: {  	v8 =	vbroadcast v14, $0x2;
	v2 =	vld [tilespmem:s26+$0x10];
	v17 =	vunpack.i.u.bf16.f32 v22;
	[tilespmem:s25+$0xFFFFFEE0] =	vst v19;
	v19 =	vmul.f32 v20, v23  }
0x4fa: {  	v1 =	vbroadcast v16, $0x2;
	[tilespmem:s25+$0x110] =	vst v5;
	v17 =	vmul.f32 v17, v18;
	v5 =	vunpack.i.l.bf16.f32 v6  }
0x4fb: {  	v7 =	vbroadcast v16, $0x3;
	v9 =	vld [tilespmem:s26+$0x40];
	[tilespmem:s25+$0xFFFFFF30] =	vst v19;
	v5 =	vmul.f32 v5, v8;
	v3 =	vunpack.i.l.bf16.f32 v11  }
0x4fc: {  	[tilespmem:s25+$0xFFFFFF40] =	vst v17;
	v4 =	vunpack.i.u.bf16.f32 v11;
	v1 =	vmul.f32 v3, v1;
	v3 =	vbroadcast v14, $0x3  }
0x4fd: {  	v10 =	vld [tilespmem:s26+$0x70];
	v6 =	vunpack.i.u.bf16.f32 v6;
	[tilespmem:s25+$0xFFFFFFD0] =	vst v5;
	v4 =	vmul.f32 v4, v7;
	v7 =	vbroadcast v15, $0x2  }
0x4fe: {  	v8 =	vunpack.i.l.bf16.f32 v2;
	[tilespmem:s25+$0xFFFFFF80] =	vst v1;
	v1 =	vbroadcast v15, $0x3;
	v3 =	vmul.f32 v6, v3  }
0x4ff: {  	v2 =	vunpack.i.u.bf16.f32 v2;
	[tilespmem:s25+$0xFFFFFF90] =	vst v4;
	v4 =	vbroadcast v13, $0x2;
	v6 =	vmul.f32 v8, v7  }
0x500: {  	v5 =	vbroadcast v13, $0x3;
	v7 =	vunpack.i.l.bf16.f32 v9;
	v1 =	vmul.f32 v2, v1;
	[tilespmem:s25+$0xFFFFFFE0] =	vst v3  }
0x501: {  	v2 =	vbroadcast v12, $0x2;
	v3 =	vunpack.i.u.bf16.f32 v9;
	[tilespmem:s25+$0x20] =	vst v6;
	v4 =	vmul.f32 v7, v4  }
0x502: {  	v6 =	vbroadcast v12, $0x3;
	v7 =	vunpack.i.l.bf16.f32 v10;
	[tilespmem:s25+$0x30] =	vst v1;
	v1 =	vmul.f32 v3, v5  }
0x503: {  	v3 =	vunpack.i.u.bf16.f32 v10;
	v2 =	vmul.f32 v7, v2;
	[tilespmem:s25+$0x70] =	vst v4  }
0x504: {  	v3 =	vmul.f32 v3, v6;
	[tilespmem:s25+$0x80] =	vst v1  }
0x505: {  	[tilespmem:s25+$0xC0] =	vst v2  }
0x506: {  	[tilespmem:s25+$0xD0] =	vst v3  }
0x507: {  	v1 =	vld [tilespmem:$0x500]  }
0x508: {  	v2 =	vld [tilespmem:$0x510]  }
0x509: {  	v3 =	vld [tilespmem:$0x520]  }
0x50a: {  	v4 =	vld [tilespmem:$0x530]  }
0x50b: {  	v5 =	vld [tilespmem:$0x540]  }
0x50c: {  	[tilespmem:$0x680] =	vst v1;
	v1 =	vld [tilespmem:$0x550]  }
0x50d: {  	[tilespmem:$0x690] =	vst v2;
	v2 =	vld [tilespmem:$0x560]  }
0x50e: {  	[tilespmem:$0x6A0] =	vst v3;
	v3 =	vld [tilespmem:$0x570]  }
0x50f: {  	[tilespmem:$0x6B0] =	vst v4  }
0x510: {  	[tilespmem:$0x6C0] =	vst v5  }
0x511: {  	[tilespmem:$0x6D0] =	vst v1  }
0x512: {  	[tilespmem:$0x6E0] =	vst v2  }
0x513: {  	s3 =	simm.s32 @!p0 $0xB;
	[tilespmem:$0x6F0] =	vst v3  }
0x514: {  	[spmem:s1] =	stream.indirect.scatter.add.f32 [tilespmem:s19], [sflag:$0x7], $0x50, s21, s28, $0xb8;
	[tilespmem:$0x1DF80] =	vst v63  }
0x515: {  	_ =	swait.ge @!p0 [sflag:s3], $0x80  }
0x516: {  	[sflag:s3] =	ssyncset.done @!p0 $0x0  }
0x517: {  	[sflag:s3] =	ssyncadd.s32 @!p0 $0xFFFFFF80  }
0x518: {  	_ =	swait.ge @!p0 [sflag:s3], $0x80  }
0x519: {  	s26 =	simm.s32 @!p0 $0x3780;
	[sflag:s3] =	ssyncset.done @!p0 $0x0  }
0x51a: {  	s25 =	simm.s32 @!p0 $0x100;
	[sflag:s3] =	ssyncadd.s32 @!p0 $0xFFFFFF80;
	s3 =	simm.s32 @!p0 $0x80  }
0x51b: {  	[tilespmem:s26], [sflag:$0x3] =	stream.indirect.gather @!p0 [hbm4b:s6+s3], $0x30, s25, s3, $0xb8;
	[tilespmem:$0x1DF80] =	vst v63  }
0x51c: {  	s0 =	sadd.s32 @!p0 $0xA0, s0;
	s25 =	simm.s32 @!p0 $0x400;
	s26 =	simm.s32 @!p0 $0xA780  }
0x51d: {  	[tilespmem:s26], [sflag:$0x3] =	stream.indirect.gather @!p0 [hbm4b:s7+s3], $0x10, s25, s3, $0xb8;
	[tilespmem:$0x1DF80] =	vst v63  }
0x51e: {  	s3 =	sadd.s32 @!p0 s4, s0;
	s25 =	simm.s32 @!p0 $0x0;
	s26 =	simm.s32 @!p0 $0x200  }
0x51f: {  	[tilespmem:s26], [sflag:$0xD] =	stream.linear.gather @!p0 [hbm4b:s3+s25], $0x80, $0x38;
	[tilespmem:$0x1DF80] =	vst v63  }
0x520: {  	s0 =	sadd.s32 @!p0 s5, s0;
	s3 =	simm.s32 @!p0 $0x500  }
0x521: {  	[tilespmem:s3], [sflag:$0xD] =	stream.linear.gather @!p0 [hbm4b:s0+s25], $0x80, $0x38;
	[tilespmem:$0x1DF80] =	vst v63  }
0x522: {  	_ =	swait.ge [sflag:s24], $0x1800  }
0x523: {  	[sflag:s24] =	ssyncset.done $0x0  }
0x524: {  	[sflag:s24] =	ssyncadd.s32 $0xFFFFE800  }
0x525: {  	_ =	swait.ge [sflag:s24], $0x800  }
0x526: {  	[sflag:s24] =	ssyncset.done $0x0  }
0x527: {  	[sflag:s24] =	ssyncadd.s32 $0xFFFFF800  }
0x528: {  	_ =	swait.ge [sflag:s17], $0x2800  }
0x529: {  	[sflag:s17] =	ssyncset.done $0x0  }
0x52a: {  	s29 =	simm.s32 $0x8040;
	[sflag:s17] =	ssyncadd.s32 $0xFFFFD800  }
0x52b: {  	s31 =	simm.s32 $0xBFC0;
	v1 =	vld [tilespmem:s29+$0xB0]  }
0x52c: {  	v2 =	vld [tilespmem:s31+$0x30];
	_ =	sdelay $0x1  }
0x52d: {  	v3 =	vld [tilespmem:s29+$0xFFFFFF90]  }
0x52e: {  	v4 =	vld [tilespmem:s29+$0xFFFFFFC0]  }
0x52f: {  	v5 =	vld [tilespmem:s29+$0xFFFFFFF0];
	v1 =	vunpack.i.l.bf16.f32 v1  }
0x530: {  	v6 =	vld [tilespmem:s29+$0x50];
	v1 =	vadd.f32 v2, v1  }
0x531: {  	v8 =	vld [tilespmem:s29+$0x80]  }
0x532: {  	v10 =	vld [tilespmem:s31+$0xFFFFFFD0];
	v7 =	vmul.f32 $2.000000030e-01, v1  }
0x533: {  	v9 =	vld [tilespmem:s29+$0xFFFFFF60];
	vm0 =	vgt.f32 v1, $0.0e+00  }
0x534: {  	v11 =	vld [tilespmem:s31+$0xFFFFFFE0];
	v1 =	vsel vm0, v1, v7  }
0x535: {  	v2 =	vld [tilespmem:s29+$0x20];
	v1 =	vmul.f32 $1.442695020e+00, v1  }
0x536: {  	v3 =	vunpack.i.l.bf16.f32 v3;
	v7 =	vld [tilespmem:s31+$0xFFFFFFC0]  }
0x537: {  	v3 =	vadd.f32 v10, v3;
	v10 =	vld [tilespmem:s31+$0x20];
	(erf) = vpow2.f32 v1  }
0x538: {  	v12 =	vld [tilespmem:s31+$0x0];
	v4 =	vunpack.i.l.bf16.f32 v4  }
0x539: {  	v9 =	vunpack.i.l.bf16.f32 v9;
	v5 =	vunpack.i.l.bf16.f32 v5;
	v4 =	vadd.f32 v11, v4;
	v1 =	vld [tilespmem:s31+$0xFFFFFFF0]  }
0x53a: {  	v6 =	vunpack.i.l.bf16.f32 v6;
	v8 =	vunpack.i.l.bf16.f32 v8;
	v11 =	vmul.f32 $2.000000030e-01, v3  }
0x53b: {  	vm1 =	vgt.f32 v3, $0.0e+00;
	vm2 =	vgt.f32 v4, $0.0e+00;
	v7 =	vadd.f32 v7, v9  }
0x53c: {  	v3 =	vsel vm1, v3, v11;
	v2 =	vunpack.i.l.bf16.f32 v2;
	v8 =	vadd.f32 v10, v8;
	v9 =	vld [tilespmem:s31+$0x10]  }
0x53d: {  	v3 =	vmul.f32 $1.442695020e+00, v3;
	v2 =	vadd.f32 v12, v2;
	v13 =	vmul.f32 $2.000000030e-01, v7  }
0x53e: {  	v11 =	vmul.f32 $2.000000030e-01, v8;
	vm15 =	vgt.f32 v7, $0.0e+00;
	v1 =	vadd.f32 v1, v5  }
0x53f: {  	vm4 =	vgt.f32 v2, $0.0e+00;
	v5 =	vmul.f32 $2.000000030e-01, v4;
	v7 =	vsel vm15, v7, v13  }
0x540: {  	s0 =	simm.s32 $0xF0C0;
	vm3 =	vgt.f32 v1, $0.0e+00;
	v12 =	vmul.f32 $2.000000030e-01, v1;
	v7 =	vmul.f32 $1.442695020e+00, v7;
	v10 =	vpop (erf)  }
0x541: {  	v6 =	vadd.f32 v9, v6;
	v9 =	vmul.f32 $2.000000030e-01, v2;
	v4 =	vsel vm2, v4, v5;
	[tilespmem:s0+$0x130] =	vst v10  }
0x542: {  	v4 =	vmul.f32 $1.442695020e+00, v4;
	v1 =	vsel vm3, v1, v12;
	(erf) = vpow2.f32 v7;
	v5 =	vld [tilespmem:s29+$0x90]  }
0x543: {  	v13 =	vmul.f32 $2.000000030e-01, v6;
	v2 =	vsel vm4, v2, v9;
	v1 =	vmul.f32 $1.442695020e+00, v1  }
0x544: {  	vm7 =	vgt.f32 v8, $0.0e+00;
	v2 =	vmul.f32 $1.442695020e+00, v2;
	(erf) = vpow2.f32 v3  }
0x545: {  	vm6 =	vgt.f32 v6, $0.0e+00;
	v7 =	vbroadcast v10, $0x0;
	v12 =	vbroadcast v10, $0x1  }
0x546: {  	v6 =	vsel vm6, v6, v13;
	(erf) = vpow2.f32 v4;
	v4 =	vsel vm7, v8, v11  }
0x547: {  	(erf) = vpow2.f32 v1;
	v1 =	vmul.f32 $1.442695020e+00, v4;
	v9 =	vunpack.i.l.bf16.f32 v5  }
0x548: {  	v6 =	vmul.f32 $1.442695020e+00, v6;
	v3 =	vunpack.i.u.bf16.f32 v5;
	v5 =	vmul.f32 v7, v9  }
0x549: {  	(erf) = vpow2.f32 v2;
	v3 =	vmul.f32 v12, v3  }
0x54a: {  	(erf) = vpow2.f32 v6;
	[tilespmem:s0+$0xF0] =	vst v5  }
0x54b: {  	(erf) = vpow2.f32 v1;
	v1 =	vpop (erf);
	[tilespmem:s0+$0x100] =	vst v3  }
0x54c: {  	v5 =	vbroadcast v10, $0x2;
	[tilespmem:s0+$0xFFFFFF00] =	vst v1;
	v6 =	vld [tilespmem:s29+$0xA0]  }
0x54d: {  	v2 =	vbroadcast v1, $0x0;
	v3 =	vbroadcast v10, $0x3;
	v4 =	vpop (erf);
	v7 =	vld [tilespmem:s29+$0xFFFFFF40]  }
0x54e: {  	v8 =	vbroadcast v1, $0x1;
	[tilespmem:s0+$0xFFFFFF50] =	vst v4;
	v9 =	vbroadcast v4, $0x0  }
0x54f: {  	v11 =	vpop (erf);
	v12 =	vbroadcast v4, $0x1;
	v45 =	vbroadcast v4, $0x3;
	v13 =	vld [tilespmem:s29+$0xFFFFFF70]  }
0x550: {  	v14 =	vbroadcast v11, $0x0;
	v16 =	vbroadcast v11, $0x1  }
0x551: {  	[tilespmem:s0+$0xFFFFFFA0] =	vst v11;
	v34 =	vbroadcast v11, $0x2;
	v11 =	vbroadcast v11, $0x3  }
0x552: {  	v15 =	vld [tilespmem:s29+$0xFFFFFFA0];
	v10 =	vunpack.i.u.bf16.f32 v6;
	v25 =	vunpack.i.u.bf16.f32 v7;
	v7 =	vunpack.i.l.bf16.f32 v7  }
0x553: {  	v6 =	vunpack.i.l.bf16.f32 v6;
	v10 =	vmul.f32 v10, v3;
	v2 =	vmul.f32 v2, v7  }
0x554: {  	s3 =	simm.s32 $0x81C0;
	v3 =	vpop (erf);
	v44 =	vunpack.i.u.bf16.f32 v13;
	v8 =	vmul.f32 v8, v25;
	v5 =	vmul.f32 v6, v5  }
0x555: {  	v38 =	vld [tilespmem:s3+$0xFFFFFF60];
	v7 =	vunpack.i.l.bf16.f32 v13;
	[tilespmem:s0+$0xFFFFFFF0] =	vst v3;
	v17 =	vpop (erf);
	v18 =	vbroadcast v3, $0x0;
	v20 =	vbroadcast v3, $0x1  }
0x556: {  	v7 =	vmul.f32 v9, v7;
	v12 =	vmul.f32 v12, v44;
	v19 =	vld [tilespmem:s29+$0xFFFFFFD0];
	[tilespmem:s0+$0x40] =	vst v17  }
0x557: {  	v13 =	vunpack.i.u.bf16.f32 v15;
	v36 =	vbroadcast v3, $0x2;
	v37 =	vbroadcast v3, $0x3;
	[tilespmem:s0+$0xFFFFFED0] =	vst v8;
	v8 =	vld [tilespmem:s3+$0xB0]  }
0x558: {  	v15 =	vunpack.i.l.bf16.f32 v15;
	v21 =	vpop (erf);
	v22 =	vbroadcast v17, $0x0;
	v23 =	vbroadcast v17, $0x1;
	v26 =	vld [tilespmem:s29+$0x0]  }
0x559: {  	v14 =	vmul.f32 v14, v15;
	v13 =	vmul.f32 v16, v13;
	v24 =	vpop (erf);
	[tilespmem:s0+$0x90] =	vst v21  }
0x55a: {  	v39 =	vbroadcast v17, $0x2;
	v42 =	vbroadcast v17, $0x3;
	v29 =	vld [tilespmem:s29+$0x30];
	[tilespmem:s0+$0xE0] =	vst v24  }
0x55b: {  	v47 =	vunpack.i.l.bf16.f32 v38;
	v27 =	vbroadcast v21, $0x0;
	v28 =	vbroadcast v21, $0x1;
	v33 =	vld [tilespmem:s29+$0x60]  }
0x55c: {  	s26 =	simm.s32 $0xC040;
	[tilespmem:s0+$0xFFFFFEC0] =	vst v2;
	v30 =	vbroadcast v24, $0x0;
	v31 =	vbroadcast v24, $0x1;
	v25 =	vunpack.i.u.bf16.f32 v19  }
0x55d: {  	v40 =	vld [tilespmem:s26+$0xFFFFFFC0];
	[tilespmem:s0+$0xFFFFFF10] =	vst v7;
	v2 =	vunpack.i.l.bf16.f32 v19;
	v8 =	vunpack.i.l.bf16.f32 v8;
	v9 =	vunpack.i.u.bf16.f32 v26  }
0x55e: {  	v7 =	vld [tilespmem:s26+$0x30];
	[tilespmem:s0+$0xFFFFFF20] =	vst v12;
	v19 =	vunpack.i.l.bf16.f32 v26;
	v16 =	vmul.f32 v18, v2;
	v12 =	vmul.f32 v20, v25  }
0x55f: {  	v25 =	vld [tilespmem:s3+$0xFFFFFFC0];
	v26 =	vunpack.i.u.bf16.f32 v29;
	v15 =	vunpack.i.l.bf16.f32 v29;
	v18 =	vmul.f32 v22, v19  }
0x560: {  	v29 =	vld [tilespmem:s29+$0xFFFFFF50];
	v9 =	vmul.f32 v23, v9;
	v2 =	vunpack.i.u.bf16.f32 v33;
	v15 =	vmul.f32 v27, v15  }
0x561: {  	v19 =	vld [tilespmem:s29+$0xFFFFFF80];
	v20 =	vunpack.i.l.bf16.f32 v33;
	v23 =	vmul.f32 v28, v26;
	v26 =	vbroadcast v1, $0x2  }
0x562: {  	v22 =	vld [tilespmem:s3+$0xFFFFFF90];
	v33 =	vadd.f32 v40, v47;
	v20 =	vmul.f32 v30, v20;
	v27 =	vmul.f32 v31, v2  }
0x563: {  	v17 =	vld [tilespmem:s26+$0xFFFFFFD0];
	v2 =	vadd.f32 v7, v8;
	v7 =	vbroadcast v1, $0x3;
	v8 =	vbroadcast v4, $0x2  }
0x564: {  	v46 =	vld [tilespmem:s3+$0x50];
	[tilespmem:s0+$0xFFFFFF60] =	vst v14;
	v4 =	vbroadcast v24, $0x3;
	vm9 =	vgt.f32 v33, $0.0e+00;
	v14 =	vmul.f32 $2.000000030e-01, v33  }
0x565: {  	v28 =	vld [tilespmem:s3+$0xFFFFFFF0];
	v1 =	vmul.f32 $2.000000030e-01, v2;
	vm8 =	vgt.f32 v2, $0.0e+00;
	v25 =	vunpack.i.l.bf16.f32 v25  }
0x566: {  	v35 =	vld [tilespmem:s3+$0x80];
	v31 =	vunpack.i.u.bf16.f32 v29;
	v29 =	vunpack.i.l.bf16.f32 v29;
	v41 =	vunpack.i.u.bf16.f32 v19  }
0x567: {  	v43 =	vld [tilespmem:s26+$0x0];
	v22 =	vunpack.i.l.bf16.f32 v22;
	v14 =	vsel vm9, v33, v14;
	v1 =	vsel vm8, v2, v1  }
0x568: {  	v48 =	vld [tilespmem:s26+$0x10];
	[tilespmem:s0+$0x120] =	vst v10;
	v2 =	vbroadcast v21, $0x3;
	v26 =	vmul.f32 v29, v26;
	v10 =	vadd.f32 v17, v22  }
0x569: {  	v30 =	vld [tilespmem:s3+$0x20];
	v19 =	vunpack.i.l.bf16.f32 v19;
	v14 =	vmul.f32 $1.442695020e+00, v14;
	v3 =	vmul.f32 $1.442695020e+00, v1  }
0x56a: {  	[tilespmem:s0+$0xFFFFFF70] =	vst v13;
	v28 =	vunpack.i.l.bf16.f32 v28;
	v1 =	vbroadcast v21, $0x2;
	v21 =	vld [tilespmem:s26+$0xFFFFFFE0];
	v13 =	vmul.f32 $2.000000030e-01, v10  }
0x56b: {  	v29 =	vunpack.i.l.bf16.f32 v46;
	(erf) = vpow2.f32 v3;
	v3 =	vbroadcast v24, $0x2;
	v24 =	vld [tilespmem:s26+$0xFFFFFFF0]  }
0x56c: {  	v49 =	vld [tilespmem:s26+$0x20];
	v7 =	vmul.f32 v31, v7;
	v31 =	vunpack.i.l.bf16.f32 v35;
	vm10 =	vgt.f32 v10, $0.0e+00  }
0x56d: {  	v22 =	vadd.f32 v48, v29;
	v10 =	vsel vm10, v10, v13;
	(erf) = vpow2.f32 v14;
	v14 =	vld [tilespmem:s29+$0xFFFFFFB0]  }
0x56e: {  	v8 =	vmul.f32 v19, v8;
	v30 =	vunpack.i.l.bf16.f32 v30;
	v10 =	vmul.f32 $1.442695020e+00, v10  }
0x56f: {  	[tilespmem:s0+$0x0] =	vst v18;
	v18 =	vmul.f32 $2.000000030e-01, v22;
	vm14 =	vgt.f32 v22, $0.0e+00;
	v17 =	vadd.f32 v21, v25  }
0x570: {  	[tilespmem:s0+$0x110] =	vst v5;
	v21 =	vadd.f32 v43, v30;
	(erf) = vpow2.f32 v10;
	v19 =	vadd.f32 v24, v28  }
0x571: {  	[tilespmem:s0+$0xFFFFFFB0] =	vst v16;
	vm11 =	vgt.f32 v17, $0.0e+00;
	v16 =	vmul.f32 $2.000000030e-01, v17;
	v24 =	vadd.f32 v49, v31  }
0x572: {  	[tilespmem:s0+$0xFFFFFFC0] =	vst v12;
	vm13 =	vgt.f32 v21, $0.0e+00;
	v28 =	vmul.f32 $2.000000030e-01, v21;
	v6 =	vunpack.i.l.bf16.f32 v14  }
0x573: {  	[tilespmem:s0+$0x10] =	vst v9;
	vm12 =	vgt.f32 v19, $0.0e+00;
	v12 =	vmul.f32 $2.000000030e-01, v19;
	v13 =	vmul.f32 $2.000000030e-01, v24  }
0x574: {  	s25 =	simm.s32 $0xF340;
	[tilespmem:s0+$0x50] =	vst v15;
	v9 =	vsel vm11, v17, v16;
	v15 =	vsel vm13, v21, v28;
	v6 =	vmul.f32 v6, v34;
	v25 =	vpop (erf)  }
0x575: {  	v9 =	vmul.f32 $1.442695020e+00, v9;
	v15 =	vmul.f32 $1.442695020e+00, v15;
	v12 =	vsel vm12, v19, v12;
	[tilespmem:s25+$0x130] =	vst v25  }
0x576: {  	[tilespmem:s0+$0x60] =	vst v23;
	vm15 =	vgt.f32 v24, $0.0e+00;
	v12 =	vmul.f32 $1.442695020e+00, v12;
	v16 =	vbroadcast v25, $0x0;
	v29 =	vld [tilespmem:s3+$0x90]  }
0x577: {  	[tilespmem:s0+$0xFFFFFEF0] =	vst v7;
	v7 =	vld [tilespmem:s29+$0xFFFFFFE0];
	v13 =	vsel vm15, v24, v13;
	v19 =	vbroadcast v25, $0x1;
	(erf) = vpow2.f32 v9  }
0x578: {  	[tilespmem:s0+$0xA0] =	vst v20;
	v9 =	vsel vm14, v22, v18;
	v13 =	vmul.f32 $1.442695020e+00, v13;
	v5 =	vbroadcast v25, $0x2  }
0x579: {  	[tilespmem:s0+$0xB0] =	vst v27;
	v18 =	vld [tilespmem:s29+$0x10];
	v9 =	vmul.f32 $1.442695020e+00, v9;
	(erf) = vpow2.f32 v12  }
0x57a: {  	[tilespmem:s0+$0xFFFFFEE0] =	vst v26;
	v12 =	vmul.f32 v41, v45;
	(erf) = vpow2.f32 v15  }
0x57b: {  	[tilespmem:s0+$0xFFFFFF30] =	vst v8;
	(erf) = vpow2.f32 v9;
	v9 =	vunpack.i.u.bf16.f32 v14;
	v17 =	vunpack.i.l.bf16.f32 v29  }
0x57c: {  	[tilespmem:s0+$0xFFFFFF40] =	vst v12;
	v12 =	vunpack.i.u.bf16.f32 v7;
	v10 =	vunpack.i.u.bf16.f32 v29;
	v16 =	vmul.f32 v16, v17  }
0x57d: {  	[tilespmem:s0+$0xFFFFFF80] =	vst v6;
	v7 =	vunpack.i.l.bf16.f32 v7;
	(erf) = vpow2.f32 v13;
	v10 =	vmul.f32 v19, v10  }
0x57e: {  	v8 =	vld [tilespmem:s29+$0x40];
	v22 =	vmul.f32 v7, v36;
	v6 =	vunpack.i.l.bf16.f32 v18;
	v23 =	vmul.f32 v12, v37;
	[tilespmem:s25+$0xF0] =	vst v16  }
0x57f: {  	v13 =	vld [tilespmem:s29+$0x70];
	v14 =	vunpack.i.u.bf16.f32 v18;
	v7 =	vbroadcast v25, $0x3;
	v24 =	vmul.f32 v6, v39;
	[tilespmem:s25+$0x100] =	vst v10;
	v17 =	vpop (erf)  }
0x580: {  	v19 =	vmul.f32 v9, v11;
	v11 =	vmul.f32 v14, v42;
	v10 =	vld [tilespmem:s3+$0xA0];
	[tilespmem:s25+$0xFFFFFF00] =	vst v17;
	v18 =	vpop (erf)  }
0x581: {  	v25 =	vbroadcast v17, $0x0;
	v26 =	vbroadcast v17, $0x1;
	[tilespmem:s25+$0xFFFFFF50] =	vst v18;
	v21 =	vld [tilespmem:s3+$0xFFFFFF40]  }
0x582: {  	[tilespmem:s0+$0xFFFFFFD0] =	vst v22;
	v16 =	vpop (erf);
	v27 =	vbroadcast v18, $0x0;
	v29 =	vbroadcast v18, $0x1;
	v28 =	vld [tilespmem:s3+$0xFFFFFF70]  }
0x583: {  	v6 =	vunpack.i.u.bf16.f32 v8;
	[tilespmem:s25+$0xFFFFFFA0] =	vst v16;
	v14 =	vpop (erf);
	v30 =	vbroadcast v16, $0x0;
	v50 =	vbroadcast v16, $0x1  }
0x584: {  	v8 =	vunpack.i.l.bf16.f32 v8;
	[tilespmem:s0+$0xFFFFFFE0] =	vst v23;
	v15 =	vpop (erf);
	v31 =	vld [tilespmem:s3+$0xFFFFFFA0];
	v51 =	vbroadcast v14, $0x0;
	v53 =	vbroadcast v14, $0x1  }
0x585: {  	[tilespmem:s25+$0xFFFFFFF0] =	vst v14;
	v54 =	vbroadcast v15, $0x0;
	v55 =	vbroadcast v15, $0x1;
	v9 =	vunpack.i.u.bf16.f32 v10  }
0x586: {  	[tilespmem:s0+$0x20] =	vst v24;
	v52 =	vld [tilespmem:s3+$0xFFFFFFD0];
	v10 =	vunpack.i.l.bf16.f32 v10;
	v9 =	vmul.f32 v9, v7;
	v7 =	vunpack.i.u.bf16.f32 v13  }
0x587: {  	[tilespmem:s25+$0x40] =	vst v15;
	v56 =	vunpack.i.u.bf16.f32 v21;
	v59 =	vunpack.i.l.bf16.f32 v21;
	v61 =	vunpack.i.u.bf16.f32 v28  }
0x588: {  	v57 =	vld [tilespmem:s3+$0x0];
	v28 =	vunpack.i.l.bf16.f32 v28;
	v25 =	vmul.f32 v25, v59;
	[tilespmem:s25+$0x120] =	vst v9;
	v9 =	vunpack.i.l.bf16.f32 v13;
	v13 =	vpop (erf)  }
0x589: {  	v26 =	vmul.f32 v26, v56;
	v22 =	vunpack.i.u.bf16.f32 v31;
	v24 =	vmul.f32 v27, v28;
	v12 =	vpop (erf);
	[tilespmem:s25+$0x90] =	vst v13  }
0x58a: {  	v31 =	vunpack.i.l.bf16.f32 v31;
	v29 =	vmul.f32 v29, v61;
	v58 =	vbroadcast v13, $0x0;
	[tilespmem:s25+$0xE0] =	vst v12;
	v60 =	vld [tilespmem:s3+$0x30]  }
0x58b: {  	v20 =	vbroadcast v13, $0x1;
	v62 =	vunpack.i.u.bf16.f32 v52;
	[tilespmem:s25+$0xFFFFFED0] =	vst v26;
	v26 =	vmul.f32 v30, v31;
	v44 =	vld [tilespmem:s3+$0x60]  }
0x58c: {  	[tilespmem:s0+$0xFFFFFF90] =	vst v19;
	v23 =	vunpack.i.l.bf16.f32 v52;
	v32 =	vmul.f32 v50, v22;
	v21 =	vbroadcast v12, $0x0  }
0x58d: {  	[tilespmem:s25+$0xFFFFFEC0] =	vst v25;
	v19 =	vbroadcast v12, $0x1;
	v27 =	vunpack.i.l.bf16.f32 v57;
	v30 =	vmul.f32 v51, v23  }
0x58e: {  	v28 =	vunpack.i.u.bf16.f32 v57;
	v23 =	vld [tilespmem:s3+$0xFFFFFF50];
	[tilespmem:s25+$0xFFFFFF20] =	vst v29;
	v29 =	vmul.f32 v53, v62;
	v27 =	vmul.f32 v54, v27  }
0x58f: {  	[tilespmem:s25+$0xFFFFFF10] =	vst v24;
	v28 =	vmul.f32 v55, v28;
	v25 =	vunpack.i.u.bf16.f32 v60;
	v63 =	vunpack.i.l.bf16.f32 v60  }
0x590: {  	s30 =	simm.s32 $0x8340;
	s29 =	simm.s32 $0x8;
	v22 =	vld [tilespmem:s3+$0xFFFFFF80];
	[tilespmem:s25+$0xFFFFFF60] =	vst v26;
	v24 =	vunpack.i.u.bf16.f32 v44;
	v31 =	vunpack.i.l.bf16.f32 v44;
	v26 =	vmul.f32 v58, v63  }
.LBB2_23:
0x591: {  	v33 =	vld [tilespmem:s30+$0xB0];
	[tilespmem:s25+$0xFFFFFF70] =	vst v32;
	v20 =	vmul.f32 v20, v25;
	v21 =	vmul.f32 v21, v31;
	s26 =	sadd.s32 $0x80, s26  }
0x592: {  	s29 =	sadd.s32 $0x8, s29;
	v31 =	vbroadcast v17, $0x2;
	v24 =	vmul.f32 v19, v24;
	v25 =	vld [tilespmem:s26+$0x30];
	[tilespmem:s25+$0xFFFFFFB0] =	vst v30  }
0x593: {  	v34 =	vbroadcast v17, $0x3;
	v35 =	vbroadcast v18, $0x2;
	p1 =	slt.u32 s29, $0x78;
	v30 =	vld [tilespmem:s30+$0xFFFFFF90];
	v32 =	vunpack.i.u.bf16.f32 v23;
	[tilespmem:s25+$0xFFFFFFC0] =	vst v29  }
0x594: {  	v36 =	vbroadcast v18, $0x3;
	v17 =	vbroadcast v16, $0x2;
	v23 =	vunpack.i.l.bf16.f32 v23;
	v29 =	vld [tilespmem:s30+$0xFFFFFFC0];
	[tilespmem:s25+$0x0] =	vst v27  }
0x595: {  	v18 =	vbroadcast v16, $0x3;
	v16 =	vbroadcast v14, $0x2;
	v27 =	vld [tilespmem:s30+$0xFFFFFFF0];
	v37 =	vunpack.i.u.bf16.f32 v22;
	[tilespmem:s25+$0x10] =	vst v28  }
0x596: {  	v19 =	vbroadcast v14, $0x3;
	v14 =	vbroadcast v15, $0x2;
	v28 =	vld [tilespmem:s30+$0x20];
	v33 =	vunpack.i.l.bf16.f32 v33;
	[tilespmem:s25+$0x50] =	vst v26  }
0x597: {  	v15 =	vbroadcast v15, $0x3;
	v26 =	vld [tilespmem:s30+$0x50];
	v25 =	vadd.f32 v25, v33;
	[tilespmem:s25+$0x60] =	vst v20;
	v20 =	vbroadcast v13, $0x2  }
0x598: {  	v13 =	vbroadcast v13, $0x3;
	v30 =	vunpack.i.l.bf16.f32 v30;
	v33 =	vld [tilespmem:s30+$0x80];
	[tilespmem:s25+$0xA0] =	vst v21;
	v21 =	vbroadcast v12, $0x2  }
0x599: {  	v12 =	vbroadcast v12, $0x3;
	v38 =	vld [tilespmem:s30+$0xFFFFFF60];
	v29 =	vunpack.i.l.bf16.f32 v29;
	v39 =	vmul.f32 $2.000000030e-01, v25;
	[tilespmem:s25+$0xB0] =	vst v24  }
0x59a: {  	v22 =	vunpack.i.l.bf16.f32 v22;
	vm0 =	vgt.f32 v25, $0.0e+00;
	v24 =	vld [tilespmem:s26+$0xFFFFFFC0];
	v27 =	vunpack.i.l.bf16.f32 v27;
	[tilespmem:s0+$0x30] =	vst v11  }
0x59b: {  	v23 =	vmul.f32 v23, v31;
	v11 =	vld [tilespmem:s26+$0xFFFFFFD0];
	v28 =	vunpack.i.l.bf16.f32 v28;
	v25 =	vsel vm0, v25, v39  }
0x59c: {  	v32 =	vmul.f32 v32, v34;
	v31 =	vld [tilespmem:s26+$0xFFFFFFE0];
	v26 =	vunpack.i.l.bf16.f32 v26;
	v25 =	vmul.f32 $1.442695020e+00, v25  }
0x59d: {  	v22 =	vmul.f32 v22, v35;
	v34 =	vld [tilespmem:s26+$0xFFFFFFF0];
	v33 =	vunpack.i.l.bf16.f32 v33;
	[tilespmem:s25+$0xFFFFFEE0] =	vst v23;
	v23 =	vmul.f32 v37, v36  }
0x59e: {  	v8 =	vmul.f32 v8, v1;
	v1 =	vmovc v20;
	v35 =	vunpack.i.l.bf16.f32 v38;
	v36 =	vld [tilespmem:s26+$0x0];
	(erf) = vpow2.f32 v25;
	[tilespmem:s25+$0xFFFFFEF0] =	vst v32  }
0x59f: {  	v6 =	vmul.f32 v6, v2;
	v9 =	vmul.f32 v9, v3;
	v20 =	vadd.f32 v24, v35;
	v24 =	vld [tilespmem:s26+$0x10];
	[tilespmem:s25+$0xFFFFFF30] =	vst v22  }
0x5a0: {  	v5 =	vmul.f32 v10, v5;
	v7 =	vmul.f32 v7, v4;
	v11 =	vadd.f32 v11, v30;
	v22 =	vld [tilespmem:s26+$0x20];
	[tilespmem:s25+$0xFFFFFF40] =	vst v23  }
0x5a1: {  	v2 =	vmovc v13;
	v3 =	vmovc v21;
	vm0 =	vgt.f32 v20, $0.0e+00;
	v10 =	vmul.f32 $2.000000030e-01, v20;
	v23 =	vadd.f32 v31, v29;
	v25 =	vld [tilespmem:s3+$0xFFFFFFB0];
	[tilespmem:s0+$0x70] =	vst v8  }
0x5a2: {  	v4 =	vmovc v12;
	vm1 =	vgt.f32 v11, $0.0e+00;
	v8 =	vmul.f32 $2.000000030e-01, v11;
	v13 =	vadd.f32 v34, v27;
	v21 =	vld [tilespmem:s3+$0xFFFFFFE0];
	[tilespmem:s0+$0x80] =	vst v6  }
0x5a3: {  	vm2 =	vgt.f32 v23, $0.0e+00;
	v6 =	vmul.f32 $2.000000030e-01, v23;
	v12 =	vadd.f32 v36, v28;
	v27 =	vld [tilespmem:s3+$0x10];
	[tilespmem:s0+$0xC0] =	vst v9  }
0x5a4: {  	vm3 =	vgt.f32 v13, $0.0e+00;
	v9 =	vmul.f32 $2.000000030e-01, v13;
	v24 =	vadd.f32 v24, v26;
	v26 =	vld [tilespmem:s3+$0x40];
	[tilespmem:s0+$0xD0] =	vst v7;
	s0 =	smov.u32 s25  }
0x5a5: {  	vm4 =	vgt.f32 v12, $0.0e+00;
	v7 =	vmul.f32 $2.000000030e-01, v12;
	v22 =	vadd.f32 v22, v33;
	v28 =	vld [tilespmem:s3+$0x70];
	[tilespmem:s25+$0x110] =	vst v5;
	s3 =	smov.u32 s30  }
0x5a6: {  	v5 =	vsel vm0, v20, v10;
	vm0 =	vgt.f32 v24, $0.0e+00;
	v10 =	vmul.f32 $2.000000030e-01, v24  }
0x5a7: {  	v8 =	vsel vm1, v11, v8;
	s25 =	sadd.s32 $0x280, s25;
	vm1 =	vgt.f32 v22, $0.0e+00;
	v11 =	vmul.f32 $2.000000030e-01, v22;
	v20 =	vpop (erf)  }
0x5a8: {  	v6 =	vsel vm2, v23, v6;
	v9 =	vsel vm3, v13, v9;
	v7 =	vsel vm4, v12, v7;
	[tilespmem:s25+$0x130] =	vst v20  }
0x5a9: {  	v5 =	vmul.f32 $1.442695020e+00, v5;
	v10 =	vsel vm0, v24, v10;
	v11 =	vsel vm1, v22, v11;
	v12 =	vld [tilespmem:s30+$0x90]  }
0x5aa: {  	v8 =	vmul.f32 $1.442695020e+00, v8;
	v6 =	vmul.f32 $1.442695020e+00, v6;
	v13 =	vunpack.i.u.bf16.f32 v25  }
0x5ab: {  	v9 =	vmul.f32 $1.442695020e+00, v9;
	v7 =	vmul.f32 $1.442695020e+00, v7;
	v22 =	vunpack.i.l.bf16.f32 v25  }
0x5ac: {  	v23 =	vunpack.i.u.bf16.f32 v21;
	v10 =	vmul.f32 $1.442695020e+00, v10;
	v11 =	vmul.f32 $1.442695020e+00, v11  }
0x5ad: {  	v21 =	vunpack.i.l.bf16.f32 v21;
	v24 =	vbroadcast v20, $0x0;
	(erf) = vpow2.f32 v5  }
0x5ae: {  	v25 =	vbroadcast v20, $0x1;
	v5 =	vunpack.i.l.bf16.f32 v12;
	(erf) = vpow2.f32 v8  }
0x5af: {  	v8 =	vunpack.i.u.bf16.f32 v12;
	v5 =	vmul.f32 v24, v5;
	(erf) = vpow2.f32 v6  }
0x5b0: {  	v12 =	vunpack.i.u.bf16.f32 v27;
	v6 =	vmul.f32 v25, v8;
	(erf) = vpow2.f32 v9  }
0x5b1: {  	v24 =	vunpack.i.l.bf16.f32 v27;
	[tilespmem:s25+$0xF0] =	vst v5;
	v5 =	vbroadcast v20, $0x2;
	(erf) = vpow2.f32 v7  }
0x5b2: {  	v8 =	vunpack.i.l.bf16.f32 v26;
	[tilespmem:s25+$0x100] =	vst v6;
	(erf) = vpow2.f32 v10;
	v6 =	vunpack.i.u.bf16.f32 v26  }
0x5b3: {  	v9 =	vunpack.i.l.bf16.f32 v28;
	v7 =	vunpack.i.u.bf16.f32 v28;
	v10 =	vld [tilespmem:s30+$0xA0];
	(erf) = vpow2.f32 v11  }
0x5b4: {  	v11 =	vmul.f32 v22, v17;
	v22 =	vmul.f32 v13, v18  }
0x5b5: {  	v23 =	vmul.f32 v23, v19;
	v25 =	vmul.f32 v21, v16  }
0x5b6: {  	v24 =	vmul.f32 v24, v14;
	v17 =	vpop (erf);
	[tilespmem:s0+$0xFFFFFF80] =	vst v11;
	v11 =	vmul.f32 v12, v15  }
0x5b7: {  	v12 =	vbroadcast v20, $0x3;
	[tilespmem:s25+$0xFFFFFF00] =	vst v17;
	v26 =	vbroadcast v17, $0x0;
	v18 =	vpop (erf)  }
0x5b8: {  	v27 =	vbroadcast v17, $0x1;
	v19 =	vld [tilespmem:s30+$0xFFFFFF40];
	[tilespmem:s25+$0xFFFFFF50] =	vst v18;
	v28 =	vbroadcast v18, $0x0;
	v13 =	vunpack.i.u.bf16.f32 v10;
	v16 =	vpop (erf)  }
0x5b9: {  	v30 =	vbroadcast v18, $0x1;
	v10 =	vunpack.i.l.bf16.f32 v10;
	v29 =	vld [tilespmem:s30+$0xFFFFFF70];
	[tilespmem:s25+$0xFFFFFFA0] =	vst v16;
	v20 =	vmul.f32 v13, v12;
	v14 =	vpop (erf)  }
0x5ba: {  	v32 =	vbroadcast v16, $0x0;
	v33 =	vbroadcast v16, $0x1;
	v31 =	vld [tilespmem:s30+$0xFFFFFFA0];
	[tilespmem:s25+$0xFFFFFFF0] =	vst v14;
	v15 =	vpop (erf)  }
0x5bb: {  	v35 =	vbroadcast v14, $0x0;
	v36 =	vbroadcast v14, $0x1;
	v34 =	vld [tilespmem:s30+$0xFFFFFFD0];
	[tilespmem:s25+$0x120] =	vst v20;
	v13 =	vpop (erf)  }
0x5bc: {  	v37 =	vbroadcast v15, $0x0;
	v38 =	vbroadcast v15, $0x1;
	[tilespmem:s25+$0x40] =	vst v15;
	v12 =	vpop (erf)  }
0x5bd: {  	v41 =	vbroadcast v13, $0x0;
	v20 =	vbroadcast v13, $0x1;
	v39 =	vunpack.i.u.bf16.f32 v19;
	v40 =	vld [tilespmem:s30+$0x0];
	[tilespmem:s25+$0x90] =	vst v13  }
0x5be: {  	v42 =	vunpack.i.l.bf16.f32 v19;
	v21 =	vbroadcast v12, $0x0;
	v19 =	vbroadcast v12, $0x1;
	v43 =	vld [tilespmem:s30+$0x30];
	[tilespmem:s25+$0xE0] =	vst v12  }
0x5bf: {  	v44 =	vunpack.i.u.bf16.f32 v29;
	v29 =	vunpack.i.l.bf16.f32 v29;
	v45 =	vunpack.i.u.bf16.f32 v31;
	v46 =	vld [tilespmem:s30+$0x60];
	[tilespmem:s0+$0xFFFFFF90] =	vst v22  }
0x5c0: {  	v22 =	vunpack.i.l.bf16.f32 v31;
	v47 =	vunpack.i.u.bf16.f32 v34;
	v34 =	vunpack.i.l.bf16.f32 v34;
	[tilespmem:s0+$0xFFFFFFD0] =	vst v25  }
0x5c1: {  	v25 =	vmul.f32 v26, v42;
	v26 =	vmul.f32 v27, v39;
	[tilespmem:s0+$0xFFFFFFE0] =	vst v23  }
0x5c2: {  	v27 =	vmul.f32 v28, v29;
	v28 =	vunpack.i.u.bf16.f32 v40;
	v39 =	vunpack.i.l.bf16.f32 v40;
	[tilespmem:s0+$0x20] =	vst v24  }
.Ltmp12:
0x5c3: {  	v29 =	vmul.f32 v30, v44;
	[tilespmem:s25+$0xFFFFFEC0] =	vst v25;
	v25 =	vunpack.i.u.bf16.f32 v43;
	v40 =	vunpack.i.l.bf16.f32 v43;
	(pc) =	sbr.rel @p1 .LBB2_23-.Ltmp12, $4  }
0x5c4: {  	[tilespmem:s25+$0xFFFFFED0] =	vst v26;
	v26 =	vmul.f32 v32, v22;
	v24 =	vunpack.i.u.bf16.f32 v46;
	v31 =	vunpack.i.l.bf16.f32 v46  }
0x5c5: {  	v30 =	vmul.f32 v35, v34;
	v32 =	vmul.f32 v33, v45;
	v23 =	vld [tilespmem:s30+$0xFFFFFF50];
	[tilespmem:s25+$0xFFFFFF10] =	vst v27  }
0x5c6: {  	v27 =	vmul.f32 v37, v39;
	[tilespmem:s25+$0xFFFFFF20] =	vst v29;
	v29 =	vmul.f32 v36, v47  }
0x5c7: {  	v28 =	vmul.f32 v38, v28;
	s30 =	sadd.s32 $0x180, s30;
	v22 =	vld [tilespmem:s3+$0xFFFFFF80];
	[tilespmem:s25+$0xFFFFFF60] =	vst v26;
	v26 =	vmul.f32 v41, v40  }
0x5c8: {  	[tilespmem:s25+$0xFFFFFF70] =	vst v32  }
0x5c9: {  	[tilespmem:s25+$0xFFFFFFB0] =	vst v30  }
0x5ca: {  	[tilespmem:s25+$0xFFFFFFC0] =	vst v29  }
0x5cb: {  	[tilespmem:s25+$0x0] =	vst v27  }
0x5cc: {  	[tilespmem:s0+$0x30] =	vst v11  }
0x5cd: {  	v20 =	vmul.f32 v20, v25;
	[tilespmem:s25+$0x10] =	vst v28  }
0x5ce: {  	v21 =	vmul.f32 v21, v31;
	[tilespmem:s25+$0x50] =	vst v26  }
0x5cf: {  	v19 =	vmul.f32 v19, v24;
	[tilespmem:s25+$0x60] =	vst v20  }
0x5d0: {  	v1 =	vmul.f32 v8, v1;
	[tilespmem:s25+$0xA0] =	vst v21  }
0x5d1: {  	v2 =	vmul.f32 v6, v2;
	[tilespmem:s25+$0xB0] =	vst v19  }
0x5d2: {  	v3 =	vmul.f32 v9, v3;
	[tilespmem:s0+$0x70] =	vst v1  }
0x5d3: {  	v36 =	vbroadcast v17, $0x2;
	v4 =	vmul.f32 v7, v4;
	v47 =	vld [tilespmem:s3+$0xFFFFFFB0];
	[tilespmem:s0+$0x80] =	vst v2  }
0x5d4: {  	v37 =	vbroadcast v17, $0x3;
	v5 =	vmul.f32 v10, v5;
	v38 =	vunpack.i.l.bf16.f32 v23;
	[tilespmem:s0+$0xC0] =	vst v3  }
0x5d5: {  	v40 =	vbroadcast v18, $0x2;
	v48 =	vld [tilespmem:s3+$0xFFFFFFE0];
	v39 =	vunpack.i.u.bf16.f32 v23;
	[tilespmem:s0+$0xD0] =	vst v4;
	v41 =	vmul.f32 v38, v36  }
0x5d6: {  	v42 =	vbroadcast v18, $0x3;
	v2 =	vld [tilespmem:s3+$0x10];
	[tilespmem:s25+$0x110] =	vst v5;
	v44 =	vmul.f32 v39, v37;
	v43 =	vunpack.i.l.bf16.f32 v22  }
0x5d7: {  	v1 =	vbroadcast v16, $0x2;
	v45 =	vunpack.i.u.bf16.f32 v22;
	[tilespmem:s25+$0xFFFFFEE0] =	vst v41;
	v46 =	vmul.f32 v43, v40  }
0x5d8: {  	v49 =	vbroadcast v16, $0x3;
	v17 =	vmul.f32 v45, v42;
	[tilespmem:s25+$0xFFFFFEF0] =	vst v44;
	v3 =	vunpack.i.l.bf16.f32 v47  }
0x5d9: {  	v50 =	vbroadcast v14, $0x2;
	v51 =	vld [tilespmem:s3+$0x40];
	v52 =	vunpack.i.u.bf16.f32 v47;
	[tilespmem:s25+$0xFFFFFF30] =	vst v46;
	v1 =	vmul.f32 v3, v1  }
0x5da: {  	v54 =	vbroadcast v15, $0x2;
	v53 =	vunpack.i.l.bf16.f32 v48;
	[tilespmem:s25+$0xFFFFFF40] =	vst v17;
	v4 =	vmul.f32 v52, v49  }
0x5db: {  	v55 =	vld [tilespmem:s3+$0x70];
	v3 =	vbroadcast v14, $0x3;
	v5 =	vmul.f32 v53, v50;
	v56 =	vunpack.i.l.bf16.f32 v2;
	[tilespmem:s25+$0xFFFFFF80] =	vst v1  }
0x5dc: {  	v6 =	vunpack.i.u.bf16.f32 v48;
	v58 =	vmul.f32 v56, v54;
	v1 =	vbroadcast v15, $0x3;
	[tilespmem:s25+$0xFFFFFF90] =	vst v4  }
0x5dd: {  	v57 =	vbroadcast v13, $0x2;
	v2 =	vunpack.i.u.bf16.f32 v2;
	v3 =	vmul.f32 v6, v3;
	[tilespmem:s25+$0xFFFFFFD0] =	vst v5  }
0x5de: {  	v59 =	vbroadcast v13, $0x3;
	v60 =	vunpack.i.l.bf16.f32 v51;
	[tilespmem:s25+$0x20] =	vst v58;
	v1 =	vmul.f32 v2, v1  }
0x5df: {  	v4 =	vmul.f32 v60, v57;
	[tilespmem:s25+$0xFFFFFFE0] =	vst v3;
	v2 =	vbroadcast v12, $0x2;
	v3 =	vunpack.i.u.bf16.f32 v51  }
0x5e0: {  	v61 =	vbroadcast v12, $0x3;
	v62 =	vunpack.i.l.bf16.f32 v55;
	[tilespmem:s25+$0x30] =	vst v1;
	v1 =	vmul.f32 v3, v59  }
0x5e1: {  	[tilespmem:s25+$0x70] =	vst v4;
	v3 =	vunpack.i.u.bf16.f32 v55;
	v2 =	vmul.f32 v62, v2  }
0x5e2: {  	v3 =	vmul.f32 v3, v61;
	[tilespmem:s25+$0x80] =	vst v1  }
0x5e3: {  	[tilespmem:s25+$0xC0] =	vst v2  }
0x5e4: {  	[tilespmem:s25+$0xD0] =	vst v3  }
0x5e5: {  	v1 =	vld [tilespmem:$0x580]  }
0x5e6: {  	v2 =	vld [tilespmem:$0x590]  }
0x5e7: {  	v3 =	vld [tilespmem:$0x5A0]  }
0x5e8: {  	v4 =	vld [tilespmem:$0x5B0]  }
0x5e9: {  	v63 =	vld [tilespmem:$0x5C0]  }
0x5ea: {  	[tilespmem:$0x700] =	vst v1;
	v1 =	vld [tilespmem:$0x5D0]  }
0x5eb: {  	[tilespmem:$0x710] =	vst v2;
	v2 =	vld [tilespmem:$0x5E0]  }
0x5ec: {  	[tilespmem:$0x720] =	vst v3;
	v3 =	vld [tilespmem:$0x5F0]  }
0x5ed: {  	[tilespmem:$0x730] =	vst v4  }
.Ltmp13:
0x5ee: {  	[tilespmem:$0x740] =	vst v63;
	(pc) =	sbr.rel @p0 .LBB2_26-.Ltmp13, $4  }
0x5ef: {  	[tilespmem:$0x750] =	vst v1  }
0x5f0: {  	[tilespmem:$0x760] =	vst v2  }
0x5f1: {  	[tilespmem:$0x770] =	vst v3  }
0x5f2: {  	[spmem:s1] =	stream.indirect.scatter.add.f32 [tilespmem:s22], [sflag:$0x8], $0x50, s12, s28, $0xb8;
	[tilespmem:$0x1DF80] =	vst v63  }
0x5f3: {  	_ =	swait.ge [sflag:s11], $0x80  }
0x5f4: {  	[sflag:s11] =	ssyncset.done $0x0  }
0x5f5: {  	[sflag:s11] =	ssyncadd.s32 $0xFFFFFF80  }
0x5f6: {  	_ =	swait.ge [sflag:s11], $0x80  }
0x5f7: {  	[sflag:s11] =	ssyncset.done $0x0  }
0x5f8: {  	s0 =	simm.s32 $0x180;
	s3 =	simm.s32 $0x4F80;
	[sflag:s11] =	ssyncadd.s32 $0xFFFFFF80  }
0x5f9: {  	[tilespmem:s3], [sflag:$0x4] =	stream.indirect.gather [hbm4b:s6+s28], $0x30, s0, s28, $0xb8;
	[tilespmem:$0x1DF80] =	vst v63  }
0x5fa: {  	s26 =	smul.u32 $0x60, s8;
	s29 =	simm.s32 $0x480;
	s15 =	simm.s32 $0xAF80  }
0x5fb: {  	[tilespmem:s15], [sflag:$0x4] =	stream.indirect.gather [hbm4b:s7+s28], $0x10, s29, s28, $0xb8;
	[tilespmem:$0x1DF80] =	vst v63  }
.Ltmp14:
0x5fc: {  	s0 =	sadd.s32 $0xB0, s26;
	(pc) =	sbr.rel .LBB2_12-.Ltmp14, $4  }
0x5fd: {  	s31 =	simm.s32 $0x280;
	s30 =	sadd.s32 s4, s0  }
0x5fe: {  	[tilespmem:s31], [sflag:$0xE] =	stream.linear.gather [hbm4b:s30+s2], $0x80, $0x38;
	[tilespmem:$0x1DF80] =	vst v63  }
0x5ff: {  	s8 =	sadd.s32 $0x1, s8;
	s0 =	sadd.s32 s5, s0;
	s15 =	simm.s32 $0x580  }
0x600: {  	[tilespmem:s15], [sflag:$0xE] =	stream.linear.gather [hbm4b:s0+s2], $0x80, $0x38;
	[tilespmem:$0x1DF80] =	vst v63  }
.LBB2_27:
0x601: {  	_ =	sfence.sel $0x180000  }
0x602: {  	[bflag:$0x0] =	sbarrier.arrive $0xFFFF  }
0x603: {  	_ =	strace $0x90000047  }
0x604: {  	s0 =	stileid.u32;
	[bflag:$0x2] =	sbarrier.arrive $0xFFFF  }
0x605: {  	p0 =	sne.s32 s0, $0x0;
	s0 =	rddreg [dreg:$0x5]  }
0x606: {  	s0 =	sadd.s32 @!p0 $0x100000, s0  }
0x607: {  	[sflag:s0] =	ssyncadd.tile.s32 @!p0 $0x1;
	_ =	shalt  }
.Lfunc_end2:
_tile_overlayer_lowered:
.L_overlay_start_2:
0x608: {  	(tag) =	ssettag $0x2  }
0x609: {  	s0 =	rddreg [dreg:$0x0];
	s2 =	stileid.u32  }
0x60a: {  	s1 =	rddreg [dreg:$0x1];
	p0 =	sne.s32 s2, $0x0  }
0x60b: {  	s3 =	rddreg [dreg:$0x2];
	[bflag:$0x3] =	sbarrier.arrive $0xFFFF;
	s2 =	simm.s32 @!p0 $0x1C0F  }
0x60c: {  	[timem:s3], [sflag:s2] =	dma.local @!p0 [hbm:s0], s1  }
0x60d: {  	s0 =	simm.s32 @!p0 $0xF  }
0x60e: {  	_ =	swait.ge @!p0 [sflag:s0], s1  }
0x60f: {  	s1 =	ssub.s32 @!p0 $0x0, s1;
	[sflag:s0] =	ssyncset.done @!p0 $0x0  }
0x610: {  	[sflag:s0] =	ssyncadd.s32 @!p0 s1  }
0x611: {  	[bflag:$0x3] =	sbarrier.arrive $0xFFFF  }
0x612: {  	_ =	shalt  }

</sc_bundles>
